<compile_context>
chip_gen: v7x
topology: tpu7x:2x2x1
jax: 0.10.2.dev20260603
libtpu: 0.0.44.dev20260713+nightly
codegen_flags: <defaults>
</compile_context>

<pallas_src>
import functools
import math

import jax
import jax.numpy as jnp
from jax import lax
from jax.experimental import pallas as pl
from jax.experimental.pallas import tpu as pltpu

N = 1024
K = 128
TAB = 128
BR = 32

_SQRT_2PI = math.sqrt(2.0 * math.pi)


def _make_sc_affine(n_rows, row0, n_workers):
    from jax.experimental.pallas import tpu_sc as plsc

    info = plsc.get_sparse_core_info()
    NC, NS, L = info.num_cores, info.num_subcores, info.num_lanes
    NW = NC * NS
    W = n_workers
    rows_w = n_rows // W
    RCH = 8
    nchunk = rows_w // RCH
    mesh = plsc.VectorSubcoreMesh(core_axis_name="c", subcore_axis_name="s")

    @functools.partial(
        pl.kernel,
        mesh=mesh,
        out_type=jax.ShapeDtypeStruct((n_rows, N), jnp.float32),
        compiler_params=pltpu.CompilerParams(needs_layout_passes=False),
        scratch_types=[
            pltpu.VMEM((rows_w, N), jnp.int32),
            pltpu.VMEM((rows_w, N), jnp.float32),
            pltpu.VMEM((rows_w, N), jnp.float32),
            pltpu.VMEM((TAB,), jnp.float32),
            pltpu.VMEM((TAB,), jnp.float32),
            pltpu.SemaphoreType.DMA,
            pltpu.SemaphoreType.DMA,
            pltpu.SemaphoreType.DMA,
        ],
    )
    def sc_affine(x_hbm, et_hbm, gtab_hbm, btab_hbm, out_hbm,
                  et_v, x_v, o_v, g_v, b_v, sem_x, sem_e, sem_o):
        wid = lax.axis_index("s") * NC + lax.axis_index("c")

        @pl.when(wid < W)
        def _():
            r0 = wid * rows_w
            in_x = []
            in_e = []
            for ci in range(nchunk):
                sl_h = pl.ds(row0 + r0 + ci * RCH, RCH)
                sl_v = pl.ds(ci * RCH, RCH)
                in_x.append(pltpu.async_copy(x_hbm.at[sl_h],
                                             x_v.at[sl_v], sem_x))
                in_e.append(pltpu.async_copy(et_hbm.at[sl_h],
                                             et_v.at[sl_v], sem_e))
            pltpu.sync_copy(gtab_hbm, g_v)
            pltpu.sync_copy(btab_hbm, b_v)

            out_cp = []
            for ci in range(nchunk):
                in_x[ci].wait()
                in_e[ci].wait()
                for r in range(RCH):
                    row = ci * RCH + r

                    @plsc.parallel_loop(0, N // L, unroll=8)
                    def body(i, row=row):
                        sl = pl.ds(i * L, L)
                        idx = et_v[row, sl]
                        g = plsc.load_gather(g_v, [idx])
                        b = plsc.load_gather(b_v, [idx])
                        o_v[row, sl] = g * x_v[row, sl] + b

                sl_h = pl.ds(r0 + ci * RCH, RCH)
                sl_v = pl.ds(ci * RCH, RCH)
                out_cp.append(pltpu.async_copy(o_v.at[sl_v],
                                               out_hbm.at[sl_h], sem_o))
            for cp in out_cp:
                cp.wait()

    return sc_affine


def _tc_expand_body(xt_ref, m_ref, s_ref, o_ref):
    m = m_ref[...].reshape(1, 1, K)
    s = jnp.abs(s_ref[...]).reshape(1, 1, K) + 0.01
    inv = 1.0 / s
    c = inv * (1.0 / _SQRT_2PI)
    b = inv * inv * (-0.5 * math.log2(math.e))
    xt = xt_ref[...]
    d = xt[:, :, None] - m
    o_ref[...] = c * jnp.exp2(d * d * b)


def _tc_body_first(xt_ref, m_ref, s_ref, o_ref):
    _tc_expand_body(xt_ref, m_ref, s_ref, o_ref)


def _tc_body_chained(xt_ref, m_ref, s_ref, psi_ref, o_ref):
    del psi_ref
    _tc_expand_body(xt_ref, m_ref, s_ref, o_ref)


def _tc_expand_chunk(xt_c, means, stds, psi, row0, br):
    rows = xt_c.shape[0]
    blk0 = row0 // br
    xt_spec = pl.BlockSpec((br, N), lambda i: (i, 0))
    k_spec = pl.BlockSpec((1, K), lambda i: (0, 0))
    out_spec = pl.BlockSpec((br, N, K), lambda i: (i + blk0, 0, 0))
    out_shape = jax.ShapeDtypeStruct((N, N, K), jnp.float32)
    if psi is None:
        return pl.pallas_call(
            _tc_body_first,
            grid=(rows // br,),
            in_specs=[xt_spec, k_spec, k_spec],
            out_specs=out_spec,
            out_shape=out_shape,
        )(xt_c, means, stds)
    return pl.pallas_call(
        _tc_body_chained,
        grid=(rows // br,),
        in_specs=[xt_spec, k_spec, k_spec,
                  pl.BlockSpec(memory_space=pl.ANY)],
        out_specs=out_spec,
        out_shape=out_shape,
        input_output_aliases={3: 0},
    )(xt_c, means, stds, psi)


SPLITS = ((256, 32), (768, 32))
TC_BRS = (32, 32)


def kernel(x, edge_types, means, stds, gamma, beta):
    gtab = jnp.pad(gamma[:, 0], (0, TAB - gamma.shape[0]))
    btab = jnp.pad(beta[:, 0], (0, TAB - beta.shape[0]))
    et = edge_types.astype(jnp.int32)
    row0 = 0
    xts = []
    for rows_c, nw in SPLITS:
        xts.append(_make_sc_affine(rows_c, row0, nw)(x, et, gtab, btab))
        row0 += rows_c
    psi = None
    row0 = 0
    for (rows_c, _), xt_c, br in zip(SPLITS, xts, TC_BRS):
        psi = _tc_expand_chunk(xt_c, means, stds, psi, row0, br)
        row0 += rows_c
    return psi

# --- scband reference (transcript-rebuilt; emitter-appended) ---
"""Pipeline reference for scband-gaussian-layer-64776696758774 (READ-ONLY COPY).

The authoritative reference and input builder live on the scoring server;
editing this copy changes nothing except your own understanding.
"""

import jax, jax.numpy as jnp
import numpy as np

N = 1024
K = 128
BOND_TYPES = 10 ** 2 + 1  # 101


def setup_inputs(seed: int = 0) -> dict:
    key = jax.random.key(seed)
    k1, k2, k3, k4, k5, k6 = jax.random.split(key, 6)
    x = jax.random.uniform(k1, (N, N), dtype=jnp.float32)
    edge_types = jax.random.randint(k2, (N, N), 0, BOND_TYPES)
    # learned parameters (match nn.Embedding weights)
    means = jax.random.normal(k3, (1, K), dtype=jnp.float32)
    stds = jax.random.normal(k4, (1, K), dtype=jnp.float32)
    gamma = jax.random.normal(k5, (BOND_TYPES, 1), dtype=jnp.float32).at[0].set(0.0)  # padding_idx=0
    beta = jax.random.normal(k6, (BOND_TYPES, 1), dtype=jnp.float32).at[0].set(0.0)   # padding_idx=0
    return {"x": x, "edge_types": edge_types, "means": means, "stds": stds, "gamma": gamma, "beta": beta}


def _gaussian(x, mean, std):
    norm_const = 1.0 / (jnp.sqrt(2.0 * jnp.pi) * std)
    exp_value = jnp.exp(-0.5 * ((x - mean) / std) ** 2)
    return norm_const * exp_value


def reference(x, edge_types, means, stds, gamma, beta):
    # embedding lookups (gather rows by bond type)
    g = jnp.take(gamma, edge_types, axis=0)[..., 0]   # [N, N]
    b = jnp.take(beta, edge_types, axis=0)[..., 0]    # [N, N]
    xt = g * x + b                                     # [N, N]
    m = means.astype(jnp.float32).reshape(-1)          # [K]
    s = jnp.abs(stds.astype(jnp.float32).reshape(-1)) + 0.01  # [K]
    psi = _gaussian(xt[..., None], m, s)               # [N, N, K]
    return psi

if __name__ == "__main__":
    import jax
    _d = setup_inputs()
    print(jax.jit(kernel)(*tuple(_d.values())))

</pallas_src>

<mosaic_0001>
#map = affine_map<(d0, d1) -> (0, 0)>
#map1 = affine_map<(d0, d1) -> (0)>
module attributes {stable_mosaic.version = 14 : i64} {
  func.func @sc_affine(%arg0: i32, %arg1: i32, %arg2: memref<1024x1024xf32, #tpu.memory_space<hbm>>, %arg3: memref<1024x1024xi32, #tpu.memory_space<hbm>>, %arg4: memref<128xf32, #tpu.memory_space<hbm>>, %arg5: memref<128xf32, #tpu.memory_space<hbm>>, %arg6: memref<768x1024xf32, #tpu.memory_space<hbm>>, %arg7: memref<24x1024xi32, #tpu.memory_space<vmem>>, %arg8: memref<24x1024xf32, #tpu.memory_space<vmem>>, %arg9: memref<24x1024xf32, #tpu.memory_space<vmem>>, %arg10: memref<128xf32, #tpu.memory_space<vmem>>, %arg11: memref<128xf32, #tpu.memory_space<vmem>>, %arg12: memref<!tpu.dma_semaphore, #tpu.memory_space<semaphore_mem>>, %arg13: memref<!tpu.dma_semaphore, #tpu.memory_space<semaphore_mem>>, %arg14: memref<!tpu.dma_semaphore, #tpu.memory_space<semaphore_mem>>) attributes {dimension_semantics = [#tpu.dimension_semantics<core_parallel>, #tpu.dimension_semantics<subcore_parallel>], iteration_bounds = array<i64: 2, 16>, scalar_prefetch = 0 : i64, scratch_operands = 8 : i64, tpu.core_type = #tpu.core_type<sc_vector_subcore>, window_params = [{transform_indices = #map}, {transform_indices = #map}, {transform_indices = #map1}, {transform_indices = #map1}, {transform_indices = #map}]} {
    %mul3A = arith.constant 2 : i32
    %mul3A_0 = arith.muli %arg1, %mul3A : i32
    %add3A = arith.addi %mul3A_0, %arg0 : i32
    %lt3A = arith.constant 32 : i32
    %lt3A_1 = arith.cmpi slt, %add3A, %lt3A : i32
    %convert_element_type3A = arith.extui %lt3A_1 : i1 to i32
    %cond3A = arith.constant 0 : i32
    %cond3A_2 = arith.cmpi ne, %convert_element_type3A, %cond3A : i32
    scf.if %cond3A_2 {
      %mul3A_3 = arith.constant 24 : i32
      %mul3A_4 = arith.muli %add3A, %mul3A_3 : i32
      %add3A_5 = arith.constant 256 : i32
      %add3A_6 = arith.addi %add3A_5, %mul3A_4 : i32
      %add3A_7 = arith.constant 0 : i32
      %add3A_8 = arith.addi %add3A_6, %add3A_7 : i32
      %dma_start3A = arith.constant 0 : i32
      %dma_start3A_9 = arith.constant 0 : i32
      %dma_start3A_10 = tpu.memref_slice %arg8[%dma_start3A, %dma_start3A_9] : memref<24x1024xf32, #tpu.memory_space<vmem>> -> memref<8x1024xf32, #tpu.memory_space<vmem>>
      %dma_start3A_11 = arith.constant 0 : i32
      %dma_start3A_12 = tpu.memref_slice %arg2[%add3A_8, %dma_start3A_11] : memref<1024x1024xf32, #tpu.memory_space<hbm>> -> memref<8x1024xf32, #tpu.memory_space<hbm>>
      %dma_start3A_13 = arith.constant 0 : i32
      %dma_start3A_14 = arith.constant 0 : i32
      %dma_start3A_15 = tpu.memref_slice %arg8[%dma_start3A_13, %dma_start3A_14] : memref<24x1024xf32, #tpu.memory_space<vmem>> -> memref<8x1024xf32, #tpu.memory_space<vmem>>
      %dma_start3A_16 = arith.constant 0 : i32
      %dma_start3A_17 = tpu.memref_slice %arg2[%add3A_8, %dma_start3A_16] : memref<1024x1024xf32, #tpu.memory_space<hbm>> -> memref<8x1024xf32, #tpu.memory_space<hbm>>
      tpu.enqueue_dma source(%dma_start3A_17 : memref<8x1024xf32, #tpu.memory_space<hbm>>) target(%dma_start3A_15 : memref<8x1024xf32, #tpu.memory_space<vmem>>) target_semaphore(%arg12 : memref<!tpu.dma_semaphore, #tpu.memory_space<semaphore_mem>>)
      %dma_start3A_18 = arith.constant 0 : i32
      %dma_start3A_19 = arith.constant 0 : i32
      %dma_start3A_20 = tpu.memref_slice %arg7[%dma_start3A_18, %dma_start3A_19] : memref<24x1024xi32, #tpu.memory_space<vmem>> -> memref<8x1024xi32, #tpu.memory_space<vmem>>
      %dma_start3A_21 = arith.constant 0 : i32
      %dma_start3A_22 = tpu.memref_slice %arg3[%add3A_8, %dma_start3A_21] : memref<1024x1024xi32, #tpu.memory_space<hbm>> -> memref<8x1024xi32, #tpu.memory_space<hbm>>
      %dma_start3A_23 = arith.constant 0 : i32
      %dma_start3A_24 = arith.constant 0 : i32
      %dma_start3A_25 = tpu.memref_slice %arg7[%dma_start3A_23, %dma_start3A_24] : memref<24x1024xi32, #tpu.memory_space<vmem>> -> memref<8x1024xi32, #tpu.memory_space<vmem>>
      %dma_start3A_26 = arith.constant 0 : i32
      %dma_start3A_27 = tpu.memref_slice %arg3[%add3A_8, %dma_start3A_26] : memref<1024x1024xi32, #tpu.memory_space<hbm>> -> memref<8x1024xi32, #tpu.memory_space<hbm>>
      tpu.enqueue_dma source(%dma_start3A_27 : memref<8x1024xi32, #tpu.memory_space<hbm>>) target(%dma_start3A_25 : memref<8x1024xi32, #tpu.memory_space<vmem>>) target_semaphore(%arg13 : memref<!tpu.dma_semaphore, #tpu.memory_space<semaphore_mem>>)
      %add3A_28 = arith.constant 256 : i32
      %add3A_29 = arith.addi %add3A_28, %mul3A_4 : i32
      %add3A_30 = arith.constant 8 : i32
      %add3A_31 = arith.addi %add3A_29, %add3A_30 : i32
      %dma_start3A_32 = arith.constant 8 : i32
      %dma_start3A_33 = arith.constant 0 : i32
      %dma_start3A_34 = tpu.memref_slice %arg8[%dma_start3A_32, %dma_start3A_33] : memref<24x1024xf32, #tpu.memory_space<vmem>> -> memref<8x1024xf32, #tpu.memory_space<vmem>>
      %dma_start3A_35 = arith.constant 0 : i32
      %dma_start3A_36 = tpu.memref_slice %arg2[%add3A_31, %dma_start3A_35] : memref<1024x1024xf32, #tpu.memory_space<hbm>> -> memref<8x1024xf32, #tpu.memory_space<hbm>>
      %dma_start3A_37 = arith.constant 8 : i32
      %dma_start3A_38 = arith.constant 0 : i32
      %dma_start3A_39 = tpu.memref_slice %arg8[%dma_start3A_37, %dma_start3A_38] : memref<24x1024xf32, #tpu.memory_space<vmem>> -> memref<8x1024xf32, #tpu.memory_space<vmem>>
      %dma_start3A_40 = arith.constant 0 : i32
      %dma_start3A_41 = tpu.memref_slice %arg2[%add3A_31, %dma_start3A_40] : memref<1024x1024xf32, #tpu.memory_space<hbm>> -> memref<8x1024xf32, #tpu.memory_space<hbm>>
      tpu.enqueue_dma source(%dma_start3A_41 : memref<8x1024xf32, #tpu.memory_space<hbm>>) target(%dma_start3A_39 : memref<8x1024xf32, #tpu.memory_space<vmem>>) target_semaphore(%arg12 : memref<!tpu.dma_semaphore, #tpu.memory_space<semaphore_mem>>)
      %dma_start3A_42 = arith.constant 8 : i32
      %dma_start3A_43 = arith.constant 0 : i32
      %dma_start3A_44 = tpu.memref_slice %arg7[%dma_start3A_42, %dma_start3A_43] : memref<24x1024xi32, #tpu.memory_space<vmem>> -> memref<8x1024xi32, #tpu.memory_space<vmem>>
      %dma_start3A_45 = arith.constant 0 : i32
      %dma_start3A_46 = tpu.memref_slice %arg3[%add3A_31, %dma_start3A_45] : memref<1024x1024xi32, #tpu.memory_space<hbm>> -> memref<8x1024xi32, #tpu.memory_space<hbm>>
      %dma_start3A_47 = arith.constant 8 : i32
      %dma_start3A_48 = arith.constant 0 : i32
      %dma_start3A_49 = tpu.memref_slice %arg7[%dma_start3A_47, %dma_start3A_48] : memref<24x1024xi32, #tpu.memory_space<vmem>> -> memref<8x1024xi32, #tpu.memory_space<vmem>>
      %dma_start3A_50 = arith.constant 0 : i32
      %dma_start3A_51 = tpu.memref_slice %arg3[%add3A_31, %dma_start3A_50] : memref<1024x1024xi32, #tpu.memory_space<hbm>> -> memref<8x1024xi32, #tpu.memory_space<hbm>>
      tpu.enqueue_dma source(%dma_start3A_51 : memref<8x1024xi32, #tpu.memory_space<hbm>>) target(%dma_start3A_49 : memref<8x1024xi32, #tpu.memory_space<vmem>>) target_semaphore(%arg13 : memref<!tpu.dma_semaphore, #tpu.memory_space<semaphore_mem>>)
      %add3A_52 = arith.constant 256 : i32
      %add3A_53 = arith.addi %add3A_52, %mul3A_4 : i32
      %add3A_54 = arith.constant 16 : i32
      %add3A_55 = arith.addi %add3A_53, %add3A_54 : i32
      %dma_start3A_56 = arith.constant 16 : i32
      %dma_start3A_57 = arith.constant 0 : i32
      %dma_start3A_58 = tpu.memref_slice %arg8[%dma_start3A_56, %dma_start3A_57] : memref<24x1024xf32, #tpu.memory_space<vmem>> -> memref<8x1024xf32, #tpu.memory_space<vmem>>
      %dma_start3A_59 = arith.constant 0 : i32
      %dma_start3A_60 = tpu.memref_slice %arg2[%add3A_55, %dma_start3A_59] : memref<1024x1024xf32, #tpu.memory_space<hbm>> -> memref<8x1024xf32, #tpu.memory_space<hbm>>
      %dma_start3A_61 = arith.constant 16 : i32
      %dma_start3A_62 = arith.constant 0 : i32
      %dma_start3A_63 = tpu.memref_slice %arg8[%dma_start3A_61, %dma_start3A_62] : memref<24x1024xf32, #tpu.memory_space<vmem>> -> memref<8x1024xf32, #tpu.memory_space<vmem>>
      %dma_start3A_64 = arith.constant 0 : i32
      %dma_start3A_65 = tpu.memref_slice %arg2[%add3A_55, %dma_start3A_64] : memref<1024x1024xf32, #tpu.memory_space<hbm>> -> memref<8x1024xf32, #tpu.memory_space<hbm>>
      tpu.enqueue_dma source(%dma_start3A_65 : memref<8x1024xf32, #tpu.memory_space<hbm>>) target(%dma_start3A_63 : memref<8x1024xf32, #tpu.memory_space<vmem>>) target_semaphore(%arg12 : memref<!tpu.dma_semaphore, #tpu.memory_space<semaphore_mem>>)
      %dma_start3A_66 = arith.constant 16 : i32
      %dma_start3A_67 = arith.constant 0 : i32
      %dma_start3A_68 = tpu.memref_slice %arg7[%dma_start3A_66, %dma_start3A_67] : memref<24x1024xi32, #tpu.memory_space<vmem>> -> memref<8x1024xi32, #tpu.memory_space<vmem>>
      %dma_start3A_69 = arith.constant 0 : i32
      %dma_start3A_70 = tpu.memref_slice %arg3[%add3A_55, %dma_start3A_69] : memref<1024x1024xi32, #tpu.memory_space<hbm>> -> memref<8x1024xi32, #tpu.memory_space<hbm>>
      %dma_start3A_71 = arith.constant 16 : i32
      %dma_start3A_72 = arith.constant 0 : i32
      %dma_start3A_73 = tpu.memref_slice %arg7[%dma_start3A_71, %dma_start3A_72] : memref<24x1024xi32, #tpu.memory_space<vmem>> -> memref<8x1024xi32, #tpu.memory_space<vmem>>
      %dma_start3A_74 = arith.constant 0 : i32
      %dma_start3A_75 = tpu.memref_slice %arg3[%add3A_55, %dma_start3A_74] : memref<1024x1024xi32, #tpu.memory_space<hbm>> -> memref<8x1024xi32, #tpu.memory_space<hbm>>
      tpu.enqueue_dma source(%dma_start3A_75 : memref<8x1024xi32, #tpu.memory_space<hbm>>) target(%dma_start3A_73 : memref<8x1024xi32, #tpu.memory_space<vmem>>) target_semaphore(%arg13 : memref<!tpu.dma_semaphore, #tpu.memory_space<semaphore_mem>>)
      "tpu.region"() ({
        %run_scoped3A = tpu.sem_alloc : memref<!tpu.dma_semaphore, #tpu.memory_space<semaphore_mem>>
        tpu.enqueue_dma source(%arg4 : memref<128xf32, #tpu.memory_space<hbm>>) target(%arg10 : memref<128xf32, #tpu.memory_space<vmem>>) target_semaphore(%run_scoped3A : memref<!tpu.dma_semaphore, #tpu.memory_space<semaphore_mem>>)
        tpu.wait_dma2 semaphore(%run_scoped3A : memref<!tpu.dma_semaphore, #tpu.memory_space<semaphore_mem>>) src(%arg4 : memref<128xf32, #tpu.memory_space<hbm>>) dst(%arg10 : memref<128xf32, #tpu.memory_space<vmem>>)
        tpu.yield
      }) : () -> ()
      "tpu.region"() ({
        %run_scoped3A = tpu.sem_alloc : memref<!tpu.dma_semaphore, #tpu.memory_space<semaphore_mem>>
        tpu.enqueue_dma source(%arg5 : memref<128xf32, #tpu.memory_space<hbm>>) target(%arg11 : memref<128xf32, #tpu.memory_space<vmem>>) target_semaphore(%run_scoped3A : memref<!tpu.dma_semaphore, #tpu.memory_space<semaphore_mem>>)
        tpu.wait_dma2 semaphore(%run_scoped3A : memref<!tpu.dma_semaphore, #tpu.memory_space<semaphore_mem>>) src(%arg5 : memref<128xf32, #tpu.memory_space<hbm>>) dst(%arg11 : memref<128xf32, #tpu.memory_space<vmem>>)
        tpu.yield
      }) : () -> ()
      %dma_wait3A = arith.constant 0 : i32
      %dma_wait3A_76 = arith.constant 0 : i32
      %dma_wait3A_77 = tpu.memref_slice %arg8[%dma_wait3A, %dma_wait3A_76] : memref<24x1024xf32, #tpu.memory_space<vmem>> -> memref<8x1024xf32, #tpu.memory_space<vmem>>
      %dma_wait3A_78 = arith.constant 0 : i32
      %dma_wait3A_79 = tpu.memref_slice %arg2[%add3A_8, %dma_wait3A_78] : memref<1024x1024xf32, #tpu.memory_space<hbm>> -> memref<8x1024xf32, #tpu.memory_space<hbm>>
      %dma_wait3A_80 = arith.constant 0 : i32
      %dma_wait3A_81 = arith.constant 0 : i32
      %dma_wait3A_82 = tpu.memref_slice %arg8[%dma_wait3A_80, %dma_wait3A_81] : memref<24x1024xf32, #tpu.memory_space<vmem>> -> memref<8x1024xf32, #tpu.memory_space<vmem>>
      %dma_wait3A_83 = arith.constant 0 : i32
      %dma_wait3A_84 = tpu.memref_slice %arg2[%add3A_8, %dma_wait3A_83] : memref<1024x1024xf32, #tpu.memory_space<hbm>> -> memref<8x1024xf32, #tpu.memory_space<hbm>>
      tpu.wait_dma2 semaphore(%arg12 : memref<!tpu.dma_semaphore, #tpu.memory_space<semaphore_mem>>) src(%dma_wait3A_84 : memref<8x1024xf32, #tpu.memory_space<hbm>>) dst(%dma_wait3A_82 : memref<8x1024xf32, #tpu.memory_space<vmem>>)
      %dma_wait3A_85 = arith.constant 0 : i32
      %dma_wait3A_86 = arith.constant 0 : i32
      %dma_wait3A_87 = tpu.memref_slice %arg7[%dma_wait3A_85, %dma_wait3A_86] : memref<24x1024xi32, #tpu.memory_space<vmem>> -> memref<8x1024xi32, #tpu.memory_space<vmem>>
      %dma_wait3A_88 = arith.constant 0 : i32
      %dma_wait3A_89 = tpu.memref_slice %arg3[%add3A_8, %dma_wait3A_88] : memref<1024x1024xi32, #tpu.memory_space<hbm>> -> memref<8x1024xi32, #tpu.memory_space<hbm>>
      %dma_wait3A_90 = arith.constant 0 : i32
      %dma_wait3A_91 = arith.constant 0 : i32
      %dma_wait3A_92 = tpu.memref_slice %arg7[%dma_wait3A_90, %dma_wait3A_91] : memref<24x1024xi32, #tpu.memory_space<vmem>> -> memref<8x1024xi32, #tpu.memory_space<vmem>>
      %dma_wait3A_93 = arith.constant 0 : i32
      %dma_wait3A_94 = tpu.memref_slice %arg3[%add3A_8, %dma_wait3A_93] : memref<1024x1024xi32, #tpu.memory_space<hbm>> -> memref<8x1024xi32, #tpu.memory_space<hbm>>
      tpu.wait_dma2 semaphore(%arg13 : memref<!tpu.dma_semaphore, #tpu.memory_space<semaphore_mem>>) src(%dma_wait3A_94 : memref<8x1024xi32, #tpu.memory_space<hbm>>) dst(%dma_wait3A_92 : memref<8x1024xi32, #tpu.memory_space<vmem>>)
      %parallel_loop3A = arith.constant 0 : i32
      %parallel_loop3A_95 = arith.constant 64 : i32
      %parallel_loop3A_96 = arith.constant 1 : i32
      scf.for %parallel_loop3A_272 = %parallel_loop3A to %parallel_loop3A_95 step %parallel_loop3A_96  : i32 {
        %parallel_loop3A_273 = arith.constant 16 : i32
        %parallel_loop3A_274 = arith.muli %parallel_loop3A_272, %parallel_loop3A_273 : i32
        %parallel_loop3A_275 = arith.constant 0 : i32
        %parallel_loop3A_276 = arith.index_cast %parallel_loop3A_275 : i32 to index
        %parallel_loop3A_277 = arith.index_cast %parallel_loop3A_274 : i32 to index
        %parallel_loop3A_278 = tpu.vector_load %arg7[%parallel_loop3A_276, %parallel_loop3A_277] {strides = array<i32>} : memref<24x1024xi32, #tpu.memory_space<vmem>>, vector<16xi32>,
        %parallel_loop3A_279 = tpu.vector_load_idx %arg10[%parallel_loop3A_278] : memref<128xf32, #tpu.memory_space<vmem>>[vector<16xi32>], vector<16xf32>,
        %parallel_loop3A_280 = tpu.vector_load_idx %arg11[%parallel_loop3A_278] : memref<128xf32, #tpu.memory_space<vmem>>[vector<16xi32>], vector<16xf32>,
        %parallel_loop3A_281 = arith.constant 0 : i32
        %parallel_loop3A_282 = arith.index_cast %parallel_loop3A_281 : i32 to index
        %parallel_loop3A_283 = arith.index_cast %parallel_loop3A_274 : i32 to index
        %parallel_loop3A_284 = tpu.vector_load %arg8[%parallel_loop3A_282, %parallel_loop3A_283] {strides = array<i32>} : memref<24x1024xf32, #tpu.memory_space<vmem>>, vector<16xf32>,
        %parallel_loop3A_285 = arith.mulf %parallel_loop3A_279, %parallel_loop3A_284 : vector<16xf32>
        %parallel_loop3A_286 = arith.addf %parallel_loop3A_285, %parallel_loop3A_280 : vector<16xf32>
        %parallel_loop3A_287 = arith.constant 0 : i32
        %parallel_loop3A_288 = arith.index_cast %parallel_loop3A_287 : i32 to index
        %parallel_loop3A_289 = arith.index_cast %parallel_loop3A_274 : i32 to index
        %parallel_loop3A_290 = tpu.vector_load %arg9[%parallel_loop3A_288, %parallel_loop3A_289] {strides = array<i32>} : memref<24x1024xf32, #tpu.memory_space<vmem>>, vector<16xf32>,
        tpu.vector_store %arg9[%parallel_loop3A_288, %parallel_loop3A_289], %parallel_loop3A_286 {strides = array<i32>} : memref<24x1024xf32, #tpu.memory_space<vmem>>, vector<16xf32>,
      } {sc.loop_unroll_factor = 8 : i64, sc.parallel_access}
      %parallel_loop3A_97 = arith.constant 0 : i32
      %parallel_loop3A_98 = arith.constant 64 : i32
      %parallel_loop3A_99 = arith.constant 1 : i32
      scf.for %parallel_loop3A_272 = %parallel_loop3A_97 to %parallel_loop3A_98 step %parallel_loop3A_99  : i32 {
        %parallel_loop3A_273 = arith.constant 16 : i32
        %parallel_loop3A_274 = arith.muli %parallel_loop3A_272, %parallel_loop3A_273 : i32
        %parallel_loop3A_275 = arith.constant 1 : i32
        %parallel_loop3A_276 = arith.index_cast %parallel_loop3A_275 : i32 to index
        %parallel_loop3A_277 = arith.index_cast %parallel_loop3A_274 : i32 to index
        %parallel_loop3A_278 = tpu.vector_load %arg7[%parallel_loop3A_276, %parallel_loop3A_277] {strides = array<i32>} : memref<24x1024xi32, #tpu.memory_space<vmem>>, vector<16xi32>,
        %parallel_loop3A_279 = tpu.vector_load_idx %arg10[%parallel_loop3A_278] : memref<128xf32, #tpu.memory_space<vmem>>[vector<16xi32>], vector<16xf32>,
        %parallel_loop3A_280 = tpu.vector_load_idx %arg11[%parallel_loop3A_278] : memref<128xf32, #tpu.memory_space<vmem>>[vector<16xi32>], vector<16xf32>,
        %parallel_loop3A_281 = arith.constant 1 : i32
        %parallel_loop3A_282 = arith.index_cast %parallel_loop3A_281 : i32 to index
        %parallel_loop3A_283 = arith.index_cast %parallel_loop3A_274 : i32 to index
        %parallel_loop3A_284 = tpu.vector_load %arg8[%parallel_loop3A_282, %parallel_loop3A_283] {strides = array<i32>} : memref<24x1024xf32, #tpu.memory_space<vmem>>, vector<16xf32>,
        %parallel_loop3A_285 = arith.mulf %parallel_loop3A_279, %parallel_loop3A_284 : vector<16xf32>
        %parallel_loop3A_286 = arith.addf %parallel_loop3A_285, %parallel_loop3A_280 : vector<16xf32>
        %parallel_loop3A_287 = arith.constant 1 : i32
        %parallel_loop3A_288 = arith.index_cast %parallel_loop3A_287 : i32 to index
        %parallel_loop3A_289 = arith.index_cast %parallel_loop3A_274 : i32 to index
        %parallel_loop3A_290 = tpu.vector_load %arg9[%parallel_loop3A_288, %parallel_loop3A_289] {strides = array<i32>} : memref<24x1024xf32, #tpu.memory_space<vmem>>, vector<16xf32>,
        tpu.vector_store %arg9[%parallel_loop3A_288, %parallel_loop3A_289], %parallel_loop3A_286 {strides = array<i32>} : memref<24x1024xf32, #tpu.memory_space<vmem>>, vector<16xf32>,
      } {sc.loop_unroll_factor = 8 : i64, sc.parallel_access}
      %parallel_loop3A_100 = arith.constant 0 : i32
      %parallel_loop3A_101 = arith.constant 64 : i32
      %parallel_loop3A_102 = arith.constant 1 : i32
      scf.for %parallel_loop3A_272 = %parallel_loop3A_100 to %parallel_loop3A_101 step %parallel_loop3A_102  : i32 {
        %parallel_loop3A_273 = arith.constant 16 : i32
        %parallel_loop3A_274 = arith.muli %parallel_loop3A_272, %parallel_loop3A_273 : i32
        %parallel_loop3A_275 = arith.constant 2 : i32
        %parallel_loop3A_276 = arith.index_cast %parallel_loop3A_275 : i32 to index
        %parallel_loop3A_277 = arith.index_cast %parallel_loop3A_274 : i32 to index
        %parallel_loop3A_278 = tpu.vector_load %arg7[%parallel_loop3A_276, %parallel_loop3A_277] {strides = array<i32>} : memref<24x1024xi32, #tpu.memory_space<vmem>>, vector<16xi32>,
        %parallel_loop3A_279 = tpu.vector_load_idx %arg10[%parallel_loop3A_278] : memref<128xf32, #tpu.memory_space<vmem>>[vector<16xi32>], vector<16xf32>,
        %parallel_loop3A_280 = tpu.vector_load_idx %arg11[%parallel_loop3A_278] : memref<128xf32, #tpu.memory_space<vmem>>[vector<16xi32>], vector<16xf32>,
        %parallel_loop3A_281 = arith.constant 2 : i32
        %parallel_loop3A_282 = arith.index_cast %parallel_loop3A_281 : i32 to index
        %parallel_loop3A_283 = arith.index_cast %parallel_loop3A_274 : i32 to index
        %parallel_loop3A_284 = tpu.vector_load %arg8[%parallel_loop3A_282, %parallel_loop3A_283] {strides = array<i32>} : memref<24x1024xf32, #tpu.memory_space<vmem>>, vector<16xf32>,
        %parallel_loop3A_285 = arith.mulf %parallel_loop3A_279, %parallel_loop3A_284 : vector<16xf32>
        %parallel_loop3A_286 = arith.addf %parallel_loop3A_285, %parallel_loop3A_280 : vector<16xf32>
        %parallel_loop3A_287 = arith.constant 2 : i32
        %parallel_loop3A_288 = arith.index_cast %parallel_loop3A_287 : i32 to index
        %parallel_loop3A_289 = arith.index_cast %parallel_loop3A_274 : i32 to index
        %parallel_loop3A_290 = tpu.vector_load %arg9[%parallel_loop3A_288, %parallel_loop3A_289] {strides = array<i32>} : memref<24x1024xf32, #tpu.memory_space<vmem>>, vector<16xf32>,
        tpu.vector_store %arg9[%parallel_loop3A_288, %parallel_loop3A_289], %parallel_loop3A_286 {strides = array<i32>} : memref<24x1024xf32, #tpu.memory_space<vmem>>, vector<16xf32>,
      } {sc.loop_unroll_factor = 8 : i64, sc.parallel_access}
      %parallel_loop3A_103 = arith.constant 0 : i32
      %parallel_loop3A_104 = arith.constant 64 : i32
      %parallel_loop3A_105 = arith.constant 1 : i32
      scf.for %parallel_loop3A_272 = %parallel_loop3A_103 to %parallel_loop3A_104 step %parallel_loop3A_105  : i32 {
        %parallel_loop3A_273 = arith.constant 16 : i32
        %parallel_loop3A_274 = arith.muli %parallel_loop3A_272, %parallel_loop3A_273 : i32
        %parallel_loop3A_275 = arith.constant 3 : i32
        %parallel_loop3A_276 = arith.index_cast %parallel_loop3A_275 : i32 to index
        %parallel_loop3A_277 = arith.index_cast %parallel_loop3A_274 : i32 to index
        %parallel_loop3A_278 = tpu.vector_load %arg7[%parallel_loop3A_276, %parallel_loop3A_277] {strides = array<i32>} : memref<24x1024xi32, #tpu.memory_space<vmem>>, vector<16xi32>,
        %parallel_loop3A_279 = tpu.vector_load_idx %arg10[%parallel_loop3A_278] : memref<128xf32, #tpu.memory_space<vmem>>[vector<16xi32>], vector<16xf32>,
        %parallel_loop3A_280 = tpu.vector_load_idx %arg11[%parallel_loop3A_278] : memref<128xf32, #tpu.memory_space<vmem>>[vector<16xi32>], vector<16xf32>,
        %parallel_loop3A_281 = arith.constant 3 : i32
        %parallel_loop3A_282 = arith.index_cast %parallel_loop3A_281 : i32 to index
        %parallel_loop3A_283 = arith.index_cast %parallel_loop3A_274 : i32 to index
        %parallel_loop3A_284 = tpu.vector_load %arg8[%parallel_loop3A_282, %parallel_loop3A_283] {strides = array<i32>} : memref<24x1024xf32, #tpu.memory_space<vmem>>, vector<16xf32>,
        %parallel_loop3A_285 = arith.mulf %parallel_loop3A_279, %parallel_loop3A_284 : vector<16xf32>
        %parallel_loop3A_286 = arith.addf %parallel_loop3A_285, %parallel_loop3A_280 : vector<16xf32>
        %parallel_loop3A_287 = arith.constant 3 : i32
        %parallel_loop3A_288 = arith.index_cast %parallel_loop3A_287 : i32 to index
        %parallel_loop3A_289 = arith.index_cast %parallel_loop3A_274 : i32 to index
        %parallel_loop3A_290 = tpu.vector_load %arg9[%parallel_loop3A_288, %parallel_loop3A_289] {strides = array<i32>} : memref<24x1024xf32, #tpu.memory_space<vmem>>, vector<16xf32>,
        tpu.vector_store %arg9[%parallel_loop3A_288, %parallel_loop3A_289], %parallel_loop3A_286 {strides = array<i32>} : memref<24x1024xf32, #tpu.memory_space<vmem>>, vector<16xf32>,
      } {sc.loop_unroll_factor = 8 : i64, sc.parallel_access}
      %parallel_loop3A_106 = arith.constant 0 : i32
      %parallel_loop3A_107 = arith.constant 64 : i32
      %parallel_loop3A_108 = arith.constant 1 : i32
      scf.for %parallel_loop3A_272 = %parallel_loop3A_106 to %parallel_loop3A_107 step %parallel_loop3A_108  : i32 {
        %parallel_loop3A_273 = arith.constant 16 : i32
        %parallel_loop3A_274 = arith.muli %parallel_loop3A_272, %parallel_loop3A_273 : i32
        %parallel_loop3A_275 = arith.constant 4 : i32
        %parallel_loop3A_276 = arith.index_cast %parallel_loop3A_275 : i32 to index
        %parallel_loop3A_277 = arith.index_cast %parallel_loop3A_274 : i32 to index
        %parallel_loop3A_278 = tpu.vector_load %arg7[%parallel_loop3A_276, %parallel_loop3A_277] {strides = array<i32>} : memref<24x1024xi32, #tpu.memory_space<vmem>>, vector<16xi32>,
        %parallel_loop3A_279 = tpu.vector_load_idx %arg10[%parallel_loop3A_278] : memref<128xf32, #tpu.memory_space<vmem>>[vector<16xi32>], vector<16xf32>,
        %parallel_loop3A_280 = tpu.vector_load_idx %arg11[%parallel_loop3A_278] : memref<128xf32, #tpu.memory_space<vmem>>[vector<16xi32>], vector<16xf32>,
        %parallel_loop3A_281 = arith.constant 4 : i32
        %parallel_loop3A_282 = arith.index_cast %parallel_loop3A_281 : i32 to index
        %parallel_loop3A_283 = arith.index_cast %parallel_loop3A_274 : i32 to index
        %parallel_loop3A_284 = tpu.vector_load %arg8[%parallel_loop3A_282, %parallel_loop3A_283] {strides = array<i32>} : memref<24x1024xf32, #tpu.memory_space<vmem>>, vector<16xf32>,
        %parallel_loop3A_285 = arith.mulf %parallel_loop3A_279, %parallel_loop3A_284 : vector<16xf32>
        %parallel_loop3A_286 = arith.addf %parallel_loop3A_285, %parallel_loop3A_280 : vector<16xf32>
        %parallel_loop3A_287 = arith.constant 4 : i32
        %parallel_loop3A_288 = arith.index_cast %parallel_loop3A_287 : i32 to index
        %parallel_loop3A_289 = arith.index_cast %parallel_loop3A_274 : i32 to index
        %parallel_loop3A_290 = tpu.vector_load %arg9[%parallel_loop3A_288, %parallel_loop3A_289] {strides = array<i32>} : memref<24x1024xf32, #tpu.memory_space<vmem>>, vector<16xf32>,
        tpu.vector_store %arg9[%parallel_loop3A_288, %parallel_loop3A_289], %parallel_loop3A_286 {strides = array<i32>} : memref<24x1024xf32, #tpu.memory_space<vmem>>, vector<16xf32>,
      } {sc.loop_unroll_factor = 8 : i64, sc.parallel_access}
      %parallel_loop3A_109 = arith.constant 0 : i32
      %parallel_loop3A_110 = arith.constant 64 : i32
      %parallel_loop3A_111 = arith.constant 1 : i32
      scf.for %parallel_loop3A_272 = %parallel_loop3A_109 to %parallel_loop3A_110 step %parallel_loop3A_111  : i32 {
        %parallel_loop3A_273 = arith.constant 16 : i32
        %parallel_loop3A_274 = arith.muli %parallel_loop3A_272, %parallel_loop3A_273 : i32
        %parallel_loop3A_275 = arith.constant 5 : i32
        %parallel_loop3A_276 = arith.index_cast %parallel_loop3A_275 : i32 to index
        %parallel_loop3A_277 = arith.index_cast %parallel_loop3A_274 : i32 to index
        %parallel_loop3A_278 = tpu.vector_load %arg7[%parallel_loop3A_276, %parallel_loop3A_277] {strides = array<i32>} : memref<24x1024xi32, #tpu.memory_space<vmem>>, vector<16xi32>,
        %parallel_loop3A_279 = tpu.vector_load_idx %arg10[%parallel_loop3A_278] : memref<128xf32, #tpu.memory_space<vmem>>[vector<16xi32>], vector<16xf32>,
        %parallel_loop3A_280 = tpu.vector_load_idx %arg11[%parallel_loop3A_278] : memref<128xf32, #tpu.memory_space<vmem>>[vector<16xi32>], vector<16xf32>,
        %parallel_loop3A_281 = arith.constant 5 : i32
        %parallel_loop3A_282 = arith.index_cast %parallel_loop3A_281 : i32 to index
        %parallel_loop3A_283 = arith.index_cast %parallel_loop3A_274 : i32 to index
        %parallel_loop3A_284 = tpu.vector_load %arg8[%parallel_loop3A_282, %parallel_loop3A_283] {strides = array<i32>} : memref<24x1024xf32, #tpu.memory_space<vmem>>, vector<16xf32>,
        %parallel_loop3A_285 = arith.mulf %parallel_loop3A_279, %parallel_loop3A_284 : vector<16xf32>
        %parallel_loop3A_286 = arith.addf %parallel_loop3A_285, %parallel_loop3A_280 : vector<16xf32>
        %parallel_loop3A_287 = arith.constant 5 : i32
        %parallel_loop3A_288 = arith.index_cast %parallel_loop3A_287 : i32 to index
        %parallel_loop3A_289 = arith.index_cast %parallel_loop3A_274 : i32 to index
        %parallel_loop3A_290 = tpu.vector_load %arg9[%parallel_loop3A_288, %parallel_loop3A_289] {strides = array<i32>} : memref<24x1024xf32, #tpu.memory_space<vmem>>, vector<16xf32>,
        tpu.vector_store %arg9[%parallel_loop3A_288, %parallel_loop3A_289], %parallel_loop3A_286 {strides = array<i32>} : memref<24x1024xf32, #tpu.memory_space<vmem>>, vector<16xf32>,
      } {sc.loop_unroll_factor = 8 : i64, sc.parallel_access}
      %parallel_loop3A_112 = arith.constant 0 : i32
      %parallel_loop3A_113 = arith.constant 64 : i32
      %parallel_loop3A_114 = arith.constant 1 : i32
      scf.for %parallel_loop3A_272 = %parallel_loop3A_112 to %parallel_loop3A_113 step %parallel_loop3A_114  : i32 {
        %parallel_loop3A_273 = arith.constant 16 : i32
        %parallel_loop3A_274 = arith.muli %parallel_loop3A_272, %parallel_loop3A_273 : i32
        %parallel_loop3A_275 = arith.constant 6 : i32
        %parallel_loop3A_276 = arith.index_cast %parallel_loop3A_275 : i32 to index
        %parallel_loop3A_277 = arith.index_cast %parallel_loop3A_274 : i32 to index
        %parallel_loop3A_278 = tpu.vector_load %arg7[%parallel_loop3A_276, %parallel_loop3A_277] {strides = array<i32>} : memref<24x1024xi32, #tpu.memory_space<vmem>>, vector<16xi32>,
        %parallel_loop3A_279 = tpu.vector_load_idx %arg10[%parallel_loop3A_278] : memref<128xf32, #tpu.memory_space<vmem>>[vector<16xi32>], vector<16xf32>,
        %parallel_loop3A_280 = tpu.vector_load_idx %arg11[%parallel_loop3A_278] : memref<128xf32, #tpu.memory_space<vmem>>[vector<16xi32>], vector<16xf32>,
        %parallel_loop3A_281 = arith.constant 6 : i32
        %parallel_loop3A_282 = arith.index_cast %parallel_loop3A_281 : i32 to index
        %parallel_loop3A_283 = arith.index_cast %parallel_loop3A_274 : i32 to index
        %parallel_loop3A_284 = tpu.vector_load %arg8[%parallel_loop3A_282, %parallel_loop3A_283] {strides = array<i32>} : memref<24x1024xf32, #tpu.memory_space<vmem>>, vector<16xf32>,
        %parallel_loop3A_285 = arith.mulf %parallel_loop3A_279, %parallel_loop3A_284 : vector<16xf32>
        %parallel_loop3A_286 = arith.addf %parallel_loop3A_285, %parallel_loop3A_280 : vector<16xf32>
        %parallel_loop3A_287 = arith.constant 6 : i32
        %parallel_loop3A_288 = arith.index_cast %parallel_loop3A_287 : i32 to index
        %parallel_loop3A_289 = arith.index_cast %parallel_loop3A_274 : i32 to index
        %parallel_loop3A_290 = tpu.vector_load %arg9[%parallel_loop3A_288, %parallel_loop3A_289] {strides = array<i32>} : memref<24x1024xf32, #tpu.memory_space<vmem>>, vector<16xf32>,
        tpu.vector_store %arg9[%parallel_loop3A_288, %parallel_loop3A_289], %parallel_loop3A_286 {strides = array<i32>} : memref<24x1024xf32, #tpu.memory_space<vmem>>, vector<16xf32>,
      } {sc.loop_unroll_factor = 8 : i64, sc.parallel_access}
      %parallel_loop3A_115 = arith.constant 0 : i32
      %parallel_loop3A_116 = arith.constant 64 : i32
      %parallel_loop3A_117 = arith.constant 1 : i32
      scf.for %parallel_loop3A_272 = %parallel_loop3A_115 to %parallel_loop3A_116 step %parallel_loop3A_117  : i32 {
        %parallel_loop3A_273 = arith.constant 16 : i32
        %parallel_loop3A_274 = arith.muli %parallel_loop3A_272, %parallel_loop3A_273 : i32
        %parallel_loop3A_275 = arith.constant 7 : i32
        %parallel_loop3A_276 = arith.index_cast %parallel_loop3A_275 : i32 to index
        %parallel_loop3A_277 = arith.index_cast %parallel_loop3A_274 : i32 to index
        %parallel_loop3A_278 = tpu.vector_load %arg7[%parallel_loop3A_276, %parallel_loop3A_277] {strides = array<i32>} : memref<24x1024xi32, #tpu.memory_space<vmem>>, vector<16xi32>,
        %parallel_loop3A_279 = tpu.vector_load_idx %arg10[%parallel_loop3A_278] : memref<128xf32, #tpu.memory_space<vmem>>[vector<16xi32>], vector<16xf32>,
        %parallel_loop3A_280 = tpu.vector_load_idx %arg11[%parallel_loop3A_278] : memref<128xf32, #tpu.memory_space<vmem>>[vector<16xi32>], vector<16xf32>,
        %parallel_loop3A_281 = arith.constant 7 : i32
        %parallel_loop3A_282 = arith.index_cast %parallel_loop3A_281 : i32 to index
        %parallel_loop3A_283 = arith.index_cast %parallel_loop3A_274 : i32 to index
        %parallel_loop3A_284 = tpu.vector_load %arg8[%parallel_loop3A_282, %parallel_loop3A_283] {strides = array<i32>} : memref<24x1024xf32, #tpu.memory_space<vmem>>, vector<16xf32>,
        %parallel_loop3A_285 = arith.mulf %parallel_loop3A_279, %parallel_loop3A_284 : vector<16xf32>
        %parallel_loop3A_286 = arith.addf %parallel_loop3A_285, %parallel_loop3A_280 : vector<16xf32>
        %parallel_loop3A_287 = arith.constant 7 : i32
        %parallel_loop3A_288 = arith.index_cast %parallel_loop3A_287 : i32 to index
        %parallel_loop3A_289 = arith.index_cast %parallel_loop3A_274 : i32 to index
        %parallel_loop3A_290 = tpu.vector_load %arg9[%parallel_loop3A_288, %parallel_loop3A_289] {strides = array<i32>} : memref<24x1024xf32, #tpu.memory_space<vmem>>, vector<16xf32>,
        tpu.vector_store %arg9[%parallel_loop3A_288, %parallel_loop3A_289], %parallel_loop3A_286 {strides = array<i32>} : memref<24x1024xf32, #tpu.memory_space<vmem>>, vector<16xf32>,
      } {sc.loop_unroll_factor = 8 : i64, sc.parallel_access}
      %add3A_118 = arith.constant 0 : i32
      %add3A_119 = arith.addi %mul3A_4, %add3A_118 : i32
      %dma_start3A_120 = arith.constant 0 : i32
      %dma_start3A_121 = arith.constant 0 : i32
      %dma_start3A_122 = tpu.memref_slice %arg9[%dma_start3A_120, %dma_start3A_121] : memref<24x1024xf32, #tpu.memory_space<vmem>> -> memref<8x1024xf32, #tpu.memory_space<vmem>>
      %dma_start3A_123 = arith.constant 0 : i32
      %dma_start3A_124 = tpu.memref_slice %arg6[%add3A_119, %dma_start3A_123] : memref<768x1024xf32, #tpu.memory_space<hbm>> -> memref<8x1024xf32, #tpu.memory_space<hbm>>
      %dma_start3A_125 = arith.constant 0 : i32
      %dma_start3A_126 = tpu.memref_slice %arg6[%add3A_119, %dma_start3A_125] : memref<768x1024xf32, #tpu.memory_space<hbm>> -> memref<8x1024xf32, #tpu.memory_space<hbm>>
      %dma_start3A_127 = arith.constant 0 : i32
      %dma_start3A_128 = arith.constant 0 : i32
      %dma_start3A_129 = tpu.memref_slice %arg9[%dma_start3A_127, %dma_start3A_128] : memref<24x1024xf32, #tpu.memory_space<vmem>> -> memref<8x1024xf32, #tpu.memory_space<vmem>>
      tpu.enqueue_dma source(%dma_start3A_129 : memref<8x1024xf32, #tpu.memory_space<vmem>>) target(%dma_start3A_126 : memref<8x1024xf32, #tpu.memory_space<hbm>>) target_semaphore(%arg14 : memref<!tpu.dma_semaphore, #tpu.memory_space<semaphore_mem>>)
      %dma_wait3A_130 = arith.constant 8 : i32
      %dma_wait3A_131 = arith.constant 0 : i32
      %dma_wait3A_132 = tpu.memref_slice %arg8[%dma_wait3A_130, %dma_wait3A_131] : memref<24x1024xf32, #tpu.memory_space<vmem>> -> memref<8x1024xf32, #tpu.memory_space<vmem>>
      %dma_wait3A_133 = arith.constant 0 : i32
      %dma_wait3A_134 = tpu.memref_slice %arg2[%add3A_31, %dma_wait3A_133] : memref<1024x1024xf32, #tpu.memory_space<hbm>> -> memref<8x1024xf32, #tpu.memory_space<hbm>>
      %dma_wait3A_135 = arith.constant 8 : i32
      %dma_wait3A_136 = arith.constant 0 : i32
      %dma_wait3A_137 = tpu.memref_slice %arg8[%dma_wait3A_135, %dma_wait3A_136] : memref<24x1024xf32, #tpu.memory_space<vmem>> -> memref<8x1024xf32, #tpu.memory_space<vmem>>
      %dma_wait3A_138 = arith.constant 0 : i32
      %dma_wait3A_139 = tpu.memref_slice %arg2[%add3A_31, %dma_wait3A_138] : memref<1024x1024xf32, #tpu.memory_space<hbm>> -> memref<8x1024xf32, #tpu.memory_space<hbm>>
      tpu.wait_dma2 semaphore(%arg12 : memref<!tpu.dma_semaphore, #tpu.memory_space<semaphore_mem>>) src(%dma_wait3A_139 : memref<8x1024xf32, #tpu.memory_space<hbm>>) dst(%dma_wait3A_137 : memref<8x1024xf32, #tpu.memory_space<vmem>>)
      %dma_wait3A_140 = arith.constant 8 : i32
      %dma_wait3A_141 = arith.constant 0 : i32
      %dma_wait3A_142 = tpu.memref_slice %arg7[%dma_wait3A_140, %dma_wait3A_141] : memref<24x1024xi32, #tpu.memory_space<vmem>> -> memref<8x1024xi32, #tpu.memory_space<vmem>>
      %dma_wait3A_143 = arith.constant 0 : i32
      %dma_wait3A_144 = tpu.memref_slice %arg3[%add3A_31, %dma_wait3A_143] : memref<1024x1024xi32, #tpu.memory_space<hbm>> -> memref<8x1024xi32, #tpu.memory_space<hbm>>
      %dma_wait3A_145 = arith.constant 8 : i32
      %dma_wait3A_146 = arith.constant 0 : i32
      %dma_wait3A_147 = tpu.memref_slice %arg7[%dma_wait3A_145, %dma_wait3A_146] : memref<24x1024xi32, #tpu.memory_space<vmem>> -> memref<8x1024xi32, #tpu.memory_space<vmem>>
      %dma_wait3A_148 = arith.constant 0 : i32
      %dma_wait3A_149 = tpu.memref_slice %arg3[%add3A_31, %dma_wait3A_148] : memref<1024x1024xi32, #tpu.memory_space<hbm>> -> memref<8x1024xi32, #tpu.memory_space<hbm>>
      tpu.wait_dma2 semaphore(%arg13 : memref<!tpu.dma_semaphore, #tpu.memory_space<semaphore_mem>>) src(%dma_wait3A_149 : memref<8x1024xi32, #tpu.memory_space<hbm>>) dst(%dma_wait3A_147 : memref<8x1024xi32, #tpu.memory_space<vmem>>)
      %parallel_loop3A_150 = arith.constant 0 : i32
      %parallel_loop3A_151 = arith.constant 64 : i32
      %parallel_loop3A_152 = arith.constant 1 : i32
      scf.for %parallel_loop3A_272 = %parallel_loop3A_150 to %parallel_loop3A_151 step %parallel_loop3A_152  : i32 {
        %parallel_loop3A_273 = arith.constant 16 : i32
        %parallel_loop3A_274 = arith.muli %parallel_loop3A_272, %parallel_loop3A_273 : i32
        %parallel_loop3A_275 = arith.constant 8 : i32
        %parallel_loop3A_276 = arith.index_cast %parallel_loop3A_275 : i32 to index
        %parallel_loop3A_277 = arith.index_cast %parallel_loop3A_274 : i32 to index
        %parallel_loop3A_278 = tpu.vector_load %arg7[%parallel_loop3A_276, %parallel_loop3A_277] {strides = array<i32>} : memref<24x1024xi32, #tpu.memory_space<vmem>>, vector<16xi32>,
        %parallel_loop3A_279 = tpu.vector_load_idx %arg10[%parallel_loop3A_278] : memref<128xf32, #tpu.memory_space<vmem>>[vector<16xi32>], vector<16xf32>,
        %parallel_loop3A_280 = tpu.vector_load_idx %arg11[%parallel_loop3A_278] : memref<128xf32, #tpu.memory_space<vmem>>[vector<16xi32>], vector<16xf32>,
        %parallel_loop3A_281 = arith.constant 8 : i32
        %parallel_loop3A_282 = arith.index_cast %parallel_loop3A_281 : i32 to index
        %parallel_loop3A_283 = arith.index_cast %parallel_loop3A_274 : i32 to index
        %parallel_loop3A_284 = tpu.vector_load %arg8[%parallel_loop3A_282, %parallel_loop3A_283] {strides = array<i32>} : memref<24x1024xf32, #tpu.memory_space<vmem>>, vector<16xf32>,
        %parallel_loop3A_285 = arith.mulf %parallel_loop3A_279, %parallel_loop3A_284 : vector<16xf32>
        %parallel_loop3A_286 = arith.addf %parallel_loop3A_285, %parallel_loop3A_280 : vector<16xf32>
        %parallel_loop3A_287 = arith.constant 8 : i32
        %parallel_loop3A_288 = arith.index_cast %parallel_loop3A_287 : i32 to index
        %parallel_loop3A_289 = arith.index_cast %parallel_loop3A_274 : i32 to index
        %parallel_loop3A_290 = tpu.vector_load %arg9[%parallel_loop3A_288, %parallel_loop3A_289] {strides = array<i32>} : memref<24x1024xf32, #tpu.memory_space<vmem>>, vector<16xf32>,
        tpu.vector_store %arg9[%parallel_loop3A_288, %parallel_loop3A_289], %parallel_loop3A_286 {strides = array<i32>} : memref<24x1024xf32, #tpu.memory_space<vmem>>, vector<16xf32>,
      } {sc.loop_unroll_factor = 8 : i64, sc.parallel_access}
      %parallel_loop3A_153 = arith.constant 0 : i32
      %parallel_loop3A_154 = arith.constant 64 : i32
      %parallel_loop3A_155 = arith.constant 1 : i32
      scf.for %parallel_loop3A_272 = %parallel_loop3A_153 to %parallel_loop3A_154 step %parallel_loop3A_155  : i32 {
        %parallel_loop3A_273 = arith.constant 16 : i32
        %parallel_loop3A_274 = arith.muli %parallel_loop3A_272, %parallel_loop3A_273 : i32
        %parallel_loop3A_275 = arith.constant 9 : i32
        %parallel_loop3A_276 = arith.index_cast %parallel_loop3A_275 : i32 to index
        %parallel_loop3A_277 = arith.index_cast %parallel_loop3A_274 : i32 to index
        %parallel_loop3A_278 = tpu.vector_load %arg7[%parallel_loop3A_276, %parallel_loop3A_277] {strides = array<i32>} : memref<24x1024xi32, #tpu.memory_space<vmem>>, vector<16xi32>,
        %parallel_loop3A_279 = tpu.vector_load_idx %arg10[%parallel_loop3A_278] : memref<128xf32, #tpu.memory_space<vmem>>[vector<16xi32>], vector<16xf32>,
        %parallel_loop3A_280 = tpu.vector_load_idx %arg11[%parallel_loop3A_278] : memref<128xf32, #tpu.memory_space<vmem>>[vector<16xi32>], vector<16xf32>,
        %parallel_loop3A_281 = arith.constant 9 : i32
        %parallel_loop3A_282 = arith.index_cast %parallel_loop3A_281 : i32 to index
        %parallel_loop3A_283 = arith.index_cast %parallel_loop3A_274 : i32 to index
        %parallel_loop3A_284 = tpu.vector_load %arg8[%parallel_loop3A_282, %parallel_loop3A_283] {strides = array<i32>} : memref<24x1024xf32, #tpu.memory_space<vmem>>, vector<16xf32>,
        %parallel_loop3A_285 = arith.mulf %parallel_loop3A_279, %parallel_loop3A_284 : vector<16xf32>
        %parallel_loop3A_286 = arith.addf %parallel_loop3A_285, %parallel_loop3A_280 : vector<16xf32>
        %parallel_loop3A_287 = arith.constant 9 : i32
        %parallel_loop3A_288 = arith.index_cast %parallel_loop3A_287 : i32 to index
        %parallel_loop3A_289 = arith.index_cast %parallel_loop3A_274 : i32 to index
        %parallel_loop3A_290 = tpu.vector_load %arg9[%parallel_loop3A_288, %parallel_loop3A_289] {strides = array<i32>} : memref<24x1024xf32, #tpu.memory_space<vmem>>, vector<16xf32>,
        tpu.vector_store %arg9[%parallel_loop3A_288, %parallel_loop3A_289], %parallel_loop3A_286 {strides = array<i32>} : memref<24x1024xf32, #tpu.memory_space<vmem>>, vector<16xf32>,
      } {sc.loop_unroll_factor = 8 : i64, sc.parallel_access}
      %parallel_loop3A_156 = arith.constant 0 : i32
      %parallel_loop3A_157 = arith.constant 64 : i32
      %parallel_loop3A_158 = arith.constant 1 : i32
      scf.for %parallel_loop3A_272 = %parallel_loop3A_156 to %parallel_loop3A_157 step %parallel_loop3A_158  : i32 {
        %parallel_loop3A_273 = arith.constant 16 : i32
        %parallel_loop3A_274 = arith.muli %parallel_loop3A_272, %parallel_loop3A_273 : i32
        %parallel_loop3A_275 = arith.constant 10 : i32
        %parallel_loop3A_276 = arith.index_cast %parallel_loop3A_275 : i32 to index
        %parallel_loop3A_277 = arith.index_cast %parallel_loop3A_274 : i32 to index
        %parallel_loop3A_278 = tpu.vector_load %arg7[%parallel_loop3A_276, %parallel_loop3A_277] {strides = array<i32>} : memref<24x1024xi32, #tpu.memory_space<vmem>>, vector<16xi32>,
        %parallel_loop3A_279 = tpu.vector_load_idx %arg10[%parallel_loop3A_278] : memref<128xf32, #tpu.memory_space<vmem>>[vector<16xi32>], vector<16xf32>,
        %parallel_loop3A_280 = tpu.vector_load_idx %arg11[%parallel_loop3A_278] : memref<128xf32, #tpu.memory_space<vmem>>[vector<16xi32>], vector<16xf32>,
        %parallel_loop3A_281 = arith.constant 10 : i32
        %parallel_loop3A_282 = arith.index_cast %parallel_loop3A_281 : i32 to index
        %parallel_loop3A_283 = arith.index_cast %parallel_loop3A_274 : i32 to index
        %parallel_loop3A_284 = tpu.vector_load %arg8[%parallel_loop3A_282, %parallel_loop3A_283] {strides = array<i32>} : memref<24x1024xf32, #tpu.memory_space<vmem>>, vector<16xf32>,
        %parallel_loop3A_285 = arith.mulf %parallel_loop3A_279, %parallel_loop3A_284 : vector<16xf32>
        %parallel_loop3A_286 = arith.addf %parallel_loop3A_285, %parallel_loop3A_280 : vector<16xf32>
        %parallel_loop3A_287 = arith.constant 10 : i32
        %parallel_loop3A_288 = arith.index_cast %parallel_loop3A_287 : i32 to index
        %parallel_loop3A_289 = arith.index_cast %parallel_loop3A_274 : i32 to index
        %parallel_loop3A_290 = tpu.vector_load %arg9[%parallel_loop3A_288, %parallel_loop3A_289] {strides = array<i32>} : memref<24x1024xf32, #tpu.memory_space<vmem>>, vector<16xf32>,
        tpu.vector_store %arg9[%parallel_loop3A_288, %parallel_loop3A_289], %parallel_loop3A_286 {strides = array<i32>} : memref<24x1024xf32, #tpu.memory_space<vmem>>, vector<16xf32>,
      } {sc.loop_unroll_factor = 8 : i64, sc.parallel_access}
      %parallel_loop3A_159 = arith.constant 0 : i32
      %parallel_loop3A_160 = arith.constant 64 : i32
      %parallel_loop3A_161 = arith.constant 1 : i32
      scf.for %parallel_loop3A_272 = %parallel_loop3A_159 to %parallel_loop3A_160 step %parallel_loop3A_161  : i32 {
        %parallel_loop3A_273 = arith.constant 16 : i32
        %parallel_loop3A_274 = arith.muli %parallel_loop3A_272, %parallel_loop3A_273 : i32
        %parallel_loop3A_275 = arith.constant 11 : i32
        %parallel_loop3A_276 = arith.index_cast %parallel_loop3A_275 : i32 to index
        %parallel_loop3A_277 = arith.index_cast %parallel_loop3A_274 : i32 to index
        %parallel_loop3A_278 = tpu.vector_load %arg7[%parallel_loop3A_276, %parallel_loop3A_277] {strides = array<i32>} : memref<24x1024xi32, #tpu.memory_space<vmem>>, vector<16xi32>,
        %parallel_loop3A_279 = tpu.vector_load_idx %arg10[%parallel_loop3A_278] : memref<128xf32, #tpu.memory_space<vmem>>[vector<16xi32>], vector<16xf32>,
        %parallel_loop3A_280 = tpu.vector_load_idx %arg11[%parallel_loop3A_278] : memref<128xf32, #tpu.memory_space<vmem>>[vector<16xi32>], vector<16xf32>,
        %parallel_loop3A_281 = arith.constant 11 : i32
        %parallel_loop3A_282 = arith.index_cast %parallel_loop3A_281 : i32 to index
        %parallel_loop3A_283 = arith.index_cast %parallel_loop3A_274 : i32 to index
        %parallel_loop3A_284 = tpu.vector_load %arg8[%parallel_loop3A_282, %parallel_loop3A_283] {strides = array<i32>} : memref<24x1024xf32, #tpu.memory_space<vmem>>, vector<16xf32>,
        %parallel_loop3A_285 = arith.mulf %parallel_loop3A_279, %parallel_loop3A_284 : vector<16xf32>
        %parallel_loop3A_286 = arith.addf %parallel_loop3A_285, %parallel_loop3A_280 : vector<16xf32>
        %parallel_loop3A_287 = arith.constant 11 : i32
        %parallel_loop3A_288 = arith.index_cast %parallel_loop3A_287 : i32 to index
        %parallel_loop3A_289 = arith.index_cast %parallel_loop3A_274 : i32 to index
        %parallel_loop3A_290 = tpu.vector_load %arg9[%parallel_loop3A_288, %parallel_loop3A_289] {strides = array<i32>} : memref<24x1024xf32, #tpu.memory_space<vmem>>, vector<16xf32>,
        tpu.vector_store %arg9[%parallel_loop3A_288, %parallel_loop3A_289], %parallel_loop3A_286 {strides = array<i32>} : memref<24x1024xf32, #tpu.memory_space<vmem>>, vector<16xf32>,
      } {sc.loop_unroll_factor = 8 : i64, sc.parallel_access}
      %parallel_loop3A_162 = arith.constant 0 : i32
      %parallel_loop3A_163 = arith.constant 64 : i32
      %parallel_loop3A_164 = arith.constant 1 : i32
      scf.for %parallel_loop3A_272 = %parallel_loop3A_162 to %parallel_loop3A_163 step %parallel_loop3A_164  : i32 {
        %parallel_loop3A_273 = arith.constant 16 : i32
        %parallel_loop3A_274 = arith.muli %parallel_loop3A_272, %parallel_loop3A_273 : i32
        %parallel_loop3A_275 = arith.constant 12 : i32
        %parallel_loop3A_276 = arith.index_cast %parallel_loop3A_275 : i32 to index
        %parallel_loop3A_277 = arith.index_cast %parallel_loop3A_274 : i32 to index
        %parallel_loop3A_278 = tpu.vector_load %arg7[%parallel_loop3A_276, %parallel_loop3A_277] {strides = array<i32>} : memref<24x1024xi32, #tpu.memory_space<vmem>>, vector<16xi32>,
        %parallel_loop3A_279 = tpu.vector_load_idx %arg10[%parallel_loop3A_278] : memref<128xf32, #tpu.memory_space<vmem>>[vector<16xi32>], vector<16xf32>,
        %parallel_loop3A_280 = tpu.vector_load_idx %arg11[%parallel_loop3A_278] : memref<128xf32, #tpu.memory_space<vmem>>[vector<16xi32>], vector<16xf32>,
        %parallel_loop3A_281 = arith.constant 12 : i32
        %parallel_loop3A_282 = arith.index_cast %parallel_loop3A_281 : i32 to index
        %parallel_loop3A_283 = arith.index_cast %parallel_loop3A_274 : i32 to index
        %parallel_loop3A_284 = tpu.vector_load %arg8[%parallel_loop3A_282, %parallel_loop3A_283] {strides = array<i32>} : memref<24x1024xf32, #tpu.memory_space<vmem>>, vector<16xf32>,
        %parallel_loop3A_285 = arith.mulf %parallel_loop3A_279, %parallel_loop3A_284 : vector<16xf32>
        %parallel_loop3A_286 = arith.addf %parallel_loop3A_285, %parallel_loop3A_280 : vector<16xf32>
        %parallel_loop3A_287 = arith.constant 12 : i32
        %parallel_loop3A_288 = arith.index_cast %parallel_loop3A_287 : i32 to index
        %parallel_loop3A_289 = arith.index_cast %parallel_loop3A_274 : i32 to index
        %parallel_loop3A_290 = tpu.vector_load %arg9[%parallel_loop3A_288, %parallel_loop3A_289] {strides = array<i32>} : memref<24x1024xf32, #tpu.memory_space<vmem>>, vector<16xf32>,
        tpu.vector_store %arg9[%parallel_loop3A_288, %parallel_loop3A_289], %parallel_loop3A_286 {strides = array<i32>} : memref<24x1024xf32, #tpu.memory_space<vmem>>, vector<16xf32>,
      } {sc.loop_unroll_factor = 8 : i64, sc.parallel_access}
      %parallel_loop3A_165 = arith.constant 0 : i32
      %parallel_loop3A_166 = arith.constant 64 : i32
      %parallel_loop3A_167 = arith.constant 1 : i32
      scf.for %parallel_loop3A_272 = %parallel_loop3A_165 to %parallel_loop3A_166 step %parallel_loop3A_167  : i32 {
        %parallel_loop3A_273 = arith.constant 16 : i32
        %parallel_loop3A_274 = arith.muli %parallel_loop3A_272, %parallel_loop3A_273 : i32
        %parallel_loop3A_275 = arith.constant 13 : i32
        %parallel_loop3A_276 = arith.index_cast %parallel_loop3A_275 : i32 to index
        %parallel_loop3A_277 = arith.index_cast %parallel_loop3A_274 : i32 to index
        %parallel_loop3A_278 = tpu.vector_load %arg7[%parallel_loop3A_276, %parallel_loop3A_277] {strides = array<i32>} : memref<24x1024xi32, #tpu.memory_space<vmem>>, vector<16xi32>,
        %parallel_loop3A_279 = tpu.vector_load_idx %arg10[%parallel_loop3A_278] : memref<128xf32, #tpu.memory_space<vmem>>[vector<16xi32>], vector<16xf32>,
        %parallel_loop3A_280 = tpu.vector_load_idx %arg11[%parallel_loop3A_278] : memref<128xf32, #tpu.memory_space<vmem>>[vector<16xi32>], vector<16xf32>,
        %parallel_loop3A_281 = arith.constant 13 : i32
        %parallel_loop3A_282 = arith.index_cast %parallel_loop3A_281 : i32 to index
        %parallel_loop3A_283 = arith.index_cast %parallel_loop3A_274 : i32 to index
        %parallel_loop3A_284 = tpu.vector_load %arg8[%parallel_loop3A_282, %parallel_loop3A_283] {strides = array<i32>} : memref<24x1024xf32, #tpu.memory_space<vmem>>, vector<16xf32>,
        %parallel_loop3A_285 = arith.mulf %parallel_loop3A_279, %parallel_loop3A_284 : vector<16xf32>
        %parallel_loop3A_286 = arith.addf %parallel_loop3A_285, %parallel_loop3A_280 : vector<16xf32>
        %parallel_loop3A_287 = arith.constant 13 : i32
        %parallel_loop3A_288 = arith.index_cast %parallel_loop3A_287 : i32 to index
        %parallel_loop3A_289 = arith.index_cast %parallel_loop3A_274 : i32 to index
        %parallel_loop3A_290 = tpu.vector_load %arg9[%parallel_loop3A_288, %parallel_loop3A_289] {strides = array<i32>} : memref<24x1024xf32, #tpu.memory_space<vmem>>, vector<16xf32>,
        tpu.vector_store %arg9[%parallel_loop3A_288, %parallel_loop3A_289], %parallel_loop3A_286 {strides = array<i32>} : memref<24x1024xf32, #tpu.memory_space<vmem>>, vector<16xf32>,
      } {sc.loop_unroll_factor = 8 : i64, sc.parallel_access}
      %parallel_loop3A_168 = arith.constant 0 : i32
      %parallel_loop3A_169 = arith.constant 64 : i32
      %parallel_loop3A_170 = arith.constant 1 : i32
      scf.for %parallel_loop3A_272 = %parallel_loop3A_168 to %parallel_loop3A_169 step %parallel_loop3A_170  : i32 {
        %parallel_loop3A_273 = arith.constant 16 : i32
        %parallel_loop3A_274 = arith.muli %parallel_loop3A_272, %parallel_loop3A_273 : i32
        %parallel_loop3A_275 = arith.constant 14 : i32
        %parallel_loop3A_276 = arith.index_cast %parallel_loop3A_275 : i32 to index
        %parallel_loop3A_277 = arith.index_cast %parallel_loop3A_274 : i32 to index
        %parallel_loop3A_278 = tpu.vector_load %arg7[%parallel_loop3A_276, %parallel_loop3A_277] {strides = array<i32>} : memref<24x1024xi32, #tpu.memory_space<vmem>>, vector<16xi32>,
        %parallel_loop3A_279 = tpu.vector_load_idx %arg10[%parallel_loop3A_278] : memref<128xf32, #tpu.memory_space<vmem>>[vector<16xi32>], vector<16xf32>,
        %parallel_loop3A_280 = tpu.vector_load_idx %arg11[%parallel_loop3A_278] : memref<128xf32, #tpu.memory_space<vmem>>[vector<16xi32>], vector<16xf32>,
        %parallel_loop3A_281 = arith.constant 14 : i32
        %parallel_loop3A_282 = arith.index_cast %parallel_loop3A_281 : i32 to index
        %parallel_loop3A_283 = arith.index_cast %parallel_loop3A_274 : i32 to index
        %parallel_loop3A_284 = tpu.vector_load %arg8[%parallel_loop3A_282, %parallel_loop3A_283] {strides = array<i32>} : memref<24x1024xf32, #tpu.memory_space<vmem>>, vector<16xf32>,
        %parallel_loop3A_285 = arith.mulf %parallel_loop3A_279, %parallel_loop3A_284 : vector<16xf32>
        %parallel_loop3A_286 = arith.addf %parallel_loop3A_285, %parallel_loop3A_280 : vector<16xf32>
        %parallel_loop3A_287 = arith.constant 14 : i32
        %parallel_loop3A_288 = arith.index_cast %parallel_loop3A_287 : i32 to index
        %parallel_loop3A_289 = arith.index_cast %parallel_loop3A_274 : i32 to index
        %parallel_loop3A_290 = tpu.vector_load %arg9[%parallel_loop3A_288, %parallel_loop3A_289] {strides = array<i32>} : memref<24x1024xf32, #tpu.memory_space<vmem>>, vector<16xf32>,
        tpu.vector_store %arg9[%parallel_loop3A_288, %parallel_loop3A_289], %parallel_loop3A_286 {strides = array<i32>} : memref<24x1024xf32, #tpu.memory_space<vmem>>, vector<16xf32>,
      } {sc.loop_unroll_factor = 8 : i64, sc.parallel_access}
      %parallel_loop3A_171 = arith.constant 0 : i32
      %parallel_loop3A_172 = arith.constant 64 : i32
      %parallel_loop3A_173 = arith.constant 1 : i32
      scf.for %parallel_loop3A_272 = %parallel_loop3A_171 to %parallel_loop3A_172 step %parallel_loop3A_173  : i32 {
        %parallel_loop3A_273 = arith.constant 16 : i32
        %parallel_loop3A_274 = arith.muli %parallel_loop3A_272, %parallel_loop3A_273 : i32
        %parallel_loop3A_275 = arith.constant 15 : i32
        %parallel_loop3A_276 = arith.index_cast %parallel_loop3A_275 : i32 to index
        %parallel_loop3A_277 = arith.index_cast %parallel_loop3A_274 : i32 to index
        %parallel_loop3A_278 = tpu.vector_load %arg7[%parallel_loop3A_276, %parallel_loop3A_277] {strides = array<i32>} : memref<24x1024xi32, #tpu.memory_space<vmem>>, vector<16xi32>,
        %parallel_loop3A_279 = tpu.vector_load_idx %arg10[%parallel_loop3A_278] : memref<128xf32, #tpu.memory_space<vmem>>[vector<16xi32>], vector<16xf32>,
        %parallel_loop3A_280 = tpu.vector_load_idx %arg11[%parallel_loop3A_278] : memref<128xf32, #tpu.memory_space<vmem>>[vector<16xi32>], vector<16xf32>,
        %parallel_loop3A_281 = arith.constant 15 : i32
        %parallel_loop3A_282 = arith.index_cast %parallel_loop3A_281 : i32 to index
        %parallel_loop3A_283 = arith.index_cast %parallel_loop3A_274 : i32 to index
        %parallel_loop3A_284 = tpu.vector_load %arg8[%parallel_loop3A_282, %parallel_loop3A_283] {strides = array<i32>} : memref<24x1024xf32, #tpu.memory_space<vmem>>, vector<16xf32>,
        %parallel_loop3A_285 = arith.mulf %parallel_loop3A_279, %parallel_loop3A_284 : vector<16xf32>
        %parallel_loop3A_286 = arith.addf %parallel_loop3A_285, %parallel_loop3A_280 : vector<16xf32>
        %parallel_loop3A_287 = arith.constant 15 : i32
        %parallel_loop3A_288 = arith.index_cast %parallel_loop3A_287 : i32 to index
        %parallel_loop3A_289 = arith.index_cast %parallel_loop3A_274 : i32 to index
        %parallel_loop3A_290 = tpu.vector_load %arg9[%parallel_loop3A_288, %parallel_loop3A_289] {strides = array<i32>} : memref<24x1024xf32, #tpu.memory_space<vmem>>, vector<16xf32>,
        tpu.vector_store %arg9[%parallel_loop3A_288, %parallel_loop3A_289], %parallel_loop3A_286 {strides = array<i32>} : memref<24x1024xf32, #tpu.memory_space<vmem>>, vector<16xf32>,
      } {sc.loop_unroll_factor = 8 : i64, sc.parallel_access}
      %add3A_174 = arith.constant 8 : i32
      %add3A_175 = arith.addi %mul3A_4, %add3A_174 : i32
      %dma_start3A_176 = arith.constant 8 : i32
      %dma_start3A_177 = arith.constant 0 : i32
      %dma_start3A_178 = tpu.memref_slice %arg9[%dma_start3A_176, %dma_start3A_177] : memref<24x1024xf32, #tpu.memory_space<vmem>> -> memref<8x1024xf32, #tpu.memory_space<vmem>>
      %dma_start3A_179 = arith.constant 0 : i32
      %dma_start3A_180 = tpu.memref_slice %arg6[%add3A_175, %dma_start3A_179] : memref<768x1024xf32, #tpu.memory_space<hbm>> -> memref<8x1024xf32, #tpu.memory_space<hbm>>
      %dma_start3A_181 = arith.constant 0 : i32
      %dma_start3A_182 = tpu.memref_slice %arg6[%add3A_175, %dma_start3A_181] : memref<768x1024xf32, #tpu.memory_space<hbm>> -> memref<8x1024xf32, #tpu.memory_space<hbm>>
      %dma_start3A_183 = arith.constant 8 : i32
      %dma_start3A_184 = arith.constant 0 : i32
      %dma_start3A_185 = tpu.memref_slice %arg9[%dma_start3A_183, %dma_start3A_184] : memref<24x1024xf32, #tpu.memory_space<vmem>> -> memref<8x1024xf32, #tpu.memory_space<vmem>>
      tpu.enqueue_dma source(%dma_start3A_185 : memref<8x1024xf32, #tpu.memory_space<vmem>>) target(%dma_start3A_182 : memref<8x1024xf32, #tpu.memory_space<hbm>>) target_semaphore(%arg14 : memref<!tpu.dma_semaphore, #tpu.memory_space<semaphore_mem>>)
      %dma_wait3A_186 = arith.constant 16 : i32
      %dma_wait3A_187 = arith.constant 0 : i32
      %dma_wait3A_188 = tpu.memref_slice %arg8[%dma_wait3A_186, %dma_wait3A_187] : memref<24x1024xf32, #tpu.memory_space<vmem>> -> memref<8x1024xf32, #tpu.memory_space<vmem>>
      %dma_wait3A_189 = arith.constant 0 : i32
      %dma_wait3A_190 = tpu.memref_slice %arg2[%add3A_55, %dma_wait3A_189] : memref<1024x1024xf32, #tpu.memory_space<hbm>> -> memref<8x1024xf32, #tpu.memory_space<hbm>>
      %dma_wait3A_191 = arith.constant 16 : i32
      %dma_wait3A_192 = arith.constant 0 : i32
      %dma_wait3A_193 = tpu.memref_slice %arg8[%dma_wait3A_191, %dma_wait3A_192] : memref<24x1024xf32, #tpu.memory_space<vmem>> -> memref<8x1024xf32, #tpu.memory_space<vmem>>
      %dma_wait3A_194 = arith.constant 0 : i32
      %dma_wait3A_195 = tpu.memref_slice %arg2[%add3A_55, %dma_wait3A_194] : memref<1024x1024xf32, #tpu.memory_space<hbm>> -> memref<8x1024xf32, #tpu.memory_space<hbm>>
      tpu.wait_dma2 semaphore(%arg12 : memref<!tpu.dma_semaphore, #tpu.memory_space<semaphore_mem>>) src(%dma_wait3A_195 : memref<8x1024xf32, #tpu.memory_space<hbm>>) dst(%dma_wait3A_193 : memref<8x1024xf32, #tpu.memory_space<vmem>>)
      %dma_wait3A_196 = arith.constant 16 : i32
      %dma_wait3A_197 = arith.constant 0 : i32
      %dma_wait3A_198 = tpu.memref_slice %arg7[%dma_wait3A_196, %dma_wait3A_197] : memref<24x1024xi32, #tpu.memory_space<vmem>> -> memref<8x1024xi32, #tpu.memory_space<vmem>>
      %dma_wait3A_199 = arith.constant 0 : i32
      %dma_wait3A_200 = tpu.memref_slice %arg3[%add3A_55, %dma_wait3A_199] : memref<1024x1024xi32, #tpu.memory_space<hbm>> -> memref<8x1024xi32, #tpu.memory_space<hbm>>
      %dma_wait3A_201 = arith.constant 16 : i32
      %dma_wait3A_202 = arith.constant 0 : i32
      %dma_wait3A_203 = tpu.memref_slice %arg7[%dma_wait3A_201, %dma_wait3A_202] : memref<24x1024xi32, #tpu.memory_space<vmem>> -> memref<8x1024xi32, #tpu.memory_space<vmem>>
      %dma_wait3A_204 = arith.constant 0 : i32
      %dma_wait3A_205 = tpu.memref_slice %arg3[%add3A_55, %dma_wait3A_204] : memref<1024x1024xi32, #tpu.memory_space<hbm>> -> memref<8x1024xi32, #tpu.memory_space<hbm>>
      tpu.wait_dma2 semaphore(%arg13 : memref<!tpu.dma_semaphore, #tpu.memory_space<semaphore_mem>>) src(%dma_wait3A_205 : memref<8x1024xi32, #tpu.memory_space<hbm>>) dst(%dma_wait3A_203 : memref<8x1024xi32, #tpu.memory_space<vmem>>)
      %parallel_loop3A_206 = arith.constant 0 : i32
      %parallel_loop3A_207 = arith.constant 64 : i32
      %parallel_loop3A_208 = arith.constant 1 : i32
      scf.for %parallel_loop3A_272 = %parallel_loop3A_206 to %parallel_loop3A_207 step %parallel_loop3A_208  : i32 {
        %parallel_loop3A_273 = arith.constant 16 : i32
        %parallel_loop3A_274 = arith.muli %parallel_loop3A_272, %parallel_loop3A_273 : i32
        %parallel_loop3A_275 = arith.constant 16 : i32
        %parallel_loop3A_276 = arith.index_cast %parallel_loop3A_275 : i32 to index
        %parallel_loop3A_277 = arith.index_cast %parallel_loop3A_274 : i32 to index
        %parallel_loop3A_278 = tpu.vector_load %arg7[%parallel_loop3A_276, %parallel_loop3A_277] {strides = array<i32>} : memref<24x1024xi32, #tpu.memory_space<vmem>>, vector<16xi32>,
        %parallel_loop3A_279 = tpu.vector_load_idx %arg10[%parallel_loop3A_278] : memref<128xf32, #tpu.memory_space<vmem>>[vector<16xi32>], vector<16xf32>,
        %parallel_loop3A_280 = tpu.vector_load_idx %arg11[%parallel_loop3A_278] : memref<128xf32, #tpu.memory_space<vmem>>[vector<16xi32>], vector<16xf32>,
        %parallel_loop3A_281 = arith.constant 16 : i32
        %parallel_loop3A_282 = arith.index_cast %parallel_loop3A_281 : i32 to index
        %parallel_loop3A_283 = arith.index_cast %parallel_loop3A_274 : i32 to index
        %parallel_loop3A_284 = tpu.vector_load %arg8[%parallel_loop3A_282, %parallel_loop3A_283] {strides = array<i32>} : memref<24x1024xf32, #tpu.memory_space<vmem>>, vector<16xf32>,
        %parallel_loop3A_285 = arith.mulf %parallel_loop3A_279, %parallel_loop3A_284 : vector<16xf32>
        %parallel_loop3A_286 = arith.addf %parallel_loop3A_285, %parallel_loop3A_280 : vector<16xf32>
        %parallel_loop3A_287 = arith.constant 16 : i32
        %parallel_loop3A_288 = arith.index_cast %parallel_loop3A_287 : i32 to index
        %parallel_loop3A_289 = arith.index_cast %parallel_loop3A_274 : i32 to index
        %parallel_loop3A_290 = tpu.vector_load %arg9[%parallel_loop3A_288, %parallel_loop3A_289] {strides = array<i32>} : memref<24x1024xf32, #tpu.memory_space<vmem>>, vector<16xf32>,
        tpu.vector_store %arg9[%parallel_loop3A_288, %parallel_loop3A_289], %parallel_loop3A_286 {strides = array<i32>} : memref<24x1024xf32, #tpu.memory_space<vmem>>, vector<16xf32>,
      } {sc.loop_unroll_factor = 8 : i64, sc.parallel_access}
      %parallel_loop3A_209 = arith.constant 0 : i32
      %parallel_loop3A_210 = arith.constant 64 : i32
      %parallel_loop3A_211 = arith.constant 1 : i32
      scf.for %parallel_loop3A_272 = %parallel_loop3A_209 to %parallel_loop3A_210 step %parallel_loop3A_211  : i32 {
        %parallel_loop3A_273 = arith.constant 16 : i32
        %parallel_loop3A_274 = arith.muli %parallel_loop3A_272, %parallel_loop3A_273 : i32
        %parallel_loop3A_275 = arith.constant 17 : i32
        %parallel_loop3A_276 = arith.index_cast %parallel_loop3A_275 : i32 to index
        %parallel_loop3A_277 = arith.index_cast %parallel_loop3A_274 : i32 to index
        %parallel_loop3A_278 = tpu.vector_load %arg7[%parallel_loop3A_276, %parallel_loop3A_277] {strides = array<i32>} : memref<24x1024xi32, #tpu.memory_space<vmem>>, vector<16xi32>,
        %parallel_loop3A_279 = tpu.vector_load_idx %arg10[%parallel_loop3A_278] : memref<128xf32, #tpu.memory_space<vmem>>[vector<16xi32>], vector<16xf32>,
        %parallel_loop3A_280 = tpu.vector_load_idx %arg11[%parallel_loop3A_278] : memref<128xf32, #tpu.memory_space<vmem>>[vector<16xi32>], vector<16xf32>,
        %parallel_loop3A_281 = arith.constant 17 : i32
        %parallel_loop3A_282 = arith.index_cast %parallel_loop3A_281 : i32 to index
        %parallel_loop3A_283 = arith.index_cast %parallel_loop3A_274 : i32 to index
        %parallel_loop3A_284 = tpu.vector_load %arg8[%parallel_loop3A_282, %parallel_loop3A_283] {strides = array<i32>} : memref<24x1024xf32, #tpu.memory_space<vmem>>, vector<16xf32>,
        %parallel_loop3A_285 = arith.mulf %parallel_loop3A_279, %parallel_loop3A_284 : vector<16xf32>
        %parallel_loop3A_286 = arith.addf %parallel_loop3A_285, %parallel_loop3A_280 : vector<16xf32>
        %parallel_loop3A_287 = arith.constant 17 : i32
        %parallel_loop3A_288 = arith.index_cast %parallel_loop3A_287 : i32 to index
        %parallel_loop3A_289 = arith.index_cast %parallel_loop3A_274 : i32 to index
        %parallel_loop3A_290 = tpu.vector_load %arg9[%parallel_loop3A_288, %parallel_loop3A_289] {strides = array<i32>} : memref<24x1024xf32, #tpu.memory_space<vmem>>, vector<16xf32>,
        tpu.vector_store %arg9[%parallel_loop3A_288, %parallel_loop3A_289], %parallel_loop3A_286 {strides = array<i32>} : memref<24x1024xf32, #tpu.memory_space<vmem>>, vector<16xf32>,
      } {sc.loop_unroll_factor = 8 : i64, sc.parallel_access}
      %parallel_loop3A_212 = arith.constant 0 : i32
      %parallel_loop3A_213 = arith.constant 64 : i32
      %parallel_loop3A_214 = arith.constant 1 : i32
      scf.for %parallel_loop3A_272 = %parallel_loop3A_212 to %parallel_loop3A_213 step %parallel_loop3A_214  : i32 {
        %parallel_loop3A_273 = arith.constant 16 : i32
        %parallel_loop3A_274 = arith.muli %parallel_loop3A_272, %parallel_loop3A_273 : i32
        %parallel_loop3A_275 = arith.constant 18 : i32
        %parallel_loop3A_276 = arith.index_cast %parallel_loop3A_275 : i32 to index
        %parallel_loop3A_277 = arith.index_cast %parallel_loop3A_274 : i32 to index
        %parallel_loop3A_278 = tpu.vector_load %arg7[%parallel_loop3A_276, %parallel_loop3A_277] {strides = array<i32>} : memref<24x1024xi32, #tpu.memory_space<vmem>>, vector<16xi32>,
        %parallel_loop3A_279 = tpu.vector_load_idx %arg10[%parallel_loop3A_278] : memref<128xf32, #tpu.memory_space<vmem>>[vector<16xi32>], vector<16xf32>,
        %parallel_loop3A_280 = tpu.vector_load_idx %arg11[%parallel_loop3A_278] : memref<128xf32, #tpu.memory_space<vmem>>[vector<16xi32>], vector<16xf32>,
        %parallel_loop3A_281 = arith.constant 18 : i32
        %parallel_loop3A_282 = arith.index_cast %parallel_loop3A_281 : i32 to index
        %parallel_loop3A_283 = arith.index_cast %parallel_loop3A_274 : i32 to index
        %parallel_loop3A_284 = tpu.vector_load %arg8[%parallel_loop3A_282, %parallel_loop3A_283] {strides = array<i32>} : memref<24x1024xf32, #tpu.memory_space<vmem>>, vector<16xf32>,
        %parallel_loop3A_285 = arith.mulf %parallel_loop3A_279, %parallel_loop3A_284 : vector<16xf32>
        %parallel_loop3A_286 = arith.addf %parallel_loop3A_285, %parallel_loop3A_280 : vector<16xf32>
        %parallel_loop3A_287 = arith.constant 18 : i32
        %parallel_loop3A_288 = arith.index_cast %parallel_loop3A_287 : i32 to index
        %parallel_loop3A_289 = arith.index_cast %parallel_loop3A_274 : i32 to index
        %parallel_loop3A_290 = tpu.vector_load %arg9[%parallel_loop3A_288, %parallel_loop3A_289] {strides = array<i32>} : memref<24x1024xf32, #tpu.memory_space<vmem>>, vector<16xf32>,
        tpu.vector_store %arg9[%parallel_loop3A_288, %parallel_loop3A_289], %parallel_loop3A_286 {strides = array<i32>} : memref<24x1024xf32, #tpu.memory_space<vmem>>, vector<16xf32>,
      } {sc.loop_unroll_factor = 8 : i64, sc.parallel_access}
      %parallel_loop3A_215 = arith.constant 0 : i32
      %parallel_loop3A_216 = arith.constant 64 : i32
      %parallel_loop3A_217 = arith.constant 1 : i32
      scf.for %parallel_loop3A_272 = %parallel_loop3A_215 to %parallel_loop3A_216 step %parallel_loop3A_217  : i32 {
        %parallel_loop3A_273 = arith.constant 16 : i32
        %parallel_loop3A_274 = arith.muli %parallel_loop3A_272, %parallel_loop3A_273 : i32
        %parallel_loop3A_275 = arith.constant 19 : i32
        %parallel_loop3A_276 = arith.index_cast %parallel_loop3A_275 : i32 to index
        %parallel_loop3A_277 = arith.index_cast %parallel_loop3A_274 : i32 to index
        %parallel_loop3A_278 = tpu.vector_load %arg7[%parallel_loop3A_276, %parallel_loop3A_277] {strides = array<i32>} : memref<24x1024xi32, #tpu.memory_space<vmem>>, vector<16xi32>,
        %parallel_loop3A_279 = tpu.vector_load_idx %arg10[%parallel_loop3A_278] : memref<128xf32, #tpu.memory_space<vmem>>[vector<16xi32>], vector<16xf32>,
        %parallel_loop3A_280 = tpu.vector_load_idx %arg11[%parallel_loop3A_278] : memref<128xf32, #tpu.memory_space<vmem>>[vector<16xi32>], vector<16xf32>,
        %parallel_loop3A_281 = arith.constant 19 : i32
        %parallel_loop3A_282 = arith.index_cast %parallel_loop3A_281 : i32 to index
        %parallel_loop3A_283 = arith.index_cast %parallel_loop3A_274 : i32 to index
        %parallel_loop3A_284 = tpu.vector_load %arg8[%parallel_loop3A_282, %parallel_loop3A_283] {strides = array<i32>} : memref<24x1024xf32, #tpu.memory_space<vmem>>, vector<16xf32>,
        %parallel_loop3A_285 = arith.mulf %parallel_loop3A_279, %parallel_loop3A_284 : vector<16xf32>
        %parallel_loop3A_286 = arith.addf %parallel_loop3A_285, %parallel_loop3A_280 : vector<16xf32>
        %parallel_loop3A_287 = arith.constant 19 : i32
        %parallel_loop3A_288 = arith.index_cast %parallel_loop3A_287 : i32 to index
        %parallel_loop3A_289 = arith.index_cast %parallel_loop3A_274 : i32 to index
        %parallel_loop3A_290 = tpu.vector_load %arg9[%parallel_loop3A_288, %parallel_loop3A_289] {strides = array<i32>} : memref<24x1024xf32, #tpu.memory_space<vmem>>, vector<16xf32>,
        tpu.vector_store %arg9[%parallel_loop3A_288, %parallel_loop3A_289], %parallel_loop3A_286 {strides = array<i32>} : memref<24x1024xf32, #tpu.memory_space<vmem>>, vector<16xf32>,
      } {sc.loop_unroll_factor = 8 : i64, sc.parallel_access}
      %parallel_loop3A_218 = arith.constant 0 : i32
      %parallel_loop3A_219 = arith.constant 64 : i32
      %parallel_loop3A_220 = arith.constant 1 : i32
      scf.for %parallel_loop3A_272 = %parallel_loop3A_218 to %parallel_loop3A_219 step %parallel_loop3A_220  : i32 {
        %parallel_loop3A_273 = arith.constant 16 : i32
        %parallel_loop3A_274 = arith.muli %parallel_loop3A_272, %parallel_loop3A_273 : i32
        %parallel_loop3A_275 = arith.constant 20 : i32
        %parallel_loop3A_276 = arith.index_cast %parallel_loop3A_275 : i32 to index
        %parallel_loop3A_277 = arith.index_cast %parallel_loop3A_274 : i32 to index
        %parallel_loop3A_278 = tpu.vector_load %arg7[%parallel_loop3A_276, %parallel_loop3A_277] {strides = array<i32>} : memref<24x1024xi32, #tpu.memory_space<vmem>>, vector<16xi32>,
        %parallel_loop3A_279 = tpu.vector_load_idx %arg10[%parallel_loop3A_278] : memref<128xf32, #tpu.memory_space<vmem>>[vector<16xi32>], vector<16xf32>,
        %parallel_loop3A_280 = tpu.vector_load_idx %arg11[%parallel_loop3A_278] : memref<128xf32, #tpu.memory_space<vmem>>[vector<16xi32>], vector<16xf32>,
        %parallel_loop3A_281 = arith.constant 20 : i32
        %parallel_loop3A_282 = arith.index_cast %parallel_loop3A_281 : i32 to index
        %parallel_loop3A_283 = arith.index_cast %parallel_loop3A_274 : i32 to index
        %parallel_loop3A_284 = tpu.vector_load %arg8[%parallel_loop3A_282, %parallel_loop3A_283] {strides = array<i32>} : memref<24x1024xf32, #tpu.memory_space<vmem>>, vector<16xf32>,
        %parallel_loop3A_285 = arith.mulf %parallel_loop3A_279, %parallel_loop3A_284 : vector<16xf32>
        %parallel_loop3A_286 = arith.addf %parallel_loop3A_285, %parallel_loop3A_280 : vector<16xf32>
        %parallel_loop3A_287 = arith.constant 20 : i32
        %parallel_loop3A_288 = arith.index_cast %parallel_loop3A_287 : i32 to index
        %parallel_loop3A_289 = arith.index_cast %parallel_loop3A_274 : i32 to index
        %parallel_loop3A_290 = tpu.vector_load %arg9[%parallel_loop3A_288, %parallel_loop3A_289] {strides = array<i32>} : memref<24x1024xf32, #tpu.memory_space<vmem>>, vector<16xf32>,
        tpu.vector_store %arg9[%parallel_loop3A_288, %parallel_loop3A_289], %parallel_loop3A_286 {strides = array<i32>} : memref<24x1024xf32, #tpu.memory_space<vmem>>, vector<16xf32>,
      } {sc.loop_unroll_factor = 8 : i64, sc.parallel_access}
      %parallel_loop3A_221 = arith.constant 0 : i32
      %parallel_loop3A_222 = arith.constant 64 : i32
      %parallel_loop3A_223 = arith.constant 1 : i32
      scf.for %parallel_loop3A_272 = %parallel_loop3A_221 to %parallel_loop3A_222 step %parallel_loop3A_223  : i32 {
        %parallel_loop3A_273 = arith.constant 16 : i32
        %parallel_loop3A_274 = arith.muli %parallel_loop3A_272, %parallel_loop3A_273 : i32
        %parallel_loop3A_275 = arith.constant 21 : i32
        %parallel_loop3A_276 = arith.index_cast %parallel_loop3A_275 : i32 to index
        %parallel_loop3A_277 = arith.index_cast %parallel_loop3A_274 : i32 to index
        %parallel_loop3A_278 = tpu.vector_load %arg7[%parallel_loop3A_276, %parallel_loop3A_277] {strides = array<i32>} : memref<24x1024xi32, #tpu.memory_space<vmem>>, vector<16xi32>,
        %parallel_loop3A_279 = tpu.vector_load_idx %arg10[%parallel_loop3A_278] : memref<128xf32, #tpu.memory_space<vmem>>[vector<16xi32>], vector<16xf32>,
        %parallel_loop3A_280 = tpu.vector_load_idx %arg11[%parallel_loop3A_278] : memref<128xf32, #tpu.memory_space<vmem>>[vector<16xi32>], vector<16xf32>,
        %parallel_loop3A_281 = arith.constant 21 : i32
        %parallel_loop3A_282 = arith.index_cast %parallel_loop3A_281 : i32 to index
        %parallel_loop3A_283 = arith.index_cast %parallel_loop3A_274 : i32 to index
        %parallel_loop3A_284 = tpu.vector_load %arg8[%parallel_loop3A_282, %parallel_loop3A_283] {strides = array<i32>} : memref<24x1024xf32, #tpu.memory_space<vmem>>, vector<16xf32>,
        %parallel_loop3A_285 = arith.mulf %parallel_loop3A_279, %parallel_loop3A_284 : vector<16xf32>
        %parallel_loop3A_286 = arith.addf %parallel_loop3A_285, %parallel_loop3A_280 : vector<16xf32>
        %parallel_loop3A_287 = arith.constant 21 : i32
        %parallel_loop3A_288 = arith.index_cast %parallel_loop3A_287 : i32 to index
        %parallel_loop3A_289 = arith.index_cast %parallel_loop3A_274 : i32 to index
        %parallel_loop3A_290 = tpu.vector_load %arg9[%parallel_loop3A_288, %parallel_loop3A_289] {strides = array<i32>} : memref<24x1024xf32, #tpu.memory_space<vmem>>, vector<16xf32>,
        tpu.vector_store %arg9[%parallel_loop3A_288, %parallel_loop3A_289], %parallel_loop3A_286 {strides = array<i32>} : memref<24x1024xf32, #tpu.memory_space<vmem>>, vector<16xf32>,
      } {sc.loop_unroll_factor = 8 : i64, sc.parallel_access}
      %parallel_loop3A_224 = arith.constant 0 : i32
      %parallel_loop3A_225 = arith.constant 64 : i32
      %parallel_loop3A_226 = arith.constant 1 : i32
      scf.for %parallel_loop3A_272 = %parallel_loop3A_224 to %parallel_loop3A_225 step %parallel_loop3A_226  : i32 {
        %parallel_loop3A_273 = arith.constant 16 : i32
        %parallel_loop3A_274 = arith.muli %parallel_loop3A_272, %parallel_loop3A_273 : i32
        %parallel_loop3A_275 = arith.constant 22 : i32
        %parallel_loop3A_276 = arith.index_cast %parallel_loop3A_275 : i32 to index
        %parallel_loop3A_277 = arith.index_cast %parallel_loop3A_274 : i32 to index
        %parallel_loop3A_278 = tpu.vector_load %arg7[%parallel_loop3A_276, %parallel_loop3A_277] {strides = array<i32>} : memref<24x1024xi32, #tpu.memory_space<vmem>>, vector<16xi32>,
        %parallel_loop3A_279 = tpu.vector_load_idx %arg10[%parallel_loop3A_278] : memref<128xf32, #tpu.memory_space<vmem>>[vector<16xi32>], vector<16xf32>,
        %parallel_loop3A_280 = tpu.vector_load_idx %arg11[%parallel_loop3A_278] : memref<128xf32, #tpu.memory_space<vmem>>[vector<16xi32>], vector<16xf32>,
        %parallel_loop3A_281 = arith.constant 22 : i32
        %parallel_loop3A_282 = arith.index_cast %parallel_loop3A_281 : i32 to index
        %parallel_loop3A_283 = arith.index_cast %parallel_loop3A_274 : i32 to index
        %parallel_loop3A_284 = tpu.vector_load %arg8[%parallel_loop3A_282, %parallel_loop3A_283] {strides = array<i32>} : memref<24x1024xf32, #tpu.memory_space<vmem>>, vector<16xf32>,
        %parallel_loop3A_285 = arith.mulf %parallel_loop3A_279, %parallel_loop3A_284 : vector<16xf32>
        %parallel_loop3A_286 = arith.addf %parallel_loop3A_285, %parallel_loop3A_280 : vector<16xf32>
        %parallel_loop3A_287 = arith.constant 22 : i32
        %parallel_loop3A_288 = arith.index_cast %parallel_loop3A_287 : i32 to index
        %parallel_loop3A_289 = arith.index_cast %parallel_loop3A_274 : i32 to index
        %parallel_loop3A_290 = tpu.vector_load %arg9[%parallel_loop3A_288, %parallel_loop3A_289] {strides = array<i32>} : memref<24x1024xf32, #tpu.memory_space<vmem>>, vector<16xf32>,
        tpu.vector_store %arg9[%parallel_loop3A_288, %parallel_loop3A_289], %parallel_loop3A_286 {strides = array<i32>} : memref<24x1024xf32, #tpu.memory_space<vmem>>, vector<16xf32>,
      } {sc.loop_unroll_factor = 8 : i64, sc.parallel_access}
      %parallel_loop3A_227 = arith.constant 0 : i32
      %parallel_loop3A_228 = arith.constant 64 : i32
      %parallel_loop3A_229 = arith.constant 1 : i32
      scf.for %parallel_loop3A_272 = %parallel_loop3A_227 to %parallel_loop3A_228 step %parallel_loop3A_229  : i32 {
        %parallel_loop3A_273 = arith.constant 16 : i32
        %parallel_loop3A_274 = arith.muli %parallel_loop3A_272, %parallel_loop3A_273 : i32
        %parallel_loop3A_275 = arith.constant 23 : i32
        %parallel_loop3A_276 = arith.index_cast %parallel_loop3A_275 : i32 to index
        %parallel_loop3A_277 = arith.index_cast %parallel_loop3A_274 : i32 to index
        %parallel_loop3A_278 = tpu.vector_load %arg7[%parallel_loop3A_276, %parallel_loop3A_277] {strides = array<i32>} : memref<24x1024xi32, #tpu.memory_space<vmem>>, vector<16xi32>,
        %parallel_loop3A_279 = tpu.vector_load_idx %arg10[%parallel_loop3A_278] : memref<128xf32, #tpu.memory_space<vmem>>[vector<16xi32>], vector<16xf32>,
        %parallel_loop3A_280 = tpu.vector_load_idx %arg11[%parallel_loop3A_278] : memref<128xf32, #tpu.memory_space<vmem>>[vector<16xi32>], vector<16xf32>,
        %parallel_loop3A_281 = arith.constant 23 : i32
        %parallel_loop3A_282 = arith.index_cast %parallel_loop3A_281 : i32 to index
        %parallel_loop3A_283 = arith.index_cast %parallel_loop3A_274 : i32 to index
        %parallel_loop3A_284 = tpu.vector_load %arg8[%parallel_loop3A_282, %parallel_loop3A_283] {strides = array<i32>} : memref<24x1024xf32, #tpu.memory_space<vmem>>, vector<16xf32>,
        %parallel_loop3A_285 = arith.mulf %parallel_loop3A_279, %parallel_loop3A_284 : vector<16xf32>
        %parallel_loop3A_286 = arith.addf %parallel_loop3A_285, %parallel_loop3A_280 : vector<16xf32>
        %parallel_loop3A_287 = arith.constant 23 : i32
        %parallel_loop3A_288 = arith.index_cast %parallel_loop3A_287 : i32 to index
        %parallel_loop3A_289 = arith.index_cast %parallel_loop3A_274 : i32 to index
        %parallel_loop3A_290 = tpu.vector_load %arg9[%parallel_loop3A_288, %parallel_loop3A_289] {strides = array<i32>} : memref<24x1024xf32, #tpu.memory_space<vmem>>, vector<16xf32>,
        tpu.vector_store %arg9[%parallel_loop3A_288, %parallel_loop3A_289], %parallel_loop3A_286 {strides = array<i32>} : memref<24x1024xf32, #tpu.memory_space<vmem>>, vector<16xf32>,
      } {sc.loop_unroll_factor = 8 : i64, sc.parallel_access}
      %add3A_230 = arith.constant 16 : i32
      %add3A_231 = arith.addi %mul3A_4, %add3A_230 : i32
      %dma_start3A_232 = arith.constant 16 : i32
      %dma_start3A_233 = arith.constant 0 : i32
      %dma_start3A_234 = tpu.memref_slice %arg9[%dma_start3A_232, %dma_start3A_233] : memref<24x1024xf32, #tpu.memory_space<vmem>> -> memref<8x1024xf32, #tpu.memory_space<vmem>>
      %dma_start3A_235 = arith.constant 0 : i32
      %dma_start3A_236 = tpu.memref_slice %arg6[%add3A_231, %dma_start3A_235] : memref<768x1024xf32, #tpu.memory_space<hbm>> -> memref<8x1024xf32, #tpu.memory_space<hbm>>
      %dma_start3A_237 = arith.constant 0 : i32
      %dma_start3A_238 = tpu.memref_slice %arg6[%add3A_231, %dma_start3A_237] : memref<768x1024xf32, #tpu.memory_space<hbm>> -> memref<8x1024xf32, #tpu.memory_space<hbm>>
      %dma_start3A_239 = arith.constant 16 : i32
      %dma_start3A_240 = arith.constant 0 : i32
      %dma_start3A_241 = tpu.memref_slice %arg9[%dma_start3A_239, %dma_start3A_240] : memref<24x1024xf32, #tpu.memory_space<vmem>> -> memref<8x1024xf32, #tpu.memory_space<vmem>>
      tpu.enqueue_dma source(%dma_start3A_241 : memref<8x1024xf32, #tpu.memory_space<vmem>>) target(%dma_start3A_238 : memref<8x1024xf32, #tpu.memory_space<hbm>>) target_semaphore(%arg14 : memref<!tpu.dma_semaphore, #tpu.memory_space<semaphore_mem>>)
      %dma_wait3A_242 = arith.constant 0 : i32
      %dma_wait3A_243 = arith.constant 0 : i32
      %dma_wait3A_244 = tpu.memref_slice %arg9[%dma_wait3A_242, %dma_wait3A_243] : memref<24x1024xf32, #tpu.memory_space<vmem>> -> memref<8x1024xf32, #tpu.memory_space<vmem>>
      %dma_wait3A_245 = arith.constant 0 : i32
      %dma_wait3A_246 = tpu.memref_slice %arg6[%add3A_119, %dma_wait3A_245] : memref<768x1024xf32, #tpu.memory_space<hbm>> -> memref<8x1024xf32, #tpu.memory_space<hbm>>
      %dma_wait3A_247 = arith.constant 0 : i32
      %dma_wait3A_248 = tpu.memref_slice %arg6[%add3A_119, %dma_wait3A_247] : memref<768x1024xf32, #tpu.memory_space<hbm>> -> memref<8x1024xf32, #tpu.memory_space<hbm>>
      %dma_wait3A_249 = arith.constant 0 : i32
      %dma_wait3A_250 = arith.constant 0 : i32
      %dma_wait3A_251 = tpu.memref_slice %arg9[%dma_wait3A_249, %dma_wait3A_250] : memref<24x1024xf32, #tpu.memory_space<vmem>> -> memref<8x1024xf32, #tpu.memory_space<vmem>>
      tpu.wait_dma2 semaphore(%arg14 : memref<!tpu.dma_semaphore, #tpu.memory_space<semaphore_mem>>) src(%dma_wait3A_251 : memref<8x1024xf32, #tpu.memory_space<vmem>>) dst(%dma_wait3A_248 : memref<8x1024xf32, #tpu.memory_space<hbm>>)
      %dma_wait3A_252 = arith.constant 8 : i32
      %dma_wait3A_253 = arith.constant 0 : i32
      %dma_wait3A_254 = tpu.memref_slice %arg9[%dma_wait3A_252, %dma_wait3A_253] : memref<24x1024xf32, #tpu.memory_space<vmem>> -> memref<8x1024xf32, #tpu.memory_space<vmem>>
      %dma_wait3A_255 = arith.constant 0 : i32
      %dma_wait3A_256 = tpu.memref_slice %arg6[%add3A_175, %dma_wait3A_255] : memref<768x1024xf32, #tpu.memory_space<hbm>> -> memref<8x1024xf32, #tpu.memory_space<hbm>>
      %dma_wait3A_257 = arith.constant 0 : i32
      %dma_wait3A_258 = tpu.memref_slice %arg6[%add3A_175, %dma_wait3A_257] : memref<768x1024xf32, #tpu.memory_space<hbm>> -> memref<8x1024xf32, #tpu.memory_space<hbm>>
      %dma_wait3A_259 = arith.constant 8 : i32
      %dma_wait3A_260 = arith.constant 0 : i32
      %dma_wait3A_261 = tpu.memref_slice %arg9[%dma_wait3A_259, %dma_wait3A_260] : memref<24x1024xf32, #tpu.memory_space<vmem>> -> memref<8x1024xf32, #tpu.memory_space<vmem>>
      tpu.wait_dma2 semaphore(%arg14 : memref<!tpu.dma_semaphore, #tpu.memory_space<semaphore_mem>>) src(%dma_wait3A_261 : memref<8x1024xf32, #tpu.memory_space<vmem>>) dst(%dma_wait3A_258 : memref<8x1024xf32, #tpu.memory_space<hbm>>)
      %dma_wait3A_262 = arith.constant 16 : i32
      %dma_wait3A_263 = arith.constant 0 : i32
      %dma_wait3A_264 = tpu.memref_slice %arg9[%dma_wait3A_262, %dma_wait3A_263] : memref<24x1024xf32, #tpu.memory_space<vmem>> -> memref<8x1024xf32, #tpu.memory_space<vmem>>
      %dma_wait3A_265 = arith.constant 0 : i32
      %dma_wait3A_266 = tpu.memref_slice %arg6[%add3A_231, %dma_wait3A_265] : memref<768x1024xf32, #tpu.memory_space<hbm>> -> memref<8x1024xf32, #tpu.memory_space<hbm>>
      %dma_wait3A_267 = arith.constant 0 : i32
      %dma_wait3A_268 = tpu.memref_slice %arg6[%add3A_231, %dma_wait3A_267] : memref<768x1024xf32, #tpu.memory_space<hbm>> -> memref<8x1024xf32, #tpu.memory_space<hbm>>
      %dma_wait3A_269 = arith.constant 16 : i32
      %dma_wait3A_270 = arith.constant 0 : i32
      %dma_wait3A_271 = tpu.memref_slice %arg9[%dma_wait3A_269, %dma_wait3A_270] : memref<24x1024xf32, #tpu.memory_space<vmem>> -> memref<8x1024xf32, #tpu.memory_space<vmem>>
      tpu.wait_dma2 semaphore(%arg14 : memref<!tpu.dma_semaphore, #tpu.memory_space<semaphore_mem>>) src(%dma_wait3A_271 : memref<8x1024xf32, #tpu.memory_space<vmem>>) dst(%dma_wait3A_268 : memref<8x1024xf32, #tpu.memory_space<hbm>>)
    } else {
    }
    return
  }
}

#map = affine_map<(d0, d1) -> (0, 0)>
#map1 = affine_map<(d0, d1) -> (0)>
module attributes {stable_mosaic.version = 14 : i64} {
  func.func @sc_affine(%arg0: i32, %arg1: i32, %arg2: memref<1024x1024xf32, #tpu.memory_space<hbm>>, %arg3: memref<1024x1024xi32, #tpu.memory_space<hbm>>, %arg4: memref<128xf32, #tpu.memory_space<hbm>>, %arg5: memref<128xf32, #tpu.memory_space<hbm>>, %arg6: memref<256x1024xf32, #tpu.memory_space<hbm>>, %arg7: memref<8x1024xi32, #tpu.memory_space<vmem>>, %arg8: memref<8x1024xf32, #tpu.memory_space<vmem>>, %arg9: memref<8x1024xf32, #tpu.memory_space<vmem>>, %arg10: memref<128xf32, #tpu.memory_space<vmem>>, %arg11: memref<128xf32, #tpu.memory_space<vmem>>, %arg12: memref<!tpu.dma_semaphore, #tpu.memory_space<semaphore_mem>>, %arg13: memref<!tpu.dma_semaphore, #tpu.memory_space<semaphore_mem>>, %arg14: memref<!tpu.dma_semaphore, #tpu.memory_space<semaphore_mem>>) attributes {dimension_semantics = [#tpu.dimension_semantics<core_parallel>, #tpu.dimension_semantics<subcore_parallel>], iteration_bounds = array<i64: 2, 16>, scalar_prefetch = 0 : i64, scratch_operands = 8 : i64, tpu.core_type = #tpu.core_type<sc_vector_subcore>, window_params = [{transform_indices = #map}, {transform_indices = #map}, {transform_indices = #map1}, {transform_indices = #map1}, {transform_indices = #map}]} {
    %mul3A = arith.constant 2 : i32
    %mul3A_0 = arith.muli %arg1, %mul3A : i32
    %add3A = arith.addi %mul3A_0, %arg0 : i32
    %lt3A = arith.constant 32 : i32
    %lt3A_1 = arith.cmpi slt, %add3A, %lt3A : i32
    %convert_element_type3A = arith.extui %lt3A_1 : i1 to i32
    %cond3A = arith.constant 0 : i32
    %cond3A_2 = arith.cmpi ne, %convert_element_type3A, %cond3A : i32
    scf.if %cond3A_2 {
      %mul3A_3 = arith.constant 8 : i32
      %mul3A_4 = arith.muli %add3A, %mul3A_3 : i32
      %add3A_5 = arith.constant 0 : i32
      %add3A_6 = arith.addi %add3A_5, %mul3A_4 : i32
      %add3A_7 = arith.constant 0 : i32
      %add3A_8 = arith.addi %add3A_6, %add3A_7 : i32
      %dma_start3A = arith.constant 0 : i32
      %dma_start3A_9 = arith.constant 0 : i32
      %dma_start3A_10 = tpu.memref_slice %arg8[%dma_start3A, %dma_start3A_9] : memref<8x1024xf32, #tpu.memory_space<vmem>> -> memref<8x1024xf32, #tpu.memory_space<vmem>>
      %dma_start3A_11 = arith.constant 0 : i32
      %dma_start3A_12 = tpu.memref_slice %arg2[%add3A_8, %dma_start3A_11] : memref<1024x1024xf32, #tpu.memory_space<hbm>> -> memref<8x1024xf32, #tpu.memory_space<hbm>>
      %dma_start3A_13 = arith.constant 0 : i32
      %dma_start3A_14 = arith.constant 0 : i32
      %dma_start3A_15 = tpu.memref_slice %arg8[%dma_start3A_13, %dma_start3A_14] : memref<8x1024xf32, #tpu.memory_space<vmem>> -> memref<8x1024xf32, #tpu.memory_space<vmem>>
      %dma_start3A_16 = arith.constant 0 : i32
      %dma_start3A_17 = tpu.memref_slice %arg2[%add3A_8, %dma_start3A_16] : memref<1024x1024xf32, #tpu.memory_space<hbm>> -> memref<8x1024xf32, #tpu.memory_space<hbm>>
      tpu.enqueue_dma source(%dma_start3A_17 : memref<8x1024xf32, #tpu.memory_space<hbm>>) target(%dma_start3A_15 : memref<8x1024xf32, #tpu.memory_space<vmem>>) target_semaphore(%arg12 : memref<!tpu.dma_semaphore, #tpu.memory_space<semaphore_mem>>)
      %dma_start3A_18 = arith.constant 0 : i32
      %dma_start3A_19 = arith.constant 0 : i32
      %dma_start3A_20 = tpu.memref_slice %arg7[%dma_start3A_18, %dma_start3A_19] : memref<8x1024xi32, #tpu.memory_space<vmem>> -> memref<8x1024xi32, #tpu.memory_space<vmem>>
      %dma_start3A_21 = arith.constant 0 : i32
      %dma_start3A_22 = tpu.memref_slice %arg3[%add3A_8, %dma_start3A_21] : memref<1024x1024xi32, #tpu.memory_space<hbm>> -> memref<8x1024xi32, #tpu.memory_space<hbm>>
      %dma_start3A_23 = arith.constant 0 : i32
      %dma_start3A_24 = arith.constant 0 : i32
      %dma_start3A_25 = tpu.memref_slice %arg7[%dma_start3A_23, %dma_start3A_24] : memref<8x1024xi32, #tpu.memory_space<vmem>> -> memref<8x1024xi32, #tpu.memory_space<vmem>>
      %dma_start3A_26 = arith.constant 0 : i32
      %dma_start3A_27 = tpu.memref_slice %arg3[%add3A_8, %dma_start3A_26] : memref<1024x1024xi32, #tpu.memory_space<hbm>> -> memref<8x1024xi32, #tpu.memory_space<hbm>>
      tpu.enqueue_dma source(%dma_start3A_27 : memref<8x1024xi32, #tpu.memory_space<hbm>>) target(%dma_start3A_25 : memref<8x1024xi32, #tpu.memory_space<vmem>>) target_semaphore(%arg13 : memref<!tpu.dma_semaphore, #tpu.memory_space<semaphore_mem>>)
      "tpu.region"() ({
        %run_scoped3A = tpu.sem_alloc : memref<!tpu.dma_semaphore, #tpu.memory_space<semaphore_mem>>
        tpu.enqueue_dma source(%arg4 : memref<128xf32, #tpu.memory_space<hbm>>) target(%arg10 : memref<128xf32, #tpu.memory_space<vmem>>) target_semaphore(%run_scoped3A : memref<!tpu.dma_semaphore, #tpu.memory_space<semaphore_mem>>)
        tpu.wait_dma2 semaphore(%run_scoped3A : memref<!tpu.dma_semaphore, #tpu.memory_space<semaphore_mem>>) src(%arg4 : memref<128xf32, #tpu.memory_space<hbm>>) dst(%arg10 : memref<128xf32, #tpu.memory_space<vmem>>)
        tpu.yield
      }) : () -> ()
      "tpu.region"() ({
        %run_scoped3A = tpu.sem_alloc : memref<!tpu.dma_semaphore, #tpu.memory_space<semaphore_mem>>
        tpu.enqueue_dma source(%arg5 : memref<128xf32, #tpu.memory_space<hbm>>) target(%arg11 : memref<128xf32, #tpu.memory_space<vmem>>) target_semaphore(%run_scoped3A : memref<!tpu.dma_semaphore, #tpu.memory_space<semaphore_mem>>)
        tpu.wait_dma2 semaphore(%run_scoped3A : memref<!tpu.dma_semaphore, #tpu.memory_space<semaphore_mem>>) src(%arg5 : memref<128xf32, #tpu.memory_space<hbm>>) dst(%arg11 : memref<128xf32, #tpu.memory_space<vmem>>)
        tpu.yield
      }) : () -> ()
      %dma_wait3A = arith.constant 0 : i32
      %dma_wait3A_28 = arith.constant 0 : i32
      %dma_wait3A_29 = tpu.memref_slice %arg8[%dma_wait3A, %dma_wait3A_28] : memref<8x1024xf32, #tpu.memory_space<vmem>> -> memref<8x1024xf32, #tpu.memory_space<vmem>>
      %dma_wait3A_30 = arith.constant 0 : i32
      %dma_wait3A_31 = tpu.memref_slice %arg2[%add3A_8, %dma_wait3A_30] : memref<1024x1024xf32, #tpu.memory_space<hbm>> -> memref<8x1024xf32, #tpu.memory_space<hbm>>
      %dma_wait3A_32 = arith.constant 0 : i32
      %dma_wait3A_33 = arith.constant 0 : i32
      %dma_wait3A_34 = tpu.memref_slice %arg8[%dma_wait3A_32, %dma_wait3A_33] : memref<8x1024xf32, #tpu.memory_space<vmem>> -> memref<8x1024xf32, #tpu.memory_space<vmem>>
      %dma_wait3A_35 = arith.constant 0 : i32
      %dma_wait3A_36 = tpu.memref_slice %arg2[%add3A_8, %dma_wait3A_35] : memref<1024x1024xf32, #tpu.memory_space<hbm>> -> memref<8x1024xf32, #tpu.memory_space<hbm>>
      tpu.wait_dma2 semaphore(%arg12 : memref<!tpu.dma_semaphore, #tpu.memory_space<semaphore_mem>>) src(%dma_wait3A_36 : memref<8x1024xf32, #tpu.memory_space<hbm>>) dst(%dma_wait3A_34 : memref<8x1024xf32, #tpu.memory_space<vmem>>)
      %dma_wait3A_37 = arith.constant 0 : i32
      %dma_wait3A_38 = arith.constant 0 : i32
      %dma_wait3A_39 = tpu.memref_slice %arg7[%dma_wait3A_37, %dma_wait3A_38] : memref<8x1024xi32, #tpu.memory_space<vmem>> -> memref<8x1024xi32, #tpu.memory_space<vmem>>
      %dma_wait3A_40 = arith.constant 0 : i32
      %dma_wait3A_41 = tpu.memref_slice %arg3[%add3A_8, %dma_wait3A_40] : memref<1024x1024xi32, #tpu.memory_space<hbm>> -> memref<8x1024xi32, #tpu.memory_space<hbm>>
      %dma_wait3A_42 = arith.constant 0 : i32
      %dma_wait3A_43 = arith.constant 0 : i32
      %dma_wait3A_44 = tpu.memref_slice %arg7[%dma_wait3A_42, %dma_wait3A_43] : memref<8x1024xi32, #tpu.memory_space<vmem>> -> memref<8x1024xi32, #tpu.memory_space<vmem>>
      %dma_wait3A_45 = arith.constant 0 : i32
      %dma_wait3A_46 = tpu.memref_slice %arg3[%add3A_8, %dma_wait3A_45] : memref<1024x1024xi32, #tpu.memory_space<hbm>> -> memref<8x1024xi32, #tpu.memory_space<hbm>>
      tpu.wait_dma2 semaphore(%arg13 : memref<!tpu.dma_semaphore, #tpu.memory_space<semaphore_mem>>) src(%dma_wait3A_46 : memref<8x1024xi32, #tpu.memory_space<hbm>>) dst(%dma_wait3A_44 : memref<8x1024xi32, #tpu.memory_space<vmem>>)
      %parallel_loop3A = arith.constant 0 : i32
      %parallel_loop3A_47 = arith.constant 64 : i32
      %parallel_loop3A_48 = arith.constant 1 : i32
      scf.for %parallel_loop3A_92 = %parallel_loop3A to %parallel_loop3A_47 step %parallel_loop3A_48  : i32 {
        %parallel_loop3A_93 = arith.constant 16 : i32
        %parallel_loop3A_94 = arith.muli %parallel_loop3A_92, %parallel_loop3A_93 : i32
        %parallel_loop3A_95 = arith.constant 0 : i32
        %parallel_loop3A_96 = arith.index_cast %parallel_loop3A_95 : i32 to index
        %parallel_loop3A_97 = arith.index_cast %parallel_loop3A_94 : i32 to index
        %parallel_loop3A_98 = tpu.vector_load %arg7[%parallel_loop3A_96, %parallel_loop3A_97] {strides = array<i32>} : memref<8x1024xi32, #tpu.memory_space<vmem>>, vector<16xi32>,
        %parallel_loop3A_99 = tpu.vector_load_idx %arg10[%parallel_loop3A_98] : memref<128xf32, #tpu.memory_space<vmem>>[vector<16xi32>], vector<16xf32>,
        %parallel_loop3A_100 = tpu.vector_load_idx %arg11[%parallel_loop3A_98] : memref<128xf32, #tpu.memory_space<vmem>>[vector<16xi32>], vector<16xf32>,
        %parallel_loop3A_101 = arith.constant 0 : i32
        %parallel_loop3A_102 = arith.index_cast %parallel_loop3A_101 : i32 to index
        %parallel_loop3A_103 = arith.index_cast %parallel_loop3A_94 : i32 to index
        %parallel_loop3A_104 = tpu.vector_load %arg8[%parallel_loop3A_102, %parallel_loop3A_103] {strides = array<i32>} : memref<8x1024xf32, #tpu.memory_space<vmem>>, vector<16xf32>,
        %parallel_loop3A_105 = arith.mulf %parallel_loop3A_99, %parallel_loop3A_104 : vector<16xf32>
        %parallel_loop3A_106 = arith.addf %parallel_loop3A_105, %parallel_loop3A_100 : vector<16xf32>
        %parallel_loop3A_107 = arith.constant 0 : i32
        %parallel_loop3A_108 = arith.index_cast %parallel_loop3A_107 : i32 to index
        %parallel_loop3A_109 = arith.index_cast %parallel_loop3A_94 : i32 to index
        %parallel_loop3A_110 = tpu.vector_load %arg9[%parallel_loop3A_108, %parallel_loop3A_109] {strides = array<i32>} : memref<8x1024xf32, #tpu.memory_space<vmem>>, vector<16xf32>,
        tpu.vector_store %arg9[%parallel_loop3A_108, %parallel_loop3A_109], %parallel_loop3A_106 {strides = array<i32>} : memref<8x1024xf32, #tpu.memory_space<vmem>>, vector<16xf32>,
      } {sc.loop_unroll_factor = 8 : i64, sc.parallel_access}
      %parallel_loop3A_49 = arith.constant 0 : i32
      %parallel_loop3A_50 = arith.constant 64 : i32
      %parallel_loop3A_51 = arith.constant 1 : i32
      scf.for %parallel_loop3A_92 = %parallel_loop3A_49 to %parallel_loop3A_50 step %parallel_loop3A_51  : i32 {
        %parallel_loop3A_93 = arith.constant 16 : i32
        %parallel_loop3A_94 = arith.muli %parallel_loop3A_92, %parallel_loop3A_93 : i32
        %parallel_loop3A_95 = arith.constant 1 : i32
        %parallel_loop3A_96 = arith.index_cast %parallel_loop3A_95 : i32 to index
        %parallel_loop3A_97 = arith.index_cast %parallel_loop3A_94 : i32 to index
        %parallel_loop3A_98 = tpu.vector_load %arg7[%parallel_loop3A_96, %parallel_loop3A_97] {strides = array<i32>} : memref<8x1024xi32, #tpu.memory_space<vmem>>, vector<16xi32>,
        %parallel_loop3A_99 = tpu.vector_load_idx %arg10[%parallel_loop3A_98] : memref<128xf32, #tpu.memory_space<vmem>>[vector<16xi32>], vector<16xf32>,
        %parallel_loop3A_100 = tpu.vector_load_idx %arg11[%parallel_loop3A_98] : memref<128xf32, #tpu.memory_space<vmem>>[vector<16xi32>], vector<16xf32>,
        %parallel_loop3A_101 = arith.constant 1 : i32
        %parallel_loop3A_102 = arith.index_cast %parallel_loop3A_101 : i32 to index
        %parallel_loop3A_103 = arith.index_cast %parallel_loop3A_94 : i32 to index
        %parallel_loop3A_104 = tpu.vector_load %arg8[%parallel_loop3A_102, %parallel_loop3A_103] {strides = array<i32>} : memref<8x1024xf32, #tpu.memory_space<vmem>>, vector<16xf32>,
        %parallel_loop3A_105 = arith.mulf %parallel_loop3A_99, %parallel_loop3A_104 : vector<16xf32>
        %parallel_loop3A_106 = arith.addf %parallel_loop3A_105, %parallel_loop3A_100 : vector<16xf32>
        %parallel_loop3A_107 = arith.constant 1 : i32
        %parallel_loop3A_108 = arith.index_cast %parallel_loop3A_107 : i32 to index
        %parallel_loop3A_109 = arith.index_cast %parallel_loop3A_94 : i32 to index
        %parallel_loop3A_110 = tpu.vector_load %arg9[%parallel_loop3A_108, %parallel_loop3A_109] {strides = array<i32>} : memref<8x1024xf32, #tpu.memory_space<vmem>>, vector<16xf32>,
        tpu.vector_store %arg9[%parallel_loop3A_108, %parallel_loop3A_109], %parallel_loop3A_106 {strides = array<i32>} : memref<8x1024xf32, #tpu.memory_space<vmem>>, vector<16xf32>,
      } {sc.loop_unroll_factor = 8 : i64, sc.parallel_access}
      %parallel_loop3A_52 = arith.constant 0 : i32
      %parallel_loop3A_53 = arith.constant 64 : i32
      %parallel_loop3A_54 = arith.constant 1 : i32
      scf.for %parallel_loop3A_92 = %parallel_loop3A_52 to %parallel_loop3A_53 step %parallel_loop3A_54  : i32 {
        %parallel_loop3A_93 = arith.constant 16 : i32
        %parallel_loop3A_94 = arith.muli %parallel_loop3A_92, %parallel_loop3A_93 : i32
        %parallel_loop3A_95 = arith.constant 2 : i32
        %parallel_loop3A_96 = arith.index_cast %parallel_loop3A_95 : i32 to index
        %parallel_loop3A_97 = arith.index_cast %parallel_loop3A_94 : i32 to index
        %parallel_loop3A_98 = tpu.vector_load %arg7[%parallel_loop3A_96, %parallel_loop3A_97] {strides = array<i32>} : memref<8x1024xi32, #tpu.memory_space<vmem>>, vector<16xi32>,
        %parallel_loop3A_99 = tpu.vector_load_idx %arg10[%parallel_loop3A_98] : memref<128xf32, #tpu.memory_space<vmem>>[vector<16xi32>], vector<16xf32>,
        %parallel_loop3A_100 = tpu.vector_load_idx %arg11[%parallel_loop3A_98] : memref<128xf32, #tpu.memory_space<vmem>>[vector<16xi32>], vector<16xf32>,
        %parallel_loop3A_101 = arith.constant 2 : i32
        %parallel_loop3A_102 = arith.index_cast %parallel_loop3A_101 : i32 to index
        %parallel_loop3A_103 = arith.index_cast %parallel_loop3A_94 : i32 to index
        %parallel_loop3A_104 = tpu.vector_load %arg8[%parallel_loop3A_102, %parallel_loop3A_103] {strides = array<i32>} : memref<8x1024xf32, #tpu.memory_space<vmem>>, vector<16xf32>,
        %parallel_loop3A_105 = arith.mulf %parallel_loop3A_99, %parallel_loop3A_104 : vector<16xf32>
        %parallel_loop3A_106 = arith.addf %parallel_loop3A_105, %parallel_loop3A_100 : vector<16xf32>
        %parallel_loop3A_107 = arith.constant 2 : i32
        %parallel_loop3A_108 = arith.index_cast %parallel_loop3A_107 : i32 to index
        %parallel_loop3A_109 = arith.index_cast %parallel_loop3A_94 : i32 to index
        %parallel_loop3A_110 = tpu.vector_load %arg9[%parallel_loop3A_108, %parallel_loop3A_109] {strides = array<i32>} : memref<8x1024xf32, #tpu.memory_space<vmem>>, vector<16xf32>,
        tpu.vector_store %arg9[%parallel_loop3A_108, %parallel_loop3A_109], %parallel_loop3A_106 {strides = array<i32>} : memref<8x1024xf32, #tpu.memory_space<vmem>>, vector<16xf32>,
      } {sc.loop_unroll_factor = 8 : i64, sc.parallel_access}
      %parallel_loop3A_55 = arith.constant 0 : i32
      %parallel_loop3A_56 = arith.constant 64 : i32
      %parallel_loop3A_57 = arith.constant 1 : i32
      scf.for %parallel_loop3A_92 = %parallel_loop3A_55 to %parallel_loop3A_56 step %parallel_loop3A_57  : i32 {
        %parallel_loop3A_93 = arith.constant 16 : i32
        %parallel_loop3A_94 = arith.muli %parallel_loop3A_92, %parallel_loop3A_93 : i32
        %parallel_loop3A_95 = arith.constant 3 : i32
        %parallel_loop3A_96 = arith.index_cast %parallel_loop3A_95 : i32 to index
        %parallel_loop3A_97 = arith.index_cast %parallel_loop3A_94 : i32 to index
        %parallel_loop3A_98 = tpu.vector_load %arg7[%parallel_loop3A_96, %parallel_loop3A_97] {strides = array<i32>} : memref<8x1024xi32, #tpu.memory_space<vmem>>, vector<16xi32>,
        %parallel_loop3A_99 = tpu.vector_load_idx %arg10[%parallel_loop3A_98] : memref<128xf32, #tpu.memory_space<vmem>>[vector<16xi32>], vector<16xf32>,
        %parallel_loop3A_100 = tpu.vector_load_idx %arg11[%parallel_loop3A_98] : memref<128xf32, #tpu.memory_space<vmem>>[vector<16xi32>], vector<16xf32>,
        %parallel_loop3A_101 = arith.constant 3 : i32
        %parallel_loop3A_102 = arith.index_cast %parallel_loop3A_101 : i32 to index
        %parallel_loop3A_103 = arith.index_cast %parallel_loop3A_94 : i32 to index
        %parallel_loop3A_104 = tpu.vector_load %arg8[%parallel_loop3A_102, %parallel_loop3A_103] {strides = array<i32>} : memref<8x1024xf32, #tpu.memory_space<vmem>>, vector<16xf32>,
        %parallel_loop3A_105 = arith.mulf %parallel_loop3A_99, %parallel_loop3A_104 : vector<16xf32>
        %parallel_loop3A_106 = arith.addf %parallel_loop3A_105, %parallel_loop3A_100 : vector<16xf32>
        %parallel_loop3A_107 = arith.constant 3 : i32
        %parallel_loop3A_108 = arith.index_cast %parallel_loop3A_107 : i32 to index
        %parallel_loop3A_109 = arith.index_cast %parallel_loop3A_94 : i32 to index
        %parallel_loop3A_110 = tpu.vector_load %arg9[%parallel_loop3A_108, %parallel_loop3A_109] {strides = array<i32>} : memref<8x1024xf32, #tpu.memory_space<vmem>>, vector<16xf32>,
        tpu.vector_store %arg9[%parallel_loop3A_108, %parallel_loop3A_109], %parallel_loop3A_106 {strides = array<i32>} : memref<8x1024xf32, #tpu.memory_space<vmem>>, vector<16xf32>,
      } {sc.loop_unroll_factor = 8 : i64, sc.parallel_access}
      %parallel_loop3A_58 = arith.constant 0 : i32
      %parallel_loop3A_59 = arith.constant 64 : i32
      %parallel_loop3A_60 = arith.constant 1 : i32
      scf.for %parallel_loop3A_92 = %parallel_loop3A_58 to %parallel_loop3A_59 step %parallel_loop3A_60  : i32 {
        %parallel_loop3A_93 = arith.constant 16 : i32
        %parallel_loop3A_94 = arith.muli %parallel_loop3A_92, %parallel_loop3A_93 : i32
        %parallel_loop3A_95 = arith.constant 4 : i32
        %parallel_loop3A_96 = arith.index_cast %parallel_loop3A_95 : i32 to index
        %parallel_loop3A_97 = arith.index_cast %parallel_loop3A_94 : i32 to index
        %parallel_loop3A_98 = tpu.vector_load %arg7[%parallel_loop3A_96, %parallel_loop3A_97] {strides = array<i32>} : memref<8x1024xi32, #tpu.memory_space<vmem>>, vector<16xi32>,
        %parallel_loop3A_99 = tpu.vector_load_idx %arg10[%parallel_loop3A_98] : memref<128xf32, #tpu.memory_space<vmem>>[vector<16xi32>], vector<16xf32>,
        %parallel_loop3A_100 = tpu.vector_load_idx %arg11[%parallel_loop3A_98] : memref<128xf32, #tpu.memory_space<vmem>>[vector<16xi32>], vector<16xf32>,
        %parallel_loop3A_101 = arith.constant 4 : i32
        %parallel_loop3A_102 = arith.index_cast %parallel_loop3A_101 : i32 to index
        %parallel_loop3A_103 = arith.index_cast %parallel_loop3A_94 : i32 to index
        %parallel_loop3A_104 = tpu.vector_load %arg8[%parallel_loop3A_102, %parallel_loop3A_103] {strides = array<i32>} : memref<8x1024xf32, #tpu.memory_space<vmem>>, vector<16xf32>,
        %parallel_loop3A_105 = arith.mulf %parallel_loop3A_99, %parallel_loop3A_104 : vector<16xf32>
        %parallel_loop3A_106 = arith.addf %parallel_loop3A_105, %parallel_loop3A_100 : vector<16xf32>
        %parallel_loop3A_107 = arith.constant 4 : i32
        %parallel_loop3A_108 = arith.index_cast %parallel_loop3A_107 : i32 to index
        %parallel_loop3A_109 = arith.index_cast %parallel_loop3A_94 : i32 to index
        %parallel_loop3A_110 = tpu.vector_load %arg9[%parallel_loop3A_108, %parallel_loop3A_109] {strides = array<i32>} : memref<8x1024xf32, #tpu.memory_space<vmem>>, vector<16xf32>,
        tpu.vector_store %arg9[%parallel_loop3A_108, %parallel_loop3A_109], %parallel_loop3A_106 {strides = array<i32>} : memref<8x1024xf32, #tpu.memory_space<vmem>>, vector<16xf32>,
      } {sc.loop_unroll_factor = 8 : i64, sc.parallel_access}
      %parallel_loop3A_61 = arith.constant 0 : i32
      %parallel_loop3A_62 = arith.constant 64 : i32
      %parallel_loop3A_63 = arith.constant 1 : i32
      scf.for %parallel_loop3A_92 = %parallel_loop3A_61 to %parallel_loop3A_62 step %parallel_loop3A_63  : i32 {
        %parallel_loop3A_93 = arith.constant 16 : i32
        %parallel_loop3A_94 = arith.muli %parallel_loop3A_92, %parallel_loop3A_93 : i32
        %parallel_loop3A_95 = arith.constant 5 : i32
        %parallel_loop3A_96 = arith.index_cast %parallel_loop3A_95 : i32 to index
        %parallel_loop3A_97 = arith.index_cast %parallel_loop3A_94 : i32 to index
        %parallel_loop3A_98 = tpu.vector_load %arg7[%parallel_loop3A_96, %parallel_loop3A_97] {strides = array<i32>} : memref<8x1024xi32, #tpu.memory_space<vmem>>, vector<16xi32>,
        %parallel_loop3A_99 = tpu.vector_load_idx %arg10[%parallel_loop3A_98] : memref<128xf32, #tpu.memory_space<vmem>>[vector<16xi32>], vector<16xf32>,
        %parallel_loop3A_100 = tpu.vector_load_idx %arg11[%parallel_loop3A_98] : memref<128xf32, #tpu.memory_space<vmem>>[vector<16xi32>], vector<16xf32>,
        %parallel_loop3A_101 = arith.constant 5 : i32
        %parallel_loop3A_102 = arith.index_cast %parallel_loop3A_101 : i32 to index
        %parallel_loop3A_103 = arith.index_cast %parallel_loop3A_94 : i32 to index
        %parallel_loop3A_104 = tpu.vector_load %arg8[%parallel_loop3A_102, %parallel_loop3A_103] {strides = array<i32>} : memref<8x1024xf32, #tpu.memory_space<vmem>>, vector<16xf32>,
        %parallel_loop3A_105 = arith.mulf %parallel_loop3A_99, %parallel_loop3A_104 : vector<16xf32>
        %parallel_loop3A_106 = arith.addf %parallel_loop3A_105, %parallel_loop3A_100 : vector<16xf32>
        %parallel_loop3A_107 = arith.constant 5 : i32
        %parallel_loop3A_108 = arith.index_cast %parallel_loop3A_107 : i32 to index
        %parallel_loop3A_109 = arith.index_cast %parallel_loop3A_94 : i32 to index
        %parallel_loop3A_110 = tpu.vector_load %arg9[%parallel_loop3A_108, %parallel_loop3A_109] {strides = array<i32>} : memref<8x1024xf32, #tpu.memory_space<vmem>>, vector<16xf32>,
        tpu.vector_store %arg9[%parallel_loop3A_108, %parallel_loop3A_109], %parallel_loop3A_106 {strides = array<i32>} : memref<8x1024xf32, #tpu.memory_space<vmem>>, vector<16xf32>,
      } {sc.loop_unroll_factor = 8 : i64, sc.parallel_access}
      %parallel_loop3A_64 = arith.constant 0 : i32
      %parallel_loop3A_65 = arith.constant 64 : i32
      %parallel_loop3A_66 = arith.constant 1 : i32
      scf.for %parallel_loop3A_92 = %parallel_loop3A_64 to %parallel_loop3A_65 step %parallel_loop3A_66  : i32 {
        %parallel_loop3A_93 = arith.constant 16 : i32
        %parallel_loop3A_94 = arith.muli %parallel_loop3A_92, %parallel_loop3A_93 : i32
        %parallel_loop3A_95 = arith.constant 6 : i32
        %parallel_loop3A_96 = arith.index_cast %parallel_loop3A_95 : i32 to index
        %parallel_loop3A_97 = arith.index_cast %parallel_loop3A_94 : i32 to index
        %parallel_loop3A_98 = tpu.vector_load %arg7[%parallel_loop3A_96, %parallel_loop3A_97] {strides = array<i32>} : memref<8x1024xi32, #tpu.memory_space<vmem>>, vector<16xi32>,
        %parallel_loop3A_99 = tpu.vector_load_idx %arg10[%parallel_loop3A_98] : memref<128xf32, #tpu.memory_space<vmem>>[vector<16xi32>], vector<16xf32>,
        %parallel_loop3A_100 = tpu.vector_load_idx %arg11[%parallel_loop3A_98] : memref<128xf32, #tpu.memory_space<vmem>>[vector<16xi32>], vector<16xf32>,
        %parallel_loop3A_101 = arith.constant 6 : i32
        %parallel_loop3A_102 = arith.index_cast %parallel_loop3A_101 : i32 to index
        %parallel_loop3A_103 = arith.index_cast %parallel_loop3A_94 : i32 to index
        %parallel_loop3A_104 = tpu.vector_load %arg8[%parallel_loop3A_102, %parallel_loop3A_103] {strides = array<i32>} : memref<8x1024xf32, #tpu.memory_space<vmem>>, vector<16xf32>,
        %parallel_loop3A_105 = arith.mulf %parallel_loop3A_99, %parallel_loop3A_104 : vector<16xf32>
        %parallel_loop3A_106 = arith.addf %parallel_loop3A_105, %parallel_loop3A_100 : vector<16xf32>
        %parallel_loop3A_107 = arith.constant 6 : i32
        %parallel_loop3A_108 = arith.index_cast %parallel_loop3A_107 : i32 to index
        %parallel_loop3A_109 = arith.index_cast %parallel_loop3A_94 : i32 to index
        %parallel_loop3A_110 = tpu.vector_load %arg9[%parallel_loop3A_108, %parallel_loop3A_109] {strides = array<i32>} : memref<8x1024xf32, #tpu.memory_space<vmem>>, vector<16xf32>,
        tpu.vector_store %arg9[%parallel_loop3A_108, %parallel_loop3A_109], %parallel_loop3A_106 {strides = array<i32>} : memref<8x1024xf32, #tpu.memory_space<vmem>>, vector<16xf32>,
      } {sc.loop_unroll_factor = 8 : i64, sc.parallel_access}
      %parallel_loop3A_67 = arith.constant 0 : i32
      %parallel_loop3A_68 = arith.constant 64 : i32
      %parallel_loop3A_69 = arith.constant 1 : i32
      scf.for %parallel_loop3A_92 = %parallel_loop3A_67 to %parallel_loop3A_68 step %parallel_loop3A_69  : i32 {
        %parallel_loop3A_93 = arith.constant 16 : i32
        %parallel_loop3A_94 = arith.muli %parallel_loop3A_92, %parallel_loop3A_93 : i32
        %parallel_loop3A_95 = arith.constant 7 : i32
        %parallel_loop3A_96 = arith.index_cast %parallel_loop3A_95 : i32 to index
        %parallel_loop3A_97 = arith.index_cast %parallel_loop3A_94 : i32 to index
        %parallel_loop3A_98 = tpu.vector_load %arg7[%parallel_loop3A_96, %parallel_loop3A_97] {strides = array<i32>} : memref<8x1024xi32, #tpu.memory_space<vmem>>, vector<16xi32>,
        %parallel_loop3A_99 = tpu.vector_load_idx %arg10[%parallel_loop3A_98] : memref<128xf32, #tpu.memory_space<vmem>>[vector<16xi32>], vector<16xf32>,
        %parallel_loop3A_100 = tpu.vector_load_idx %arg11[%parallel_loop3A_98] : memref<128xf32, #tpu.memory_space<vmem>>[vector<16xi32>], vector<16xf32>,
        %parallel_loop3A_101 = arith.constant 7 : i32
        %parallel_loop3A_102 = arith.index_cast %parallel_loop3A_101 : i32 to index
        %parallel_loop3A_103 = arith.index_cast %parallel_loop3A_94 : i32 to index
        %parallel_loop3A_104 = tpu.vector_load %arg8[%parallel_loop3A_102, %parallel_loop3A_103] {strides = array<i32>} : memref<8x1024xf32, #tpu.memory_space<vmem>>, vector<16xf32>,
        %parallel_loop3A_105 = arith.mulf %parallel_loop3A_99, %parallel_loop3A_104 : vector<16xf32>
        %parallel_loop3A_106 = arith.addf %parallel_loop3A_105, %parallel_loop3A_100 : vector<16xf32>
        %parallel_loop3A_107 = arith.constant 7 : i32
        %parallel_loop3A_108 = arith.index_cast %parallel_loop3A_107 : i32 to index
        %parallel_loop3A_109 = arith.index_cast %parallel_loop3A_94 : i32 to index
        %parallel_loop3A_110 = tpu.vector_load %arg9[%parallel_loop3A_108, %parallel_loop3A_109] {strides = array<i32>} : memref<8x1024xf32, #tpu.memory_space<vmem>>, vector<16xf32>,
        tpu.vector_store %arg9[%parallel_loop3A_108, %parallel_loop3A_109], %parallel_loop3A_106 {strides = array<i32>} : memref<8x1024xf32, #tpu.memory_space<vmem>>, vector<16xf32>,
      } {sc.loop_unroll_factor = 8 : i64, sc.parallel_access}
      %add3A_70 = arith.constant 0 : i32
      %add3A_71 = arith.addi %mul3A_4, %add3A_70 : i32
      %dma_start3A_72 = arith.constant 0 : i32
      %dma_start3A_73 = arith.constant 0 : i32
      %dma_start3A_74 = tpu.memref_slice %arg9[%dma_start3A_72, %dma_start3A_73] : memref<8x1024xf32, #tpu.memory_space<vmem>> -> memref<8x1024xf32, #tpu.memory_space<vmem>>
      %dma_start3A_75 = arith.constant 0 : i32
      %dma_start3A_76 = tpu.memref_slice %arg6[%add3A_71, %dma_start3A_75] : memref<256x1024xf32, #tpu.memory_space<hbm>> -> memref<8x1024xf32, #tpu.memory_space<hbm>>
      %dma_start3A_77 = arith.constant 0 : i32
      %dma_start3A_78 = tpu.memref_slice %arg6[%add3A_71, %dma_start3A_77] : memref<256x1024xf32, #tpu.memory_space<hbm>> -> memref<8x1024xf32, #tpu.memory_space<hbm>>
      %dma_start3A_79 = arith.constant 0 : i32
      %dma_start3A_80 = arith.constant 0 : i32
      %dma_start3A_81 = tpu.memref_slice %arg9[%dma_start3A_79, %dma_start3A_80] : memref<8x1024xf32, #tpu.memory_space<vmem>> -> memref<8x1024xf32, #tpu.memory_space<vmem>>
      tpu.enqueue_dma source(%dma_start3A_81 : memref<8x1024xf32, #tpu.memory_space<vmem>>) target(%dma_start3A_78 : memref<8x1024xf32, #tpu.memory_space<hbm>>) target_semaphore(%arg14 : memref<!tpu.dma_semaphore, #tpu.memory_space<semaphore_mem>>)
      %dma_wait3A_82 = arith.constant 0 : i32
      %dma_wait3A_83 = arith.constant 0 : i32
      %dma_wait3A_84 = tpu.memref_slice %arg9[%dma_wait3A_82, %dma_wait3A_83] : memref<8x1024xf32, #tpu.memory_space<vmem>> -> memref<8x1024xf32, #tpu.memory_space<vmem>>
      %dma_wait3A_85 = arith.constant 0 : i32
      %dma_wait3A_86 = tpu.memref_slice %arg6[%add3A_71, %dma_wait3A_85] : memref<256x1024xf32, #tpu.memory_space<hbm>> -> memref<8x1024xf32, #tpu.memory_space<hbm>>
      %dma_wait3A_87 = arith.constant 0 : i32
      %dma_wait3A_88 = tpu.memref_slice %arg6[%add3A_71, %dma_wait3A_87] : memref<256x1024xf32, #tpu.memory_space<hbm>> -> memref<8x1024xf32, #tpu.memory_space<hbm>>
      %dma_wait3A_89 = arith.constant 0 : i32
      %dma_wait3A_90 = arith.constant 0 : i32
      %dma_wait3A_91 = tpu.memref_slice %arg9[%dma_wait3A_89, %dma_wait3A_90] : memref<8x1024xf32, #tpu.memory_space<vmem>> -> memref<8x1024xf32, #tpu.memory_space<vmem>>
      tpu.wait_dma2 semaphore(%arg14 : memref<!tpu.dma_semaphore, #tpu.memory_space<semaphore_mem>>) src(%dma_wait3A_91 : memref<8x1024xf32, #tpu.memory_space<vmem>>) dst(%dma_wait3A_88 : memref<8x1024xf32, #tpu.memory_space<hbm>>)
    } else {
    }
    return
  }
}

module attributes {stable_mosaic.version = 14 : i64} {
  func.func @_tc_body_first(%arg0: i32, %arg1: memref<32x1024xf32, #tpu.memory_space<vmem>>, %arg2: memref<1x128xf32, #tpu.memory_space<vmem>>, %arg3: memref<1x128xf32, #tpu.memory_space<vmem>>, %arg4: memref<32x1024x128xf32, #tpu.memory_space<vmem>>) attributes {dimension_semantics = [#tpu.dimension_semantics<arbitrary>], iteration_bounds = array<i64: 8>, scalar_prefetch = 0 : i64, scratch_operands = 0 : i64, tpu.core_type = #tpu.core_type<tc>, window_params = [{transform_indices = @transform_0, window_bounds = array<i64: 32, 1024>}, {pipeline_mode = #tpu.pipeline_mode<synchronous>, transform_indices = @transform_1, window_bounds = array<i64: 1, 128>}, {pipeline_mode = #tpu.pipeline_mode<synchronous>, transform_indices = @transform_2, window_bounds = array<i64: 1, 128>}, {transform_indices = @transform_3, window_bounds = array<i64: 32, 1024, 128>}]} {
    %get3A = arith.constant 0 : index
    %get3A_0 = arith.constant 0 : index
    %get3A_1 = vector.load %arg2[%get3A, %get3A_0] : memref<1x128xf32, #tpu.memory_space<vmem>>, vector<1x128xf32>
    %reshape3A = vector.shape_cast %get3A_1 : vector<1x128xf32> to vector<1x1x128xf32>
    %get3A_2 = arith.constant 0 : index
    %get3A_3 = arith.constant 0 : index
    %get3A_4 = vector.load %arg3[%get3A_2, %get3A_3] : memref<1x128xf32, #tpu.memory_space<vmem>>, vector<1x128xf32>
    %abs3A = math.absf %get3A_4 : vector<1x128xf32>
    %reshape3A_5 = vector.shape_cast %abs3A : vector<1x128xf32> to vector<1x1x128xf32>
    %add3A = arith.constant 0.00999999977 : f32
    %add3A_6 = vector.broadcast %add3A : f32 to vector<1x1x128xf32>
    %add3A_7 = arith.addf %reshape3A_5, %add3A_6 : vector<1x1x128xf32>
    %div3A = arith.constant 1.000000e+00 : f32
    %div3A_8 = vector.broadcast %div3A : f32 to vector<1x1x128xf32>
    %div3A_9 = arith.divf %div3A_8, %add3A_7 : vector<1x1x128xf32>
    %mul3A = arith.constant 0.398942292 : f32
    %mul3A_10 = vector.broadcast %mul3A : f32 to vector<1x1x128xf32>
    %mul3A_11 = arith.mulf %div3A_9, %mul3A_10 : vector<1x1x128xf32>
    %mul3A_12 = arith.mulf %div3A_9, %div3A_9 : vector<1x1x128xf32>
    %mul3A_13 = arith.constant -0.72134751 : f32
    %mul3A_14 = vector.broadcast %mul3A_13 : f32 to vector<1x1x128xf32>
    %mul3A_15 = arith.mulf %mul3A_12, %mul3A_14 : vector<1x1x128xf32>
    %get3A_16 = arith.constant 0 : index
    %get3A_17 = arith.constant 0 : index
    %get3A_18 = vector.load %arg1[%get3A_16, %get3A_17] : memref<32x1024xf32, #tpu.memory_space<vmem>>, vector<32x1024xf32>
    %broadcast_in_dim3A = vector.shape_cast %get3A_18 : vector<32x1024xf32> to vector<32x1024x1xf32>
    %sub3A = vector.broadcast %broadcast_in_dim3A : vector<32x1024x1xf32> to vector<32x1024x128xf32>
    %sub3A_19 = vector.broadcast %reshape3A : vector<1x1x128xf32> to vector<32x1024x128xf32>
    %sub3A_20 = arith.subf %sub3A, %sub3A_19 : vector<32x1024x128xf32>
    %mul3A_21 = arith.mulf %sub3A_20, %sub3A_20 : vector<32x1024x128xf32>
    %mul3A_22 = vector.broadcast %mul3A_15 : vector<1x1x128xf32> to vector<32x1024x128xf32>
    %mul3A_23 = arith.mulf %mul3A_21, %mul3A_22 : vector<32x1024x128xf32>
    %exp23A = math.exp2 %mul3A_23 : vector<32x1024x128xf32>
    %mul3A_24 = vector.broadcast %mul3A_11 : vector<1x1x128xf32> to vector<32x1024x128xf32>
    %mul3A_25 = arith.mulf %mul3A_24, %exp23A : vector<32x1024x128xf32>
    %swap3A = arith.constant 0 : index
    %swap3A_26 = arith.constant 0 : index
    %swap3A_27 = arith.constant 0 : index
    %swap3A_28 = vector.load %arg4[%swap3A, %swap3A_26, %swap3A_27] : memref<32x1024x128xf32, #tpu.memory_space<vmem>>, vector<32x1024x128xf32>
    tpu.vector_store %arg4[%swap3A, %swap3A_26, %swap3A_27], %mul3A_25 {strides = array<i32>} : memref<32x1024x128xf32, #tpu.memory_space<vmem>>, vector<32x1024x128xf32>,
    return
  }
  func.func @transform_0(%arg0: i32) -> (i32, i32) {
    %c0_i32 = arith.constant 0 : i32
    %c0_i32_0 = arith.constant 0 : i32
    return %arg0, %c0_i32 : i32, i32
  }
  func.func @transform_1(%arg0: i32) -> (i32, i32) {
    %c0_i32 = arith.constant 0 : i32
    %c0_i32_0 = arith.constant 0 : i32
    %c0_i32_1 = arith.constant 0 : i32
    return %c0_i32, %c0_i32_0 : i32, i32
  }
  func.func @transform_2(%arg0: i32) -> (i32, i32) {
    %c0_i32 = arith.constant 0 : i32
    %c0_i32_0 = arith.constant 0 : i32
    %c0_i32_1 = arith.constant 0 : i32
    return %c0_i32, %c0_i32_0 : i32, i32
  }
  func.func @transform_3(%arg0: i32) -> (i32, i32, i32) {
    %add3A = arith.constant 0 : i32
    %add3A_0 = arith.addi %arg0, %add3A : i32
    %c0_i32 = arith.constant 0 : i32
    %c0_i32_1 = arith.constant 0 : i32
    %c0_i32_2 = arith.constant 0 : i32
    return %add3A_0, %c0_i32, %c0_i32_1 : i32, i32, i32
  }
}

module attributes {stable_mosaic.version = 14 : i64} {
  func.func @_tc_body_chained(%arg0: i32, %arg1: memref<32x1024xf32, #tpu.memory_space<vmem>>, %arg2: memref<1x128xf32, #tpu.memory_space<vmem>>, %arg3: memref<1x128xf32, #tpu.memory_space<vmem>>, %arg4: memref<1024x1024x128xf32, #tpu.memory_space<any>>, %arg5: memref<32x1024x128xf32, #tpu.memory_space<vmem>>) attributes {dimension_semantics = [#tpu.dimension_semantics<arbitrary>], iteration_bounds = array<i64: 24>, scalar_prefetch = 0 : i64, scratch_operands = 0 : i64, tpu.core_type = #tpu.core_type<tc>, window_params = [{transform_indices = @transform_0, window_bounds = array<i64: 32, 1024>}, {pipeline_mode = #tpu.pipeline_mode<synchronous>, transform_indices = @transform_1, window_bounds = array<i64: 1, 128>}, {pipeline_mode = #tpu.pipeline_mode<synchronous>, transform_indices = @transform_2, window_bounds = array<i64: 1, 128>}, {}, {transform_indices = @transform_4, window_bounds = array<i64: 32, 1024, 128>}]} {
    %get3A = arith.constant 0 : index
    %get3A_0 = arith.constant 0 : index
    %get3A_1 = vector.load %arg2[%get3A, %get3A_0] : memref<1x128xf32, #tpu.memory_space<vmem>>, vector<1x128xf32>
    %reshape3A = vector.shape_cast %get3A_1 : vector<1x128xf32> to vector<1x1x128xf32>
    %get3A_2 = arith.constant 0 : index
    %get3A_3 = arith.constant 0 : index
    %get3A_4 = vector.load %arg3[%get3A_2, %get3A_3] : memref<1x128xf32, #tpu.memory_space<vmem>>, vector<1x128xf32>
    %abs3A = math.absf %get3A_4 : vector<1x128xf32>
    %reshape3A_5 = vector.shape_cast %abs3A : vector<1x128xf32> to vector<1x1x128xf32>
    %add3A = arith.constant 0.00999999977 : f32
    %add3A_6 = vector.broadcast %add3A : f32 to vector<1x1x128xf32>
    %add3A_7 = arith.addf %reshape3A_5, %add3A_6 : vector<1x1x128xf32>
    %div3A = arith.constant 1.000000e+00 : f32
    %div3A_8 = vector.broadcast %div3A : f32 to vector<1x1x128xf32>
    %div3A_9 = arith.divf %div3A_8, %add3A_7 : vector<1x1x128xf32>
    %mul3A = arith.constant 0.398942292 : f32
    %mul3A_10 = vector.broadcast %mul3A : f32 to vector<1x1x128xf32>
    %mul3A_11 = arith.mulf %div3A_9, %mul3A_10 : vector<1x1x128xf32>
    %mul3A_12 = arith.mulf %div3A_9, %div3A_9 : vector<1x1x128xf32>
    %mul3A_13 = arith.constant -0.72134751 : f32
    %mul3A_14 = vector.broadcast %mul3A_13 : f32 to vector<1x1x128xf32>
    %mul3A_15 = arith.mulf %mul3A_12, %mul3A_14 : vector<1x1x128xf32>
    %get3A_16 = arith.constant 0 : index
    %get3A_17 = arith.constant 0 : index
    %get3A_18 = vector.load %arg1[%get3A_16, %get3A_17] : memref<32x1024xf32, #tpu.memory_space<vmem>>, vector<32x1024xf32>
    %broadcast_in_dim3A = vector.shape_cast %get3A_18 : vector<32x1024xf32> to vector<32x1024x1xf32>
    %sub3A = vector.broadcast %broadcast_in_dim3A : vector<32x1024x1xf32> to vector<32x1024x128xf32>
    %sub3A_19 = vector.broadcast %reshape3A : vector<1x1x128xf32> to vector<32x1024x128xf32>
    %sub3A_20 = arith.subf %sub3A, %sub3A_19 : vector<32x1024x128xf32>
    %mul3A_21 = arith.mulf %sub3A_20, %sub3A_20 : vector<32x1024x128xf32>
    %mul3A_22 = vector.broadcast %mul3A_15 : vector<1x1x128xf32> to vector<32x1024x128xf32>
    %mul3A_23 = arith.mulf %mul3A_21, %mul3A_22 : vector<32x1024x128xf32>
    %exp23A = math.exp2 %mul3A_23 : vector<32x1024x128xf32>
    %mul3A_24 = vector.broadcast %mul3A_11 : vector<1x1x128xf32> to vector<32x1024x128xf32>
    %mul3A_25 = arith.mulf %mul3A_24, %exp23A : vector<32x1024x128xf32>
    %swap3A = arith.constant 0 : index
    %swap3A_26 = arith.constant 0 : index
    %swap3A_27 = arith.constant 0 : index
    %swap3A_28 = vector.load %arg5[%swap3A, %swap3A_26, %swap3A_27] : memref<32x1024x128xf32, #tpu.memory_space<vmem>>, vector<32x1024x128xf32>
    tpu.vector_store %arg5[%swap3A, %swap3A_26, %swap3A_27], %mul3A_25 {strides = array<i32>} : memref<32x1024x128xf32, #tpu.memory_space<vmem>>, vector<32x1024x128xf32>,
    return
  }
  func.func @transform_0(%arg0: i32) -> (i32, i32) {
    %c0_i32 = arith.constant 0 : i32
    %c0_i32_0 = arith.constant 0 : i32
    return %arg0, %c0_i32 : i32, i32
  }
  func.func @transform_1(%arg0: i32) -> (i32, i32) {
    %c0_i32 = arith.constant 0 : i32
    %c0_i32_0 = arith.constant 0 : i32
    %c0_i32_1 = arith.constant 0 : i32
    return %c0_i32, %c0_i32_0 : i32, i32
  }
  func.func @transform_2(%arg0: i32) -> (i32, i32) {
    %c0_i32 = arith.constant 0 : i32
    %c0_i32_0 = arith.constant 0 : i32
    %c0_i32_1 = arith.constant 0 : i32
    return %c0_i32, %c0_i32_0 : i32, i32
  }
  func.func @transform_4(%arg0: i32) -> (i32, i32, i32) {
    %add3A = arith.constant 8 : i32
    %add3A_0 = arith.addi %arg0, %add3A : i32
    %c0_i32 = arith.constant 0 : i32
    %c0_i32_1 = arith.constant 0 : i32
    %c0_i32_2 = arith.constant 0 : i32
    return %add3A_0, %c0_i32, %c0_i32_1 : i32, i32, i32
  }
}

</mosaic_0001>

<sc_bundles>
// kernel: kernel.6.cloned.1.call-start
scs
__scs_entry_jumppad:
0x0: {  	(pc) =	sbr.rel $0x88, $3  }
0x1: {  	(tag) =	ssettag $0x0;
	lr =	simm.s32 $0x1  }
0x2: {  	[smem:$0x3F9B] =	sst lr;
	_ =	strace $0xD0000000  }
0x3: {  	_ = 	snop  }
0x4: {  	_ = 	snop  }
0x5: {  	_ = 	snop  }
0x6: {  	_ = 	snop  }
0x7: {  	_ = 	snop  }
__scs_overlays_trampoline_lowered:
0x8: {  	[smem:$0x3FAA] =	sst s0  }
0x9: {  	[smem:$0x3FAB] =	sst s1  }
0xa: {  	[smem:$0x3FAC] =	sst s2  }
0xb: {  	[smem:$0x3FAD] =	sst s3  }
0xc: {  	[smem:$0x3FAE] =	sst s4  }
0xd: {  	[smem:$0x3FAF] =	sst s5  }
0xe: {  	[smem:$0x3FB0] =	sst s6  }
0xf: {  	[smem:$0x3FB1] =	sst s7  }
0x10: {  	[smem:$0x3FB2] =	sst s8  }
0x11: {  	[smem:$0x3FB3] =	sst s9;
	s0 =	simm.s32 @!p0 $0x0  }
0x12: {  	s1 =	sld [smem:$0x3F99];
	s0 =	simm.s32 @p0 $0x1  }
0x13: {  	[smem:$0x3FB4] =	sst s0;
	s0 =	simm.s32 @!p1 $0x0  }
0x14: {  	s2 =	sld [smem:$0x3F98];
	s0 =	simm.s32 @p1 $0x1  }
0x15: {  	[smem:$0x3FB5] =	sst s0;
	s0 =	simm.s32 @!p2 $0x0  }
0x16: {  	s3 =	sld [smem:$0x3FDB];
	s0 =	simm.s32 @p2 $0x1  }
0x17: {  	s4 =	simm.s32 $0x1BF5;
	[smem:$0x3FB7] =	sst s0  }
0x18: {  	s0 =	sld [smem:$0x3F9A];
	_ =	swait.ge [sflag:s4], $0x0  }
0x19: {  	s7 =	sld [smem:$0x3F9B]  }
0x1a: {  	s8 =	sadd.s32 $0xFFFFE003, lr  }
0x1b: {  	s9 =	sadd.s32 $0xFFFFFEF7, lr;
	s5 =	simm.s32 $0xFFFFFFFF;
	p2 =	slt.u32 s8, $0xFFFFF086  }
0x1c: {  	p1 =	slt.u32 s9, $0xF7A;
	s5 =	simm.s32 @!p2 $0x0  }
0x1d: {  	s5 =	simm.s32 @p1 $0x1;
	p0 =	seq.s32 s7, s2  }
0x1e: {  	s7 =	smul.u32 @!p0 $0xF7A, s2;
	p2 =	seq.s32 @!p0 s5, $0x0  }
0x1f: {  	s9 =	smul.u32 $0xF7A, s1;
	s8 =	simm.s32 @!p0 $0x1BF5;
	p2 =	por !p2, p0  }
0x20: {  	[sflag:s8] =	ssyncset.s32 @!p0 $0xFFFFF086;
	s6 =	sadd.s32 @!p0 s3, s7;
	s7 =	simm.s32 @!p0 $0x108  }
0x21: {  	s3 =	sadd.s32 s3, s9;
	s6 =	sadd.s32 @!p0 $0x88, s6;
	s7 =	simm.s32 @p2 $0x1082  }
0x22: {  	[simem:s7], [sflag:s8] =	dma.local @!p0 [hbm:s6], $0xF7A  }
0x23: {  	s9 =	sor.u32 $0xD0000000, s2;
	s6 =	simm.s32 $0x108;
	_ =	swait.ge @!p0 [sflag:s8], $0x0  }
0x24: {  	s3 =	sadd.s32 $0x88, s3;
	s6 =	simm.s32 @!p1 $0x1082;
	[sflag:s4] =	ssyncset.s32 $0xFFFFF086  }
0x25: {  	[simem:s6], [sflag:s4] =	dma.local [hbm:s3], $0xF7A  }
0x26: {  	[smem:$0x3F9B] =	sst s1;
	(tag) =	ssettag s2;
	_ =	strace s9  }
0x27: {  	s1 =	sld [smem:$0x3FAB]  }
0x28: {  	s2 =	sld [smem:$0x3FAC]  }
0x29: {  	s4 =	sld [smem:$0x3FAE]  }
0x2a: {  	p0 =	seq.s32 s5, $0x0;
	s5 =	sld [smem:$0x3FAF]  }
0x2b: {  	s6 =	sld [smem:$0x3FB0]  }
0x2c: {  	s7 =	sld [smem:$0x3FB1]  }
0x2d: {  	s3 =	simm.s32 $0x108;
	s8 =	sld [smem:$0x3FB2]  }
0x2e: {  	s3 =	simm.s32 @!p0 $0x1082;
	s9 =	sld [smem:$0x3FB3]  }
0x2f: {  	lr =	sadd.s32 s0, s3;
	s0 =	sld [smem:$0x3FAA]  }
0x30: {  	s3 =	sld [smem:$0x3FAD]  }
0x31: {  	[smem:$0x3FB6] =	sst s10  }
0x32: {  	s10 =	sld [smem:$0x3FB4];
	_ =	sdelay $0x3  }
0x33: {  	p0 =	seq.s32 s10, $0x1;
	s10 =	sld [smem:$0x3FB6];
	_ =	sdelay $0x3  }
0x34: {  	[smem:$0x3FB6] =	sst s10  }
0x35: {  	s10 =	sld [smem:$0x3FB5];
	_ =	sdelay $0x3  }
0x36: {  	p1 =	seq.s32 s10, $0x1;
	s10 =	sld [smem:$0x3FB6];
	_ =	sdelay $0x3  }
0x37: {  	[smem:$0x3FB6] =	sst s10  }
0x38: {  	s10 =	sld [smem:$0x3FB7]  }
0x39: {  	_ = 	snop;
	(pc) =	sbr.ind lr, $3  }
0x3a: {  	_ = 	snop  }
0x3b: {  	_ = 	snop  }
0x3c: {  	p2 =	seq.s32 s10, $0x1;
	s10 =	sld [smem:$0x3FB6]  }
0x3d: {  	_ =	shalt  }
0x3e: {  	_ =	shalt  }
0x3f: {  	_ =	shalt  }
0x40: {  	_ =	shalt  }
0x41: {  	_ =	shalt  }
0x42: {  	_ =	shalt  }
0x43: {  	_ =	shalt  }
0x44: {  	_ =	shalt  }
0x45: {  	_ =	shalt  }
0x46: {  	_ =	shalt  }
0x47: {  	_ =	shalt  }
0x48: {  	_ =	shalt  }
0x49: {  	_ =	shalt  }
0x4a: {  	_ =	shalt  }
0x4b: {  	_ =	shalt  }
0x4c: {  	_ =	shalt  }
0x4d: {  	_ =	shalt  }
0x4e: {  	_ =	shalt  }
0x4f: {  	_ =	shalt  }
0x50: {  	_ =	shalt  }
0x51: {  	_ =	shalt  }
0x52: {  	_ =	shalt  }
0x53: {  	_ =	shalt  }
0x54: {  	_ =	shalt  }
0x55: {  	_ =	shalt  }
0x56: {  	_ =	shalt  }
0x57: {  	_ =	shalt  }
0x58: {  	_ =	shalt  }
0x59: {  	_ =	shalt  }
0x5a: {  	_ =	shalt  }
0x5b: {  	_ =	shalt  }
0x5c: {  	_ =	shalt  }
0x5d: {  	_ =	shalt  }
0x5e: {  	_ =	shalt  }
0x5f: {  	_ =	shalt  }
0x60: {  	_ =	shalt  }
0x61: {  	_ =	shalt  }
0x62: {  	_ =	shalt  }
0x63: {  	_ =	shalt  }
0x64: {  	_ =	shalt  }
0x65: {  	_ =	shalt  }
0x66: {  	_ =	shalt  }
0x67: {  	_ =	shalt  }
0x68: {  	_ =	shalt  }
0x69: {  	_ =	shalt  }
0x6a: {  	_ =	shalt  }
0x6b: {  	_ =	shalt  }
0x6c: {  	_ =	shalt  }
0x6d: {  	_ =	shalt  }
0x6e: {  	_ =	shalt  }
0x6f: {  	_ =	shalt  }
0x70: {  	_ =	shalt  }
0x71: {  	_ =	shalt  }
0x72: {  	_ =	shalt  }
0x73: {  	_ =	shalt  }
0x74: {  	_ =	shalt  }
0x75: {  	_ =	shalt  }
0x76: {  	_ =	shalt  }
0x77: {  	_ =	shalt  }
0x78: {  	_ =	shalt  }
0x79: {  	_ =	shalt  }
0x7a: {  	_ =	shalt  }
0x7b: {  	_ =	shalt  }
0x7c: {  	_ =	shalt  }
0x7d: {  	_ =	shalt  }
0x7e: {  	_ =	shalt  }
0x7f: {  	_ =	shalt  }
0x80: {  	_ =	shalt  }
0x81: {  	_ =	shalt  }
0x82: {  	_ =	shalt  }
0x83: {  	_ =	shalt  }
0x84: {  	_ =	shalt  }
0x85: {  	_ =	shalt  }
0x86: {  	_ =	shalt  }
0x87: {  	_ =	shalt  }
.Lfunc_end0:
.L_simem_size_0:
called_computation_lowered:
.L_overlay_start_0:
0x88: {  	s2 =	sld [smem:$0x3FD9]  }
0x89: {  	s3 =	sld [smem:$0x3FFE];
	_ =	sdelay $0x1  }
0x8a: {  	s1 =	srdreg.scid  }
0x8b: {  	s0 =	sand.u32 $0x1, s1  }
0x8c: {  	s17 =	sshll.u32 s0, $0xA;
	s2 =	sadd.s32 s3, s2  }
0x8d: {  	s2 =	sadd.s32 s2, s17  }
0x8e: {  	[smem:$0x3FC2] =	sst s2  }
0x8f: {  	_ = 	snop  }
0x90: {  	s2 =	sld [smem:$0x3FC9]  }
0x91: {  	s18 =	sld [smem:$0x3FC8]  }
0x92: {  	s4 =	sld [smem:$0x3FD0];
	(tm) =	ssettm $0x1  }
0x93: {  	s5 =	sld [smem:$0x3FFB];
	_ =	sdelay $0x3  }
0x94: {  	_ =	strace s5  }
0x95: {  	s5 =	sld [smem:$0x3FFC];
	_ =	sdelay $0x3  }
0x96: {  	_ =	strace s5  }
0x97: {  	s5 =	sld [smem:$0x3FFD];
	_ =	sdelay $0x3  }
0x98: {  	_ =	strace s5  }
0x99: {  	_ =	strace $0x8FFFFFFF  }
0x9a: {  	s19 =	sld [smem:$0x3FDB];
	_ =	sdelay $0x1  }
0x9b: {  	s6 =	simm.s32 $_scs_section_size  }
0x9c: {  	s7 =	simm.s32 $_size__tile_overlayer_lowered;
	s8 =	simm.s32 $_tile_overlayer_lowered  }
0x9d: {  	s22 =	simm.s32 $0x1BFF;
	s21 =	sshll.u32 s8, $0x1;
	s5 =	sadd.s32 s6, s19  }
0x9e: {  	s9 =	simm.s32 $0x0;
	s20 =	sshll.u32 s7, $0x1;
	s7 =	sadd.s32 s21, s5  }
0x9f: {  	[timem:s9], [sflag:s22] =	dma.local [hbm:s7], s20  }
0xa0: {  	_ =	swait.ge [sflag:s22], s20  }
0xa1: {  	s6 =	ssub.s32 $0x0, s20;
	[sflag:s22] =	ssyncset.done $0x0  }
0xa2: {  	[sflag:s22] =	ssyncadd.s32 s6;
	_ =	sdelay $0x1  }
0xa3: {  	s23 =	simm.s32 $0x1B8B  }
0xa4: {  	_ =	swait.ge [sflag:s23], $0x1  }
0xa5: {  	[sflag:s23] =	ssyncset.done $0x0  }
0xa6: {  	s25 =	simm.s32 $0x1B8E;
	s24 =	sld [smem:$0x3FFE];
	[sflag:s23] =	ssyncadd.s32 $0xFFFFFFFF  }
0xa7: {  	s26 =	simm.s32 $execute0_lowered;
	[smem:$0x3FD2] =	sst s25  }
0xa8: {  	s7 =	sshll.u32 s26, $0x1;
	_ =	strace $0x80000046;
	[dreg:$0x1] =	wrdreg $0xFFFFFFFF  }
0xa9: {  	s28 =	simm.s32 $_size_execute0_lowered;
	s5 =	sadd.s32 s5, s7;
	[dreg:$0x0] =	wrdreg $0x0  }
0xaa: {  	s7 =	sshll.u32 s28, $0x1;
	[dreg:$0x2] =	wrdreg s5  }
0xab: {  	[dreg:$0x3] =	wrdreg s7  }
0xac: {  	[dreg:$0x4] =	wrdreg $0xC0  }
0xad: {  	_ =	task [dreg:s9], $0x5FFFF  }
0xae: {  	[dreg:$0x1] =	wrdreg $0xFFFFFFFF  }
0xaf: {  	[dreg:$0x0] =	wrdreg $0x60  }
0xb0: {  	[dreg:$0x2] =	wrdreg s2  }
0xb1: {  	[dreg:$0x3] =	wrdreg s18  }
0xb2: {  	[dreg:$0x4] =	wrdreg s24  }
0xb3: {  	[dreg:$0x5] =	wrdreg s4  }
0xb4: {  	[dreg:$0x6] =	wrdreg $0x9  }
0xb5: {  	_ =	task.clear_ibuf [dreg:s9], $0x7FFFF;
	_ =	strace $0x90000046  }
0xb6: {  	s29 =	simm.s32 $0x9;
	_ =	strace $0x80000048  }
0xb7: {  	_ =	swait.ge [sflag:s29], $0x1  }
0xb8: {  	[sflag:s29] =	ssyncadd.s32 $0xFFFFFFFF  }
0xb9: {  	_ =	strace $0x90000048  }
0xba: {  	_ =	sfence  }
0xbb: {  	s30 =	sld [smem:$0x0];
	_ =	sdelay $0x2  }
0xbc: {  	s31 =	sshll.u32 s1, $0xD;
	s1 =	sshrl.u32 s1, $0x2  }
0xbd: {  	s3 =	sand.u32 $0x4000, s31;
	s1 =	sadd.s32 s1, s30  }
0xbe: {  	s0 =	sor.u32 s3, s0;
	s1 =	sshll.u32 s1, $0x11  }
0xbf: {  	s0 =	sor.u32 s1, s0  }
0xc0: {  	s0 =	sadd.s32 $0x8F2B, s0  }
0xc1: {  	[sflag:s0] =	ssyncadd.remote.s32 $0x1  }
0xc2: {  	_ =	sfence.sel $0xFFFF  }
0xc3: {  	[dreg:$0x0] =	wrdreg $0xFFFFFFFF;
	(pc) =	sbr.abs _section_cstart, $3  }
0xc4: {  	[dreg:$0x1] =	wrdreg $0xFFFFFFFF  }
0xc5: {  	_ =	task.clear_ibuf [dreg:s9], $0x2FFFF;
	_ =	strace $0x9FFFFFFF  }
0xc6: {  	(tm) =	ssettm $0x7FFFFFFF  }
0xc7: {  	_ =	shalt  }
tec
execute0_lowered:
.L_overlay_start_1:
0x0: {  	(tag) =	ssettag $0x1  }
0x1: {  	s5 =	rddreg [dreg:$0x0]  }
0x2: {  	s6 =	rddreg [dreg:$0x1]  }
0x3: {  	s4 =	rddreg [dreg:$0x2]  }
0x4: {  	s7 =	rddreg [dreg:$0x3]  }
0x5: {  	s0 =	rddreg [dreg:$0x4]  }
0x6: {  	s2 =	simm.s32 $0x0;
	s3 =	srdreg.scid;
	s1 =	stileid.u32  }
0x7: {  	s12 =	simm.s32 $0x6080;
	s13 =	simm.s32 $0x1;
	s14 =	simm.s32 $0x2  }
0x8: {  	s15 =	simm.s32 $0x4000;
	s16 =	simm.s32 $0x3;
	s17 =	simm.s32 $0x0  }
0x9: {  	[smem:$0x7FF] =	sst s2;
	s3 =	sand.u32 $0x1, s3;
	s9 =	sshll.u32 s1, $0xB  }
0xa: {  	_ =	strace $0x80000047;
	s8 =	ssub.s32 $0x2, s3;
	s10 =	sshll.u32 s3, $0xA  }
0xb: {  	s3 =	sadd.s32 $0x1000, s4;
	s4 =	sadd.s32 $0x1200, s4;
	s11 =	sshrl.u32 s8, $0x1  }
0xc: {  	s9 =	sor.u32 s10, s9;
	s10 =	simm.s32 $0x6000;
	s8 =	ssub.s32 s8, s11  }
0xd: {  	s5 =	sadd.s32 s5, s9;
	s6 =	sadd.s32 s6, s9;
	s7 =	sadd.s32 s7, s9  }
0xe: {  	s9 =	simm.s32 $0x2000;
	s11 =	simm.s32 $0x4;
	s8 =	smax.u32 s8, $0x1  }
.LBB2_1:
0xf: {  	[tilespmem:s9], [sflag:$0x1] =	stream.linear.gather [hbm4b:s5+s2], $0x2000, $0x38;
	[tilespmem:$0x6100] =	vst v63  }
0x10: {  	_ = 	snop  }
0x11: {  	[tilespmem:s2], [sflag:$0x2] =	stream.linear.gather [hbm4b:s6+s2], $0x2000, $0x38;
	[tilespmem:$0x6100] =	vst v63  }
0x12: {  	_ = 	snop  }
0x13: {  	[tilespmem:s10], [sflag:$0x4] =	stream.linear.gather [hbm4b:s3+s2], $0x80, $0x38;
	[tilespmem:$0x6100] =	vst v63  }
0x14: {  	_ =	swait.ge [sflag:s11], $0x80  }
0x15: {  	[sflag:s11] =	ssyncset.done $0x0  }
0x16: {  	[sflag:s11] =	ssyncadd.s32 $0xFFFFFF80  }
0x17: {  	[tilespmem:s12], [sflag:$0x4] =	stream.linear.gather [hbm4b:s4+s2], $0x80, $0x38;
	[tilespmem:$0x6100] =	vst v63  }
0x18: {  	_ =	swait.ge [sflag:s11], $0x80  }
0x19: {  	[sflag:s11] =	ssyncset.done $0x0  }
0x1a: {  	[sflag:s11] =	ssyncadd.s32 $0xFFFFFF80  }
0x1b: {  	_ =	swait.ge [sflag:s13], $0x2000  }
0x1c: {  	[sflag:s13] =	ssyncset.done $0x0  }
0x1d: {  	[sflag:s13] =	ssyncadd.s32 $0xFFFFE000  }
0x1e: {  	_ =	swait.ge [sflag:s14], $0x2000  }
0x1f: {  	[sflag:s14] =	ssyncset.done $0x0  }
0x20: {  	s18 =	simm.s32 $0x40;
	[sflag:s14] =	ssyncadd.s32 $0xFFFFE000  }
0x21: {  	v0 =	vld [tilespmem:s18+$0x30]  }
0x22: {  	v1 =	vld [tilespmem:s18+$0xFFFFFFD0]  }
0x23: {  	v2 =	vld [tilespmem:s18+$0xFFFFFFE0]  }
0x24: {  	v3 =	vld [tilespmem:s18+$0xFFFFFFF0]  }
0x25: {  	v4 =	vld [tilespmem:s18+$0x0]  }
0x26: {  	v7 =	vld [tilespmem:s18+$0x10]  }
0x27: {  	v11 =	vld [tilespmem:s18+$0x20]  }
0x28: {  	s19 =	simm.s32 $0x2040;
	v5 =	vld [tilespmem:s18+$0xFFFFFFC0]  }
0x29: {  	v8 =	vld [tilespmem:s19+$0x30]  }
0x2a: {  	v18 =	vld [tilespmem:s19+$0xFFFFFFC0]  }
0x2b: {  	v19 =	vld [tilespmem:s19+$0xFFFFFFD0]  }
0x2c: {  	v20 =	vld [tilespmem:s19+$0xFFFFFFE0]  }
0x2d: {  	v21 =	vld [tilespmem:s19+$0xFFFFFFF0]  }
0x2e: {  	v22 =	vld [tilespmem:s19+$0x0]  }
0x2f: {  	v23 =	vld [tilespmem:s19+$0x10]  }
0x30: {  	v24 =	vld [tilespmem:s19+$0x20]  }
0x31: {  	v6 =	vld.idx.msk [tilespmem:v0+s10+$0x0], $0xffff  }
0x32: {  	v9 =	vld.idx.msk [tilespmem:v0+s12+$0x0], $0xffff  }
0x33: {  	v10 =	vld.idx.msk [tilespmem:v1+s10+$0x0], $0xffff  }
0x34: {  	v12 =	vld.idx.msk [tilespmem:v2+s10+$0x0], $0xffff  }
0x35: {  	v13 =	vld.idx.msk [tilespmem:v3+s10+$0x0], $0xffff  }
0x36: {  	v14 =	vld.idx.msk [tilespmem:v4+s10+$0x0], $0xffff  }
0x37: {  	v15 =	vld.idx.msk [tilespmem:v5+s10+$0x0], $0xffff  }
0x38: {  	v16 =	vld.idx.msk [tilespmem:v7+s10+$0x0], $0xffff  }
0x39: {  	v17 =	vld.idx.msk [tilespmem:v11+s10+$0x0], $0xffff  }
0x3a: {  	v25 =	vld.idx.msk [tilespmem:v5+s12+$0x0], $0xffff  }
0x3b: {  	v0 =	vld.idx.msk [tilespmem:v2+s12+$0x0], $0xffff  }
0x3c: {  	v2 =	vld.idx.msk [tilespmem:v3+s12+$0x0], $0xffff  }
0x3d: {  	v5 =	vmul.f32 v8, v6;
	v8 =	vld.idx.msk [tilespmem:v1+s12+$0x0], $0xffff  }
0x3e: {  	v4 =	vld.idx.msk [tilespmem:v4+s12+$0x0], $0xffff;
	v15 =	vmul.f32 v18, v15  }
0x3f: {  	v11 =	vld.idx.msk [tilespmem:v11+s12+$0x0], $0xffff;
	v6 =	vmul.f32 v19, v10;
	v1 =	vmul.f32 v20, v12;
	v5 =	vadd.f32 v5, v9  }
0x40: {  	s21 =	simm.s32 $0x4040;
	s23 =	simm.s32 $0x0;
	s20 =	simm.s32 $0x20F0;
	v10 =	vld.idx.msk [tilespmem:v7+s12+$0x0], $0xffff;
	v7 =	vmul.f32 v23, v16;
	v3 =	vmul.f32 v24, v17  }
0x41: {  	s22 =	simm.s32 $0xF0;
	s24 =	simm.s32 $0x440;
	s18 =	simm.s32 $0x40F0;
	v9 =	vmul.f32 v21, v13;
	v12 =	vadd.f32 v15, v25;
	[tilespmem:s21+$0x30] =	vst v5;
	v5 =	vmul.f32 v22, v14  }
.LBB2_2:
0x42: {  	v13 =	vld [tilespmem:s24+$0x30];
	s23 =	sadd.s32 $0x8, s23;
	v6 =	vadd.f32 v6, v8  }
0x43: {  	v0 =	vadd.f32 v1, v0;
	v8 =	vld [tilespmem:s24+$0xFFFFFFD0];
	p0 =	slt.u32 s23, $0x38;
	[tilespmem:s21+$0xFFFFFFC0] =	vst v12  }
0x44: {  	v1 =	vadd.f32 v9, v2;
	v12 =	vld [tilespmem:s24+$0xFFFFFFE0];
	[tilespmem:s21+$0xFFFFFFD0] =	vst v6  }
0x45: {  	v2 =	vld [tilespmem:s24+$0xFFFFFFF0];
	[tilespmem:s21+$0xFFFFFFE0] =	vst v0;
	v0 =	vadd.f32 v5, v4  }
0x46: {  	v4 =	vld [tilespmem:s24+$0x0];
	[tilespmem:s21+$0xFFFFFFF0] =	vst v1;
	v1 =	vadd.f32 v7, v10  }
0x47: {  	v10 =	vld [tilespmem:s24+$0x10];
	[tilespmem:s21+$0x0] =	vst v0;
	v0 =	vadd.f32 v3, v11  }
0x48: {  	v11 =	vld [tilespmem:s24+$0x20];
	[tilespmem:s21+$0x10] =	vst v1  }
0x49: {  	v1 =	vld [tilespmem:s24+$0xFFFFFFC0];
	[tilespmem:s21+$0x20] =	vst v0  }
0x4a: {  	s19 =	sadd.s32 $0x400, s19;
	v0 =	vld.idx.msk [tilespmem:v13+s10+$0x0], $0xffff  }
0x4b: {  	v3 =	vld [tilespmem:s19+$0x30]  }
0x4c: {  	v5 =	vld.idx.msk [tilespmem:v13+s12+$0x0], $0xffff  }
0x4d: {  	v6 =	vld.idx.msk [tilespmem:v8+s10+$0x0], $0xffff  }
0x4e: {  	v7 =	vld.idx.msk [tilespmem:v12+s10+$0x0], $0xffff  }
0x4f: {  	v9 =	vld.idx.msk [tilespmem:v2+s10+$0x0], $0xffff  }
0x50: {  	v13 =	vld.idx.msk [tilespmem:v4+s10+$0x0], $0xffff;
	v0 =	vmul.f32 v3, v0  }
0x51: {  	v3 =	vld.idx.msk [tilespmem:v1+s10+$0x0], $0xffff  }
0x52: {  	v14 =	vld.idx.msk [tilespmem:v10+s10+$0x0], $0xffff;
	v0 =	vadd.f32 v0, v5  }
0x53: {  	s21 =	sadd.s32 $0x400, s21;
	v15 =	vld.idx.msk [tilespmem:v11+s10+$0x0], $0xffff  }
0x54: {  	v5 =	vld [tilespmem:s19+$0xFFFFFFC0];
	[tilespmem:s21+$0x30] =	vst v0  }
0x55: {  	v0 =	vld [tilespmem:s19+$0xFFFFFFD0]  }
0x56: {  	v16 =	vld [tilespmem:s19+$0xFFFFFFE0]  }
0x57: {  	v17 =	vld [tilespmem:s19+$0xFFFFFFF0]  }
0x58: {  	v18 =	vld [tilespmem:s19+$0x0]  }
0x59: {  	v19 =	vmul.f32 v5, v3;
	v3 =	vld [tilespmem:s19+$0x10]  }
0x5a: {  	v6 =	vmul.f32 v0, v6;
	v20 =	vld [tilespmem:s19+$0x20]  }
0x5b: {  	v21 =	vld.idx.msk [tilespmem:v1+s12+$0x0], $0xffff;
	v1 =	vmul.f32 v16, v7  }
0x5c: {  	v8 =	vld.idx.msk [tilespmem:v8+s12+$0x0], $0xffff;
	v9 =	vmul.f32 v17, v9  }
.Ltmp0:
0x5d: {  	v0 =	vld.idx.msk [tilespmem:v12+s12+$0x0], $0xffff;
	v5 =	vmul.f32 v18, v13;
	(pc) =	sbr.rel @p0 .LBB2_2-.Ltmp0, $4  }
0x5e: {  	v2 =	vld.idx.msk [tilespmem:v2+s12+$0x0], $0xffff;
	v7 =	vmul.f32 v3, v14  }
0x5f: {  	v4 =	vld.idx.msk [tilespmem:v4+s12+$0x0], $0xffff;
	v3 =	vmul.f32 v20, v15  }
0x60: {  	v10 =	vld.idx.msk [tilespmem:v10+s12+$0x0], $0xffff  }
0x61: {  	s24 =	sadd.s32 $0x400, s24;
	v12 =	vadd.f32 v19, v21;
	v11 =	vld.idx.msk [tilespmem:v11+s12+$0x0], $0xffff  }
0x62: {  	v6 =	vadd.f32 v6, v8  }
0x63: {  	v0 =	vadd.f32 v1, v0;
	[tilespmem:s21+$0xFFFFFFC0] =	vst v12  }
0x64: {  	v1 =	vadd.f32 v9, v2;
	[tilespmem:s21+$0xFFFFFFD0] =	vst v6  }
0x65: {  	[tilespmem:s21+$0xFFFFFFE0] =	vst v0;
	v0 =	vadd.f32 v5, v4  }
0x66: {  	[tilespmem:s21+$0xFFFFFFF0] =	vst v1;
	v1 =	vadd.f32 v7, v10  }
0x67: {  	[tilespmem:s21+$0x0] =	vst v0;
	v0 =	vadd.f32 v3, v11  }
0x68: {  	[tilespmem:s21+$0x10] =	vst v1  }
0x69: {  	[tilespmem:s21+$0x20] =	vst v0  }
0x6a: {  	v0 =	vld [tilespmem:s22+$0x0]  }
0x6b: {  	v1 =	vld [tilespmem:s22+$0xFFFFFFA0]  }
0x6c: {  	v2 =	vld [tilespmem:s22+$0xFFFFFFB0]  }
0x6d: {  	v3 =	vld [tilespmem:s22+$0xFFFFFFC0]  }
0x6e: {  	v4 =	vld [tilespmem:s22+$0xFFFFFFD0]  }
0x6f: {  	v6 =	vld [tilespmem:s22+$0xFFFFFFE0]  }
0x70: {  	v11 =	vld [tilespmem:s22+$0xFFFFFFF0]  }
0x71: {  	v5 =	vld [tilespmem:s22+$0xFFFFFF90]  }
0x72: {  	v8 =	vld [tilespmem:s20+$0x0]  }
0x73: {  	v18 =	vld [tilespmem:s20+$0xFFFFFF90]  }
0x74: {  	v19 =	vld [tilespmem:s20+$0xFFFFFFA0]  }
0x75: {  	v20 =	vld [tilespmem:s20+$0xFFFFFFB0]  }
0x76: {  	v21 =	vld [tilespmem:s20+$0xFFFFFFC0]  }
0x77: {  	v22 =	vld [tilespmem:s20+$0xFFFFFFD0]  }
0x78: {  	v23 =	vld [tilespmem:s20+$0xFFFFFFE0]  }
0x79: {  	v24 =	vld [tilespmem:s20+$0xFFFFFFF0]  }
0x7a: {  	v7 =	vld.idx.msk [tilespmem:v0+s10+$0x0], $0xffff  }
0x7b: {  	v0 =	vld.idx.msk [tilespmem:v0+s12+$0x0], $0xffff  }
0x7c: {  	v10 =	vld.idx.msk [tilespmem:v1+s10+$0x0], $0xffff  }
0x7d: {  	v12 =	vld.idx.msk [tilespmem:v2+s10+$0x0], $0xffff  }
0x7e: {  	v13 =	vld.idx.msk [tilespmem:v3+s10+$0x0], $0xffff  }
0x7f: {  	v14 =	vld.idx.msk [tilespmem:v4+s10+$0x0], $0xffff  }
0x80: {  	v15 =	vld.idx.msk [tilespmem:v5+s10+$0x0], $0xffff  }
0x81: {  	v16 =	vld.idx.msk [tilespmem:v6+s10+$0x0], $0xffff  }
0x82: {  	v17 =	vld.idx.msk [tilespmem:v11+s10+$0x0], $0xffff  }
0x83: {  	v25 =	vld.idx.msk [tilespmem:v5+s12+$0x0], $0xffff  }
0x84: {  	v9 =	vld.idx.msk [tilespmem:v1+s12+$0x0], $0xffff  }
0x85: {  	v1 =	vld.idx.msk [tilespmem:v2+s12+$0x0], $0xffff  }
0x86: {  	v3 =	vld.idx.msk [tilespmem:v3+s12+$0x0], $0xffff;
	v5 =	vmul.f32 v8, v7  }
0x87: {  	v4 =	vld.idx.msk [tilespmem:v4+s12+$0x0], $0xffff;
	v15 =	vmul.f32 v18, v15  }
0x88: {  	v11 =	vld.idx.msk [tilespmem:v11+s12+$0x0], $0xffff;
	v7 =	vmul.f32 v19, v10;
	v2 =	vmul.f32 v20, v12;
	v0 =	vadd.f32 v5, v0  }
0x89: {  	s23 =	simm.s32 $0x0;
	s19 =	simm.s32 $0x4170;
	v8 =	vmul.f32 v21, v13;
	v10 =	vld.idx.msk [tilespmem:v6+s12+$0x0], $0xffff;
	v6 =	vmul.f32 v23, v16  }
0x8a: {  	s24 =	simm.s32 $0x4F0;
	s21 =	simm.s32 $0x2170;
	s22 =	simm.s32 $0x170;
	v5 =	vmul.f32 v22, v14;
	v12 =	vadd.f32 v15, v25;
	[tilespmem:s18+$0x0] =	vst v0;
	v0 =	vmul.f32 v24, v17  }
.LBB2_4:
0x8b: {  	v13 =	vld [tilespmem:s24+$0x0];
	s23 =	sadd.s32 $0x8, s23;
	v7 =	vadd.f32 v7, v9  }
0x8c: {  	v1 =	vadd.f32 v2, v1;
	v9 =	vld [tilespmem:s24+$0xFFFFFFA0];
	p0 =	slt.u32 s23, $0x38;
	[tilespmem:s18+$0xFFFFFF90] =	vst v12  }
0x8d: {  	v2 =	vadd.f32 v8, v3;
	v12 =	vld [tilespmem:s24+$0xFFFFFFB0];
	[tilespmem:s18+$0xFFFFFFA0] =	vst v7  }
0x8e: {  	v3 =	vld [tilespmem:s24+$0xFFFFFFC0];
	[tilespmem:s18+$0xFFFFFFB0] =	vst v1;
	v1 =	vadd.f32 v5, v4  }
0x8f: {  	v4 =	vld [tilespmem:s24+$0xFFFFFFD0];
	[tilespmem:s18+$0xFFFFFFC0] =	vst v2;
	v2 =	vadd.f32 v6, v10  }
0x90: {  	v0 =	vadd.f32 v0, v11;
	v10 =	vld [tilespmem:s24+$0xFFFFFFE0];
	[tilespmem:s18+$0xFFFFFFD0] =	vst v1  }
0x91: {  	v11 =	vld [tilespmem:s24+$0xFFFFFFF0];
	[tilespmem:s18+$0xFFFFFFE0] =	vst v2  }
0x92: {  	v1 =	vld [tilespmem:s24+$0xFFFFFF90];
	[tilespmem:s18+$0xFFFFFFF0] =	vst v0  }
0x93: {  	s20 =	sadd.s32 $0x400, s20;
	v0 =	vld.idx.msk [tilespmem:v13+s10+$0x0], $0xffff  }
0x94: {  	v2 =	vld [tilespmem:s20+$0x0]  }
0x95: {  	v5 =	vld.idx.msk [tilespmem:v13+s12+$0x0], $0xffff  }
0x96: {  	v6 =	vld.idx.msk [tilespmem:v9+s10+$0x0], $0xffff  }
0x97: {  	v8 =	vld.idx.msk [tilespmem:v12+s10+$0x0], $0xffff  }
0x98: {  	v13 =	vld.idx.msk [tilespmem:v3+s10+$0x0], $0xffff  }
0x99: {  	v14 =	vld.idx.msk [tilespmem:v4+s10+$0x0], $0xffff;
	v0 =	vmul.f32 v2, v0  }
0x9a: {  	v2 =	vld.idx.msk [tilespmem:v1+s10+$0x0], $0xffff  }
0x9b: {  	v15 =	vld.idx.msk [tilespmem:v10+s10+$0x0], $0xffff;
	v0 =	vadd.f32 v0, v5  }
0x9c: {  	s18 =	sadd.s32 $0x400, s18;
	v16 =	vld.idx.msk [tilespmem:v11+s10+$0x0], $0xffff  }
0x9d: {  	v5 =	vld [tilespmem:s20+$0xFFFFFF90];
	[tilespmem:s18+$0x0] =	vst v0  }
0x9e: {  	v0 =	vld [tilespmem:s20+$0xFFFFFFA0]  }
0x9f: {  	v17 =	vld [tilespmem:s20+$0xFFFFFFB0]  }
0xa0: {  	v18 =	vld [tilespmem:s20+$0xFFFFFFC0]  }
0xa1: {  	v19 =	vld [tilespmem:s20+$0xFFFFFFD0]  }
0xa2: {  	v20 =	vmul.f32 v5, v2;
	v21 =	vld [tilespmem:s20+$0xFFFFFFE0]  }
0xa3: {  	v7 =	vmul.f32 v0, v6;
	v0 =	vld [tilespmem:s20+$0xFFFFFFF0]  }
0xa4: {  	v22 =	vld.idx.msk [tilespmem:v1+s12+$0x0], $0xffff;
	v2 =	vmul.f32 v17, v8  }
0xa5: {  	v9 =	vld.idx.msk [tilespmem:v9+s12+$0x0], $0xffff;
	v8 =	vmul.f32 v18, v13  }
.Ltmp1:
0xa6: {  	v1 =	vld.idx.msk [tilespmem:v12+s12+$0x0], $0xffff;
	v5 =	vmul.f32 v19, v14;
	(pc) =	sbr.rel @p0 .LBB2_4-.Ltmp1, $4  }
0xa7: {  	v3 =	vld.idx.msk [tilespmem:v3+s12+$0x0], $0xffff;
	v6 =	vmul.f32 v21, v15  }
0xa8: {  	v4 =	vld.idx.msk [tilespmem:v4+s12+$0x0], $0xffff;
	v0 =	vmul.f32 v0, v16  }
0xa9: {  	v10 =	vld.idx.msk [tilespmem:v10+s12+$0x0], $0xffff  }
0xaa: {  	s24 =	sadd.s32 $0x400, s24;
	v12 =	vadd.f32 v20, v22;
	v11 =	vld.idx.msk [tilespmem:v11+s12+$0x0], $0xffff  }
0xab: {  	v7 =	vadd.f32 v7, v9  }
0xac: {  	v1 =	vadd.f32 v2, v1;
	[tilespmem:s18+$0xFFFFFF90] =	vst v12  }
0xad: {  	v2 =	vadd.f32 v8, v3;
	[tilespmem:s18+$0xFFFFFFA0] =	vst v7  }
0xae: {  	[tilespmem:s18+$0xFFFFFFB0] =	vst v1;
	v1 =	vadd.f32 v5, v4  }
0xaf: {  	[tilespmem:s18+$0xFFFFFFC0] =	vst v2;
	v2 =	vadd.f32 v6, v10  }
0xb0: {  	[tilespmem:s18+$0xFFFFFFD0] =	vst v1;
	v0 =	vadd.f32 v0, v11  }
0xb1: {  	[tilespmem:s18+$0xFFFFFFE0] =	vst v2  }
0xb2: {  	[tilespmem:s18+$0xFFFFFFF0] =	vst v0  }
0xb3: {  	v0 =	vld [tilespmem:s22+$0x0]  }
0xb4: {  	v1 =	vld [tilespmem:s22+$0xFFFFFFA0]  }
0xb5: {  	v2 =	vld [tilespmem:s22+$0xFFFFFFB0]  }
0xb6: {  	v3 =	vld [tilespmem:s22+$0xFFFFFFC0]  }
0xb7: {  	v4 =	vld [tilespmem:s22+$0xFFFFFFD0]  }
0xb8: {  	v6 =	vld [tilespmem:s22+$0xFFFFFFE0]  }
0xb9: {  	v11 =	vld [tilespmem:s22+$0xFFFFFFF0]  }
0xba: {  	v5 =	vld [tilespmem:s22+$0xFFFFFF90]  }
0xbb: {  	v8 =	vld [tilespmem:s21+$0x0]  }
0xbc: {  	v18 =	vld [tilespmem:s21+$0xFFFFFF90]  }
0xbd: {  	v19 =	vld [tilespmem:s21+$0xFFFFFFA0]  }
0xbe: {  	v20 =	vld [tilespmem:s21+$0xFFFFFFB0]  }
0xbf: {  	v21 =	vld [tilespmem:s21+$0xFFFFFFC0]  }
0xc0: {  	v22 =	vld [tilespmem:s21+$0xFFFFFFD0]  }
0xc1: {  	v23 =	vld [tilespmem:s21+$0xFFFFFFE0]  }
0xc2: {  	v24 =	vld [tilespmem:s21+$0xFFFFFFF0]  }
0xc3: {  	v7 =	vld.idx.msk [tilespmem:v0+s10+$0x0], $0xffff  }
0xc4: {  	v0 =	vld.idx.msk [tilespmem:v0+s12+$0x0], $0xffff  }
0xc5: {  	v10 =	vld.idx.msk [tilespmem:v1+s10+$0x0], $0xffff  }
0xc6: {  	v12 =	vld.idx.msk [tilespmem:v2+s10+$0x0], $0xffff  }
0xc7: {  	v13 =	vld.idx.msk [tilespmem:v3+s10+$0x0], $0xffff  }
0xc8: {  	v14 =	vld.idx.msk [tilespmem:v4+s10+$0x0], $0xffff  }
0xc9: {  	v15 =	vld.idx.msk [tilespmem:v5+s10+$0x0], $0xffff  }
0xca: {  	v16 =	vld.idx.msk [tilespmem:v6+s10+$0x0], $0xffff  }
0xcb: {  	v17 =	vld.idx.msk [tilespmem:v11+s10+$0x0], $0xffff  }
0xcc: {  	v25 =	vld.idx.msk [tilespmem:v5+s12+$0x0], $0xffff  }
0xcd: {  	v9 =	vld.idx.msk [tilespmem:v1+s12+$0x0], $0xffff  }
0xce: {  	v1 =	vld.idx.msk [tilespmem:v2+s12+$0x0], $0xffff  }
0xcf: {  	v3 =	vld.idx.msk [tilespmem:v3+s12+$0x0], $0xffff;
	v5 =	vmul.f32 v8, v7  }
0xd0: {  	v4 =	vld.idx.msk [tilespmem:v4+s12+$0x0], $0xffff;
	v15 =	vmul.f32 v18, v15  }
0xd1: {  	v11 =	vld.idx.msk [tilespmem:v11+s12+$0x0], $0xffff;
	v7 =	vmul.f32 v19, v10;
	v2 =	vmul.f32 v20, v12;
	v0 =	vadd.f32 v5, v0  }
0xd2: {  	s23 =	simm.s32 $0x0;
	s20 =	simm.s32 $0x21F0;
	v8 =	vmul.f32 v21, v13;
	v10 =	vld.idx.msk [tilespmem:v6+s12+$0x0], $0xffff;
	v6 =	vmul.f32 v23, v16  }
0xd3: {  	s24 =	simm.s32 $0x570;
	s18 =	simm.s32 $0x41F0;
	s22 =	simm.s32 $0x1F0;
	v5 =	vmul.f32 v22, v14;
	v12 =	vadd.f32 v15, v25;
	[tilespmem:s19+$0x0] =	vst v0;
	v0 =	vmul.f32 v24, v17  }
.LBB2_6:
0xd4: {  	v13 =	vld [tilespmem:s24+$0x0];
	s23 =	sadd.s32 $0x8, s23;
	v7 =	vadd.f32 v7, v9  }
0xd5: {  	v1 =	vadd.f32 v2, v1;
	v9 =	vld [tilespmem:s24+$0xFFFFFFA0];
	p0 =	slt.u32 s23, $0x38;
	[tilespmem:s19+$0xFFFFFF90] =	vst v12  }
0xd6: {  	v2 =	vadd.f32 v8, v3;
	v12 =	vld [tilespmem:s24+$0xFFFFFFB0];
	[tilespmem:s19+$0xFFFFFFA0] =	vst v7  }
0xd7: {  	v3 =	vld [tilespmem:s24+$0xFFFFFFC0];
	[tilespmem:s19+$0xFFFFFFB0] =	vst v1;
	v1 =	vadd.f32 v5, v4  }
0xd8: {  	v4 =	vld [tilespmem:s24+$0xFFFFFFD0];
	[tilespmem:s19+$0xFFFFFFC0] =	vst v2;
	v2 =	vadd.f32 v6, v10  }
0xd9: {  	v0 =	vadd.f32 v0, v11;
	v10 =	vld [tilespmem:s24+$0xFFFFFFE0];
	[tilespmem:s19+$0xFFFFFFD0] =	vst v1  }
0xda: {  	v11 =	vld [tilespmem:s24+$0xFFFFFFF0];
	[tilespmem:s19+$0xFFFFFFE0] =	vst v2  }
0xdb: {  	v1 =	vld [tilespmem:s24+$0xFFFFFF90];
	[tilespmem:s19+$0xFFFFFFF0] =	vst v0  }
0xdc: {  	s21 =	sadd.s32 $0x400, s21;
	v0 =	vld.idx.msk [tilespmem:v13+s10+$0x0], $0xffff  }
0xdd: {  	v2 =	vld [tilespmem:s21+$0x0]  }
0xde: {  	v5 =	vld.idx.msk [tilespmem:v13+s12+$0x0], $0xffff  }
0xdf: {  	v6 =	vld.idx.msk [tilespmem:v9+s10+$0x0], $0xffff  }
0xe0: {  	v8 =	vld.idx.msk [tilespmem:v12+s10+$0x0], $0xffff  }
0xe1: {  	v13 =	vld.idx.msk [tilespmem:v3+s10+$0x0], $0xffff  }
0xe2: {  	v14 =	vld.idx.msk [tilespmem:v4+s10+$0x0], $0xffff;
	v0 =	vmul.f32 v2, v0  }
0xe3: {  	v2 =	vld.idx.msk [tilespmem:v1+s10+$0x0], $0xffff  }
0xe4: {  	v15 =	vld.idx.msk [tilespmem:v10+s10+$0x0], $0xffff;
	v0 =	vadd.f32 v0, v5  }
0xe5: {  	s19 =	sadd.s32 $0x400, s19;
	v16 =	vld.idx.msk [tilespmem:v11+s10+$0x0], $0xffff  }
0xe6: {  	v5 =	vld [tilespmem:s21+$0xFFFFFF90];
	[tilespmem:s19+$0x0] =	vst v0  }
0xe7: {  	v0 =	vld [tilespmem:s21+$0xFFFFFFA0]  }
0xe8: {  	v17 =	vld [tilespmem:s21+$0xFFFFFFB0]  }
0xe9: {  	v18 =	vld [tilespmem:s21+$0xFFFFFFC0]  }
0xea: {  	v19 =	vld [tilespmem:s21+$0xFFFFFFD0]  }
0xeb: {  	v20 =	vmul.f32 v5, v2;
	v21 =	vld [tilespmem:s21+$0xFFFFFFE0]  }
0xec: {  	v7 =	vmul.f32 v0, v6;
	v0 =	vld [tilespmem:s21+$0xFFFFFFF0]  }
0xed: {  	v22 =	vld.idx.msk [tilespmem:v1+s12+$0x0], $0xffff;
	v2 =	vmul.f32 v17, v8  }
0xee: {  	v9 =	vld.idx.msk [tilespmem:v9+s12+$0x0], $0xffff;
	v8 =	vmul.f32 v18, v13  }
.Ltmp2:
0xef: {  	v1 =	vld.idx.msk [tilespmem:v12+s12+$0x0], $0xffff;
	v5 =	vmul.f32 v19, v14;
	(pc) =	sbr.rel @p0 .LBB2_6-.Ltmp2, $4  }
0xf0: {  	v3 =	vld.idx.msk [tilespmem:v3+s12+$0x0], $0xffff;
	v6 =	vmul.f32 v21, v15  }
0xf1: {  	v4 =	vld.idx.msk [tilespmem:v4+s12+$0x0], $0xffff;
	v0 =	vmul.f32 v0, v16  }
0xf2: {  	v10 =	vld.idx.msk [tilespmem:v10+s12+$0x0], $0xffff  }
0xf3: {  	s24 =	sadd.s32 $0x400, s24;
	v12 =	vadd.f32 v20, v22;
	v11 =	vld.idx.msk [tilespmem:v11+s12+$0x0], $0xffff  }
0xf4: {  	v7 =	vadd.f32 v7, v9  }
0xf5: {  	v1 =	vadd.f32 v2, v1;
	[tilespmem:s19+$0xFFFFFF90] =	vst v12  }
0xf6: {  	v2 =	vadd.f32 v8, v3;
	[tilespmem:s19+$0xFFFFFFA0] =	vst v7  }
0xf7: {  	[tilespmem:s19+$0xFFFFFFB0] =	vst v1;
	v1 =	vadd.f32 v5, v4  }
0xf8: {  	[tilespmem:s19+$0xFFFFFFC0] =	vst v2;
	v2 =	vadd.f32 v6, v10  }
0xf9: {  	[tilespmem:s19+$0xFFFFFFD0] =	vst v1;
	v0 =	vadd.f32 v0, v11  }
0xfa: {  	[tilespmem:s19+$0xFFFFFFE0] =	vst v2  }
0xfb: {  	[tilespmem:s19+$0xFFFFFFF0] =	vst v0  }
0xfc: {  	v0 =	vld [tilespmem:s22+$0x0]  }
0xfd: {  	v1 =	vld [tilespmem:s22+$0xFFFFFFA0]  }
0xfe: {  	v2 =	vld [tilespmem:s22+$0xFFFFFFB0]  }
0xff: {  	v3 =	vld [tilespmem:s22+$0xFFFFFFC0]  }
0x100: {  	v4 =	vld [tilespmem:s22+$0xFFFFFFD0]  }
0x101: {  	v6 =	vld [tilespmem:s22+$0xFFFFFFE0]  }
0x102: {  	v11 =	vld [tilespmem:s22+$0xFFFFFFF0]  }
0x103: {  	v5 =	vld [tilespmem:s22+$0xFFFFFF90]  }
0x104: {  	v8 =	vld [tilespmem:s20+$0x0]  }
0x105: {  	v18 =	vld [tilespmem:s20+$0xFFFFFF90]  }
0x106: {  	v19 =	vld [tilespmem:s20+$0xFFFFFFA0]  }
0x107: {  	v20 =	vld [tilespmem:s20+$0xFFFFFFB0]  }
0x108: {  	v21 =	vld [tilespmem:s20+$0xFFFFFFC0]  }
0x109: {  	v22 =	vld [tilespmem:s20+$0xFFFFFFD0]  }
0x10a: {  	v23 =	vld [tilespmem:s20+$0xFFFFFFE0]  }
0x10b: {  	v24 =	vld [tilespmem:s20+$0xFFFFFFF0]  }
0x10c: {  	v7 =	vld.idx.msk [tilespmem:v0+s10+$0x0], $0xffff  }
0x10d: {  	v0 =	vld.idx.msk [tilespmem:v0+s12+$0x0], $0xffff  }
0x10e: {  	v10 =	vld.idx.msk [tilespmem:v1+s10+$0x0], $0xffff  }
0x10f: {  	v12 =	vld.idx.msk [tilespmem:v2+s10+$0x0], $0xffff  }
0x110: {  	v13 =	vld.idx.msk [tilespmem:v3+s10+$0x0], $0xffff  }
0x111: {  	v14 =	vld.idx.msk [tilespmem:v4+s10+$0x0], $0xffff  }
0x112: {  	v15 =	vld.idx.msk [tilespmem:v5+s10+$0x0], $0xffff  }
0x113: {  	v16 =	vld.idx.msk [tilespmem:v6+s10+$0x0], $0xffff  }
0x114: {  	v17 =	vld.idx.msk [tilespmem:v11+s10+$0x0], $0xffff  }
0x115: {  	v25 =	vld.idx.msk [tilespmem:v5+s12+$0x0], $0xffff  }
0x116: {  	v9 =	vld.idx.msk [tilespmem:v1+s12+$0x0], $0xffff  }
0x117: {  	v1 =	vld.idx.msk [tilespmem:v2+s12+$0x0], $0xffff  }
0x118: {  	v3 =	vld.idx.msk [tilespmem:v3+s12+$0x0], $0xffff;
	v5 =	vmul.f32 v8, v7  }
0x119: {  	v4 =	vld.idx.msk [tilespmem:v4+s12+$0x0], $0xffff;
	v15 =	vmul.f32 v18, v15  }
0x11a: {  	v11 =	vld.idx.msk [tilespmem:v11+s12+$0x0], $0xffff;
	v7 =	vmul.f32 v19, v10;
	v2 =	vmul.f32 v20, v12;
	v0 =	vadd.f32 v5, v0  }
0x11b: {  	s23 =	simm.s32 $0x0;
	s21 =	simm.s32 $0x2270;
	v8 =	vmul.f32 v21, v13;
	v10 =	vld.idx.msk [tilespmem:v6+s12+$0x0], $0xffff;
	v6 =	vmul.f32 v23, v16  }
0x11c: {  	s24 =	simm.s32 $0x5F0;
	s19 =	simm.s32 $0x4270;
	s22 =	simm.s32 $0x270;
	v5 =	vmul.f32 v22, v14;
	v12 =	vadd.f32 v15, v25;
	[tilespmem:s18+$0x0] =	vst v0;
	v0 =	vmul.f32 v24, v17  }
.LBB2_8:
0x11d: {  	v13 =	vld [tilespmem:s24+$0x0];
	s23 =	sadd.s32 $0x8, s23;
	v7 =	vadd.f32 v7, v9  }
0x11e: {  	v1 =	vadd.f32 v2, v1;
	v9 =	vld [tilespmem:s24+$0xFFFFFFA0];
	p0 =	slt.u32 s23, $0x38;
	[tilespmem:s18+$0xFFFFFF90] =	vst v12  }
0x11f: {  	v2 =	vadd.f32 v8, v3;
	v12 =	vld [tilespmem:s24+$0xFFFFFFB0];
	[tilespmem:s18+$0xFFFFFFA0] =	vst v7  }
0x120: {  	v3 =	vld [tilespmem:s24+$0xFFFFFFC0];
	[tilespmem:s18+$0xFFFFFFB0] =	vst v1;
	v1 =	vadd.f32 v5, v4  }
0x121: {  	v4 =	vld [tilespmem:s24+$0xFFFFFFD0];
	[tilespmem:s18+$0xFFFFFFC0] =	vst v2;
	v2 =	vadd.f32 v6, v10  }
0x122: {  	v0 =	vadd.f32 v0, v11;
	v10 =	vld [tilespmem:s24+$0xFFFFFFE0];
	[tilespmem:s18+$0xFFFFFFD0] =	vst v1  }
0x123: {  	v11 =	vld [tilespmem:s24+$0xFFFFFFF0];
	[tilespmem:s18+$0xFFFFFFE0] =	vst v2  }
0x124: {  	v1 =	vld [tilespmem:s24+$0xFFFFFF90];
	[tilespmem:s18+$0xFFFFFFF0] =	vst v0  }
0x125: {  	s20 =	sadd.s32 $0x400, s20;
	v0 =	vld.idx.msk [tilespmem:v13+s10+$0x0], $0xffff  }
0x126: {  	v2 =	vld [tilespmem:s20+$0x0]  }
0x127: {  	v5 =	vld.idx.msk [tilespmem:v13+s12+$0x0], $0xffff  }
0x128: {  	v6 =	vld.idx.msk [tilespmem:v9+s10+$0x0], $0xffff  }
0x129: {  	v8 =	vld.idx.msk [tilespmem:v12+s10+$0x0], $0xffff  }
0x12a: {  	v13 =	vld.idx.msk [tilespmem:v3+s10+$0x0], $0xffff  }
0x12b: {  	v14 =	vld.idx.msk [tilespmem:v4+s10+$0x0], $0xffff;
	v0 =	vmul.f32 v2, v0  }
0x12c: {  	v2 =	vld.idx.msk [tilespmem:v1+s10+$0x0], $0xffff  }
0x12d: {  	v15 =	vld.idx.msk [tilespmem:v10+s10+$0x0], $0xffff;
	v0 =	vadd.f32 v0, v5  }
0x12e: {  	s18 =	sadd.s32 $0x400, s18;
	v16 =	vld.idx.msk [tilespmem:v11+s10+$0x0], $0xffff  }
0x12f: {  	v5 =	vld [tilespmem:s20+$0xFFFFFF90];
	[tilespmem:s18+$0x0] =	vst v0  }
0x130: {  	v0 =	vld [tilespmem:s20+$0xFFFFFFA0]  }
0x131: {  	v17 =	vld [tilespmem:s20+$0xFFFFFFB0]  }
0x132: {  	v18 =	vld [tilespmem:s20+$0xFFFFFFC0]  }
0x133: {  	v19 =	vld [tilespmem:s20+$0xFFFFFFD0]  }
0x134: {  	v20 =	vmul.f32 v5, v2;
	v21 =	vld [tilespmem:s20+$0xFFFFFFE0]  }
0x135: {  	v7 =	vmul.f32 v0, v6;
	v0 =	vld [tilespmem:s20+$0xFFFFFFF0]  }
0x136: {  	v22 =	vld.idx.msk [tilespmem:v1+s12+$0x0], $0xffff;
	v2 =	vmul.f32 v17, v8  }
0x137: {  	v9 =	vld.idx.msk [tilespmem:v9+s12+$0x0], $0xffff;
	v8 =	vmul.f32 v18, v13  }
.Ltmp3:
0x138: {  	v1 =	vld.idx.msk [tilespmem:v12+s12+$0x0], $0xffff;
	v5 =	vmul.f32 v19, v14;
	(pc) =	sbr.rel @p0 .LBB2_8-.Ltmp3, $4  }
0x139: {  	v3 =	vld.idx.msk [tilespmem:v3+s12+$0x0], $0xffff;
	v6 =	vmul.f32 v21, v15  }
0x13a: {  	v4 =	vld.idx.msk [tilespmem:v4+s12+$0x0], $0xffff;
	v0 =	vmul.f32 v0, v16  }
0x13b: {  	v10 =	vld.idx.msk [tilespmem:v10+s12+$0x0], $0xffff  }
0x13c: {  	s24 =	sadd.s32 $0x400, s24;
	v12 =	vadd.f32 v20, v22;
	v11 =	vld.idx.msk [tilespmem:v11+s12+$0x0], $0xffff  }
0x13d: {  	v7 =	vadd.f32 v7, v9  }
0x13e: {  	v1 =	vadd.f32 v2, v1;
	[tilespmem:s18+$0xFFFFFF90] =	vst v12  }
0x13f: {  	v2 =	vadd.f32 v8, v3;
	[tilespmem:s18+$0xFFFFFFA0] =	vst v7  }
0x140: {  	[tilespmem:s18+$0xFFFFFFB0] =	vst v1;
	v1 =	vadd.f32 v5, v4  }
0x141: {  	[tilespmem:s18+$0xFFFFFFC0] =	vst v2;
	v2 =	vadd.f32 v6, v10  }
0x142: {  	[tilespmem:s18+$0xFFFFFFD0] =	vst v1;
	v0 =	vadd.f32 v0, v11  }
0x143: {  	[tilespmem:s18+$0xFFFFFFE0] =	vst v2  }
0x144: {  	[tilespmem:s18+$0xFFFFFFF0] =	vst v0  }
0x145: {  	v0 =	vld [tilespmem:s22+$0x0]  }
0x146: {  	v1 =	vld [tilespmem:s22+$0xFFFFFFA0]  }
0x147: {  	v2 =	vld [tilespmem:s22+$0xFFFFFFB0]  }
0x148: {  	v3 =	vld [tilespmem:s22+$0xFFFFFFC0]  }
0x149: {  	v4 =	vld [tilespmem:s22+$0xFFFFFFD0]  }
0x14a: {  	v6 =	vld [tilespmem:s22+$0xFFFFFFE0]  }
0x14b: {  	v11 =	vld [tilespmem:s22+$0xFFFFFFF0]  }
0x14c: {  	v5 =	vld [tilespmem:s22+$0xFFFFFF90]  }
0x14d: {  	v8 =	vld [tilespmem:s21+$0x0]  }
0x14e: {  	v18 =	vld [tilespmem:s21+$0xFFFFFF90]  }
0x14f: {  	v19 =	vld [tilespmem:s21+$0xFFFFFFA0]  }
0x150: {  	v20 =	vld [tilespmem:s21+$0xFFFFFFB0]  }
0x151: {  	v21 =	vld [tilespmem:s21+$0xFFFFFFC0]  }
0x152: {  	v22 =	vld [tilespmem:s21+$0xFFFFFFD0]  }
0x153: {  	v23 =	vld [tilespmem:s21+$0xFFFFFFE0]  }
0x154: {  	v24 =	vld [tilespmem:s21+$0xFFFFFFF0]  }
0x155: {  	v7 =	vld.idx.msk [tilespmem:v0+s10+$0x0], $0xffff  }
0x156: {  	v0 =	vld.idx.msk [tilespmem:v0+s12+$0x0], $0xffff  }
0x157: {  	v10 =	vld.idx.msk [tilespmem:v1+s10+$0x0], $0xffff  }
0x158: {  	v12 =	vld.idx.msk [tilespmem:v2+s10+$0x0], $0xffff  }
0x159: {  	v13 =	vld.idx.msk [tilespmem:v3+s10+$0x0], $0xffff  }
0x15a: {  	v14 =	vld.idx.msk [tilespmem:v4+s10+$0x0], $0xffff  }
0x15b: {  	v15 =	vld.idx.msk [tilespmem:v5+s10+$0x0], $0xffff  }
0x15c: {  	v16 =	vld.idx.msk [tilespmem:v6+s10+$0x0], $0xffff  }
0x15d: {  	v17 =	vld.idx.msk [tilespmem:v11+s10+$0x0], $0xffff  }
0x15e: {  	v25 =	vld.idx.msk [tilespmem:v5+s12+$0x0], $0xffff  }
0x15f: {  	v9 =	vld.idx.msk [tilespmem:v1+s12+$0x0], $0xffff  }
0x160: {  	v1 =	vld.idx.msk [tilespmem:v2+s12+$0x0], $0xffff  }
0x161: {  	v3 =	vld.idx.msk [tilespmem:v3+s12+$0x0], $0xffff;
	v5 =	vmul.f32 v8, v7  }
0x162: {  	v4 =	vld.idx.msk [tilespmem:v4+s12+$0x0], $0xffff;
	v15 =	vmul.f32 v18, v15  }
0x163: {  	v11 =	vld.idx.msk [tilespmem:v11+s12+$0x0], $0xffff;
	v7 =	vmul.f32 v19, v10;
	v2 =	vmul.f32 v20, v12;
	v0 =	vadd.f32 v5, v0  }
0x164: {  	s23 =	simm.s32 $0x0;
	s20 =	simm.s32 $0x22F0;
	v8 =	vmul.f32 v21, v13;
	v10 =	vld.idx.msk [tilespmem:v6+s12+$0x0], $0xffff;
	v6 =	vmul.f32 v23, v16  }
0x165: {  	s24 =	simm.s32 $0x670;
	s18 =	simm.s32 $0x42F0;
	s22 =	simm.s32 $0x2F0;
	v5 =	vmul.f32 v22, v14;
	v12 =	vadd.f32 v15, v25;
	[tilespmem:s19+$0x0] =	vst v0;
	v0 =	vmul.f32 v24, v17  }
.LBB2_10:
0x166: {  	v13 =	vld [tilespmem:s24+$0x0];
	s23 =	sadd.s32 $0x8, s23;
	v7 =	vadd.f32 v7, v9  }
0x167: {  	v1 =	vadd.f32 v2, v1;
	v9 =	vld [tilespmem:s24+$0xFFFFFFA0];
	p0 =	slt.u32 s23, $0x38;
	[tilespmem:s19+$0xFFFFFF90] =	vst v12  }
0x168: {  	v2 =	vadd.f32 v8, v3;
	v12 =	vld [tilespmem:s24+$0xFFFFFFB0];
	[tilespmem:s19+$0xFFFFFFA0] =	vst v7  }
0x169: {  	v3 =	vld [tilespmem:s24+$0xFFFFFFC0];
	[tilespmem:s19+$0xFFFFFFB0] =	vst v1;
	v1 =	vadd.f32 v5, v4  }
0x16a: {  	v4 =	vld [tilespmem:s24+$0xFFFFFFD0];
	[tilespmem:s19+$0xFFFFFFC0] =	vst v2;
	v2 =	vadd.f32 v6, v10  }
0x16b: {  	v0 =	vadd.f32 v0, v11;
	v10 =	vld [tilespmem:s24+$0xFFFFFFE0];
	[tilespmem:s19+$0xFFFFFFD0] =	vst v1  }
0x16c: {  	v11 =	vld [tilespmem:s24+$0xFFFFFFF0];
	[tilespmem:s19+$0xFFFFFFE0] =	vst v2  }
0x16d: {  	v1 =	vld [tilespmem:s24+$0xFFFFFF90];
	[tilespmem:s19+$0xFFFFFFF0] =	vst v0  }
0x16e: {  	s21 =	sadd.s32 $0x400, s21;
	v0 =	vld.idx.msk [tilespmem:v13+s10+$0x0], $0xffff  }
0x16f: {  	v2 =	vld [tilespmem:s21+$0x0]  }
0x170: {  	v5 =	vld.idx.msk [tilespmem:v13+s12+$0x0], $0xffff  }
0x171: {  	v6 =	vld.idx.msk [tilespmem:v9+s10+$0x0], $0xffff  }
0x172: {  	v8 =	vld.idx.msk [tilespmem:v12+s10+$0x0], $0xffff  }
0x173: {  	v13 =	vld.idx.msk [tilespmem:v3+s10+$0x0], $0xffff  }
0x174: {  	v14 =	vld.idx.msk [tilespmem:v4+s10+$0x0], $0xffff;
	v0 =	vmul.f32 v2, v0  }
0x175: {  	v2 =	vld.idx.msk [tilespmem:v1+s10+$0x0], $0xffff  }
0x176: {  	v15 =	vld.idx.msk [tilespmem:v10+s10+$0x0], $0xffff;
	v0 =	vadd.f32 v0, v5  }
0x177: {  	s19 =	sadd.s32 $0x400, s19;
	v16 =	vld.idx.msk [tilespmem:v11+s10+$0x0], $0xffff  }
0x178: {  	v5 =	vld [tilespmem:s21+$0xFFFFFF90];
	[tilespmem:s19+$0x0] =	vst v0  }
0x179: {  	v0 =	vld [tilespmem:s21+$0xFFFFFFA0]  }
0x17a: {  	v17 =	vld [tilespmem:s21+$0xFFFFFFB0]  }
0x17b: {  	v18 =	vld [tilespmem:s21+$0xFFFFFFC0]  }
0x17c: {  	v19 =	vld [tilespmem:s21+$0xFFFFFFD0]  }
0x17d: {  	v20 =	vmul.f32 v5, v2;
	v21 =	vld [tilespmem:s21+$0xFFFFFFE0]  }
0x17e: {  	v7 =	vmul.f32 v0, v6;
	v0 =	vld [tilespmem:s21+$0xFFFFFFF0]  }
0x17f: {  	v22 =	vld.idx.msk [tilespmem:v1+s12+$0x0], $0xffff;
	v2 =	vmul.f32 v17, v8  }
0x180: {  	v9 =	vld.idx.msk [tilespmem:v9+s12+$0x0], $0xffff;
	v8 =	vmul.f32 v18, v13  }
.Ltmp4:
0x181: {  	v1 =	vld.idx.msk [tilespmem:v12+s12+$0x0], $0xffff;
	v5 =	vmul.f32 v19, v14;
	(pc) =	sbr.rel @p0 .LBB2_10-.Ltmp4, $4  }
0x182: {  	v3 =	vld.idx.msk [tilespmem:v3+s12+$0x0], $0xffff;
	v6 =	vmul.f32 v21, v15  }
0x183: {  	v4 =	vld.idx.msk [tilespmem:v4+s12+$0x0], $0xffff;
	v0 =	vmul.f32 v0, v16  }
0x184: {  	v10 =	vld.idx.msk [tilespmem:v10+s12+$0x0], $0xffff  }
0x185: {  	s24 =	sadd.s32 $0x400, s24;
	v12 =	vadd.f32 v20, v22;
	v11 =	vld.idx.msk [tilespmem:v11+s12+$0x0], $0xffff  }
0x186: {  	v7 =	vadd.f32 v7, v9  }
0x187: {  	v1 =	vadd.f32 v2, v1;
	[tilespmem:s19+$0xFFFFFF90] =	vst v12  }
0x188: {  	v2 =	vadd.f32 v8, v3;
	[tilespmem:s19+$0xFFFFFFA0] =	vst v7  }
0x189: {  	[tilespmem:s19+$0xFFFFFFB0] =	vst v1;
	v1 =	vadd.f32 v5, v4  }
0x18a: {  	[tilespmem:s19+$0xFFFFFFC0] =	vst v2;
	v2 =	vadd.f32 v6, v10  }
0x18b: {  	[tilespmem:s19+$0xFFFFFFD0] =	vst v1;
	v0 =	vadd.f32 v0, v11  }
0x18c: {  	[tilespmem:s19+$0xFFFFFFE0] =	vst v2  }
0x18d: {  	[tilespmem:s19+$0xFFFFFFF0] =	vst v0  }
0x18e: {  	v0 =	vld [tilespmem:s22+$0x0]  }
0x18f: {  	v1 =	vld [tilespmem:s22+$0xFFFFFFA0]  }
0x190: {  	v2 =	vld [tilespmem:s22+$0xFFFFFFB0]  }
0x191: {  	v3 =	vld [tilespmem:s22+$0xFFFFFFC0]  }
0x192: {  	v4 =	vld [tilespmem:s22+$0xFFFFFFD0]  }
0x193: {  	v6 =	vld [tilespmem:s22+$0xFFFFFFE0]  }
0x194: {  	v11 =	vld [tilespmem:s22+$0xFFFFFFF0]  }
0x195: {  	v5 =	vld [tilespmem:s22+$0xFFFFFF90]  }
0x196: {  	v8 =	vld [tilespmem:s20+$0x0]  }
0x197: {  	v18 =	vld [tilespmem:s20+$0xFFFFFF90]  }
0x198: {  	v19 =	vld [tilespmem:s20+$0xFFFFFFA0]  }
0x199: {  	v20 =	vld [tilespmem:s20+$0xFFFFFFB0]  }
0x19a: {  	v21 =	vld [tilespmem:s20+$0xFFFFFFC0]  }
0x19b: {  	v22 =	vld [tilespmem:s20+$0xFFFFFFD0]  }
0x19c: {  	v23 =	vld [tilespmem:s20+$0xFFFFFFE0]  }
0x19d: {  	v24 =	vld [tilespmem:s20+$0xFFFFFFF0]  }
0x19e: {  	v7 =	vld.idx.msk [tilespmem:v0+s10+$0x0], $0xffff  }
0x19f: {  	v0 =	vld.idx.msk [tilespmem:v0+s12+$0x0], $0xffff  }
0x1a0: {  	v10 =	vld.idx.msk [tilespmem:v1+s10+$0x0], $0xffff  }
0x1a1: {  	v12 =	vld.idx.msk [tilespmem:v2+s10+$0x0], $0xffff  }
0x1a2: {  	v13 =	vld.idx.msk [tilespmem:v3+s10+$0x0], $0xffff  }
0x1a3: {  	v14 =	vld.idx.msk [tilespmem:v4+s10+$0x0], $0xffff  }
0x1a4: {  	v15 =	vld.idx.msk [tilespmem:v5+s10+$0x0], $0xffff  }
0x1a5: {  	v16 =	vld.idx.msk [tilespmem:v6+s10+$0x0], $0xffff  }
0x1a6: {  	v17 =	vld.idx.msk [tilespmem:v11+s10+$0x0], $0xffff  }
0x1a7: {  	v25 =	vld.idx.msk [tilespmem:v5+s12+$0x0], $0xffff  }
0x1a8: {  	v9 =	vld.idx.msk [tilespmem:v1+s12+$0x0], $0xffff  }
0x1a9: {  	v1 =	vld.idx.msk [tilespmem:v2+s12+$0x0], $0xffff  }
0x1aa: {  	v3 =	vld.idx.msk [tilespmem:v3+s12+$0x0], $0xffff;
	v5 =	vmul.f32 v8, v7  }
0x1ab: {  	v4 =	vld.idx.msk [tilespmem:v4+s12+$0x0], $0xffff;
	v15 =	vmul.f32 v18, v15  }
0x1ac: {  	v11 =	vld.idx.msk [tilespmem:v11+s12+$0x0], $0xffff;
	v7 =	vmul.f32 v19, v10;
	v2 =	vmul.f32 v20, v12;
	v0 =	vadd.f32 v5, v0  }
0x1ad: {  	s23 =	simm.s32 $0x0;
	s21 =	simm.s32 $0x2370;
	v8 =	vmul.f32 v21, v13;
	v10 =	vld.idx.msk [tilespmem:v6+s12+$0x0], $0xffff;
	v6 =	vmul.f32 v23, v16  }
0x1ae: {  	s24 =	simm.s32 $0x6F0;
	s19 =	simm.s32 $0x4370;
	s22 =	simm.s32 $0x370;
	v5 =	vmul.f32 v22, v14;
	v12 =	vadd.f32 v15, v25;
	[tilespmem:s18+$0x0] =	vst v0;
	v0 =	vmul.f32 v24, v17  }
.LBB2_12:
0x1af: {  	v13 =	vld [tilespmem:s24+$0x0];
	s23 =	sadd.s32 $0x8, s23;
	v7 =	vadd.f32 v7, v9  }
0x1b0: {  	v1 =	vadd.f32 v2, v1;
	v9 =	vld [tilespmem:s24+$0xFFFFFFA0];
	p0 =	slt.u32 s23, $0x38;
	[tilespmem:s18+$0xFFFFFF90] =	vst v12  }
0x1b1: {  	v2 =	vadd.f32 v8, v3;
	v12 =	vld [tilespmem:s24+$0xFFFFFFB0];
	[tilespmem:s18+$0xFFFFFFA0] =	vst v7  }
0x1b2: {  	v3 =	vld [tilespmem:s24+$0xFFFFFFC0];
	[tilespmem:s18+$0xFFFFFFB0] =	vst v1;
	v1 =	vadd.f32 v5, v4  }
0x1b3: {  	v4 =	vld [tilespmem:s24+$0xFFFFFFD0];
	[tilespmem:s18+$0xFFFFFFC0] =	vst v2;
	v2 =	vadd.f32 v6, v10  }
0x1b4: {  	v0 =	vadd.f32 v0, v11;
	v10 =	vld [tilespmem:s24+$0xFFFFFFE0];
	[tilespmem:s18+$0xFFFFFFD0] =	vst v1  }
0x1b5: {  	v11 =	vld [tilespmem:s24+$0xFFFFFFF0];
	[tilespmem:s18+$0xFFFFFFE0] =	vst v2  }
0x1b6: {  	v1 =	vld [tilespmem:s24+$0xFFFFFF90];
	[tilespmem:s18+$0xFFFFFFF0] =	vst v0  }
0x1b7: {  	s20 =	sadd.s32 $0x400, s20;
	v0 =	vld.idx.msk [tilespmem:v13+s10+$0x0], $0xffff  }
0x1b8: {  	v2 =	vld [tilespmem:s20+$0x0]  }
0x1b9: {  	v5 =	vld.idx.msk [tilespmem:v13+s12+$0x0], $0xffff  }
0x1ba: {  	v6 =	vld.idx.msk [tilespmem:v9+s10+$0x0], $0xffff  }
0x1bb: {  	v8 =	vld.idx.msk [tilespmem:v12+s10+$0x0], $0xffff  }
0x1bc: {  	v13 =	vld.idx.msk [tilespmem:v3+s10+$0x0], $0xffff  }
0x1bd: {  	v14 =	vld.idx.msk [tilespmem:v4+s10+$0x0], $0xffff;
	v0 =	vmul.f32 v2, v0  }
0x1be: {  	v2 =	vld.idx.msk [tilespmem:v1+s10+$0x0], $0xffff  }
0x1bf: {  	v15 =	vld.idx.msk [tilespmem:v10+s10+$0x0], $0xffff;
	v0 =	vadd.f32 v0, v5  }
0x1c0: {  	s18 =	sadd.s32 $0x400, s18;
	v16 =	vld.idx.msk [tilespmem:v11+s10+$0x0], $0xffff  }
0x1c1: {  	v5 =	vld [tilespmem:s20+$0xFFFFFF90];
	[tilespmem:s18+$0x0] =	vst v0  }
0x1c2: {  	v0 =	vld [tilespmem:s20+$0xFFFFFFA0]  }
0x1c3: {  	v17 =	vld [tilespmem:s20+$0xFFFFFFB0]  }
0x1c4: {  	v18 =	vld [tilespmem:s20+$0xFFFFFFC0]  }
0x1c5: {  	v19 =	vld [tilespmem:s20+$0xFFFFFFD0]  }
0x1c6: {  	v20 =	vmul.f32 v5, v2;
	v21 =	vld [tilespmem:s20+$0xFFFFFFE0]  }
0x1c7: {  	v7 =	vmul.f32 v0, v6;
	v0 =	vld [tilespmem:s20+$0xFFFFFFF0]  }
0x1c8: {  	v22 =	vld.idx.msk [tilespmem:v1+s12+$0x0], $0xffff;
	v2 =	vmul.f32 v17, v8  }
0x1c9: {  	v9 =	vld.idx.msk [tilespmem:v9+s12+$0x0], $0xffff;
	v8 =	vmul.f32 v18, v13  }
.Ltmp5:
0x1ca: {  	v1 =	vld.idx.msk [tilespmem:v12+s12+$0x0], $0xffff;
	v5 =	vmul.f32 v19, v14;
	(pc) =	sbr.rel @p0 .LBB2_12-.Ltmp5, $4  }
0x1cb: {  	v3 =	vld.idx.msk [tilespmem:v3+s12+$0x0], $0xffff;
	v6 =	vmul.f32 v21, v15  }
0x1cc: {  	v4 =	vld.idx.msk [tilespmem:v4+s12+$0x0], $0xffff;
	v0 =	vmul.f32 v0, v16  }
0x1cd: {  	v10 =	vld.idx.msk [tilespmem:v10+s12+$0x0], $0xffff  }
0x1ce: {  	s24 =	sadd.s32 $0x400, s24;
	v12 =	vadd.f32 v20, v22;
	v11 =	vld.idx.msk [tilespmem:v11+s12+$0x0], $0xffff  }
0x1cf: {  	v7 =	vadd.f32 v7, v9  }
0x1d0: {  	v1 =	vadd.f32 v2, v1;
	[tilespmem:s18+$0xFFFFFF90] =	vst v12  }
0x1d1: {  	v2 =	vadd.f32 v8, v3;
	[tilespmem:s18+$0xFFFFFFA0] =	vst v7  }
0x1d2: {  	[tilespmem:s18+$0xFFFFFFB0] =	vst v1;
	v1 =	vadd.f32 v5, v4  }
0x1d3: {  	[tilespmem:s18+$0xFFFFFFC0] =	vst v2;
	v2 =	vadd.f32 v6, v10  }
0x1d4: {  	[tilespmem:s18+$0xFFFFFFD0] =	vst v1;
	v0 =	vadd.f32 v0, v11  }
0x1d5: {  	[tilespmem:s18+$0xFFFFFFE0] =	vst v2  }
0x1d6: {  	[tilespmem:s18+$0xFFFFFFF0] =	vst v0  }
0x1d7: {  	v0 =	vld [tilespmem:s22+$0x0]  }
0x1d8: {  	v1 =	vld [tilespmem:s22+$0xFFFFFFA0]  }
0x1d9: {  	v2 =	vld [tilespmem:s22+$0xFFFFFFB0]  }
0x1da: {  	v3 =	vld [tilespmem:s22+$0xFFFFFFC0]  }
0x1db: {  	v4 =	vld [tilespmem:s22+$0xFFFFFFD0]  }
0x1dc: {  	v6 =	vld [tilespmem:s22+$0xFFFFFFE0]  }
0x1dd: {  	v11 =	vld [tilespmem:s22+$0xFFFFFFF0]  }
0x1de: {  	v5 =	vld [tilespmem:s22+$0xFFFFFF90]  }
0x1df: {  	v8 =	vld [tilespmem:s21+$0x0]  }
0x1e0: {  	v18 =	vld [tilespmem:s21+$0xFFFFFF90]  }
0x1e1: {  	v19 =	vld [tilespmem:s21+$0xFFFFFFA0]  }
0x1e2: {  	v20 =	vld [tilespmem:s21+$0xFFFFFFB0]  }
0x1e3: {  	v21 =	vld [tilespmem:s21+$0xFFFFFFC0]  }
0x1e4: {  	v22 =	vld [tilespmem:s21+$0xFFFFFFD0]  }
0x1e5: {  	v23 =	vld [tilespmem:s21+$0xFFFFFFE0]  }
0x1e6: {  	v24 =	vld [tilespmem:s21+$0xFFFFFFF0]  }
0x1e7: {  	v7 =	vld.idx.msk [tilespmem:v0+s10+$0x0], $0xffff  }
0x1e8: {  	v0 =	vld.idx.msk [tilespmem:v0+s12+$0x0], $0xffff  }
0x1e9: {  	v10 =	vld.idx.msk [tilespmem:v1+s10+$0x0], $0xffff  }
0x1ea: {  	v12 =	vld.idx.msk [tilespmem:v2+s10+$0x0], $0xffff  }
0x1eb: {  	v13 =	vld.idx.msk [tilespmem:v3+s10+$0x0], $0xffff  }
0x1ec: {  	v14 =	vld.idx.msk [tilespmem:v4+s10+$0x0], $0xffff  }
0x1ed: {  	v15 =	vld.idx.msk [tilespmem:v5+s10+$0x0], $0xffff  }
0x1ee: {  	v16 =	vld.idx.msk [tilespmem:v6+s10+$0x0], $0xffff  }
0x1ef: {  	v17 =	vld.idx.msk [tilespmem:v11+s10+$0x0], $0xffff  }
0x1f0: {  	v25 =	vld.idx.msk [tilespmem:v5+s12+$0x0], $0xffff  }
0x1f1: {  	v9 =	vld.idx.msk [tilespmem:v1+s12+$0x0], $0xffff  }
0x1f2: {  	v1 =	vld.idx.msk [tilespmem:v2+s12+$0x0], $0xffff  }
0x1f3: {  	v3 =	vld.idx.msk [tilespmem:v3+s12+$0x0], $0xffff;
	v5 =	vmul.f32 v8, v7  }
0x1f4: {  	v4 =	vld.idx.msk [tilespmem:v4+s12+$0x0], $0xffff;
	v15 =	vmul.f32 v18, v15  }
0x1f5: {  	v11 =	vld.idx.msk [tilespmem:v11+s12+$0x0], $0xffff;
	v7 =	vmul.f32 v19, v10;
	v2 =	vmul.f32 v20, v12;
	v0 =	vadd.f32 v5, v0  }
0x1f6: {  	s23 =	simm.s32 $0x0;
	s20 =	simm.s32 $0x23F0;
	v8 =	vmul.f32 v21, v13;
	v10 =	vld.idx.msk [tilespmem:v6+s12+$0x0], $0xffff;
	v6 =	vmul.f32 v23, v16  }
0x1f7: {  	s24 =	simm.s32 $0x770;
	s18 =	simm.s32 $0x43F0;
	s22 =	simm.s32 $0x3F0;
	v5 =	vmul.f32 v22, v14;
	v12 =	vadd.f32 v15, v25;
	[tilespmem:s19+$0x0] =	vst v0;
	v0 =	vmul.f32 v24, v17  }
.LBB2_14:
0x1f8: {  	v13 =	vld [tilespmem:s24+$0x0];
	s23 =	sadd.s32 $0x8, s23;
	v7 =	vadd.f32 v7, v9  }
0x1f9: {  	v1 =	vadd.f32 v2, v1;
	v9 =	vld [tilespmem:s24+$0xFFFFFFA0];
	p0 =	slt.u32 s23, $0x38;
	[tilespmem:s19+$0xFFFFFF90] =	vst v12  }
0x1fa: {  	v2 =	vadd.f32 v8, v3;
	v12 =	vld [tilespmem:s24+$0xFFFFFFB0];
	[tilespmem:s19+$0xFFFFFFA0] =	vst v7  }
0x1fb: {  	v3 =	vld [tilespmem:s24+$0xFFFFFFC0];
	[tilespmem:s19+$0xFFFFFFB0] =	vst v1;
	v1 =	vadd.f32 v5, v4  }
0x1fc: {  	v4 =	vld [tilespmem:s24+$0xFFFFFFD0];
	[tilespmem:s19+$0xFFFFFFC0] =	vst v2;
	v2 =	vadd.f32 v6, v10  }
0x1fd: {  	v0 =	vadd.f32 v0, v11;
	v10 =	vld [tilespmem:s24+$0xFFFFFFE0];
	[tilespmem:s19+$0xFFFFFFD0] =	vst v1  }
0x1fe: {  	v11 =	vld [tilespmem:s24+$0xFFFFFFF0];
	[tilespmem:s19+$0xFFFFFFE0] =	vst v2  }
0x1ff: {  	v1 =	vld [tilespmem:s24+$0xFFFFFF90];
	[tilespmem:s19+$0xFFFFFFF0] =	vst v0  }
0x200: {  	s21 =	sadd.s32 $0x400, s21;
	v0 =	vld.idx.msk [tilespmem:v13+s10+$0x0], $0xffff  }
0x201: {  	v2 =	vld [tilespmem:s21+$0x0]  }
0x202: {  	v5 =	vld.idx.msk [tilespmem:v13+s12+$0x0], $0xffff  }
0x203: {  	v6 =	vld.idx.msk [tilespmem:v9+s10+$0x0], $0xffff  }
0x204: {  	v8 =	vld.idx.msk [tilespmem:v12+s10+$0x0], $0xffff  }
0x205: {  	v13 =	vld.idx.msk [tilespmem:v3+s10+$0x0], $0xffff  }
0x206: {  	v14 =	vld.idx.msk [tilespmem:v4+s10+$0x0], $0xffff;
	v0 =	vmul.f32 v2, v0  }
0x207: {  	v2 =	vld.idx.msk [tilespmem:v1+s10+$0x0], $0xffff  }
0x208: {  	v15 =	vld.idx.msk [tilespmem:v10+s10+$0x0], $0xffff;
	v0 =	vadd.f32 v0, v5  }
0x209: {  	s19 =	sadd.s32 $0x400, s19;
	v16 =	vld.idx.msk [tilespmem:v11+s10+$0x0], $0xffff  }
0x20a: {  	v5 =	vld [tilespmem:s21+$0xFFFFFF90];
	[tilespmem:s19+$0x0] =	vst v0  }
0x20b: {  	v0 =	vld [tilespmem:s21+$0xFFFFFFA0]  }
0x20c: {  	v17 =	vld [tilespmem:s21+$0xFFFFFFB0]  }
0x20d: {  	v18 =	vld [tilespmem:s21+$0xFFFFFFC0]  }
0x20e: {  	v19 =	vld [tilespmem:s21+$0xFFFFFFD0]  }
0x20f: {  	v20 =	vmul.f32 v5, v2;
	v21 =	vld [tilespmem:s21+$0xFFFFFFE0]  }
0x210: {  	v7 =	vmul.f32 v0, v6;
	v0 =	vld [tilespmem:s21+$0xFFFFFFF0]  }
0x211: {  	v22 =	vld.idx.msk [tilespmem:v1+s12+$0x0], $0xffff;
	v2 =	vmul.f32 v17, v8  }
0x212: {  	v9 =	vld.idx.msk [tilespmem:v9+s12+$0x0], $0xffff;
	v8 =	vmul.f32 v18, v13  }
.Ltmp6:
0x213: {  	v1 =	vld.idx.msk [tilespmem:v12+s12+$0x0], $0xffff;
	v5 =	vmul.f32 v19, v14;
	(pc) =	sbr.rel @p0 .LBB2_14-.Ltmp6, $4  }
0x214: {  	v3 =	vld.idx.msk [tilespmem:v3+s12+$0x0], $0xffff;
	v6 =	vmul.f32 v21, v15  }
0x215: {  	v4 =	vld.idx.msk [tilespmem:v4+s12+$0x0], $0xffff;
	v0 =	vmul.f32 v0, v16  }
0x216: {  	v10 =	vld.idx.msk [tilespmem:v10+s12+$0x0], $0xffff  }
0x217: {  	s24 =	sadd.s32 $0x400, s24;
	v12 =	vadd.f32 v20, v22;
	v11 =	vld.idx.msk [tilespmem:v11+s12+$0x0], $0xffff  }
0x218: {  	v7 =	vadd.f32 v7, v9  }
0x219: {  	v1 =	vadd.f32 v2, v1;
	[tilespmem:s19+$0xFFFFFF90] =	vst v12  }
0x21a: {  	v2 =	vadd.f32 v8, v3;
	[tilespmem:s19+$0xFFFFFFA0] =	vst v7  }
0x21b: {  	[tilespmem:s19+$0xFFFFFFB0] =	vst v1;
	v1 =	vadd.f32 v5, v4  }
0x21c: {  	[tilespmem:s19+$0xFFFFFFC0] =	vst v2;
	v2 =	vadd.f32 v6, v10  }
0x21d: {  	[tilespmem:s19+$0xFFFFFFD0] =	vst v1;
	v0 =	vadd.f32 v0, v11  }
0x21e: {  	[tilespmem:s19+$0xFFFFFFE0] =	vst v2  }
0x21f: {  	[tilespmem:s19+$0xFFFFFFF0] =	vst v0  }
0x220: {  	v0 =	vld [tilespmem:s22+$0x0]  }
0x221: {  	v1 =	vld [tilespmem:s22+$0xFFFFFFA0]  }
0x222: {  	v2 =	vld [tilespmem:s22+$0xFFFFFFB0]  }
0x223: {  	v4 =	vld [tilespmem:s22+$0xFFFFFFC0]  }
0x224: {  	v6 =	vld [tilespmem:s22+$0xFFFFFFD0]  }
0x225: {  	v8 =	vld [tilespmem:s22+$0xFFFFFFE0]  }
0x226: {  	v11 =	vld [tilespmem:s22+$0xFFFFFFF0]  }
0x227: {  	v3 =	vld [tilespmem:s22+$0xFFFFFF90]  }
0x228: {  	v7 =	vld [tilespmem:s20+$0x0]  }
0x229: {  	v18 =	vld [tilespmem:s20+$0xFFFFFF90]  }
0x22a: {  	v19 =	vld [tilespmem:s20+$0xFFFFFFA0]  }
0x22b: {  	v20 =	vld [tilespmem:s20+$0xFFFFFFB0]  }
0x22c: {  	v21 =	vld [tilespmem:s20+$0xFFFFFFC0]  }
0x22d: {  	v22 =	vld [tilespmem:s20+$0xFFFFFFD0]  }
0x22e: {  	v23 =	vld [tilespmem:s20+$0xFFFFFFE0]  }
0x22f: {  	v24 =	vld [tilespmem:s20+$0xFFFFFFF0]  }
0x230: {  	v5 =	vld.idx.msk [tilespmem:v0+s10+$0x0], $0xffff  }
0x231: {  	v0 =	vld.idx.msk [tilespmem:v0+s12+$0x0], $0xffff  }
0x232: {  	v9 =	vld.idx.msk [tilespmem:v1+s10+$0x0], $0xffff  }
0x233: {  	v12 =	vld.idx.msk [tilespmem:v2+s10+$0x0], $0xffff  }
0x234: {  	v13 =	vld.idx.msk [tilespmem:v4+s10+$0x0], $0xffff  }
0x235: {  	v14 =	vld.idx.msk [tilespmem:v6+s10+$0x0], $0xffff  }
0x236: {  	v15 =	vld.idx.msk [tilespmem:v3+s10+$0x0], $0xffff  }
0x237: {  	v16 =	vld.idx.msk [tilespmem:v8+s10+$0x0], $0xffff  }
0x238: {  	v17 =	vld.idx.msk [tilespmem:v11+s10+$0x0], $0xffff  }
0x239: {  	v25 =	vld.idx.msk [tilespmem:v3+s12+$0x0], $0xffff  }
0x23a: {  	v10 =	vld.idx.msk [tilespmem:v1+s12+$0x0], $0xffff  }
0x23b: {  	v3 =	vld.idx.msk [tilespmem:v2+s12+$0x0], $0xffff  }
0x23c: {  	v8 =	vld.idx.msk [tilespmem:v8+s12+$0x0], $0xffff;
	v5 =	vmul.f32 v7, v5  }
0x23d: {  	v15 =	vmul.f32 v18, v15;
	v7 =	vld.idx.msk [tilespmem:v6+s12+$0x0], $0xffff  }
0x23e: {  	v9 =	vmul.f32 v19, v9;
	v6 =	vmul.f32 v21, v13;
	v0 =	vadd.f32 v5, v0;
	v5 =	vld.idx.msk [tilespmem:v4+s12+$0x0], $0xffff  }
0x23f: {  	v11 =	vld.idx.msk [tilespmem:v11+s12+$0x0], $0xffff;
	v1 =	vmul.f32 v22, v14;
	v2 =	vmul.f32 v23, v16  }
0x240: {  	s21 =	simm.s32 $0x7F0;
	s19 =	simm.s32 $0x0;
	v4 =	vmul.f32 v20, v12;
	v12 =	vadd.f32 v15, v25;
	[tilespmem:s18+$0x0] =	vst v0;
	v0 =	vmul.f32 v24, v17  }
.LBB2_16:
0x241: {  	v13 =	vld [tilespmem:s21+$0x0];
	s19 =	sadd.s32 $0x8, s19;
	v9 =	vadd.f32 v9, v10  }
0x242: {  	v3 =	vadd.f32 v4, v3;
	v10 =	vld [tilespmem:s21+$0xFFFFFFA0];
	p0 =	slt.u32 s19, $0x38;
	[tilespmem:s18+$0xFFFFFF90] =	vst v12  }
0x243: {  	v4 =	vadd.f32 v6, v5;
	v12 =	vld [tilespmem:s21+$0xFFFFFFB0];
	[tilespmem:s18+$0xFFFFFFA0] =	vst v9  }
0x244: {  	v1 =	vadd.f32 v1, v7;
	v5 =	vld [tilespmem:s21+$0xFFFFFFC0];
	[tilespmem:s18+$0xFFFFFFB0] =	vst v3  }
0x245: {  	v2 =	vadd.f32 v2, v8;
	v7 =	vld [tilespmem:s21+$0xFFFFFFD0];
	[tilespmem:s18+$0xFFFFFFC0] =	vst v4  }
0x246: {  	v0 =	vadd.f32 v0, v11;
	v8 =	vld [tilespmem:s21+$0xFFFFFFE0];
	[tilespmem:s18+$0xFFFFFFD0] =	vst v1  }
0x247: {  	v11 =	vld [tilespmem:s21+$0xFFFFFFF0];
	[tilespmem:s18+$0xFFFFFFE0] =	vst v2  }
0x248: {  	v1 =	vld [tilespmem:s21+$0xFFFFFF90];
	[tilespmem:s18+$0xFFFFFFF0] =	vst v0  }
0x249: {  	s20 =	sadd.s32 $0x400, s20;
	v0 =	vld.idx.msk [tilespmem:v13+s10+$0x0], $0xffff  }
0x24a: {  	v2 =	vld [tilespmem:s20+$0x0]  }
0x24b: {  	v3 =	vld.idx.msk [tilespmem:v13+s12+$0x0], $0xffff  }
0x24c: {  	v4 =	vld.idx.msk [tilespmem:v10+s10+$0x0], $0xffff  }
0x24d: {  	v6 =	vld.idx.msk [tilespmem:v12+s10+$0x0], $0xffff  }
0x24e: {  	v13 =	vld.idx.msk [tilespmem:v5+s10+$0x0], $0xffff  }
0x24f: {  	v14 =	vld.idx.msk [tilespmem:v7+s10+$0x0], $0xffff;
	v0 =	vmul.f32 v2, v0  }
0x250: {  	v2 =	vld.idx.msk [tilespmem:v1+s10+$0x0], $0xffff  }
0x251: {  	v15 =	vld.idx.msk [tilespmem:v8+s10+$0x0], $0xffff;
	v0 =	vadd.f32 v0, v3  }
0x252: {  	s18 =	sadd.s32 $0x400, s18;
	v16 =	vld.idx.msk [tilespmem:v11+s10+$0x0], $0xffff  }
0x253: {  	v3 =	vld [tilespmem:s20+$0xFFFFFF90];
	[tilespmem:s18+$0x0] =	vst v0  }
0x254: {  	v0 =	vld [tilespmem:s20+$0xFFFFFFA0]  }
0x255: {  	v17 =	vld [tilespmem:s20+$0xFFFFFFB0]  }
0x256: {  	v18 =	vld [tilespmem:s20+$0xFFFFFFC0]  }
0x257: {  	v19 =	vld [tilespmem:s20+$0xFFFFFFD0]  }
0x258: {  	v20 =	vmul.f32 v3, v2;
	v2 =	vld [tilespmem:s20+$0xFFFFFFE0]  }
0x259: {  	v9 =	vmul.f32 v0, v4;
	v0 =	vld [tilespmem:s20+$0xFFFFFFF0]  }
0x25a: {  	v21 =	vld.idx.msk [tilespmem:v1+s12+$0x0], $0xffff;
	v4 =	vmul.f32 v17, v6  }
0x25b: {  	v10 =	vld.idx.msk [tilespmem:v10+s12+$0x0], $0xffff;
	v6 =	vmul.f32 v18, v13  }
.Ltmp7:
0x25c: {  	v3 =	vld.idx.msk [tilespmem:v12+s12+$0x0], $0xffff;
	v1 =	vmul.f32 v19, v14;
	(pc) =	sbr.rel @p0 .LBB2_16-.Ltmp7, $4  }
0x25d: {  	v5 =	vld.idx.msk [tilespmem:v5+s12+$0x0], $0xffff;
	v2 =	vmul.f32 v2, v15  }
0x25e: {  	v7 =	vld.idx.msk [tilespmem:v7+s12+$0x0], $0xffff;
	v0 =	vmul.f32 v0, v16  }
0x25f: {  	v8 =	vld.idx.msk [tilespmem:v8+s12+$0x0], $0xffff  }
0x260: {  	s21 =	sadd.s32 $0x400, s21;
	v12 =	vadd.f32 v20, v21;
	v11 =	vld.idx.msk [tilespmem:v11+s12+$0x0], $0xffff  }
0x261: {  	v9 =	vadd.f32 v9, v10  }
0x262: {  	v3 =	vadd.f32 v4, v3;
	[tilespmem:s18+$0xFFFFFF90] =	vst v12  }
0x263: {  	v63 =	vadd.f32 v6, v5;
	[tilespmem:s18+$0xFFFFFFA0] =	vst v9  }
0x264: {  	[tilespmem:s18+$0xFFFFFFB0] =	vst v3;
	v1 =	vadd.f32 v1, v7  }
0x265: {  	[tilespmem:s18+$0xFFFFFFC0] =	vst v63;
	v2 =	vadd.f32 v2, v8  }
0x266: {  	s17 =	sadd.s32 $0x1, s17;
	[tilespmem:s18+$0xFFFFFFD0] =	vst v1;
	v0 =	vadd.f32 v0, v11  }
0x267: {  	p0 =	sne.s32 s17, s8;
	[tilespmem:s18+$0xFFFFFFE0] =	vst v2  }
.Ltmp8:
0x268: {  	[tilespmem:s18+$0xFFFFFFF0] =	vst v0;
	(pc) =	sbr.rel @p0 .LBB2_1-.Ltmp8, $4  }
0x269: {  	[hbm4b:s7+s2] =	stream.linear.scatter [tilespmem:s15], [sflag:$0x3], $0x2000, $0x38;
	[tilespmem:$0x6100] =	vst v63  }
0x26a: {  	_ =	swait.ge [sflag:s16], $0x2000  }
0x26b: {  	[sflag:s16] =	ssyncset.done $0x0  }
0x26c: {  	[sflag:s16] =	ssyncadd.s32 $0xFFFFE000  }
0x26d: {  	_ =	sfence.sel $0x180000  }
0x26e: {  	[bflag:$0x0] =	sbarrier.arrive $0xFFFF  }
0x26f: {  	p0 =	sne.s32 s1, $0x0;
	_ =	strace $0x90000047  }
0x270: {  	s0 =	sadd.s32 @!p0 $0x100000, s0;
	[bflag:$0x2] =	sbarrier.arrive $0xFFFF  }
0x271: {  	[sflag:s0] =	ssyncadd.tile.s32 @!p0 $0x1;
	_ =	shalt  }
.Lfunc_end2:
_tile_overlayer_lowered:
.L_overlay_start_2:
0x272: {  	(tag) =	ssettag $0x2  }
0x273: {  	s0 =	rddreg [dreg:$0x0];
	s2 =	stileid.u32  }
0x274: {  	s1 =	rddreg [dreg:$0x1];
	p0 =	sne.s32 s2, $0x0  }
0x275: {  	s3 =	rddreg [dreg:$0x2];
	[bflag:$0x3] =	sbarrier.arrive $0xFFFF;
	s2 =	simm.s32 @!p0 $0x1C04  }
0x276: {  	[timem:s3], [sflag:s2] =	dma.local @!p0 [hbm:s0], s1  }
0x277: {  	s0 =	simm.s32 @!p0 $0x4  }
0x278: {  	_ =	swait.ge @!p0 [sflag:s0], s1  }
0x279: {  	s1 =	ssub.s32 @!p0 $0x0, s1;
	[sflag:s0] =	ssyncset.done @!p0 $0x0  }
0x27a: {  	[sflag:s0] =	ssyncadd.s32 @!p0 s1  }
0x27b: {  	[bflag:$0x3] =	sbarrier.arrive $0xFFFF  }
0x27c: {  	_ =	shalt  }

// kernel: kernel.9.cloned.1.call-start
scs
__scs_entry_jumppad:
0x0: {  	(pc) =	sbr.rel $0x88, $3  }
0x1: {  	(tag) =	ssettag $0x0;
	lr =	simm.s32 $0x1  }
0x2: {  	[smem:$0x3F9B] =	sst lr;
	_ =	strace $0xD0000000  }
0x3: {  	_ = 	snop  }
0x4: {  	_ = 	snop  }
0x5: {  	_ = 	snop  }
0x6: {  	_ = 	snop  }
0x7: {  	_ = 	snop  }
__scs_overlays_trampoline_lowered:
0x8: {  	[smem:$0x3FAA] =	sst s0  }
0x9: {  	[smem:$0x3FAB] =	sst s1  }
0xa: {  	[smem:$0x3FAC] =	sst s2  }
0xb: {  	[smem:$0x3FAD] =	sst s3  }
0xc: {  	[smem:$0x3FAE] =	sst s4  }
0xd: {  	[smem:$0x3FAF] =	sst s5  }
0xe: {  	[smem:$0x3FB0] =	sst s6  }
0xf: {  	[smem:$0x3FB1] =	sst s7  }
0x10: {  	[smem:$0x3FB2] =	sst s8  }
0x11: {  	[smem:$0x3FB3] =	sst s9;
	s0 =	simm.s32 @!p0 $0x0  }
0x12: {  	s1 =	sld [smem:$0x3F99];
	s0 =	simm.s32 @p0 $0x1  }
0x13: {  	[smem:$0x3FB4] =	sst s0;
	s0 =	simm.s32 @!p1 $0x0  }
0x14: {  	s2 =	sld [smem:$0x3F98];
	s0 =	simm.s32 @p1 $0x1  }
0x15: {  	[smem:$0x3FB5] =	sst s0;
	s0 =	simm.s32 @!p2 $0x0  }
0x16: {  	s3 =	sld [smem:$0x3FDB];
	s0 =	simm.s32 @p2 $0x1  }
0x17: {  	s4 =	simm.s32 $0x1BF5;
	[smem:$0x3FB7] =	sst s0  }
0x18: {  	s0 =	sld [smem:$0x3F9A];
	_ =	swait.ge [sflag:s4], $0x0  }
0x19: {  	s7 =	sld [smem:$0x3F9B]  }
0x1a: {  	s8 =	sadd.s32 $0xFFFFE003, lr  }
0x1b: {  	s9 =	sadd.s32 $0xFFFFFEF7, lr;
	s5 =	simm.s32 $0xFFFFFFFF;
	p2 =	slt.u32 s8, $0xFFFFF086  }
0x1c: {  	p1 =	slt.u32 s9, $0xF7A;
	s5 =	simm.s32 @!p2 $0x0  }
0x1d: {  	s5 =	simm.s32 @p1 $0x1;
	p0 =	seq.s32 s7, s2  }
0x1e: {  	s7 =	smul.u32 @!p0 $0xF7A, s2;
	p2 =	seq.s32 @!p0 s5, $0x0  }
0x1f: {  	s9 =	smul.u32 $0xF7A, s1;
	s8 =	simm.s32 @!p0 $0x1BF5;
	p2 =	por !p2, p0  }
0x20: {  	[sflag:s8] =	ssyncset.s32 @!p0 $0xFFFFF086;
	s6 =	sadd.s32 @!p0 s3, s7;
	s7 =	simm.s32 @!p0 $0x108  }
0x21: {  	s3 =	sadd.s32 s3, s9;
	s6 =	sadd.s32 @!p0 $0x88, s6;
	s7 =	simm.s32 @p2 $0x1082  }
0x22: {  	[simem:s7], [sflag:s8] =	dma.local @!p0 [hbm:s6], $0xF7A  }
0x23: {  	s9 =	sor.u32 $0xD0000000, s2;
	s6 =	simm.s32 $0x108;
	_ =	swait.ge @!p0 [sflag:s8], $0x0  }
0x24: {  	s3 =	sadd.s32 $0x88, s3;
	s6 =	simm.s32 @!p1 $0x1082;
	[sflag:s4] =	ssyncset.s32 $0xFFFFF086  }
0x25: {  	[simem:s6], [sflag:s4] =	dma.local [hbm:s3], $0xF7A  }
0x26: {  	[smem:$0x3F9B] =	sst s1;
	(tag) =	ssettag s2;
	_ =	strace s9  }
0x27: {  	s1 =	sld [smem:$0x3FAB]  }
0x28: {  	s2 =	sld [smem:$0x3FAC]  }
0x29: {  	s4 =	sld [smem:$0x3FAE]  }
0x2a: {  	p0 =	seq.s32 s5, $0x0;
	s5 =	sld [smem:$0x3FAF]  }
0x2b: {  	s6 =	sld [smem:$0x3FB0]  }
0x2c: {  	s7 =	sld [smem:$0x3FB1]  }
0x2d: {  	s3 =	simm.s32 $0x108;
	s8 =	sld [smem:$0x3FB2]  }
0x2e: {  	s3 =	simm.s32 @!p0 $0x1082;
	s9 =	sld [smem:$0x3FB3]  }
0x2f: {  	lr =	sadd.s32 s0, s3;
	s0 =	sld [smem:$0x3FAA]  }
0x30: {  	s3 =	sld [smem:$0x3FAD]  }
0x31: {  	[smem:$0x3FB6] =	sst s10  }
0x32: {  	s10 =	sld [smem:$0x3FB4];
	_ =	sdelay $0x3  }
0x33: {  	p0 =	seq.s32 s10, $0x1;
	s10 =	sld [smem:$0x3FB6];
	_ =	sdelay $0x3  }
0x34: {  	[smem:$0x3FB6] =	sst s10  }
0x35: {  	s10 =	sld [smem:$0x3FB5];
	_ =	sdelay $0x3  }
0x36: {  	p1 =	seq.s32 s10, $0x1;
	s10 =	sld [smem:$0x3FB6];
	_ =	sdelay $0x3  }
0x37: {  	[smem:$0x3FB6] =	sst s10  }
0x38: {  	s10 =	sld [smem:$0x3FB7]  }
0x39: {  	_ = 	snop;
	(pc) =	sbr.ind lr, $3  }
0x3a: {  	_ = 	snop  }
0x3b: {  	_ = 	snop  }
0x3c: {  	p2 =	seq.s32 s10, $0x1;
	s10 =	sld [smem:$0x3FB6]  }
0x3d: {  	_ =	shalt  }
0x3e: {  	_ =	shalt  }
0x3f: {  	_ =	shalt  }
0x40: {  	_ =	shalt  }
0x41: {  	_ =	shalt  }
0x42: {  	_ =	shalt  }
0x43: {  	_ =	shalt  }
0x44: {  	_ =	shalt  }
0x45: {  	_ =	shalt  }
0x46: {  	_ =	shalt  }
0x47: {  	_ =	shalt  }
0x48: {  	_ =	shalt  }
0x49: {  	_ =	shalt  }
0x4a: {  	_ =	shalt  }
0x4b: {  	_ =	shalt  }
0x4c: {  	_ =	shalt  }
0x4d: {  	_ =	shalt  }
0x4e: {  	_ =	shalt  }
0x4f: {  	_ =	shalt  }
0x50: {  	_ =	shalt  }
0x51: {  	_ =	shalt  }
0x52: {  	_ =	shalt  }
0x53: {  	_ =	shalt  }
0x54: {  	_ =	shalt  }
0x55: {  	_ =	shalt  }
0x56: {  	_ =	shalt  }
0x57: {  	_ =	shalt  }
0x58: {  	_ =	shalt  }
0x59: {  	_ =	shalt  }
0x5a: {  	_ =	shalt  }
0x5b: {  	_ =	shalt  }
0x5c: {  	_ =	shalt  }
0x5d: {  	_ =	shalt  }
0x5e: {  	_ =	shalt  }
0x5f: {  	_ =	shalt  }
0x60: {  	_ =	shalt  }
0x61: {  	_ =	shalt  }
0x62: {  	_ =	shalt  }
0x63: {  	_ =	shalt  }
0x64: {  	_ =	shalt  }
0x65: {  	_ =	shalt  }
0x66: {  	_ =	shalt  }
0x67: {  	_ =	shalt  }
0x68: {  	_ =	shalt  }
0x69: {  	_ =	shalt  }
0x6a: {  	_ =	shalt  }
0x6b: {  	_ =	shalt  }
0x6c: {  	_ =	shalt  }
0x6d: {  	_ =	shalt  }
0x6e: {  	_ =	shalt  }
0x6f: {  	_ =	shalt  }
0x70: {  	_ =	shalt  }
0x71: {  	_ =	shalt  }
0x72: {  	_ =	shalt  }
0x73: {  	_ =	shalt  }
0x74: {  	_ =	shalt  }
0x75: {  	_ =	shalt  }
0x76: {  	_ =	shalt  }
0x77: {  	_ =	shalt  }
0x78: {  	_ =	shalt  }
0x79: {  	_ =	shalt  }
0x7a: {  	_ =	shalt  }
0x7b: {  	_ =	shalt  }
0x7c: {  	_ =	shalt  }
0x7d: {  	_ =	shalt  }
0x7e: {  	_ =	shalt  }
0x7f: {  	_ =	shalt  }
0x80: {  	_ =	shalt  }
0x81: {  	_ =	shalt  }
0x82: {  	_ =	shalt  }
0x83: {  	_ =	shalt  }
0x84: {  	_ =	shalt  }
0x85: {  	_ =	shalt  }
0x86: {  	_ =	shalt  }
0x87: {  	_ =	shalt  }
.Lfunc_end0:
.L_simem_size_0:
called_computation.1_lowered:
.L_overlay_start_0:
0x88: {  	s2 =	sld [smem:$0x3FD9]  }
0x89: {  	s3 =	sld [smem:$0x3FFE];
	_ =	sdelay $0x1  }
0x8a: {  	s1 =	srdreg.scid  }
0x8b: {  	s0 =	sand.u32 $0x1, s1  }
0x8c: {  	s17 =	sshll.u32 s0, $0xA;
	s2 =	sadd.s32 s3, s2  }
0x8d: {  	s2 =	sadd.s32 s2, s17  }
0x8e: {  	[smem:$0x3FC2] =	sst s2  }
0x8f: {  	_ = 	snop  }
0x90: {  	s18 =	sld [smem:$0x3FC9]  }
0x91: {  	s4 =	sld [smem:$0x3FC8];
	(tm) =	ssettm $0x1  }
0x92: {  	s19 =	sld [smem:$0x3FFB];
	_ =	sdelay $0x3  }
0x93: {  	_ =	strace s19  }
0x94: {  	s2 =	sld [smem:$0x3FFC];
	_ =	sdelay $0x3  }
0x95: {  	_ =	strace s2  }
0x96: {  	s2 =	sld [smem:$0x3FFD];
	_ =	sdelay $0x3  }
0x97: {  	_ =	strace s2  }
0x98: {  	_ =	strace $0x8FFFFFFF  }
0x99: {  	s20 =	sld [smem:$0x3FDB];
	_ =	sdelay $0x1  }
0x9a: {  	s5 =	simm.s32 $_scs_section_size  }
0x9b: {  	s6 =	simm.s32 $_size__tile_overlayer_lowered;
	s7 =	simm.s32 $_tile_overlayer_lowered  }
0x9c: {  	s8 =	simm.s32 $0x1BFF;
	s21 =	sshll.u32 s7, $0x1;
	s5 =	sadd.s32 s5, s20  }
0x9d: {  	s22 =	simm.s32 $0x0;
	s6 =	sshll.u32 s6, $0x1;
	s7 =	sadd.s32 s21, s5  }
0x9e: {  	[timem:s22], [sflag:s8] =	dma.local [hbm:s7], s6  }
0x9f: {  	_ =	swait.ge [sflag:s8], s6  }
0xa0: {  	s6 =	ssub.s32 $0x0, s6;
	[sflag:s8] =	ssyncset.done $0x0  }
0xa1: {  	[sflag:s8] =	ssyncadd.s32 s6;
	_ =	sdelay $0x1  }
0xa2: {  	s23 =	simm.s32 $0x1B8B  }
0xa3: {  	_ =	swait.ge [sflag:s23], $0x1  }
0xa4: {  	[sflag:s23] =	ssyncset.done $0x0  }
0xa5: {  	[sflag:s23] =	ssyncadd.s32 $0xFFFFFFFF  }
0xa6: {  	s6 =	sld [smem:$0x0]  }
0xa7: {  	s7 =	sand.u32 $0xFFFFFFFE, s1  }
0xa8: {  	p0 =	sne.s32 s1, s7  }
0xa9: {  	s7 =	sshll.u32 @p0 s7, $0xE  }
0xaa: {  	s7 =	sadd.s32 @p0 $0x11B8D, s7;
	s8 =	sshll.u32 @p0 s6, $0x11  }
0xab: {  	s7 =	sor.u32 @p0 s8, s7  }
0xac: {  	[sflag:s7] =	ssyncadd.remote.s32 @p0 $0x1;
	_ =	sdelay $0x1  }
0xad: {  	s7 =	simm.s32 @p0 $0x1B8D  }
0xae: {  	_ =	swait.eq @p0 [sflag:s7], $0x1  }
0xaf: {  	[sflag:s7] =	ssyncadd.s32 @p0 $0xFFFFFFFF  }
0xb0: {  	s8 =	sshll.u32 @!p0 s1, $0xE  }
0xb1: {  	s8 =	sor.u32 @!p0 $0x4000, s8;
	s7 =	simm.s32 @!p0 $0x1B8D  }
0xb2: {  	s6 =	sshll.u32 @!p0 s6, $0x11;
	s8 =	sadd.s32 @!p0 $0x11B8D, s8;
	_ =	swait.eq @!p0 [sflag:s7], $0x1  }
0xb3: {  	s6 =	sor.u32 @!p0 s6, s8;
	[sflag:s7] =	ssyncadd.s32 @!p0 $0xFFFFFFFF  }
0xb4: {  	s25 =	simm.s32 $0x1B8E;
	s24 =	sld [smem:$0x3FFE];
	[sflag:s6] =	ssyncadd.remote.s32 @!p0 $0x1  }
0xb5: {  	s26 =	simm.s32 $execute0_lowered;
	[smem:$0x3FD2] =	sst s25  }
0xb6: {  	s7 =	sshll.u32 s26, $0x1;
	_ =	strace $0x80000049;
	[dreg:$0x1] =	wrdreg $0xFFFFFFFF  }
0xb7: {  	s28 =	simm.s32 $_size_execute0_lowered;
	s5 =	sadd.s32 s5, s7;
	[dreg:$0x0] =	wrdreg $0x0  }
0xb8: {  	s7 =	sshll.u32 s28, $0x1;
	[dreg:$0x2] =	wrdreg s5  }
0xb9: {  	[dreg:$0x3] =	wrdreg s7  }
0xba: {  	[dreg:$0x4] =	wrdreg $0xC0  }
0xbb: {  	_ =	task [dreg:s22], $0x5FFFF  }
0xbc: {  	[dreg:$0x1] =	wrdreg $0xFFFFFFFF  }
0xbd: {  	[dreg:$0x0] =	wrdreg $0x60  }
0xbe: {  	[dreg:$0x2] =	wrdreg s18  }
0xbf: {  	[dreg:$0x3] =	wrdreg s4  }
0xc0: {  	[dreg:$0x4] =	wrdreg s24  }
0xc1: {  	[dreg:$0x5] =	wrdreg $0xA  }
0xc2: {  	_ =	task.clear_ibuf [dreg:s22], $0x6FFFF;
	_ =	strace $0x90000049  }
0xc3: {  	s29 =	simm.s32 $0xA;
	_ =	strace $0x8000004B  }
0xc4: {  	_ =	swait.ge [sflag:s29], $0x1  }
0xc5: {  	[sflag:s29] =	ssyncadd.s32 $0xFFFFFFFF  }
0xc6: {  	_ =	strace $0x9000004B  }
0xc7: {  	_ =	sfence  }
0xc8: {  	s30 =	sld [smem:$0x0];
	_ =	sdelay $0x2  }
0xc9: {  	s31 =	sshll.u32 s1, $0xD;
	s1 =	sshrl.u32 s1, $0x2  }
0xca: {  	s4 =	sand.u32 $0x4000, s31;
	s1 =	sadd.s32 s1, s30  }
0xcb: {  	s0 =	sor.u32 s4, s0;
	s1 =	sshll.u32 s1, $0x11  }
0xcc: {  	s0 =	sor.u32 s1, s0  }
0xcd: {  	s0 =	sadd.s32 $0x8F2B, s0  }
0xce: {  	[sflag:s0] =	ssyncadd.remote.s32 $0x1  }
0xcf: {  	_ =	sfence.sel $0xFFFF  }
0xd0: {  	[dreg:$0x0] =	wrdreg $0xFFFFFFFF;
	(pc) =	sbr.abs _section_cstart, $3  }
0xd1: {  	[dreg:$0x1] =	wrdreg $0xFFFFFFFF  }
0xd2: {  	_ =	task.clear_ibuf [dreg:s22], $0x2FFFF;
	_ =	strace $0x9FFFFFFF  }
0xd3: {  	(tm) =	ssettm $0x7FFFFFFF  }
tec
execute0_lowered:
.L_overlay_start_1:
0x0: {  	(tag) =	ssettag $0x1  }
0x1: {  	s0 =	rddreg [dreg:$0x0]  }
0x2: {  	s1 =	rddreg [dreg:$0x1];
	s2 =	srdreg.scid  }
0x3: {  	s3 =	stileid.u32;
	s5 =	rddreg [dreg:$0x2];
	s19 =	simm.s32 $0x4000  }
0x4: {  	s20 =	simm.s32 $0x12000;
	s21 =	simm.s32 $0x4;
	s22 =	simm.s32 $0x12080  }
0x5: {  	s23 =	simm.s32 $0x1;
	s24 =	simm.s32 $0x2;
	s28 =	simm.s32 $0x10000  }
0x6: {  	s29 =	simm.s32 $0x3;
	s30 =	simm.s32 $0x0;
	s6 =	sand.u32 $0x1, s2  }
0x7: {  	s3 =	sshll.u32 s3, $0x1;
	s2 =	simm.s32 $0x0;
	s4 =	sadd.s32 $0x1200, s5  }
0x8: {  	s13 =	sadd.s32 $0x1400, s5;
	s7 =	sor.u32 s6, s3;
	[smem:$0x7FF] =	sst s2  }
0x9: {  	s3 =	sadd.s32 $0x1000, s5;
	s6 =	ssub.s32 $0x2, s6;
	s8 =	smul.u32 $0x6000, s7  }
0xa: {  	_ =	strace $0x8000004A;
	s25 =	sshrl.u32 s6, $0x1;
	s11 =	smul.u32 $0xC00, s7  }
0xb: {  	s14 =	ssub.s32 s6, s25;
	s25 =	simm.s32 $0xC000;
	s12 =	sshrl.u32 s8, $0x3  }
0xc: {  	s11 =	sadd.s32 s13, s11;
	s14 =	smax.u32 s14, $0x1;
	s8 =	sadd.s32 $0x8000, s12  }
0xd: {  	s26 =	sadd.s32 $0x8400, s12;
	s10 =	sadd.s32 $0x8800, s12;
	s31 =	sadd.s32 s13, s12  }
0xe: {  	s5 =	sadd.s32 s0, s8;
	s6 =	sadd.s32 s1, s8;
	s7 =	sadd.s32 s0, s26  }
0xf: {  	s8 =	sadd.s32 s1, s26;
	s9 =	sadd.s32 s0, s10;
	s10 =	sadd.s32 s1, s10  }
0x10: {  	s12 =	sadd.s32 $0x400, s31;
	s13 =	sadd.s32 $0x800, s31;
	s26 =	simm.s32 $0xE000  }
.LBB2_1:
0x11: {  	s0 =	simm.s32 $0x6000  }
0x12: {  	[tilespmem:s0], [sflag:$0x1] =	stream.linear.gather [hbm4b:s5+s2], $0x2000, $0x38;
	[tilespmem:$0x12100] =	vst v63  }
0x13: {  	_ = 	snop  }
0x14: {  	[tilespmem:s2], [sflag:$0x2] =	stream.linear.gather [hbm4b:s6+s2], $0x2000, $0x38;
	[tilespmem:$0x12100] =	vst v63  }
0x15: {  	s15 =	simm.s32 $0x8000  }
0x16: {  	[tilespmem:s15], [sflag:$0x1] =	stream.linear.gather [hbm4b:s7+s2], $0x2000, $0x38;
	[tilespmem:$0x12100] =	vst v63  }
0x17: {  	s16 =	simm.s32 $0x2000  }
0x18: {  	[tilespmem:s16], [sflag:$0x2] =	stream.linear.gather [hbm4b:s8+s2], $0x2000, $0x38;
	[tilespmem:$0x12100] =	vst v63  }
0x19: {  	s17 =	simm.s32 $0xA000  }
0x1a: {  	[tilespmem:s17], [sflag:$0x1] =	stream.linear.gather [hbm4b:s9+s2], $0x2000, $0x38;
	[tilespmem:$0x12100] =	vst v63  }
0x1b: {  	_ = 	snop  }
0x1c: {  	[tilespmem:s19], [sflag:$0x2] =	stream.linear.gather [hbm4b:s10+s2], $0x2000, $0x38;
	[tilespmem:$0x12100] =	vst v63  }
0x1d: {  	_ = 	snop  }
0x1e: {  	[tilespmem:s20], [sflag:$0x4] =	stream.linear.gather [hbm4b:s3+s2], $0x80, $0x38;
	[tilespmem:$0x12100] =	vst v63  }
0x1f: {  	_ =	swait.ge [sflag:s21], $0x80  }
0x20: {  	[sflag:s21] =	ssyncset.done $0x0  }
0x21: {  	[sflag:s21] =	ssyncadd.s32 $0xFFFFFF80  }
0x22: {  	[tilespmem:s22], [sflag:$0x4] =	stream.linear.gather [hbm4b:s4+s2], $0x80, $0x38;
	[tilespmem:$0x12100] =	vst v63  }
0x23: {  	_ =	swait.ge [sflag:s21], $0x80  }
0x24: {  	[sflag:s21] =	ssyncset.done $0x0  }
0x25: {  	[sflag:s21] =	ssyncadd.s32 $0xFFFFFF80  }
0x26: {  	_ =	swait.ge [sflag:s23], $0x2000  }
0x27: {  	[sflag:s23] =	ssyncset.done $0x0  }
0x28: {  	[sflag:s23] =	ssyncadd.s32 $0xFFFFE000  }
0x29: {  	_ =	swait.ge [sflag:s24], $0x2000  }
0x2a: {  	[sflag:s24] =	ssyncset.done $0x0  }
0x2b: {  	s18 =	simm.s32 $0x40;
	[sflag:s24] =	ssyncadd.s32 $0xFFFFE000  }
0x2c: {  	v0 =	vld [tilespmem:s18+$0x30]  }
0x2d: {  	v1 =	vld [tilespmem:s18+$0xFFFFFFD0]  }
0x2e: {  	v2 =	vld [tilespmem:s18+$0xFFFFFFE0]  }
0x2f: {  	v3 =	vld [tilespmem:s18+$0xFFFFFFF0]  }
0x30: {  	v4 =	vld [tilespmem:s18+$0x0]  }
0x31: {  	v7 =	vld [tilespmem:s18+$0x10]  }
0x32: {  	v11 =	vld [tilespmem:s18+$0x20]  }
0x33: {  	s1 =	simm.s32 $0x6040;
	v5 =	vld [tilespmem:s18+$0xFFFFFFC0]  }
0x34: {  	v8 =	vld [tilespmem:s1+$0x30]  }
0x35: {  	v18 =	vld [tilespmem:s1+$0xFFFFFFC0]  }
0x36: {  	v19 =	vld [tilespmem:s1+$0xFFFFFFD0]  }
0x37: {  	v20 =	vld [tilespmem:s1+$0xFFFFFFE0]  }
0x38: {  	v21 =	vld [tilespmem:s1+$0xFFFFFFF0]  }
0x39: {  	v22 =	vld [tilespmem:s1+$0x0]  }
0x3a: {  	v23 =	vld [tilespmem:s1+$0x10]  }
0x3b: {  	v24 =	vld [tilespmem:s1+$0x20]  }
0x3c: {  	v6 =	vld.idx.msk [tilespmem:v0+s20+$0x0], $0xffff  }
0x3d: {  	v9 =	vld.idx.msk [tilespmem:v0+s22+$0x0], $0xffff  }
0x3e: {  	v10 =	vld.idx.msk [tilespmem:v1+s20+$0x0], $0xffff  }
0x3f: {  	v12 =	vld.idx.msk [tilespmem:v2+s20+$0x0], $0xffff  }
0x40: {  	v13 =	vld.idx.msk [tilespmem:v3+s20+$0x0], $0xffff  }
0x41: {  	v14 =	vld.idx.msk [tilespmem:v4+s20+$0x0], $0xffff  }
0x42: {  	v15 =	vld.idx.msk [tilespmem:v5+s20+$0x0], $0xffff  }
0x43: {  	v16 =	vld.idx.msk [tilespmem:v7+s20+$0x0], $0xffff  }
0x44: {  	v17 =	vld.idx.msk [tilespmem:v11+s20+$0x0], $0xffff  }
0x45: {  	v25 =	vld.idx.msk [tilespmem:v5+s22+$0x0], $0xffff  }
0x46: {  	v0 =	vld.idx.msk [tilespmem:v2+s22+$0x0], $0xffff  }
0x47: {  	v2 =	vld.idx.msk [tilespmem:v3+s22+$0x0], $0xffff  }
0x48: {  	v5 =	vmul.f32 v8, v6;
	v8 =	vld.idx.msk [tilespmem:v1+s22+$0x0], $0xffff  }
0x49: {  	v4 =	vld.idx.msk [tilespmem:v4+s22+$0x0], $0xffff;
	v15 =	vmul.f32 v18, v15  }
0x4a: {  	v11 =	vld.idx.msk [tilespmem:v11+s22+$0x0], $0xffff;
	v6 =	vmul.f32 v19, v10;
	v1 =	vmul.f32 v20, v12;
	v5 =	vadd.f32 v5, v9  }
0x4b: {  	s31 =	simm.s32 $0xC0F0;
	s0 =	simm.s32 $0x60F0;
	s15 =	simm.s32 $0xC040;
	v10 =	vld.idx.msk [tilespmem:v7+s22+$0x0], $0xffff;
	v7 =	vmul.f32 v23, v16;
	v3 =	vmul.f32 v24, v17  }
0x4c: {  	s16 =	simm.s32 $0xF0;
	s17 =	simm.s32 $0x0;
	s18 =	simm.s32 $0x440;
	v9 =	vmul.f32 v21, v13;
	v12 =	vadd.f32 v15, v25;
	[tilespmem:s15+$0x30] =	vst v5;
	v5 =	vmul.f32 v22, v14  }
.LBB2_2:
0x4d: {  	v13 =	vld [tilespmem:s18+$0x30];
	s17 =	sadd.s32 $0x8, s17;
	v6 =	vadd.f32 v6, v8  }
0x4e: {  	v0 =	vadd.f32 v1, v0;
	v8 =	vld [tilespmem:s18+$0xFFFFFFD0];
	p0 =	slt.u32 s17, $0x38;
	[tilespmem:s15+$0xFFFFFFC0] =	vst v12  }
0x4f: {  	v1 =	vadd.f32 v9, v2;
	v12 =	vld [tilespmem:s18+$0xFFFFFFE0];
	[tilespmem:s15+$0xFFFFFFD0] =	vst v6  }
0x50: {  	v2 =	vld [tilespmem:s18+$0xFFFFFFF0];
	[tilespmem:s15+$0xFFFFFFE0] =	vst v0;
	v0 =	vadd.f32 v5, v4  }
0x51: {  	v4 =	vld [tilespmem:s18+$0x0];
	[tilespmem:s15+$0xFFFFFFF0] =	vst v1;
	v1 =	vadd.f32 v7, v10  }
0x52: {  	v10 =	vld [tilespmem:s18+$0x10];
	[tilespmem:s15+$0x0] =	vst v0;
	v0 =	vadd.f32 v3, v11  }
0x53: {  	v11 =	vld [tilespmem:s18+$0x20];
	[tilespmem:s15+$0x10] =	vst v1  }
0x54: {  	v1 =	vld [tilespmem:s18+$0xFFFFFFC0];
	[tilespmem:s15+$0x20] =	vst v0  }
0x55: {  	s1 =	sadd.s32 $0x400, s1;
	v0 =	vld.idx.msk [tilespmem:v13+s20+$0x0], $0xffff  }
0x56: {  	v3 =	vld [tilespmem:s1+$0x30]  }
0x57: {  	v5 =	vld.idx.msk [tilespmem:v13+s22+$0x0], $0xffff  }
0x58: {  	v6 =	vld.idx.msk [tilespmem:v8+s20+$0x0], $0xffff  }
0x59: {  	v7 =	vld.idx.msk [tilespmem:v12+s20+$0x0], $0xffff  }
0x5a: {  	v9 =	vld.idx.msk [tilespmem:v2+s20+$0x0], $0xffff  }
0x5b: {  	v13 =	vld.idx.msk [tilespmem:v4+s20+$0x0], $0xffff;
	v0 =	vmul.f32 v3, v0  }
0x5c: {  	v3 =	vld.idx.msk [tilespmem:v1+s20+$0x0], $0xffff  }
0x5d: {  	v14 =	vld.idx.msk [tilespmem:v10+s20+$0x0], $0xffff;
	v0 =	vadd.f32 v0, v5  }
0x5e: {  	s15 =	sadd.s32 $0x400, s15;
	v15 =	vld.idx.msk [tilespmem:v11+s20+$0x0], $0xffff  }
0x5f: {  	v5 =	vld [tilespmem:s1+$0xFFFFFFC0];
	[tilespmem:s15+$0x30] =	vst v0  }
0x60: {  	v0 =	vld [tilespmem:s1+$0xFFFFFFD0]  }
0x61: {  	v16 =	vld [tilespmem:s1+$0xFFFFFFE0]  }
0x62: {  	v17 =	vld [tilespmem:s1+$0xFFFFFFF0]  }
0x63: {  	v18 =	vld [tilespmem:s1+$0x0]  }
0x64: {  	v19 =	vmul.f32 v5, v3;
	v3 =	vld [tilespmem:s1+$0x10]  }
0x65: {  	v6 =	vmul.f32 v0, v6;
	v20 =	vld [tilespmem:s1+$0x20]  }
0x66: {  	v21 =	vld.idx.msk [tilespmem:v1+s22+$0x0], $0xffff;
	v1 =	vmul.f32 v16, v7  }
0x67: {  	v8 =	vld.idx.msk [tilespmem:v8+s22+$0x0], $0xffff;
	v9 =	vmul.f32 v17, v9  }
.Ltmp0:
0x68: {  	v0 =	vld.idx.msk [tilespmem:v12+s22+$0x0], $0xffff;
	v5 =	vmul.f32 v18, v13;
	(pc) =	sbr.rel @p0 .LBB2_2-.Ltmp0, $4  }
0x69: {  	v2 =	vld.idx.msk [tilespmem:v2+s22+$0x0], $0xffff;
	v7 =	vmul.f32 v3, v14  }
0x6a: {  	v4 =	vld.idx.msk [tilespmem:v4+s22+$0x0], $0xffff;
	v3 =	vmul.f32 v20, v15  }
0x6b: {  	v10 =	vld.idx.msk [tilespmem:v10+s22+$0x0], $0xffff  }
0x6c: {  	s18 =	sadd.s32 $0x400, s18;
	v12 =	vadd.f32 v19, v21;
	v11 =	vld.idx.msk [tilespmem:v11+s22+$0x0], $0xffff  }
0x6d: {  	v6 =	vadd.f32 v6, v8  }
0x6e: {  	v0 =	vadd.f32 v1, v0;
	[tilespmem:s15+$0xFFFFFFC0] =	vst v12  }
0x6f: {  	v1 =	vadd.f32 v9, v2;
	[tilespmem:s15+$0xFFFFFFD0] =	vst v6  }
0x70: {  	[tilespmem:s15+$0xFFFFFFE0] =	vst v0;
	v0 =	vadd.f32 v5, v4  }
0x71: {  	[tilespmem:s15+$0xFFFFFFF0] =	vst v1;
	v1 =	vadd.f32 v7, v10  }
0x72: {  	[tilespmem:s15+$0x0] =	vst v0;
	v0 =	vadd.f32 v3, v11  }
0x73: {  	[tilespmem:s15+$0x10] =	vst v1  }
0x74: {  	[tilespmem:s15+$0x20] =	vst v0  }
0x75: {  	v0 =	vld [tilespmem:s16+$0x0]  }
0x76: {  	v1 =	vld [tilespmem:s16+$0xFFFFFFA0]  }
0x77: {  	v2 =	vld [tilespmem:s16+$0xFFFFFFB0]  }
0x78: {  	v3 =	vld [tilespmem:s16+$0xFFFFFFC0]  }
0x79: {  	v4 =	vld [tilespmem:s16+$0xFFFFFFD0]  }
0x7a: {  	v6 =	vld [tilespmem:s16+$0xFFFFFFE0]  }
0x7b: {  	v11 =	vld [tilespmem:s16+$0xFFFFFFF0]  }
0x7c: {  	v5 =	vld [tilespmem:s16+$0xFFFFFF90]  }
0x7d: {  	v8 =	vld [tilespmem:s0+$0x0]  }
0x7e: {  	v18 =	vld [tilespmem:s0+$0xFFFFFF90]  }
0x7f: {  	v19 =	vld [tilespmem:s0+$0xFFFFFFA0]  }
0x80: {  	v20 =	vld [tilespmem:s0+$0xFFFFFFB0]  }
0x81: {  	v21 =	vld [tilespmem:s0+$0xFFFFFFC0]  }
0x82: {  	v22 =	vld [tilespmem:s0+$0xFFFFFFD0]  }
0x83: {  	v23 =	vld [tilespmem:s0+$0xFFFFFFE0]  }
0x84: {  	v24 =	vld [tilespmem:s0+$0xFFFFFFF0]  }
0x85: {  	v7 =	vld.idx.msk [tilespmem:v0+s20+$0x0], $0xffff  }
0x86: {  	v0 =	vld.idx.msk [tilespmem:v0+s22+$0x0], $0xffff  }
0x87: {  	v10 =	vld.idx.msk [tilespmem:v1+s20+$0x0], $0xffff  }
0x88: {  	v12 =	vld.idx.msk [tilespmem:v2+s20+$0x0], $0xffff  }
0x89: {  	v13 =	vld.idx.msk [tilespmem:v3+s20+$0x0], $0xffff  }
0x8a: {  	v14 =	vld.idx.msk [tilespmem:v4+s20+$0x0], $0xffff  }
0x8b: {  	v15 =	vld.idx.msk [tilespmem:v5+s20+$0x0], $0xffff  }
0x8c: {  	v16 =	vld.idx.msk [tilespmem:v6+s20+$0x0], $0xffff  }
0x8d: {  	v17 =	vld.idx.msk [tilespmem:v11+s20+$0x0], $0xffff  }
0x8e: {  	v25 =	vld.idx.msk [tilespmem:v5+s22+$0x0], $0xffff  }
0x8f: {  	v9 =	vld.idx.msk [tilespmem:v1+s22+$0x0], $0xffff  }
0x90: {  	v1 =	vld.idx.msk [tilespmem:v2+s22+$0x0], $0xffff  }
0x91: {  	v3 =	vld.idx.msk [tilespmem:v3+s22+$0x0], $0xffff;
	v5 =	vmul.f32 v8, v7  }
0x92: {  	v4 =	vld.idx.msk [tilespmem:v4+s22+$0x0], $0xffff;
	v15 =	vmul.f32 v18, v15  }
0x93: {  	v11 =	vld.idx.msk [tilespmem:v11+s22+$0x0], $0xffff;
	v7 =	vmul.f32 v19, v10;
	v2 =	vmul.f32 v20, v12;
	v0 =	vadd.f32 v5, v0  }
0x94: {  	s17 =	simm.s32 $0x0;
	s1 =	simm.s32 $0xC170;
	v8 =	vmul.f32 v21, v13;
	v10 =	vld.idx.msk [tilespmem:v6+s22+$0x0], $0xffff;
	v6 =	vmul.f32 v23, v16  }
0x95: {  	s18 =	simm.s32 $0x4F0;
	s15 =	simm.s32 $0x6170;
	s16 =	simm.s32 $0x170;
	v5 =	vmul.f32 v22, v14;
	v12 =	vadd.f32 v15, v25;
	[tilespmem:s31+$0x0] =	vst v0;
	v0 =	vmul.f32 v24, v17  }
.LBB2_4:
0x96: {  	v13 =	vld [tilespmem:s18+$0x0];
	s17 =	sadd.s32 $0x8, s17;
	v7 =	vadd.f32 v7, v9  }
0x97: {  	v1 =	vadd.f32 v2, v1;
	v9 =	vld [tilespmem:s18+$0xFFFFFFA0];
	p0 =	slt.u32 s17, $0x38;
	[tilespmem:s31+$0xFFFFFF90] =	vst v12  }
0x98: {  	v2 =	vadd.f32 v8, v3;
	v12 =	vld [tilespmem:s18+$0xFFFFFFB0];
	[tilespmem:s31+$0xFFFFFFA0] =	vst v7  }
0x99: {  	v3 =	vld [tilespmem:s18+$0xFFFFFFC0];
	[tilespmem:s31+$0xFFFFFFB0] =	vst v1;
	v1 =	vadd.f32 v5, v4  }
0x9a: {  	v4 =	vld [tilespmem:s18+$0xFFFFFFD0];
	[tilespmem:s31+$0xFFFFFFC0] =	vst v2;
	v2 =	vadd.f32 v6, v10  }
0x9b: {  	v0 =	vadd.f32 v0, v11;
	v10 =	vld [tilespmem:s18+$0xFFFFFFE0];
	[tilespmem:s31+$0xFFFFFFD0] =	vst v1  }
0x9c: {  	v11 =	vld [tilespmem:s18+$0xFFFFFFF0];
	[tilespmem:s31+$0xFFFFFFE0] =	vst v2  }
0x9d: {  	v1 =	vld [tilespmem:s18+$0xFFFFFF90];
	[tilespmem:s31+$0xFFFFFFF0] =	vst v0  }
0x9e: {  	s0 =	sadd.s32 $0x400, s0;
	v0 =	vld.idx.msk [tilespmem:v13+s20+$0x0], $0xffff  }
0x9f: {  	v2 =	vld [tilespmem:s0+$0x0]  }
0xa0: {  	v5 =	vld.idx.msk [tilespmem:v13+s22+$0x0], $0xffff  }
0xa1: {  	v6 =	vld.idx.msk [tilespmem:v9+s20+$0x0], $0xffff  }
0xa2: {  	v8 =	vld.idx.msk [tilespmem:v12+s20+$0x0], $0xffff  }
0xa3: {  	v13 =	vld.idx.msk [tilespmem:v3+s20+$0x0], $0xffff  }
0xa4: {  	v14 =	vld.idx.msk [tilespmem:v4+s20+$0x0], $0xffff;
	v0 =	vmul.f32 v2, v0  }
0xa5: {  	v2 =	vld.idx.msk [tilespmem:v1+s20+$0x0], $0xffff  }
0xa6: {  	v15 =	vld.idx.msk [tilespmem:v10+s20+$0x0], $0xffff;
	v0 =	vadd.f32 v0, v5  }
0xa7: {  	s31 =	sadd.s32 $0x400, s31;
	v16 =	vld.idx.msk [tilespmem:v11+s20+$0x0], $0xffff  }
0xa8: {  	v5 =	vld [tilespmem:s0+$0xFFFFFF90];
	[tilespmem:s31+$0x0] =	vst v0  }
0xa9: {  	v0 =	vld [tilespmem:s0+$0xFFFFFFA0]  }
0xaa: {  	v17 =	vld [tilespmem:s0+$0xFFFFFFB0]  }
0xab: {  	v18 =	vld [tilespmem:s0+$0xFFFFFFC0]  }
0xac: {  	v19 =	vld [tilespmem:s0+$0xFFFFFFD0]  }
0xad: {  	v20 =	vmul.f32 v5, v2;
	v21 =	vld [tilespmem:s0+$0xFFFFFFE0]  }
0xae: {  	v7 =	vmul.f32 v0, v6;
	v0 =	vld [tilespmem:s0+$0xFFFFFFF0]  }
0xaf: {  	v22 =	vld.idx.msk [tilespmem:v1+s22+$0x0], $0xffff;
	v2 =	vmul.f32 v17, v8  }
0xb0: {  	v9 =	vld.idx.msk [tilespmem:v9+s22+$0x0], $0xffff;
	v8 =	vmul.f32 v18, v13  }
.Ltmp1:
0xb1: {  	v1 =	vld.idx.msk [tilespmem:v12+s22+$0x0], $0xffff;
	v5 =	vmul.f32 v19, v14;
	(pc) =	sbr.rel @p0 .LBB2_4-.Ltmp1, $4  }
0xb2: {  	v3 =	vld.idx.msk [tilespmem:v3+s22+$0x0], $0xffff;
	v6 =	vmul.f32 v21, v15  }
0xb3: {  	v4 =	vld.idx.msk [tilespmem:v4+s22+$0x0], $0xffff;
	v0 =	vmul.f32 v0, v16  }
0xb4: {  	v10 =	vld.idx.msk [tilespmem:v10+s22+$0x0], $0xffff  }
0xb5: {  	s18 =	sadd.s32 $0x400, s18;
	v12 =	vadd.f32 v20, v22;
	v11 =	vld.idx.msk [tilespmem:v11+s22+$0x0], $0xffff  }
0xb6: {  	v7 =	vadd.f32 v7, v9  }
0xb7: {  	v1 =	vadd.f32 v2, v1;
	[tilespmem:s31+$0xFFFFFF90] =	vst v12  }
0xb8: {  	v2 =	vadd.f32 v8, v3;
	[tilespmem:s31+$0xFFFFFFA0] =	vst v7  }
0xb9: {  	[tilespmem:s31+$0xFFFFFFB0] =	vst v1;
	v1 =	vadd.f32 v5, v4  }
0xba: {  	[tilespmem:s31+$0xFFFFFFC0] =	vst v2;
	v2 =	vadd.f32 v6, v10  }
0xbb: {  	[tilespmem:s31+$0xFFFFFFD0] =	vst v1;
	v0 =	vadd.f32 v0, v11  }
0xbc: {  	[tilespmem:s31+$0xFFFFFFE0] =	vst v2  }
0xbd: {  	[tilespmem:s31+$0xFFFFFFF0] =	vst v0  }
0xbe: {  	v0 =	vld [tilespmem:s16+$0x0]  }
0xbf: {  	v1 =	vld [tilespmem:s16+$0xFFFFFFA0]  }
0xc0: {  	v2 =	vld [tilespmem:s16+$0xFFFFFFB0]  }
0xc1: {  	v3 =	vld [tilespmem:s16+$0xFFFFFFC0]  }
0xc2: {  	v4 =	vld [tilespmem:s16+$0xFFFFFFD0]  }
0xc3: {  	v6 =	vld [tilespmem:s16+$0xFFFFFFE0]  }
0xc4: {  	v11 =	vld [tilespmem:s16+$0xFFFFFFF0]  }
0xc5: {  	v5 =	vld [tilespmem:s16+$0xFFFFFF90]  }
0xc6: {  	v8 =	vld [tilespmem:s15+$0x0]  }
0xc7: {  	v18 =	vld [tilespmem:s15+$0xFFFFFF90]  }
0xc8: {  	v19 =	vld [tilespmem:s15+$0xFFFFFFA0]  }
0xc9: {  	v20 =	vld [tilespmem:s15+$0xFFFFFFB0]  }
0xca: {  	v21 =	vld [tilespmem:s15+$0xFFFFFFC0]  }
0xcb: {  	v22 =	vld [tilespmem:s15+$0xFFFFFFD0]  }
0xcc: {  	v23 =	vld [tilespmem:s15+$0xFFFFFFE0]  }
0xcd: {  	v24 =	vld [tilespmem:s15+$0xFFFFFFF0]  }
0xce: {  	v7 =	vld.idx.msk [tilespmem:v0+s20+$0x0], $0xffff  }
0xcf: {  	v0 =	vld.idx.msk [tilespmem:v0+s22+$0x0], $0xffff  }
0xd0: {  	v10 =	vld.idx.msk [tilespmem:v1+s20+$0x0], $0xffff  }
0xd1: {  	v12 =	vld.idx.msk [tilespmem:v2+s20+$0x0], $0xffff  }
0xd2: {  	v13 =	vld.idx.msk [tilespmem:v3+s20+$0x0], $0xffff  }
0xd3: {  	v14 =	vld.idx.msk [tilespmem:v4+s20+$0x0], $0xffff  }
0xd4: {  	v15 =	vld.idx.msk [tilespmem:v5+s20+$0x0], $0xffff  }
0xd5: {  	v16 =	vld.idx.msk [tilespmem:v6+s20+$0x0], $0xffff  }
0xd6: {  	v17 =	vld.idx.msk [tilespmem:v11+s20+$0x0], $0xffff  }
0xd7: {  	v25 =	vld.idx.msk [tilespmem:v5+s22+$0x0], $0xffff  }
0xd8: {  	v9 =	vld.idx.msk [tilespmem:v1+s22+$0x0], $0xffff  }
0xd9: {  	v1 =	vld.idx.msk [tilespmem:v2+s22+$0x0], $0xffff  }
0xda: {  	v3 =	vld.idx.msk [tilespmem:v3+s22+$0x0], $0xffff;
	v5 =	vmul.f32 v8, v7  }
0xdb: {  	v4 =	vld.idx.msk [tilespmem:v4+s22+$0x0], $0xffff;
	v15 =	vmul.f32 v18, v15  }
0xdc: {  	v11 =	vld.idx.msk [tilespmem:v11+s22+$0x0], $0xffff;
	v7 =	vmul.f32 v19, v10;
	v2 =	vmul.f32 v20, v12;
	v0 =	vadd.f32 v5, v0  }
0xdd: {  	s17 =	simm.s32 $0x0;
	s0 =	simm.s32 $0x61F0;
	v8 =	vmul.f32 v21, v13;
	v10 =	vld.idx.msk [tilespmem:v6+s22+$0x0], $0xffff;
	v6 =	vmul.f32 v23, v16  }
0xde: {  	s18 =	simm.s32 $0x570;
	s31 =	simm.s32 $0xC1F0;
	s16 =	simm.s32 $0x1F0;
	v5 =	vmul.f32 v22, v14;
	v12 =	vadd.f32 v15, v25;
	[tilespmem:s1+$0x0] =	vst v0;
	v0 =	vmul.f32 v24, v17  }
.LBB2_6:
0xdf: {  	v13 =	vld [tilespmem:s18+$0x0];
	s17 =	sadd.s32 $0x8, s17;
	v7 =	vadd.f32 v7, v9  }
0xe0: {  	v1 =	vadd.f32 v2, v1;
	v9 =	vld [tilespmem:s18+$0xFFFFFFA0];
	p0 =	slt.u32 s17, $0x38;
	[tilespmem:s1+$0xFFFFFF90] =	vst v12  }
0xe1: {  	v2 =	vadd.f32 v8, v3;
	v12 =	vld [tilespmem:s18+$0xFFFFFFB0];
	[tilespmem:s1+$0xFFFFFFA0] =	vst v7  }
0xe2: {  	v3 =	vld [tilespmem:s18+$0xFFFFFFC0];
	[tilespmem:s1+$0xFFFFFFB0] =	vst v1;
	v1 =	vadd.f32 v5, v4  }
0xe3: {  	v4 =	vld [tilespmem:s18+$0xFFFFFFD0];
	[tilespmem:s1+$0xFFFFFFC0] =	vst v2;
	v2 =	vadd.f32 v6, v10  }
0xe4: {  	v0 =	vadd.f32 v0, v11;
	v10 =	vld [tilespmem:s18+$0xFFFFFFE0];
	[tilespmem:s1+$0xFFFFFFD0] =	vst v1  }
0xe5: {  	v11 =	vld [tilespmem:s18+$0xFFFFFFF0];
	[tilespmem:s1+$0xFFFFFFE0] =	vst v2  }
0xe6: {  	v1 =	vld [tilespmem:s18+$0xFFFFFF90];
	[tilespmem:s1+$0xFFFFFFF0] =	vst v0  }
0xe7: {  	s15 =	sadd.s32 $0x400, s15;
	v0 =	vld.idx.msk [tilespmem:v13+s20+$0x0], $0xffff  }
0xe8: {  	v2 =	vld [tilespmem:s15+$0x0]  }
0xe9: {  	v5 =	vld.idx.msk [tilespmem:v13+s22+$0x0], $0xffff  }
0xea: {  	v6 =	vld.idx.msk [tilespmem:v9+s20+$0x0], $0xffff  }
0xeb: {  	v8 =	vld.idx.msk [tilespmem:v12+s20+$0x0], $0xffff  }
0xec: {  	v13 =	vld.idx.msk [tilespmem:v3+s20+$0x0], $0xffff  }
0xed: {  	v14 =	vld.idx.msk [tilespmem:v4+s20+$0x0], $0xffff;
	v0 =	vmul.f32 v2, v0  }
0xee: {  	v2 =	vld.idx.msk [tilespmem:v1+s20+$0x0], $0xffff  }
0xef: {  	v15 =	vld.idx.msk [tilespmem:v10+s20+$0x0], $0xffff;
	v0 =	vadd.f32 v0, v5  }
0xf0: {  	s1 =	sadd.s32 $0x400, s1;
	v16 =	vld.idx.msk [tilespmem:v11+s20+$0x0], $0xffff  }
0xf1: {  	v5 =	vld [tilespmem:s15+$0xFFFFFF90];
	[tilespmem:s1+$0x0] =	vst v0  }
0xf2: {  	v0 =	vld [tilespmem:s15+$0xFFFFFFA0]  }
0xf3: {  	v17 =	vld [tilespmem:s15+$0xFFFFFFB0]  }
0xf4: {  	v18 =	vld [tilespmem:s15+$0xFFFFFFC0]  }
0xf5: {  	v19 =	vld [tilespmem:s15+$0xFFFFFFD0]  }
0xf6: {  	v20 =	vmul.f32 v5, v2;
	v21 =	vld [tilespmem:s15+$0xFFFFFFE0]  }
0xf7: {  	v7 =	vmul.f32 v0, v6;
	v0 =	vld [tilespmem:s15+$0xFFFFFFF0]  }
0xf8: {  	v22 =	vld.idx.msk [tilespmem:v1+s22+$0x0], $0xffff;
	v2 =	vmul.f32 v17, v8  }
0xf9: {  	v9 =	vld.idx.msk [tilespmem:v9+s22+$0x0], $0xffff;
	v8 =	vmul.f32 v18, v13  }
.Ltmp2:
0xfa: {  	v1 =	vld.idx.msk [tilespmem:v12+s22+$0x0], $0xffff;
	v5 =	vmul.f32 v19, v14;
	(pc) =	sbr.rel @p0 .LBB2_6-.Ltmp2, $4  }
0xfb: {  	v3 =	vld.idx.msk [tilespmem:v3+s22+$0x0], $0xffff;
	v6 =	vmul.f32 v21, v15  }
0xfc: {  	v4 =	vld.idx.msk [tilespmem:v4+s22+$0x0], $0xffff;
	v0 =	vmul.f32 v0, v16  }
0xfd: {  	v10 =	vld.idx.msk [tilespmem:v10+s22+$0x0], $0xffff  }
0xfe: {  	s18 =	sadd.s32 $0x400, s18;
	v12 =	vadd.f32 v20, v22;
	v11 =	vld.idx.msk [tilespmem:v11+s22+$0x0], $0xffff  }
0xff: {  	v7 =	vadd.f32 v7, v9  }
0x100: {  	v1 =	vadd.f32 v2, v1;
	[tilespmem:s1+$0xFFFFFF90] =	vst v12  }
0x101: {  	v2 =	vadd.f32 v8, v3;
	[tilespmem:s1+$0xFFFFFFA0] =	vst v7  }
0x102: {  	[tilespmem:s1+$0xFFFFFFB0] =	vst v1;
	v1 =	vadd.f32 v5, v4  }
0x103: {  	[tilespmem:s1+$0xFFFFFFC0] =	vst v2;
	v2 =	vadd.f32 v6, v10  }
0x104: {  	[tilespmem:s1+$0xFFFFFFD0] =	vst v1;
	v0 =	vadd.f32 v0, v11  }
0x105: {  	[tilespmem:s1+$0xFFFFFFE0] =	vst v2  }
0x106: {  	[tilespmem:s1+$0xFFFFFFF0] =	vst v0  }
0x107: {  	v0 =	vld [tilespmem:s16+$0x0]  }
0x108: {  	v1 =	vld [tilespmem:s16+$0xFFFFFFA0]  }
0x109: {  	v2 =	vld [tilespmem:s16+$0xFFFFFFB0]  }
0x10a: {  	v3 =	vld [tilespmem:s16+$0xFFFFFFC0]  }
0x10b: {  	v4 =	vld [tilespmem:s16+$0xFFFFFFD0]  }
0x10c: {  	v6 =	vld [tilespmem:s16+$0xFFFFFFE0]  }
0x10d: {  	v11 =	vld [tilespmem:s16+$0xFFFFFFF0]  }
0x10e: {  	v5 =	vld [tilespmem:s16+$0xFFFFFF90]  }
0x10f: {  	v8 =	vld [tilespmem:s0+$0x0]  }
0x110: {  	v18 =	vld [tilespmem:s0+$0xFFFFFF90]  }
0x111: {  	v19 =	vld [tilespmem:s0+$0xFFFFFFA0]  }
0x112: {  	v20 =	vld [tilespmem:s0+$0xFFFFFFB0]  }
0x113: {  	v21 =	vld [tilespmem:s0+$0xFFFFFFC0]  }
0x114: {  	v22 =	vld [tilespmem:s0+$0xFFFFFFD0]  }
0x115: {  	v23 =	vld [tilespmem:s0+$0xFFFFFFE0]  }
0x116: {  	v24 =	vld [tilespmem:s0+$0xFFFFFFF0]  }
0x117: {  	v7 =	vld.idx.msk [tilespmem:v0+s20+$0x0], $0xffff  }
0x118: {  	v0 =	vld.idx.msk [tilespmem:v0+s22+$0x0], $0xffff  }
0x119: {  	v10 =	vld.idx.msk [tilespmem:v1+s20+$0x0], $0xffff  }
0x11a: {  	v12 =	vld.idx.msk [tilespmem:v2+s20+$0x0], $0xffff  }
0x11b: {  	v13 =	vld.idx.msk [tilespmem:v3+s20+$0x0], $0xffff  }
0x11c: {  	v14 =	vld.idx.msk [tilespmem:v4+s20+$0x0], $0xffff  }
0x11d: {  	v15 =	vld.idx.msk [tilespmem:v5+s20+$0x0], $0xffff  }
0x11e: {  	v16 =	vld.idx.msk [tilespmem:v6+s20+$0x0], $0xffff  }
0x11f: {  	v17 =	vld.idx.msk [tilespmem:v11+s20+$0x0], $0xffff  }
0x120: {  	v25 =	vld.idx.msk [tilespmem:v5+s22+$0x0], $0xffff  }
0x121: {  	v9 =	vld.idx.msk [tilespmem:v1+s22+$0x0], $0xffff  }
0x122: {  	v1 =	vld.idx.msk [tilespmem:v2+s22+$0x0], $0xffff  }
0x123: {  	v3 =	vld.idx.msk [tilespmem:v3+s22+$0x0], $0xffff;
	v5 =	vmul.f32 v8, v7  }
0x124: {  	v4 =	vld.idx.msk [tilespmem:v4+s22+$0x0], $0xffff;
	v15 =	vmul.f32 v18, v15  }
0x125: {  	v11 =	vld.idx.msk [tilespmem:v11+s22+$0x0], $0xffff;
	v7 =	vmul.f32 v19, v10;
	v2 =	vmul.f32 v20, v12;
	v0 =	vadd.f32 v5, v0  }
0x126: {  	s17 =	simm.s32 $0x0;
	s15 =	simm.s32 $0x6270;
	v8 =	vmul.f32 v21, v13;
	v10 =	vld.idx.msk [tilespmem:v6+s22+$0x0], $0xffff;
	v6 =	vmul.f32 v23, v16  }
0x127: {  	s18 =	simm.s32 $0x5F0;
	s1 =	simm.s32 $0xC270;
	s16 =	simm.s32 $0x270;
	v5 =	vmul.f32 v22, v14;
	v12 =	vadd.f32 v15, v25;
	[tilespmem:s31+$0x0] =	vst v0;
	v0 =	vmul.f32 v24, v17  }
.LBB2_8:
0x128: {  	v13 =	vld [tilespmem:s18+$0x0];
	s17 =	sadd.s32 $0x8, s17;
	v7 =	vadd.f32 v7, v9  }
0x129: {  	v1 =	vadd.f32 v2, v1;
	v9 =	vld [tilespmem:s18+$0xFFFFFFA0];
	p0 =	slt.u32 s17, $0x38;
	[tilespmem:s31+$0xFFFFFF90] =	vst v12  }
0x12a: {  	v2 =	vadd.f32 v8, v3;
	v12 =	vld [tilespmem:s18+$0xFFFFFFB0];
	[tilespmem:s31+$0xFFFFFFA0] =	vst v7  }
0x12b: {  	v3 =	vld [tilespmem:s18+$0xFFFFFFC0];
	[tilespmem:s31+$0xFFFFFFB0] =	vst v1;
	v1 =	vadd.f32 v5, v4  }
0x12c: {  	v4 =	vld [tilespmem:s18+$0xFFFFFFD0];
	[tilespmem:s31+$0xFFFFFFC0] =	vst v2;
	v2 =	vadd.f32 v6, v10  }
0x12d: {  	v0 =	vadd.f32 v0, v11;
	v10 =	vld [tilespmem:s18+$0xFFFFFFE0];
	[tilespmem:s31+$0xFFFFFFD0] =	vst v1  }
0x12e: {  	v11 =	vld [tilespmem:s18+$0xFFFFFFF0];
	[tilespmem:s31+$0xFFFFFFE0] =	vst v2  }
0x12f: {  	v1 =	vld [tilespmem:s18+$0xFFFFFF90];
	[tilespmem:s31+$0xFFFFFFF0] =	vst v0  }
0x130: {  	s0 =	sadd.s32 $0x400, s0;
	v0 =	vld.idx.msk [tilespmem:v13+s20+$0x0], $0xffff  }
0x131: {  	v2 =	vld [tilespmem:s0+$0x0]  }
0x132: {  	v5 =	vld.idx.msk [tilespmem:v13+s22+$0x0], $0xffff  }
0x133: {  	v6 =	vld.idx.msk [tilespmem:v9+s20+$0x0], $0xffff  }
0x134: {  	v8 =	vld.idx.msk [tilespmem:v12+s20+$0x0], $0xffff  }
0x135: {  	v13 =	vld.idx.msk [tilespmem:v3+s20+$0x0], $0xffff  }
0x136: {  	v14 =	vld.idx.msk [tilespmem:v4+s20+$0x0], $0xffff;
	v0 =	vmul.f32 v2, v0  }
0x137: {  	v2 =	vld.idx.msk [tilespmem:v1+s20+$0x0], $0xffff  }
0x138: {  	v15 =	vld.idx.msk [tilespmem:v10+s20+$0x0], $0xffff;
	v0 =	vadd.f32 v0, v5  }
0x139: {  	s31 =	sadd.s32 $0x400, s31;
	v16 =	vld.idx.msk [tilespmem:v11+s20+$0x0], $0xffff  }
0x13a: {  	v5 =	vld [tilespmem:s0+$0xFFFFFF90];
	[tilespmem:s31+$0x0] =	vst v0  }
0x13b: {  	v0 =	vld [tilespmem:s0+$0xFFFFFFA0]  }
0x13c: {  	v17 =	vld [tilespmem:s0+$0xFFFFFFB0]  }
0x13d: {  	v18 =	vld [tilespmem:s0+$0xFFFFFFC0]  }
0x13e: {  	v19 =	vld [tilespmem:s0+$0xFFFFFFD0]  }
0x13f: {  	v20 =	vmul.f32 v5, v2;
	v21 =	vld [tilespmem:s0+$0xFFFFFFE0]  }
0x140: {  	v7 =	vmul.f32 v0, v6;
	v0 =	vld [tilespmem:s0+$0xFFFFFFF0]  }
0x141: {  	v22 =	vld.idx.msk [tilespmem:v1+s22+$0x0], $0xffff;
	v2 =	vmul.f32 v17, v8  }
0x142: {  	v9 =	vld.idx.msk [tilespmem:v9+s22+$0x0], $0xffff;
	v8 =	vmul.f32 v18, v13  }
.Ltmp3:
0x143: {  	v1 =	vld.idx.msk [tilespmem:v12+s22+$0x0], $0xffff;
	v5 =	vmul.f32 v19, v14;
	(pc) =	sbr.rel @p0 .LBB2_8-.Ltmp3, $4  }
0x144: {  	v3 =	vld.idx.msk [tilespmem:v3+s22+$0x0], $0xffff;
	v6 =	vmul.f32 v21, v15  }
0x145: {  	v4 =	vld.idx.msk [tilespmem:v4+s22+$0x0], $0xffff;
	v0 =	vmul.f32 v0, v16  }
0x146: {  	v10 =	vld.idx.msk [tilespmem:v10+s22+$0x0], $0xffff  }
0x147: {  	s18 =	sadd.s32 $0x400, s18;
	v12 =	vadd.f32 v20, v22;
	v11 =	vld.idx.msk [tilespmem:v11+s22+$0x0], $0xffff  }
0x148: {  	v7 =	vadd.f32 v7, v9  }
0x149: {  	v1 =	vadd.f32 v2, v1;
	[tilespmem:s31+$0xFFFFFF90] =	vst v12  }
0x14a: {  	v2 =	vadd.f32 v8, v3;
	[tilespmem:s31+$0xFFFFFFA0] =	vst v7  }
0x14b: {  	[tilespmem:s31+$0xFFFFFFB0] =	vst v1;
	v1 =	vadd.f32 v5, v4  }
0x14c: {  	[tilespmem:s31+$0xFFFFFFC0] =	vst v2;
	v2 =	vadd.f32 v6, v10  }
0x14d: {  	[tilespmem:s31+$0xFFFFFFD0] =	vst v1;
	v0 =	vadd.f32 v0, v11  }
0x14e: {  	[tilespmem:s31+$0xFFFFFFE0] =	vst v2  }
0x14f: {  	[tilespmem:s31+$0xFFFFFFF0] =	vst v0  }
0x150: {  	v0 =	vld [tilespmem:s16+$0x0]  }
0x151: {  	v1 =	vld [tilespmem:s16+$0xFFFFFFA0]  }
0x152: {  	v2 =	vld [tilespmem:s16+$0xFFFFFFB0]  }
0x153: {  	v3 =	vld [tilespmem:s16+$0xFFFFFFC0]  }
0x154: {  	v4 =	vld [tilespmem:s16+$0xFFFFFFD0]  }
0x155: {  	v6 =	vld [tilespmem:s16+$0xFFFFFFE0]  }
0x156: {  	v11 =	vld [tilespmem:s16+$0xFFFFFFF0]  }
0x157: {  	v5 =	vld [tilespmem:s16+$0xFFFFFF90]  }
0x158: {  	v8 =	vld [tilespmem:s15+$0x0]  }
0x159: {  	v18 =	vld [tilespmem:s15+$0xFFFFFF90]  }
0x15a: {  	v19 =	vld [tilespmem:s15+$0xFFFFFFA0]  }
0x15b: {  	v20 =	vld [tilespmem:s15+$0xFFFFFFB0]  }
0x15c: {  	v21 =	vld [tilespmem:s15+$0xFFFFFFC0]  }
0x15d: {  	v22 =	vld [tilespmem:s15+$0xFFFFFFD0]  }
0x15e: {  	v23 =	vld [tilespmem:s15+$0xFFFFFFE0]  }
0x15f: {  	v24 =	vld [tilespmem:s15+$0xFFFFFFF0]  }
0x160: {  	v7 =	vld.idx.msk [tilespmem:v0+s20+$0x0], $0xffff  }
0x161: {  	v0 =	vld.idx.msk [tilespmem:v0+s22+$0x0], $0xffff  }
0x162: {  	v10 =	vld.idx.msk [tilespmem:v1+s20+$0x0], $0xffff  }
0x163: {  	v12 =	vld.idx.msk [tilespmem:v2+s20+$0x0], $0xffff  }
0x164: {  	v13 =	vld.idx.msk [tilespmem:v3+s20+$0x0], $0xffff  }
0x165: {  	v14 =	vld.idx.msk [tilespmem:v4+s20+$0x0], $0xffff  }
0x166: {  	v15 =	vld.idx.msk [tilespmem:v5+s20+$0x0], $0xffff  }
0x167: {  	v16 =	vld.idx.msk [tilespmem:v6+s20+$0x0], $0xffff  }
0x168: {  	v17 =	vld.idx.msk [tilespmem:v11+s20+$0x0], $0xffff  }
0x169: {  	v25 =	vld.idx.msk [tilespmem:v5+s22+$0x0], $0xffff  }
0x16a: {  	v9 =	vld.idx.msk [tilespmem:v1+s22+$0x0], $0xffff  }
0x16b: {  	v1 =	vld.idx.msk [tilespmem:v2+s22+$0x0], $0xffff  }
0x16c: {  	v3 =	vld.idx.msk [tilespmem:v3+s22+$0x0], $0xffff;
	v5 =	vmul.f32 v8, v7  }
0x16d: {  	v4 =	vld.idx.msk [tilespmem:v4+s22+$0x0], $0xffff;
	v15 =	vmul.f32 v18, v15  }
0x16e: {  	v11 =	vld.idx.msk [tilespmem:v11+s22+$0x0], $0xffff;
	v7 =	vmul.f32 v19, v10;
	v2 =	vmul.f32 v20, v12;
	v0 =	vadd.f32 v5, v0  }
0x16f: {  	s17 =	simm.s32 $0x0;
	s0 =	simm.s32 $0x62F0;
	v8 =	vmul.f32 v21, v13;
	v10 =	vld.idx.msk [tilespmem:v6+s22+$0x0], $0xffff;
	v6 =	vmul.f32 v23, v16  }
0x170: {  	s18 =	simm.s32 $0x670;
	s31 =	simm.s32 $0xC2F0;
	s16 =	simm.s32 $0x2F0;
	v5 =	vmul.f32 v22, v14;
	v12 =	vadd.f32 v15, v25;
	[tilespmem:s1+$0x0] =	vst v0;
	v0 =	vmul.f32 v24, v17  }
.LBB2_10:
0x171: {  	v13 =	vld [tilespmem:s18+$0x0];
	s17 =	sadd.s32 $0x8, s17;
	v7 =	vadd.f32 v7, v9  }
0x172: {  	v1 =	vadd.f32 v2, v1;
	v9 =	vld [tilespmem:s18+$0xFFFFFFA0];
	p0 =	slt.u32 s17, $0x38;
	[tilespmem:s1+$0xFFFFFF90] =	vst v12  }
0x173: {  	v2 =	vadd.f32 v8, v3;
	v12 =	vld [tilespmem:s18+$0xFFFFFFB0];
	[tilespmem:s1+$0xFFFFFFA0] =	vst v7  }
0x174: {  	v3 =	vld [tilespmem:s18+$0xFFFFFFC0];
	[tilespmem:s1+$0xFFFFFFB0] =	vst v1;
	v1 =	vadd.f32 v5, v4  }
0x175: {  	v4 =	vld [tilespmem:s18+$0xFFFFFFD0];
	[tilespmem:s1+$0xFFFFFFC0] =	vst v2;
	v2 =	vadd.f32 v6, v10  }
0x176: {  	v0 =	vadd.f32 v0, v11;
	v10 =	vld [tilespmem:s18+$0xFFFFFFE0];
	[tilespmem:s1+$0xFFFFFFD0] =	vst v1  }
0x177: {  	v11 =	vld [tilespmem:s18+$0xFFFFFFF0];
	[tilespmem:s1+$0xFFFFFFE0] =	vst v2  }
0x178: {  	v1 =	vld [tilespmem:s18+$0xFFFFFF90];
	[tilespmem:s1+$0xFFFFFFF0] =	vst v0  }
0x179: {  	s15 =	sadd.s32 $0x400, s15;
	v0 =	vld.idx.msk [tilespmem:v13+s20+$0x0], $0xffff  }
0x17a: {  	v2 =	vld [tilespmem:s15+$0x0]  }
0x17b: {  	v5 =	vld.idx.msk [tilespmem:v13+s22+$0x0], $0xffff  }
0x17c: {  	v6 =	vld.idx.msk [tilespmem:v9+s20+$0x0], $0xffff  }
0x17d: {  	v8 =	vld.idx.msk [tilespmem:v12+s20+$0x0], $0xffff  }
0x17e: {  	v13 =	vld.idx.msk [tilespmem:v3+s20+$0x0], $0xffff  }
0x17f: {  	v14 =	vld.idx.msk [tilespmem:v4+s20+$0x0], $0xffff;
	v0 =	vmul.f32 v2, v0  }
0x180: {  	v2 =	vld.idx.msk [tilespmem:v1+s20+$0x0], $0xffff  }
0x181: {  	v15 =	vld.idx.msk [tilespmem:v10+s20+$0x0], $0xffff;
	v0 =	vadd.f32 v0, v5  }
0x182: {  	s1 =	sadd.s32 $0x400, s1;
	v16 =	vld.idx.msk [tilespmem:v11+s20+$0x0], $0xffff  }
0x183: {  	v5 =	vld [tilespmem:s15+$0xFFFFFF90];
	[tilespmem:s1+$0x0] =	vst v0  }
0x184: {  	v0 =	vld [tilespmem:s15+$0xFFFFFFA0]  }
0x185: {  	v17 =	vld [tilespmem:s15+$0xFFFFFFB0]  }
0x186: {  	v18 =	vld [tilespmem:s15+$0xFFFFFFC0]  }
0x187: {  	v19 =	vld [tilespmem:s15+$0xFFFFFFD0]  }
0x188: {  	v20 =	vmul.f32 v5, v2;
	v21 =	vld [tilespmem:s15+$0xFFFFFFE0]  }
0x189: {  	v7 =	vmul.f32 v0, v6;
	v0 =	vld [tilespmem:s15+$0xFFFFFFF0]  }
0x18a: {  	v22 =	vld.idx.msk [tilespmem:v1+s22+$0x0], $0xffff;
	v2 =	vmul.f32 v17, v8  }
0x18b: {  	v9 =	vld.idx.msk [tilespmem:v9+s22+$0x0], $0xffff;
	v8 =	vmul.f32 v18, v13  }
.Ltmp4:
0x18c: {  	v1 =	vld.idx.msk [tilespmem:v12+s22+$0x0], $0xffff;
	v5 =	vmul.f32 v19, v14;
	(pc) =	sbr.rel @p0 .LBB2_10-.Ltmp4, $4  }
0x18d: {  	v3 =	vld.idx.msk [tilespmem:v3+s22+$0x0], $0xffff;
	v6 =	vmul.f32 v21, v15  }
0x18e: {  	v4 =	vld.idx.msk [tilespmem:v4+s22+$0x0], $0xffff;
	v0 =	vmul.f32 v0, v16  }
0x18f: {  	v10 =	vld.idx.msk [tilespmem:v10+s22+$0x0], $0xffff  }
0x190: {  	s18 =	sadd.s32 $0x400, s18;
	v12 =	vadd.f32 v20, v22;
	v11 =	vld.idx.msk [tilespmem:v11+s22+$0x0], $0xffff  }
0x191: {  	v7 =	vadd.f32 v7, v9  }
0x192: {  	v1 =	vadd.f32 v2, v1;
	[tilespmem:s1+$0xFFFFFF90] =	vst v12  }
0x193: {  	v2 =	vadd.f32 v8, v3;
	[tilespmem:s1+$0xFFFFFFA0] =	vst v7  }
0x194: {  	[tilespmem:s1+$0xFFFFFFB0] =	vst v1;
	v1 =	vadd.f32 v5, v4  }
0x195: {  	[tilespmem:s1+$0xFFFFFFC0] =	vst v2;
	v2 =	vadd.f32 v6, v10  }
0x196: {  	[tilespmem:s1+$0xFFFFFFD0] =	vst v1;
	v0 =	vadd.f32 v0, v11  }
0x197: {  	[tilespmem:s1+$0xFFFFFFE0] =	vst v2  }
0x198: {  	[tilespmem:s1+$0xFFFFFFF0] =	vst v0  }
0x199: {  	v0 =	vld [tilespmem:s16+$0x0]  }
0x19a: {  	v1 =	vld [tilespmem:s16+$0xFFFFFFA0]  }
0x19b: {  	v2 =	vld [tilespmem:s16+$0xFFFFFFB0]  }
0x19c: {  	v3 =	vld [tilespmem:s16+$0xFFFFFFC0]  }
0x19d: {  	v4 =	vld [tilespmem:s16+$0xFFFFFFD0]  }
0x19e: {  	v6 =	vld [tilespmem:s16+$0xFFFFFFE0]  }
0x19f: {  	v11 =	vld [tilespmem:s16+$0xFFFFFFF0]  }
0x1a0: {  	v5 =	vld [tilespmem:s16+$0xFFFFFF90]  }
0x1a1: {  	v8 =	vld [tilespmem:s0+$0x0]  }
0x1a2: {  	v18 =	vld [tilespmem:s0+$0xFFFFFF90]  }
0x1a3: {  	v19 =	vld [tilespmem:s0+$0xFFFFFFA0]  }
0x1a4: {  	v20 =	vld [tilespmem:s0+$0xFFFFFFB0]  }
0x1a5: {  	v21 =	vld [tilespmem:s0+$0xFFFFFFC0]  }
0x1a6: {  	v22 =	vld [tilespmem:s0+$0xFFFFFFD0]  }
0x1a7: {  	v23 =	vld [tilespmem:s0+$0xFFFFFFE0]  }
0x1a8: {  	v24 =	vld [tilespmem:s0+$0xFFFFFFF0]  }
0x1a9: {  	v7 =	vld.idx.msk [tilespmem:v0+s20+$0x0], $0xffff  }
0x1aa: {  	v0 =	vld.idx.msk [tilespmem:v0+s22+$0x0], $0xffff  }
0x1ab: {  	v10 =	vld.idx.msk [tilespmem:v1+s20+$0x0], $0xffff  }
0x1ac: {  	v12 =	vld.idx.msk [tilespmem:v2+s20+$0x0], $0xffff  }
0x1ad: {  	v13 =	vld.idx.msk [tilespmem:v3+s20+$0x0], $0xffff  }
0x1ae: {  	v14 =	vld.idx.msk [tilespmem:v4+s20+$0x0], $0xffff  }
0x1af: {  	v15 =	vld.idx.msk [tilespmem:v5+s20+$0x0], $0xffff  }
0x1b0: {  	v16 =	vld.idx.msk [tilespmem:v6+s20+$0x0], $0xffff  }
0x1b1: {  	v17 =	vld.idx.msk [tilespmem:v11+s20+$0x0], $0xffff  }
0x1b2: {  	v25 =	vld.idx.msk [tilespmem:v5+s22+$0x0], $0xffff  }
0x1b3: {  	v9 =	vld.idx.msk [tilespmem:v1+s22+$0x0], $0xffff  }
0x1b4: {  	v1 =	vld.idx.msk [tilespmem:v2+s22+$0x0], $0xffff  }
0x1b5: {  	v3 =	vld.idx.msk [tilespmem:v3+s22+$0x0], $0xffff;
	v5 =	vmul.f32 v8, v7  }
0x1b6: {  	v4 =	vld.idx.msk [tilespmem:v4+s22+$0x0], $0xffff;
	v15 =	vmul.f32 v18, v15  }
0x1b7: {  	v11 =	vld.idx.msk [tilespmem:v11+s22+$0x0], $0xffff;
	v7 =	vmul.f32 v19, v10;
	v2 =	vmul.f32 v20, v12;
	v0 =	vadd.f32 v5, v0  }
0x1b8: {  	s17 =	simm.s32 $0x0;
	s15 =	simm.s32 $0x6370;
	v8 =	vmul.f32 v21, v13;
	v10 =	vld.idx.msk [tilespmem:v6+s22+$0x0], $0xffff;
	v6 =	vmul.f32 v23, v16  }
0x1b9: {  	s18 =	simm.s32 $0x6F0;
	s1 =	simm.s32 $0xC370;
	s16 =	simm.s32 $0x370;
	v5 =	vmul.f32 v22, v14;
	v12 =	vadd.f32 v15, v25;
	[tilespmem:s31+$0x0] =	vst v0;
	v0 =	vmul.f32 v24, v17  }
.LBB2_12:
0x1ba: {  	v13 =	vld [tilespmem:s18+$0x0];
	s17 =	sadd.s32 $0x8, s17;
	v7 =	vadd.f32 v7, v9  }
0x1bb: {  	v1 =	vadd.f32 v2, v1;
	v9 =	vld [tilespmem:s18+$0xFFFFFFA0];
	p0 =	slt.u32 s17, $0x38;
	[tilespmem:s31+$0xFFFFFF90] =	vst v12  }
0x1bc: {  	v2 =	vadd.f32 v8, v3;
	v12 =	vld [tilespmem:s18+$0xFFFFFFB0];
	[tilespmem:s31+$0xFFFFFFA0] =	vst v7  }
0x1bd: {  	v3 =	vld [tilespmem:s18+$0xFFFFFFC0];
	[tilespmem:s31+$0xFFFFFFB0] =	vst v1;
	v1 =	vadd.f32 v5, v4  }
0x1be: {  	v4 =	vld [tilespmem:s18+$0xFFFFFFD0];
	[tilespmem:s31+$0xFFFFFFC0] =	vst v2;
	v2 =	vadd.f32 v6, v10  }
0x1bf: {  	v0 =	vadd.f32 v0, v11;
	v10 =	vld [tilespmem:s18+$0xFFFFFFE0];
	[tilespmem:s31+$0xFFFFFFD0] =	vst v1  }
0x1c0: {  	v11 =	vld [tilespmem:s18+$0xFFFFFFF0];
	[tilespmem:s31+$0xFFFFFFE0] =	vst v2  }
0x1c1: {  	v1 =	vld [tilespmem:s18+$0xFFFFFF90];
	[tilespmem:s31+$0xFFFFFFF0] =	vst v0  }
0x1c2: {  	s0 =	sadd.s32 $0x400, s0;
	v0 =	vld.idx.msk [tilespmem:v13+s20+$0x0], $0xffff  }
0x1c3: {  	v2 =	vld [tilespmem:s0+$0x0]  }
0x1c4: {  	v5 =	vld.idx.msk [tilespmem:v13+s22+$0x0], $0xffff  }
0x1c5: {  	v6 =	vld.idx.msk [tilespmem:v9+s20+$0x0], $0xffff  }
0x1c6: {  	v8 =	vld.idx.msk [tilespmem:v12+s20+$0x0], $0xffff  }
0x1c7: {  	v13 =	vld.idx.msk [tilespmem:v3+s20+$0x0], $0xffff  }
0x1c8: {  	v14 =	vld.idx.msk [tilespmem:v4+s20+$0x0], $0xffff;
	v0 =	vmul.f32 v2, v0  }
0x1c9: {  	v2 =	vld.idx.msk [tilespmem:v1+s20+$0x0], $0xffff  }
0x1ca: {  	v15 =	vld.idx.msk [tilespmem:v10+s20+$0x0], $0xffff;
	v0 =	vadd.f32 v0, v5  }
0x1cb: {  	s31 =	sadd.s32 $0x400, s31;
	v16 =	vld.idx.msk [tilespmem:v11+s20+$0x0], $0xffff  }
0x1cc: {  	v5 =	vld [tilespmem:s0+$0xFFFFFF90];
	[tilespmem:s31+$0x0] =	vst v0  }
0x1cd: {  	v0 =	vld [tilespmem:s0+$0xFFFFFFA0]  }
0x1ce: {  	v17 =	vld [tilespmem:s0+$0xFFFFFFB0]  }
0x1cf: {  	v18 =	vld [tilespmem:s0+$0xFFFFFFC0]  }
0x1d0: {  	v19 =	vld [tilespmem:s0+$0xFFFFFFD0]  }
0x1d1: {  	v20 =	vmul.f32 v5, v2;
	v21 =	vld [tilespmem:s0+$0xFFFFFFE0]  }
0x1d2: {  	v7 =	vmul.f32 v0, v6;
	v0 =	vld [tilespmem:s0+$0xFFFFFFF0]  }
0x1d3: {  	v22 =	vld.idx.msk [tilespmem:v1+s22+$0x0], $0xffff;
	v2 =	vmul.f32 v17, v8  }
0x1d4: {  	v9 =	vld.idx.msk [tilespmem:v9+s22+$0x0], $0xffff;
	v8 =	vmul.f32 v18, v13  }
.Ltmp5:
0x1d5: {  	v1 =	vld.idx.msk [tilespmem:v12+s22+$0x0], $0xffff;
	v5 =	vmul.f32 v19, v14;
	(pc) =	sbr.rel @p0 .LBB2_12-.Ltmp5, $4  }
0x1d6: {  	v3 =	vld.idx.msk [tilespmem:v3+s22+$0x0], $0xffff;
	v6 =	vmul.f32 v21, v15  }
0x1d7: {  	v4 =	vld.idx.msk [tilespmem:v4+s22+$0x0], $0xffff;
	v0 =	vmul.f32 v0, v16  }
0x1d8: {  	v10 =	vld.idx.msk [tilespmem:v10+s22+$0x0], $0xffff  }
0x1d9: {  	s18 =	sadd.s32 $0x400, s18;
	v12 =	vadd.f32 v20, v22;
	v11 =	vld.idx.msk [tilespmem:v11+s22+$0x0], $0xffff  }
0x1da: {  	v7 =	vadd.f32 v7, v9  }
0x1db: {  	v1 =	vadd.f32 v2, v1;
	[tilespmem:s31+$0xFFFFFF90] =	vst v12  }
0x1dc: {  	v2 =	vadd.f32 v8, v3;
	[tilespmem:s31+$0xFFFFFFA0] =	vst v7  }
0x1dd: {  	[tilespmem:s31+$0xFFFFFFB0] =	vst v1;
	v1 =	vadd.f32 v5, v4  }
0x1de: {  	[tilespmem:s31+$0xFFFFFFC0] =	vst v2;
	v2 =	vadd.f32 v6, v10  }
0x1df: {  	[tilespmem:s31+$0xFFFFFFD0] =	vst v1;
	v0 =	vadd.f32 v0, v11  }
0x1e0: {  	[tilespmem:s31+$0xFFFFFFE0] =	vst v2  }
0x1e1: {  	[tilespmem:s31+$0xFFFFFFF0] =	vst v0  }
0x1e2: {  	v0 =	vld [tilespmem:s16+$0x0]  }
0x1e3: {  	v1 =	vld [tilespmem:s16+$0xFFFFFFA0]  }
0x1e4: {  	v2 =	vld [tilespmem:s16+$0xFFFFFFB0]  }
0x1e5: {  	v3 =	vld [tilespmem:s16+$0xFFFFFFC0]  }
0x1e6: {  	v4 =	vld [tilespmem:s16+$0xFFFFFFD0]  }
0x1e7: {  	v6 =	vld [tilespmem:s16+$0xFFFFFFE0]  }
0x1e8: {  	v11 =	vld [tilespmem:s16+$0xFFFFFFF0]  }
0x1e9: {  	v5 =	vld [tilespmem:s16+$0xFFFFFF90]  }
0x1ea: {  	v8 =	vld [tilespmem:s15+$0x0]  }
0x1eb: {  	v18 =	vld [tilespmem:s15+$0xFFFFFF90]  }
0x1ec: {  	v19 =	vld [tilespmem:s15+$0xFFFFFFA0]  }
0x1ed: {  	v20 =	vld [tilespmem:s15+$0xFFFFFFB0]  }
0x1ee: {  	v21 =	vld [tilespmem:s15+$0xFFFFFFC0]  }
0x1ef: {  	v22 =	vld [tilespmem:s15+$0xFFFFFFD0]  }
0x1f0: {  	v23 =	vld [tilespmem:s15+$0xFFFFFFE0]  }
0x1f1: {  	v24 =	vld [tilespmem:s15+$0xFFFFFFF0]  }
0x1f2: {  	v7 =	vld.idx.msk [tilespmem:v0+s20+$0x0], $0xffff  }
0x1f3: {  	v0 =	vld.idx.msk [tilespmem:v0+s22+$0x0], $0xffff  }
0x1f4: {  	v10 =	vld.idx.msk [tilespmem:v1+s20+$0x0], $0xffff  }
0x1f5: {  	v12 =	vld.idx.msk [tilespmem:v2+s20+$0x0], $0xffff  }
0x1f6: {  	v13 =	vld.idx.msk [tilespmem:v3+s20+$0x0], $0xffff  }
0x1f7: {  	v14 =	vld.idx.msk [tilespmem:v4+s20+$0x0], $0xffff  }
0x1f8: {  	v15 =	vld.idx.msk [tilespmem:v5+s20+$0x0], $0xffff  }
0x1f9: {  	v16 =	vld.idx.msk [tilespmem:v6+s20+$0x0], $0xffff  }
0x1fa: {  	v17 =	vld.idx.msk [tilespmem:v11+s20+$0x0], $0xffff  }
0x1fb: {  	v25 =	vld.idx.msk [tilespmem:v5+s22+$0x0], $0xffff  }
0x1fc: {  	v9 =	vld.idx.msk [tilespmem:v1+s22+$0x0], $0xffff  }
0x1fd: {  	v1 =	vld.idx.msk [tilespmem:v2+s22+$0x0], $0xffff  }
0x1fe: {  	v3 =	vld.idx.msk [tilespmem:v3+s22+$0x0], $0xffff;
	v5 =	vmul.f32 v8, v7  }
0x1ff: {  	v4 =	vld.idx.msk [tilespmem:v4+s22+$0x0], $0xffff;
	v15 =	vmul.f32 v18, v15  }
0x200: {  	v11 =	vld.idx.msk [tilespmem:v11+s22+$0x0], $0xffff;
	v7 =	vmul.f32 v19, v10;
	v2 =	vmul.f32 v20, v12;
	v0 =	vadd.f32 v5, v0  }
0x201: {  	s17 =	simm.s32 $0x0;
	s0 =	simm.s32 $0x63F0;
	v8 =	vmul.f32 v21, v13;
	v10 =	vld.idx.msk [tilespmem:v6+s22+$0x0], $0xffff;
	v6 =	vmul.f32 v23, v16  }
0x202: {  	s18 =	simm.s32 $0x770;
	s31 =	simm.s32 $0xC3F0;
	s16 =	simm.s32 $0x3F0;
	v5 =	vmul.f32 v22, v14;
	v12 =	vadd.f32 v15, v25;
	[tilespmem:s1+$0x0] =	vst v0;
	v0 =	vmul.f32 v24, v17  }
.LBB2_14:
0x203: {  	v13 =	vld [tilespmem:s18+$0x0];
	s17 =	sadd.s32 $0x8, s17;
	v7 =	vadd.f32 v7, v9  }
0x204: {  	v1 =	vadd.f32 v2, v1;
	v9 =	vld [tilespmem:s18+$0xFFFFFFA0];
	p0 =	slt.u32 s17, $0x38;
	[tilespmem:s1+$0xFFFFFF90] =	vst v12  }
0x205: {  	v2 =	vadd.f32 v8, v3;
	v12 =	vld [tilespmem:s18+$0xFFFFFFB0];
	[tilespmem:s1+$0xFFFFFFA0] =	vst v7  }
0x206: {  	v3 =	vld [tilespmem:s18+$0xFFFFFFC0];
	[tilespmem:s1+$0xFFFFFFB0] =	vst v1;
	v1 =	vadd.f32 v5, v4  }
0x207: {  	v4 =	vld [tilespmem:s18+$0xFFFFFFD0];
	[tilespmem:s1+$0xFFFFFFC0] =	vst v2;
	v2 =	vadd.f32 v6, v10  }
0x208: {  	v0 =	vadd.f32 v0, v11;
	v10 =	vld [tilespmem:s18+$0xFFFFFFE0];
	[tilespmem:s1+$0xFFFFFFD0] =	vst v1  }
0x209: {  	v11 =	vld [tilespmem:s18+$0xFFFFFFF0];
	[tilespmem:s1+$0xFFFFFFE0] =	vst v2  }
0x20a: {  	v1 =	vld [tilespmem:s18+$0xFFFFFF90];
	[tilespmem:s1+$0xFFFFFFF0] =	vst v0  }
0x20b: {  	s15 =	sadd.s32 $0x400, s15;
	v0 =	vld.idx.msk [tilespmem:v13+s20+$0x0], $0xffff  }
0x20c: {  	v2 =	vld [tilespmem:s15+$0x0]  }
0x20d: {  	v5 =	vld.idx.msk [tilespmem:v13+s22+$0x0], $0xffff  }
0x20e: {  	v6 =	vld.idx.msk [tilespmem:v9+s20+$0x0], $0xffff  }
0x20f: {  	v8 =	vld.idx.msk [tilespmem:v12+s20+$0x0], $0xffff  }
0x210: {  	v13 =	vld.idx.msk [tilespmem:v3+s20+$0x0], $0xffff  }
0x211: {  	v14 =	vld.idx.msk [tilespmem:v4+s20+$0x0], $0xffff;
	v0 =	vmul.f32 v2, v0  }
0x212: {  	v2 =	vld.idx.msk [tilespmem:v1+s20+$0x0], $0xffff  }
0x213: {  	v15 =	vld.idx.msk [tilespmem:v10+s20+$0x0], $0xffff;
	v0 =	vadd.f32 v0, v5  }
0x214: {  	s1 =	sadd.s32 $0x400, s1;
	v16 =	vld.idx.msk [tilespmem:v11+s20+$0x0], $0xffff  }
0x215: {  	v5 =	vld [tilespmem:s15+$0xFFFFFF90];
	[tilespmem:s1+$0x0] =	vst v0  }
0x216: {  	v0 =	vld [tilespmem:s15+$0xFFFFFFA0]  }
0x217: {  	v17 =	vld [tilespmem:s15+$0xFFFFFFB0]  }
0x218: {  	v18 =	vld [tilespmem:s15+$0xFFFFFFC0]  }
0x219: {  	v19 =	vld [tilespmem:s15+$0xFFFFFFD0]  }
0x21a: {  	v20 =	vmul.f32 v5, v2;
	v21 =	vld [tilespmem:s15+$0xFFFFFFE0]  }
0x21b: {  	v7 =	vmul.f32 v0, v6;
	v0 =	vld [tilespmem:s15+$0xFFFFFFF0]  }
0x21c: {  	v22 =	vld.idx.msk [tilespmem:v1+s22+$0x0], $0xffff;
	v2 =	vmul.f32 v17, v8  }
0x21d: {  	v9 =	vld.idx.msk [tilespmem:v9+s22+$0x0], $0xffff;
	v8 =	vmul.f32 v18, v13  }
.Ltmp6:
0x21e: {  	v1 =	vld.idx.msk [tilespmem:v12+s22+$0x0], $0xffff;
	v5 =	vmul.f32 v19, v14;
	(pc) =	sbr.rel @p0 .LBB2_14-.Ltmp6, $4  }
0x21f: {  	v3 =	vld.idx.msk [tilespmem:v3+s22+$0x0], $0xffff;
	v6 =	vmul.f32 v21, v15  }
0x220: {  	v4 =	vld.idx.msk [tilespmem:v4+s22+$0x0], $0xffff;
	v0 =	vmul.f32 v0, v16  }
0x221: {  	v10 =	vld.idx.msk [tilespmem:v10+s22+$0x0], $0xffff  }
0x222: {  	s18 =	sadd.s32 $0x400, s18;
	v12 =	vadd.f32 v20, v22;
	v11 =	vld.idx.msk [tilespmem:v11+s22+$0x0], $0xffff  }
0x223: {  	v7 =	vadd.f32 v7, v9  }
0x224: {  	v1 =	vadd.f32 v2, v1;
	[tilespmem:s1+$0xFFFFFF90] =	vst v12  }
0x225: {  	v2 =	vadd.f32 v8, v3;
	[tilespmem:s1+$0xFFFFFFA0] =	vst v7  }
0x226: {  	[tilespmem:s1+$0xFFFFFFB0] =	vst v1;
	v1 =	vadd.f32 v5, v4  }
0x227: {  	[tilespmem:s1+$0xFFFFFFC0] =	vst v2;
	v2 =	vadd.f32 v6, v10  }
0x228: {  	[tilespmem:s1+$0xFFFFFFD0] =	vst v1;
	v0 =	vadd.f32 v0, v11  }
0x229: {  	[tilespmem:s1+$0xFFFFFFE0] =	vst v2  }
0x22a: {  	[tilespmem:s1+$0xFFFFFFF0] =	vst v0  }
0x22b: {  	v0 =	vld [tilespmem:s16+$0x0]  }
0x22c: {  	v1 =	vld [tilespmem:s16+$0xFFFFFFA0]  }
0x22d: {  	v2 =	vld [tilespmem:s16+$0xFFFFFFB0]  }
0x22e: {  	v4 =	vld [tilespmem:s16+$0xFFFFFFC0]  }
0x22f: {  	v6 =	vld [tilespmem:s16+$0xFFFFFFD0]  }
0x230: {  	v8 =	vld [tilespmem:s16+$0xFFFFFFE0]  }
0x231: {  	v11 =	vld [tilespmem:s16+$0xFFFFFFF0]  }
0x232: {  	v3 =	vld [tilespmem:s16+$0xFFFFFF90]  }
0x233: {  	v7 =	vld [tilespmem:s0+$0x0]  }
0x234: {  	v18 =	vld [tilespmem:s0+$0xFFFFFF90]  }
0x235: {  	v19 =	vld [tilespmem:s0+$0xFFFFFFA0]  }
0x236: {  	v20 =	vld [tilespmem:s0+$0xFFFFFFB0]  }
0x237: {  	v21 =	vld [tilespmem:s0+$0xFFFFFFC0]  }
0x238: {  	v22 =	vld [tilespmem:s0+$0xFFFFFFD0]  }
0x239: {  	v23 =	vld [tilespmem:s0+$0xFFFFFFE0]  }
0x23a: {  	v24 =	vld [tilespmem:s0+$0xFFFFFFF0]  }
0x23b: {  	v5 =	vld.idx.msk [tilespmem:v0+s20+$0x0], $0xffff  }
0x23c: {  	v0 =	vld.idx.msk [tilespmem:v0+s22+$0x0], $0xffff  }
0x23d: {  	v9 =	vld.idx.msk [tilespmem:v1+s20+$0x0], $0xffff  }
0x23e: {  	v12 =	vld.idx.msk [tilespmem:v2+s20+$0x0], $0xffff  }
0x23f: {  	v13 =	vld.idx.msk [tilespmem:v4+s20+$0x0], $0xffff  }
0x240: {  	v14 =	vld.idx.msk [tilespmem:v6+s20+$0x0], $0xffff  }
0x241: {  	v15 =	vld.idx.msk [tilespmem:v3+s20+$0x0], $0xffff  }
0x242: {  	v16 =	vld.idx.msk [tilespmem:v8+s20+$0x0], $0xffff  }
0x243: {  	v17 =	vld.idx.msk [tilespmem:v11+s20+$0x0], $0xffff  }
0x244: {  	v25 =	vld.idx.msk [tilespmem:v3+s22+$0x0], $0xffff  }
0x245: {  	v10 =	vld.idx.msk [tilespmem:v1+s22+$0x0], $0xffff  }
0x246: {  	v3 =	vld.idx.msk [tilespmem:v2+s22+$0x0], $0xffff  }
0x247: {  	v8 =	vld.idx.msk [tilespmem:v8+s22+$0x0], $0xffff;
	v5 =	vmul.f32 v7, v5  }
0x248: {  	v15 =	vmul.f32 v18, v15;
	v7 =	vld.idx.msk [tilespmem:v6+s22+$0x0], $0xffff  }
0x249: {  	v9 =	vmul.f32 v19, v9;
	v6 =	vmul.f32 v21, v13;
	v0 =	vadd.f32 v5, v0;
	v5 =	vld.idx.msk [tilespmem:v4+s22+$0x0], $0xffff  }
0x24a: {  	v11 =	vld.idx.msk [tilespmem:v11+s22+$0x0], $0xffff;
	v1 =	vmul.f32 v22, v14;
	v2 =	vmul.f32 v23, v16  }
0x24b: {  	s15 =	simm.s32 $0x7F0;
	s1 =	simm.s32 $0x0;
	v4 =	vmul.f32 v20, v12;
	v12 =	vadd.f32 v15, v25;
	[tilespmem:s31+$0x0] =	vst v0;
	v0 =	vmul.f32 v24, v17  }
.LBB2_16:
0x24c: {  	v13 =	vld [tilespmem:s15+$0x0];
	s1 =	sadd.s32 $0x8, s1;
	v9 =	vadd.f32 v9, v10  }
0x24d: {  	v3 =	vadd.f32 v4, v3;
	v10 =	vld [tilespmem:s15+$0xFFFFFFA0];
	p0 =	slt.u32 s1, $0x38;
	[tilespmem:s31+$0xFFFFFF90] =	vst v12  }
0x24e: {  	v4 =	vadd.f32 v6, v5;
	v12 =	vld [tilespmem:s15+$0xFFFFFFB0];
	[tilespmem:s31+$0xFFFFFFA0] =	vst v9  }
0x24f: {  	v1 =	vadd.f32 v1, v7;
	v5 =	vld [tilespmem:s15+$0xFFFFFFC0];
	[tilespmem:s31+$0xFFFFFFB0] =	vst v3  }
0x250: {  	v2 =	vadd.f32 v2, v8;
	v7 =	vld [tilespmem:s15+$0xFFFFFFD0];
	[tilespmem:s31+$0xFFFFFFC0] =	vst v4  }
0x251: {  	v0 =	vadd.f32 v0, v11;
	v8 =	vld [tilespmem:s15+$0xFFFFFFE0];
	[tilespmem:s31+$0xFFFFFFD0] =	vst v1  }
0x252: {  	v11 =	vld [tilespmem:s15+$0xFFFFFFF0];
	[tilespmem:s31+$0xFFFFFFE0] =	vst v2  }
0x253: {  	v1 =	vld [tilespmem:s15+$0xFFFFFF90];
	[tilespmem:s31+$0xFFFFFFF0] =	vst v0  }
0x254: {  	s0 =	sadd.s32 $0x400, s0;
	v0 =	vld.idx.msk [tilespmem:v13+s20+$0x0], $0xffff  }
0x255: {  	v2 =	vld [tilespmem:s0+$0x0]  }
0x256: {  	v3 =	vld.idx.msk [tilespmem:v13+s22+$0x0], $0xffff  }
0x257: {  	v4 =	vld.idx.msk [tilespmem:v10+s20+$0x0], $0xffff  }
0x258: {  	v6 =	vld.idx.msk [tilespmem:v12+s20+$0x0], $0xffff  }
0x259: {  	v13 =	vld.idx.msk [tilespmem:v5+s20+$0x0], $0xffff  }
0x25a: {  	v14 =	vld.idx.msk [tilespmem:v7+s20+$0x0], $0xffff;
	v0 =	vmul.f32 v2, v0  }
0x25b: {  	v2 =	vld.idx.msk [tilespmem:v1+s20+$0x0], $0xffff  }
0x25c: {  	v15 =	vld.idx.msk [tilespmem:v8+s20+$0x0], $0xffff;
	v0 =	vadd.f32 v0, v3  }
0x25d: {  	s31 =	sadd.s32 $0x400, s31;
	v16 =	vld.idx.msk [tilespmem:v11+s20+$0x0], $0xffff  }
0x25e: {  	v3 =	vld [tilespmem:s0+$0xFFFFFF90];
	[tilespmem:s31+$0x0] =	vst v0  }
0x25f: {  	v0 =	vld [tilespmem:s0+$0xFFFFFFA0]  }
0x260: {  	v17 =	vld [tilespmem:s0+$0xFFFFFFB0]  }
0x261: {  	v18 =	vld [tilespmem:s0+$0xFFFFFFC0]  }
0x262: {  	v19 =	vld [tilespmem:s0+$0xFFFFFFD0]  }
0x263: {  	v20 =	vmul.f32 v3, v2;
	v2 =	vld [tilespmem:s0+$0xFFFFFFE0]  }
0x264: {  	v9 =	vmul.f32 v0, v4;
	v0 =	vld [tilespmem:s0+$0xFFFFFFF0]  }
0x265: {  	v21 =	vld.idx.msk [tilespmem:v1+s22+$0x0], $0xffff;
	v4 =	vmul.f32 v17, v6  }
0x266: {  	v10 =	vld.idx.msk [tilespmem:v10+s22+$0x0], $0xffff;
	v6 =	vmul.f32 v18, v13  }
.Ltmp7:
0x267: {  	v3 =	vld.idx.msk [tilespmem:v12+s22+$0x0], $0xffff;
	v1 =	vmul.f32 v19, v14;
	(pc) =	sbr.rel @p0 .LBB2_16-.Ltmp7, $4  }
0x268: {  	v5 =	vld.idx.msk [tilespmem:v5+s22+$0x0], $0xffff;
	v2 =	vmul.f32 v2, v15  }
0x269: {  	v7 =	vld.idx.msk [tilespmem:v7+s22+$0x0], $0xffff;
	v0 =	vmul.f32 v0, v16  }
0x26a: {  	v8 =	vld.idx.msk [tilespmem:v8+s22+$0x0], $0xffff  }
0x26b: {  	s15 =	sadd.s32 $0x400, s15;
	v12 =	vadd.f32 v20, v21;
	v11 =	vld.idx.msk [tilespmem:v11+s22+$0x0], $0xffff  }
0x26c: {  	v9 =	vadd.f32 v9, v10  }
0x26d: {  	v3 =	vadd.f32 v4, v3;
	[tilespmem:s31+$0xFFFFFF90] =	vst v12  }
0x26e: {  	v4 =	vadd.f32 v6, v5;
	[tilespmem:s31+$0xFFFFFFA0] =	vst v9  }
0x26f: {  	[tilespmem:s31+$0xFFFFFFB0] =	vst v3;
	v1 =	vadd.f32 v1, v7  }
0x270: {  	[tilespmem:s31+$0xFFFFFFC0] =	vst v4;
	v2 =	vadd.f32 v2, v8  }
0x271: {  	[tilespmem:s31+$0xFFFFFFD0] =	vst v1;
	v0 =	vadd.f32 v0, v11  }
0x272: {  	[tilespmem:s31+$0xFFFFFFE0] =	vst v2  }
0x273: {  	[tilespmem:s31+$0xFFFFFFF0] =	vst v0  }
0x274: {  	[hbm4b:s11+s2] =	stream.linear.scatter [tilespmem:s25], [sflag:$0x3], $0x2000, $0x38;
	[tilespmem:$0x12100] =	vst v63  }
0x275: {  	_ =	swait.ge [sflag:s23], $0x2000  }
0x276: {  	[sflag:s23] =	ssyncset.done $0x0  }
0x277: {  	[sflag:s23] =	ssyncadd.s32 $0xFFFFE000  }
0x278: {  	_ =	swait.ge [sflag:s24], $0x2000  }
0x279: {  	[sflag:s24] =	ssyncset.done $0x0  }
0x27a: {  	s0 =	simm.s32 $0x2070;
	[sflag:s24] =	ssyncadd.s32 $0xFFFFE000  }
0x27b: {  	v0 =	vld [tilespmem:s0+$0x0]  }
0x27c: {  	v1 =	vld [tilespmem:s0+$0xFFFFFFA0]  }
0x27d: {  	v2 =	vld [tilespmem:s0+$0xFFFFFFB0]  }
0x27e: {  	v3 =	vld [tilespmem:s0+$0xFFFFFFC0]  }
0x27f: {  	v4 =	vld [tilespmem:s0+$0xFFFFFFD0]  }
0x280: {  	v7 =	vld [tilespmem:s0+$0xFFFFFFE0]  }
0x281: {  	v11 =	vld [tilespmem:s0+$0xFFFFFFF0]  }
0x282: {  	s15 =	simm.s32 $0x8070;
	v5 =	vld [tilespmem:s0+$0xFFFFFF90]  }
0x283: {  	v8 =	vld [tilespmem:s15+$0x0]  }
0x284: {  	v18 =	vld [tilespmem:s15+$0xFFFFFF90]  }
0x285: {  	v19 =	vld [tilespmem:s15+$0xFFFFFFA0]  }
0x286: {  	v20 =	vld [tilespmem:s15+$0xFFFFFFB0]  }
0x287: {  	v21 =	vld [tilespmem:s15+$0xFFFFFFC0]  }
0x288: {  	v22 =	vld [tilespmem:s15+$0xFFFFFFD0]  }
0x289: {  	v23 =	vld [tilespmem:s15+$0xFFFFFFE0]  }
0x28a: {  	v24 =	vld [tilespmem:s15+$0xFFFFFFF0]  }
0x28b: {  	v6 =	vld.idx.msk [tilespmem:v0+s20+$0x0], $0xffff  }
0x28c: {  	v9 =	vld.idx.msk [tilespmem:v0+s22+$0x0], $0xffff  }
0x28d: {  	v10 =	vld.idx.msk [tilespmem:v1+s20+$0x0], $0xffff  }
0x28e: {  	v12 =	vld.idx.msk [tilespmem:v2+s20+$0x0], $0xffff  }
0x28f: {  	v13 =	vld.idx.msk [tilespmem:v3+s20+$0x0], $0xffff  }
0x290: {  	v14 =	vld.idx.msk [tilespmem:v4+s20+$0x0], $0xffff  }
0x291: {  	v15 =	vld.idx.msk [tilespmem:v5+s20+$0x0], $0xffff  }
0x292: {  	v16 =	vld.idx.msk [tilespmem:v7+s20+$0x0], $0xffff  }
0x293: {  	v17 =	vld.idx.msk [tilespmem:v11+s20+$0x0], $0xffff  }
0x294: {  	v25 =	vld.idx.msk [tilespmem:v5+s22+$0x0], $0xffff  }
0x295: {  	v0 =	vld.idx.msk [tilespmem:v2+s22+$0x0], $0xffff  }
0x296: {  	v2 =	vld.idx.msk [tilespmem:v3+s22+$0x0], $0xffff  }
0x297: {  	v5 =	vmul.f32 v8, v6;
	v8 =	vld.idx.msk [tilespmem:v1+s22+$0x0], $0xffff  }
0x298: {  	v4 =	vld.idx.msk [tilespmem:v4+s22+$0x0], $0xffff;
	v15 =	vmul.f32 v18, v15  }
0x299: {  	v11 =	vld.idx.msk [tilespmem:v11+s22+$0x0], $0xffff;
	v6 =	vmul.f32 v19, v10;
	v1 =	vmul.f32 v20, v12;
	v5 =	vadd.f32 v5, v9  }
0x29a: {  	s17 =	simm.s32 $0x0;
	s16 =	simm.s32 $0x20F0;
	s31 =	simm.s32 $0xE070;
	v10 =	vld.idx.msk [tilespmem:v7+s22+$0x0], $0xffff;
	v7 =	vmul.f32 v23, v16;
	v3 =	vmul.f32 v24, v17  }
0x29b: {  	s1 =	simm.s32 $0xE0F0;
	s18 =	simm.s32 $0x2470;
	s0 =	simm.s32 $0x80F0;
	v9 =	vmul.f32 v21, v13;
	v12 =	vadd.f32 v15, v25;
	[tilespmem:s31+$0x0] =	vst v5;
	v5 =	vmul.f32 v22, v14  }
.LBB2_18:
0x29c: {  	v13 =	vld [tilespmem:s18+$0x0];
	s17 =	sadd.s32 $0x8, s17;
	v6 =	vadd.f32 v6, v8  }
0x29d: {  	v0 =	vadd.f32 v1, v0;
	v8 =	vld [tilespmem:s18+$0xFFFFFFA0];
	p0 =	slt.u32 s17, $0x38;
	[tilespmem:s31+$0xFFFFFF90] =	vst v12  }
0x29e: {  	v1 =	vadd.f32 v9, v2;
	v12 =	vld [tilespmem:s18+$0xFFFFFFB0];
	[tilespmem:s31+$0xFFFFFFA0] =	vst v6  }
0x29f: {  	v2 =	vld [tilespmem:s18+$0xFFFFFFC0];
	[tilespmem:s31+$0xFFFFFFB0] =	vst v0;
	v0 =	vadd.f32 v5, v4  }
0x2a0: {  	v4 =	vld [tilespmem:s18+$0xFFFFFFD0];
	[tilespmem:s31+$0xFFFFFFC0] =	vst v1;
	v1 =	vadd.f32 v7, v10  }
0x2a1: {  	v10 =	vld [tilespmem:s18+$0xFFFFFFE0];
	[tilespmem:s31+$0xFFFFFFD0] =	vst v0;
	v0 =	vadd.f32 v3, v11  }
0x2a2: {  	v11 =	vld [tilespmem:s18+$0xFFFFFFF0];
	[tilespmem:s31+$0xFFFFFFE0] =	vst v1  }
0x2a3: {  	v1 =	vld [tilespmem:s18+$0xFFFFFF90];
	[tilespmem:s31+$0xFFFFFFF0] =	vst v0  }
0x2a4: {  	s15 =	sadd.s32 $0x400, s15;
	v0 =	vld.idx.msk [tilespmem:v13+s20+$0x0], $0xffff  }
0x2a5: {  	v3 =	vld [tilespmem:s15+$0x0]  }
0x2a6: {  	v5 =	vld.idx.msk [tilespmem:v13+s22+$0x0], $0xffff  }
0x2a7: {  	v6 =	vld.idx.msk [tilespmem:v8+s20+$0x0], $0xffff  }
0x2a8: {  	v7 =	vld.idx.msk [tilespmem:v12+s20+$0x0], $0xffff  }
0x2a9: {  	v9 =	vld.idx.msk [tilespmem:v2+s20+$0x0], $0xffff  }
0x2aa: {  	v13 =	vld.idx.msk [tilespmem:v4+s20+$0x0], $0xffff;
	v0 =	vmul.f32 v3, v0  }
0x2ab: {  	v3 =	vld.idx.msk [tilespmem:v1+s20+$0x0], $0xffff  }
0x2ac: {  	v14 =	vld.idx.msk [tilespmem:v10+s20+$0x0], $0xffff;
	v0 =	vadd.f32 v0, v5  }
0x2ad: {  	s31 =	sadd.s32 $0x400, s31;
	v15 =	vld.idx.msk [tilespmem:v11+s20+$0x0], $0xffff  }
0x2ae: {  	v5 =	vld [tilespmem:s15+$0xFFFFFF90];
	[tilespmem:s31+$0x0] =	vst v0  }
0x2af: {  	v0 =	vld [tilespmem:s15+$0xFFFFFFA0]  }
0x2b0: {  	v16 =	vld [tilespmem:s15+$0xFFFFFFB0]  }
0x2b1: {  	v17 =	vld [tilespmem:s15+$0xFFFFFFC0]  }
0x2b2: {  	v18 =	vld [tilespmem:s15+$0xFFFFFFD0]  }
0x2b3: {  	v19 =	vmul.f32 v5, v3;
	v3 =	vld [tilespmem:s15+$0xFFFFFFE0]  }
0x2b4: {  	v6 =	vmul.f32 v0, v6;
	v20 =	vld [tilespmem:s15+$0xFFFFFFF0]  }
0x2b5: {  	v21 =	vld.idx.msk [tilespmem:v1+s22+$0x0], $0xffff;
	v1 =	vmul.f32 v16, v7  }
0x2b6: {  	v8 =	vld.idx.msk [tilespmem:v8+s22+$0x0], $0xffff;
	v9 =	vmul.f32 v17, v9  }
.Ltmp8:
0x2b7: {  	v0 =	vld.idx.msk [tilespmem:v12+s22+$0x0], $0xffff;
	v5 =	vmul.f32 v18, v13;
	(pc) =	sbr.rel @p0 .LBB2_18-.Ltmp8, $4  }
0x2b8: {  	v2 =	vld.idx.msk [tilespmem:v2+s22+$0x0], $0xffff;
	v7 =	vmul.f32 v3, v14  }
0x2b9: {  	v4 =	vld.idx.msk [tilespmem:v4+s22+$0x0], $0xffff;
	v3 =	vmul.f32 v20, v15  }
0x2ba: {  	v10 =	vld.idx.msk [tilespmem:v10+s22+$0x0], $0xffff  }
0x2bb: {  	s18 =	sadd.s32 $0x400, s18;
	v12 =	vadd.f32 v19, v21;
	v11 =	vld.idx.msk [tilespmem:v11+s22+$0x0], $0xffff  }
0x2bc: {  	v6 =	vadd.f32 v6, v8  }
0x2bd: {  	v0 =	vadd.f32 v1, v0;
	[tilespmem:s31+$0xFFFFFF90] =	vst v12  }
0x2be: {  	v1 =	vadd.f32 v9, v2;
	[tilespmem:s31+$0xFFFFFFA0] =	vst v6  }
0x2bf: {  	[tilespmem:s31+$0xFFFFFFB0] =	vst v0;
	v0 =	vadd.f32 v5, v4  }
0x2c0: {  	[tilespmem:s31+$0xFFFFFFC0] =	vst v1;
	v1 =	vadd.f32 v7, v10  }
0x2c1: {  	[tilespmem:s31+$0xFFFFFFD0] =	vst v0;
	v0 =	vadd.f32 v3, v11  }
0x2c2: {  	[tilespmem:s31+$0xFFFFFFE0] =	vst v1  }
0x2c3: {  	[tilespmem:s31+$0xFFFFFFF0] =	vst v0  }
0x2c4: {  	v0 =	vld [tilespmem:s16+$0x0]  }
0x2c5: {  	v1 =	vld [tilespmem:s16+$0xFFFFFFA0]  }
0x2c6: {  	v2 =	vld [tilespmem:s16+$0xFFFFFFB0]  }
0x2c7: {  	v3 =	vld [tilespmem:s16+$0xFFFFFFC0]  }
0x2c8: {  	v4 =	vld [tilespmem:s16+$0xFFFFFFD0]  }
0x2c9: {  	v6 =	vld [tilespmem:s16+$0xFFFFFFE0]  }
0x2ca: {  	v11 =	vld [tilespmem:s16+$0xFFFFFFF0]  }
0x2cb: {  	v5 =	vld [tilespmem:s16+$0xFFFFFF90]  }
0x2cc: {  	v8 =	vld [tilespmem:s0+$0x0]  }
0x2cd: {  	v18 =	vld [tilespmem:s0+$0xFFFFFF90]  }
0x2ce: {  	v19 =	vld [tilespmem:s0+$0xFFFFFFA0]  }
0x2cf: {  	v20 =	vld [tilespmem:s0+$0xFFFFFFB0]  }
0x2d0: {  	v21 =	vld [tilespmem:s0+$0xFFFFFFC0]  }
0x2d1: {  	v22 =	vld [tilespmem:s0+$0xFFFFFFD0]  }
0x2d2: {  	v23 =	vld [tilespmem:s0+$0xFFFFFFE0]  }
0x2d3: {  	v24 =	vld [tilespmem:s0+$0xFFFFFFF0]  }
0x2d4: {  	v7 =	vld.idx.msk [tilespmem:v0+s20+$0x0], $0xffff  }
0x2d5: {  	v0 =	vld.idx.msk [tilespmem:v0+s22+$0x0], $0xffff  }
0x2d6: {  	v10 =	vld.idx.msk [tilespmem:v1+s20+$0x0], $0xffff  }
0x2d7: {  	v12 =	vld.idx.msk [tilespmem:v2+s20+$0x0], $0xffff  }
0x2d8: {  	v13 =	vld.idx.msk [tilespmem:v3+s20+$0x0], $0xffff  }
0x2d9: {  	v14 =	vld.idx.msk [tilespmem:v4+s20+$0x0], $0xffff  }
0x2da: {  	v15 =	vld.idx.msk [tilespmem:v5+s20+$0x0], $0xffff  }
0x2db: {  	v16 =	vld.idx.msk [tilespmem:v6+s20+$0x0], $0xffff  }
0x2dc: {  	v17 =	vld.idx.msk [tilespmem:v11+s20+$0x0], $0xffff  }
0x2dd: {  	v25 =	vld.idx.msk [tilespmem:v5+s22+$0x0], $0xffff  }
0x2de: {  	v9 =	vld.idx.msk [tilespmem:v1+s22+$0x0], $0xffff  }
0x2df: {  	v1 =	vld.idx.msk [tilespmem:v2+s22+$0x0], $0xffff  }
0x2e0: {  	v3 =	vld.idx.msk [tilespmem:v3+s22+$0x0], $0xffff;
	v5 =	vmul.f32 v8, v7  }
0x2e1: {  	v4 =	vld.idx.msk [tilespmem:v4+s22+$0x0], $0xffff;
	v15 =	vmul.f32 v18, v15  }
0x2e2: {  	v11 =	vld.idx.msk [tilespmem:v11+s22+$0x0], $0xffff;
	v7 =	vmul.f32 v19, v10;
	v2 =	vmul.f32 v20, v12;
	v0 =	vadd.f32 v5, v0  }
0x2e3: {  	s17 =	simm.s32 $0x0;
	s15 =	simm.s32 $0x8170;
	v8 =	vmul.f32 v21, v13;
	v10 =	vld.idx.msk [tilespmem:v6+s22+$0x0], $0xffff;
	v6 =	vmul.f32 v23, v16  }
0x2e4: {  	s18 =	simm.s32 $0x24F0;
	s31 =	simm.s32 $0xE170;
	s16 =	simm.s32 $0x2170;
	v5 =	vmul.f32 v22, v14;
	v12 =	vadd.f32 v15, v25;
	[tilespmem:s1+$0x0] =	vst v0;
	v0 =	vmul.f32 v24, v17  }
.LBB2_20:
0x2e5: {  	v13 =	vld [tilespmem:s18+$0x0];
	s17 =	sadd.s32 $0x8, s17;
	v7 =	vadd.f32 v7, v9  }
0x2e6: {  	v1 =	vadd.f32 v2, v1;
	v9 =	vld [tilespmem:s18+$0xFFFFFFA0];
	p0 =	slt.u32 s17, $0x38;
	[tilespmem:s1+$0xFFFFFF90] =	vst v12  }
0x2e7: {  	v2 =	vadd.f32 v8, v3;
	v12 =	vld [tilespmem:s18+$0xFFFFFFB0];
	[tilespmem:s1+$0xFFFFFFA0] =	vst v7  }
0x2e8: {  	v3 =	vld [tilespmem:s18+$0xFFFFFFC0];
	[tilespmem:s1+$0xFFFFFFB0] =	vst v1;
	v1 =	vadd.f32 v5, v4  }
0x2e9: {  	v4 =	vld [tilespmem:s18+$0xFFFFFFD0];
	[tilespmem:s1+$0xFFFFFFC0] =	vst v2;
	v2 =	vadd.f32 v6, v10  }
0x2ea: {  	v0 =	vadd.f32 v0, v11;
	v10 =	vld [tilespmem:s18+$0xFFFFFFE0];
	[tilespmem:s1+$0xFFFFFFD0] =	vst v1  }
0x2eb: {  	v11 =	vld [tilespmem:s18+$0xFFFFFFF0];
	[tilespmem:s1+$0xFFFFFFE0] =	vst v2  }
0x2ec: {  	v1 =	vld [tilespmem:s18+$0xFFFFFF90];
	[tilespmem:s1+$0xFFFFFFF0] =	vst v0  }
0x2ed: {  	s0 =	sadd.s32 $0x400, s0;
	v0 =	vld.idx.msk [tilespmem:v13+s20+$0x0], $0xffff  }
0x2ee: {  	v2 =	vld [tilespmem:s0+$0x0]  }
0x2ef: {  	v5 =	vld.idx.msk [tilespmem:v13+s22+$0x0], $0xffff  }
0x2f0: {  	v6 =	vld.idx.msk [tilespmem:v9+s20+$0x0], $0xffff  }
0x2f1: {  	v8 =	vld.idx.msk [tilespmem:v12+s20+$0x0], $0xffff  }
0x2f2: {  	v13 =	vld.idx.msk [tilespmem:v3+s20+$0x0], $0xffff  }
0x2f3: {  	v14 =	vld.idx.msk [tilespmem:v4+s20+$0x0], $0xffff;
	v0 =	vmul.f32 v2, v0  }
0x2f4: {  	v2 =	vld.idx.msk [tilespmem:v1+s20+$0x0], $0xffff  }
0x2f5: {  	v15 =	vld.idx.msk [tilespmem:v10+s20+$0x0], $0xffff;
	v0 =	vadd.f32 v0, v5  }
0x2f6: {  	s1 =	sadd.s32 $0x400, s1;
	v16 =	vld.idx.msk [tilespmem:v11+s20+$0x0], $0xffff  }
0x2f7: {  	v5 =	vld [tilespmem:s0+$0xFFFFFF90];
	[tilespmem:s1+$0x0] =	vst v0  }
0x2f8: {  	v0 =	vld [tilespmem:s0+$0xFFFFFFA0]  }
0x2f9: {  	v17 =	vld [tilespmem:s0+$0xFFFFFFB0]  }
0x2fa: {  	v18 =	vld [tilespmem:s0+$0xFFFFFFC0]  }
0x2fb: {  	v19 =	vld [tilespmem:s0+$0xFFFFFFD0]  }
0x2fc: {  	v20 =	vmul.f32 v5, v2;
	v21 =	vld [tilespmem:s0+$0xFFFFFFE0]  }
0x2fd: {  	v7 =	vmul.f32 v0, v6;
	v0 =	vld [tilespmem:s0+$0xFFFFFFF0]  }
0x2fe: {  	v22 =	vld.idx.msk [tilespmem:v1+s22+$0x0], $0xffff;
	v2 =	vmul.f32 v17, v8  }
0x2ff: {  	v9 =	vld.idx.msk [tilespmem:v9+s22+$0x0], $0xffff;
	v8 =	vmul.f32 v18, v13  }
.Ltmp9:
0x300: {  	v1 =	vld.idx.msk [tilespmem:v12+s22+$0x0], $0xffff;
	v5 =	vmul.f32 v19, v14;
	(pc) =	sbr.rel @p0 .LBB2_20-.Ltmp9, $4  }
0x301: {  	v3 =	vld.idx.msk [tilespmem:v3+s22+$0x0], $0xffff;
	v6 =	vmul.f32 v21, v15  }
0x302: {  	v4 =	vld.idx.msk [tilespmem:v4+s22+$0x0], $0xffff;
	v0 =	vmul.f32 v0, v16  }
0x303: {  	v10 =	vld.idx.msk [tilespmem:v10+s22+$0x0], $0xffff  }
0x304: {  	s18 =	sadd.s32 $0x400, s18;
	v12 =	vadd.f32 v20, v22;
	v11 =	vld.idx.msk [tilespmem:v11+s22+$0x0], $0xffff  }
0x305: {  	v7 =	vadd.f32 v7, v9  }
0x306: {  	v1 =	vadd.f32 v2, v1;
	[tilespmem:s1+$0xFFFFFF90] =	vst v12  }
0x307: {  	v2 =	vadd.f32 v8, v3;
	[tilespmem:s1+$0xFFFFFFA0] =	vst v7  }
0x308: {  	[tilespmem:s1+$0xFFFFFFB0] =	vst v1;
	v1 =	vadd.f32 v5, v4  }
0x309: {  	[tilespmem:s1+$0xFFFFFFC0] =	vst v2;
	v2 =	vadd.f32 v6, v10  }
0x30a: {  	[tilespmem:s1+$0xFFFFFFD0] =	vst v1;
	v0 =	vadd.f32 v0, v11  }
0x30b: {  	[tilespmem:s1+$0xFFFFFFE0] =	vst v2  }
0x30c: {  	[tilespmem:s1+$0xFFFFFFF0] =	vst v0  }
0x30d: {  	v0 =	vld [tilespmem:s16+$0x0]  }
0x30e: {  	v1 =	vld [tilespmem:s16+$0xFFFFFFA0]  }
0x30f: {  	v2 =	vld [tilespmem:s16+$0xFFFFFFB0]  }
0x310: {  	v3 =	vld [tilespmem:s16+$0xFFFFFFC0]  }
0x311: {  	v4 =	vld [tilespmem:s16+$0xFFFFFFD0]  }
0x312: {  	v6 =	vld [tilespmem:s16+$0xFFFFFFE0]  }
0x313: {  	v11 =	vld [tilespmem:s16+$0xFFFFFFF0]  }
0x314: {  	v5 =	vld [tilespmem:s16+$0xFFFFFF90]  }
0x315: {  	v8 =	vld [tilespmem:s15+$0x0]  }
0x316: {  	v18 =	vld [tilespmem:s15+$0xFFFFFF90]  }
0x317: {  	v19 =	vld [tilespmem:s15+$0xFFFFFFA0]  }
0x318: {  	v20 =	vld [tilespmem:s15+$0xFFFFFFB0]  }
0x319: {  	v21 =	vld [tilespmem:s15+$0xFFFFFFC0]  }
0x31a: {  	v22 =	vld [tilespmem:s15+$0xFFFFFFD0]  }
0x31b: {  	v23 =	vld [tilespmem:s15+$0xFFFFFFE0]  }
0x31c: {  	v24 =	vld [tilespmem:s15+$0xFFFFFFF0]  }
0x31d: {  	v7 =	vld.idx.msk [tilespmem:v0+s20+$0x0], $0xffff  }
0x31e: {  	v0 =	vld.idx.msk [tilespmem:v0+s22+$0x0], $0xffff  }
0x31f: {  	v10 =	vld.idx.msk [tilespmem:v1+s20+$0x0], $0xffff  }
0x320: {  	v12 =	vld.idx.msk [tilespmem:v2+s20+$0x0], $0xffff  }
0x321: {  	v13 =	vld.idx.msk [tilespmem:v3+s20+$0x0], $0xffff  }
0x322: {  	v14 =	vld.idx.msk [tilespmem:v4+s20+$0x0], $0xffff  }
0x323: {  	v15 =	vld.idx.msk [tilespmem:v5+s20+$0x0], $0xffff  }
0x324: {  	v16 =	vld.idx.msk [tilespmem:v6+s20+$0x0], $0xffff  }
0x325: {  	v17 =	vld.idx.msk [tilespmem:v11+s20+$0x0], $0xffff  }
0x326: {  	v25 =	vld.idx.msk [tilespmem:v5+s22+$0x0], $0xffff  }
0x327: {  	v9 =	vld.idx.msk [tilespmem:v1+s22+$0x0], $0xffff  }
0x328: {  	v1 =	vld.idx.msk [tilespmem:v2+s22+$0x0], $0xffff  }
0x329: {  	v3 =	vld.idx.msk [tilespmem:v3+s22+$0x0], $0xffff;
	v5 =	vmul.f32 v8, v7  }
0x32a: {  	v4 =	vld.idx.msk [tilespmem:v4+s22+$0x0], $0xffff;
	v15 =	vmul.f32 v18, v15  }
0x32b: {  	v11 =	vld.idx.msk [tilespmem:v11+s22+$0x0], $0xffff;
	v7 =	vmul.f32 v19, v10;
	v2 =	vmul.f32 v20, v12;
	v0 =	vadd.f32 v5, v0  }
0x32c: {  	s17 =	simm.s32 $0x0;
	s0 =	simm.s32 $0x81F0;
	v8 =	vmul.f32 v21, v13;
	v10 =	vld.idx.msk [tilespmem:v6+s22+$0x0], $0xffff;
	v6 =	vmul.f32 v23, v16  }
0x32d: {  	s18 =	simm.s32 $0x2570;
	s1 =	simm.s32 $0xE1F0;
	s16 =	simm.s32 $0x21F0;
	v5 =	vmul.f32 v22, v14;
	v12 =	vadd.f32 v15, v25;
	[tilespmem:s31+$0x0] =	vst v0;
	v0 =	vmul.f32 v24, v17  }
.LBB2_22:
0x32e: {  	v13 =	vld [tilespmem:s18+$0x0];
	s17 =	sadd.s32 $0x8, s17;
	v7 =	vadd.f32 v7, v9  }
0x32f: {  	v1 =	vadd.f32 v2, v1;
	v9 =	vld [tilespmem:s18+$0xFFFFFFA0];
	p0 =	slt.u32 s17, $0x38;
	[tilespmem:s31+$0xFFFFFF90] =	vst v12  }
0x330: {  	v2 =	vadd.f32 v8, v3;
	v12 =	vld [tilespmem:s18+$0xFFFFFFB0];
	[tilespmem:s31+$0xFFFFFFA0] =	vst v7  }
0x331: {  	v3 =	vld [tilespmem:s18+$0xFFFFFFC0];
	[tilespmem:s31+$0xFFFFFFB0] =	vst v1;
	v1 =	vadd.f32 v5, v4  }
0x332: {  	v4 =	vld [tilespmem:s18+$0xFFFFFFD0];
	[tilespmem:s31+$0xFFFFFFC0] =	vst v2;
	v2 =	vadd.f32 v6, v10  }
0x333: {  	v0 =	vadd.f32 v0, v11;
	v10 =	vld [tilespmem:s18+$0xFFFFFFE0];
	[tilespmem:s31+$0xFFFFFFD0] =	vst v1  }
0x334: {  	v11 =	vld [tilespmem:s18+$0xFFFFFFF0];
	[tilespmem:s31+$0xFFFFFFE0] =	vst v2  }
0x335: {  	v1 =	vld [tilespmem:s18+$0xFFFFFF90];
	[tilespmem:s31+$0xFFFFFFF0] =	vst v0  }
0x336: {  	s15 =	sadd.s32 $0x400, s15;
	v0 =	vld.idx.msk [tilespmem:v13+s20+$0x0], $0xffff  }
0x337: {  	v2 =	vld [tilespmem:s15+$0x0]  }
0x338: {  	v5 =	vld.idx.msk [tilespmem:v13+s22+$0x0], $0xffff  }
0x339: {  	v6 =	vld.idx.msk [tilespmem:v9+s20+$0x0], $0xffff  }
0x33a: {  	v8 =	vld.idx.msk [tilespmem:v12+s20+$0x0], $0xffff  }
0x33b: {  	v13 =	vld.idx.msk [tilespmem:v3+s20+$0x0], $0xffff  }
0x33c: {  	v14 =	vld.idx.msk [tilespmem:v4+s20+$0x0], $0xffff;
	v0 =	vmul.f32 v2, v0  }
0x33d: {  	v2 =	vld.idx.msk [tilespmem:v1+s20+$0x0], $0xffff  }
0x33e: {  	v15 =	vld.idx.msk [tilespmem:v10+s20+$0x0], $0xffff;
	v0 =	vadd.f32 v0, v5  }
0x33f: {  	s31 =	sadd.s32 $0x400, s31;
	v16 =	vld.idx.msk [tilespmem:v11+s20+$0x0], $0xffff  }
0x340: {  	v5 =	vld [tilespmem:s15+$0xFFFFFF90];
	[tilespmem:s31+$0x0] =	vst v0  }
0x341: {  	v0 =	vld [tilespmem:s15+$0xFFFFFFA0]  }
0x342: {  	v17 =	vld [tilespmem:s15+$0xFFFFFFB0]  }
0x343: {  	v18 =	vld [tilespmem:s15+$0xFFFFFFC0]  }
0x344: {  	v19 =	vld [tilespmem:s15+$0xFFFFFFD0]  }
0x345: {  	v20 =	vmul.f32 v5, v2;
	v21 =	vld [tilespmem:s15+$0xFFFFFFE0]  }
0x346: {  	v7 =	vmul.f32 v0, v6;
	v0 =	vld [tilespmem:s15+$0xFFFFFFF0]  }
0x347: {  	v22 =	vld.idx.msk [tilespmem:v1+s22+$0x0], $0xffff;
	v2 =	vmul.f32 v17, v8  }
0x348: {  	v9 =	vld.idx.msk [tilespmem:v9+s22+$0x0], $0xffff;
	v8 =	vmul.f32 v18, v13  }
.Ltmp10:
0x349: {  	v1 =	vld.idx.msk [tilespmem:v12+s22+$0x0], $0xffff;
	v5 =	vmul.f32 v19, v14;
	(pc) =	sbr.rel @p0 .LBB2_22-.Ltmp10, $4  }
0x34a: {  	v3 =	vld.idx.msk [tilespmem:v3+s22+$0x0], $0xffff;
	v6 =	vmul.f32 v21, v15  }
0x34b: {  	v4 =	vld.idx.msk [tilespmem:v4+s22+$0x0], $0xffff;
	v0 =	vmul.f32 v0, v16  }
0x34c: {  	v10 =	vld.idx.msk [tilespmem:v10+s22+$0x0], $0xffff  }
0x34d: {  	s18 =	sadd.s32 $0x400, s18;
	v12 =	vadd.f32 v20, v22;
	v11 =	vld.idx.msk [tilespmem:v11+s22+$0x0], $0xffff  }
0x34e: {  	v7 =	vadd.f32 v7, v9  }
0x34f: {  	v1 =	vadd.f32 v2, v1;
	[tilespmem:s31+$0xFFFFFF90] =	vst v12  }
0x350: {  	v2 =	vadd.f32 v8, v3;
	[tilespmem:s31+$0xFFFFFFA0] =	vst v7  }
0x351: {  	[tilespmem:s31+$0xFFFFFFB0] =	vst v1;
	v1 =	vadd.f32 v5, v4  }
0x352: {  	[tilespmem:s31+$0xFFFFFFC0] =	vst v2;
	v2 =	vadd.f32 v6, v10  }
0x353: {  	[tilespmem:s31+$0xFFFFFFD0] =	vst v1;
	v0 =	vadd.f32 v0, v11  }
0x354: {  	[tilespmem:s31+$0xFFFFFFE0] =	vst v2  }
0x355: {  	[tilespmem:s31+$0xFFFFFFF0] =	vst v0  }
0x356: {  	v0 =	vld [tilespmem:s16+$0x0]  }
0x357: {  	v1 =	vld [tilespmem:s16+$0xFFFFFFA0]  }
0x358: {  	v2 =	vld [tilespmem:s16+$0xFFFFFFB0]  }
0x359: {  	v3 =	vld [tilespmem:s16+$0xFFFFFFC0]  }
0x35a: {  	v4 =	vld [tilespmem:s16+$0xFFFFFFD0]  }
0x35b: {  	v6 =	vld [tilespmem:s16+$0xFFFFFFE0]  }
0x35c: {  	v11 =	vld [tilespmem:s16+$0xFFFFFFF0]  }
0x35d: {  	v5 =	vld [tilespmem:s16+$0xFFFFFF90]  }
0x35e: {  	v8 =	vld [tilespmem:s0+$0x0]  }
0x35f: {  	v18 =	vld [tilespmem:s0+$0xFFFFFF90]  }
0x360: {  	v19 =	vld [tilespmem:s0+$0xFFFFFFA0]  }
0x361: {  	v20 =	vld [tilespmem:s0+$0xFFFFFFB0]  }
0x362: {  	v21 =	vld [tilespmem:s0+$0xFFFFFFC0]  }
0x363: {  	v22 =	vld [tilespmem:s0+$0xFFFFFFD0]  }
0x364: {  	v23 =	vld [tilespmem:s0+$0xFFFFFFE0]  }
0x365: {  	v24 =	vld [tilespmem:s0+$0xFFFFFFF0]  }
0x366: {  	v7 =	vld.idx.msk [tilespmem:v0+s20+$0x0], $0xffff  }
0x367: {  	v0 =	vld.idx.msk [tilespmem:v0+s22+$0x0], $0xffff  }
0x368: {  	v10 =	vld.idx.msk [tilespmem:v1+s20+$0x0], $0xffff  }
0x369: {  	v12 =	vld.idx.msk [tilespmem:v2+s20+$0x0], $0xffff  }
0x36a: {  	v13 =	vld.idx.msk [tilespmem:v3+s20+$0x0], $0xffff  }
0x36b: {  	v14 =	vld.idx.msk [tilespmem:v4+s20+$0x0], $0xffff  }
0x36c: {  	v15 =	vld.idx.msk [tilespmem:v5+s20+$0x0], $0xffff  }
0x36d: {  	v16 =	vld.idx.msk [tilespmem:v6+s20+$0x0], $0xffff  }
0x36e: {  	v17 =	vld.idx.msk [tilespmem:v11+s20+$0x0], $0xffff  }
0x36f: {  	v25 =	vld.idx.msk [tilespmem:v5+s22+$0x0], $0xffff  }
0x370: {  	v9 =	vld.idx.msk [tilespmem:v1+s22+$0x0], $0xffff  }
0x371: {  	v1 =	vld.idx.msk [tilespmem:v2+s22+$0x0], $0xffff  }
0x372: {  	v3 =	vld.idx.msk [tilespmem:v3+s22+$0x0], $0xffff;
	v5 =	vmul.f32 v8, v7  }
0x373: {  	v4 =	vld.idx.msk [tilespmem:v4+s22+$0x0], $0xffff;
	v15 =	vmul.f32 v18, v15  }
0x374: {  	v11 =	vld.idx.msk [tilespmem:v11+s22+$0x0], $0xffff;
	v7 =	vmul.f32 v19, v10;
	v2 =	vmul.f32 v20, v12;
	v0 =	vadd.f32 v5, v0  }
0x375: {  	s17 =	simm.s32 $0x0;
	s15 =	simm.s32 $0x8270;
	v8 =	vmul.f32 v21, v13;
	v10 =	vld.idx.msk [tilespmem:v6+s22+$0x0], $0xffff;
	v6 =	vmul.f32 v23, v16  }
0x376: {  	s18 =	simm.s32 $0x25F0;
	s31 =	simm.s32 $0xE270;
	s16 =	simm.s32 $0x2270;
	v5 =	vmul.f32 v22, v14;
	v12 =	vadd.f32 v15, v25;
	[tilespmem:s1+$0x0] =	vst v0;
	v0 =	vmul.f32 v24, v17  }
.LBB2_24:
0x377: {  	v13 =	vld [tilespmem:s18+$0x0];
	s17 =	sadd.s32 $0x8, s17;
	v7 =	vadd.f32 v7, v9  }
0x378: {  	v1 =	vadd.f32 v2, v1;
	v9 =	vld [tilespmem:s18+$0xFFFFFFA0];
	p0 =	slt.u32 s17, $0x38;
	[tilespmem:s1+$0xFFFFFF90] =	vst v12  }
0x379: {  	v2 =	vadd.f32 v8, v3;
	v12 =	vld [tilespmem:s18+$0xFFFFFFB0];
	[tilespmem:s1+$0xFFFFFFA0] =	vst v7  }
0x37a: {  	v3 =	vld [tilespmem:s18+$0xFFFFFFC0];
	[tilespmem:s1+$0xFFFFFFB0] =	vst v1;
	v1 =	vadd.f32 v5, v4  }
0x37b: {  	v4 =	vld [tilespmem:s18+$0xFFFFFFD0];
	[tilespmem:s1+$0xFFFFFFC0] =	vst v2;
	v2 =	vadd.f32 v6, v10  }
0x37c: {  	v0 =	vadd.f32 v0, v11;
	v10 =	vld [tilespmem:s18+$0xFFFFFFE0];
	[tilespmem:s1+$0xFFFFFFD0] =	vst v1  }
0x37d: {  	v11 =	vld [tilespmem:s18+$0xFFFFFFF0];
	[tilespmem:s1+$0xFFFFFFE0] =	vst v2  }
0x37e: {  	v1 =	vld [tilespmem:s18+$0xFFFFFF90];
	[tilespmem:s1+$0xFFFFFFF0] =	vst v0  }
0x37f: {  	s0 =	sadd.s32 $0x400, s0;
	v0 =	vld.idx.msk [tilespmem:v13+s20+$0x0], $0xffff  }
0x380: {  	v2 =	vld [tilespmem:s0+$0x0]  }
0x381: {  	v5 =	vld.idx.msk [tilespmem:v13+s22+$0x0], $0xffff  }
0x382: {  	v6 =	vld.idx.msk [tilespmem:v9+s20+$0x0], $0xffff  }
0x383: {  	v8 =	vld.idx.msk [tilespmem:v12+s20+$0x0], $0xffff  }
0x384: {  	v13 =	vld.idx.msk [tilespmem:v3+s20+$0x0], $0xffff  }
0x385: {  	v14 =	vld.idx.msk [tilespmem:v4+s20+$0x0], $0xffff;
	v0 =	vmul.f32 v2, v0  }
0x386: {  	v2 =	vld.idx.msk [tilespmem:v1+s20+$0x0], $0xffff  }
0x387: {  	v15 =	vld.idx.msk [tilespmem:v10+s20+$0x0], $0xffff;
	v0 =	vadd.f32 v0, v5  }
0x388: {  	s1 =	sadd.s32 $0x400, s1;
	v16 =	vld.idx.msk [tilespmem:v11+s20+$0x0], $0xffff  }
0x389: {  	v5 =	vld [tilespmem:s0+$0xFFFFFF90];
	[tilespmem:s1+$0x0] =	vst v0  }
0x38a: {  	v0 =	vld [tilespmem:s0+$0xFFFFFFA0]  }
0x38b: {  	v17 =	vld [tilespmem:s0+$0xFFFFFFB0]  }
0x38c: {  	v18 =	vld [tilespmem:s0+$0xFFFFFFC0]  }
0x38d: {  	v19 =	vld [tilespmem:s0+$0xFFFFFFD0]  }
0x38e: {  	v20 =	vmul.f32 v5, v2;
	v21 =	vld [tilespmem:s0+$0xFFFFFFE0]  }
0x38f: {  	v7 =	vmul.f32 v0, v6;
	v0 =	vld [tilespmem:s0+$0xFFFFFFF0]  }
0x390: {  	v22 =	vld.idx.msk [tilespmem:v1+s22+$0x0], $0xffff;
	v2 =	vmul.f32 v17, v8  }
0x391: {  	v9 =	vld.idx.msk [tilespmem:v9+s22+$0x0], $0xffff;
	v8 =	vmul.f32 v18, v13  }
.Ltmp11:
0x392: {  	v1 =	vld.idx.msk [tilespmem:v12+s22+$0x0], $0xffff;
	v5 =	vmul.f32 v19, v14;
	(pc) =	sbr.rel @p0 .LBB2_24-.Ltmp11, $4  }
0x393: {  	v3 =	vld.idx.msk [tilespmem:v3+s22+$0x0], $0xffff;
	v6 =	vmul.f32 v21, v15  }
0x394: {  	v4 =	vld.idx.msk [tilespmem:v4+s22+$0x0], $0xffff;
	v0 =	vmul.f32 v0, v16  }
0x395: {  	v10 =	vld.idx.msk [tilespmem:v10+s22+$0x0], $0xffff  }
0x396: {  	s18 =	sadd.s32 $0x400, s18;
	v12 =	vadd.f32 v20, v22;
	v11 =	vld.idx.msk [tilespmem:v11+s22+$0x0], $0xffff  }
0x397: {  	v7 =	vadd.f32 v7, v9  }
0x398: {  	v1 =	vadd.f32 v2, v1;
	[tilespmem:s1+$0xFFFFFF90] =	vst v12  }
0x399: {  	v2 =	vadd.f32 v8, v3;
	[tilespmem:s1+$0xFFFFFFA0] =	vst v7  }
0x39a: {  	[tilespmem:s1+$0xFFFFFFB0] =	vst v1;
	v1 =	vadd.f32 v5, v4  }
0x39b: {  	[tilespmem:s1+$0xFFFFFFC0] =	vst v2;
	v2 =	vadd.f32 v6, v10  }
0x39c: {  	[tilespmem:s1+$0xFFFFFFD0] =	vst v1;
	v0 =	vadd.f32 v0, v11  }
0x39d: {  	[tilespmem:s1+$0xFFFFFFE0] =	vst v2  }
0x39e: {  	[tilespmem:s1+$0xFFFFFFF0] =	vst v0  }
0x39f: {  	v0 =	vld [tilespmem:s16+$0x0]  }
0x3a0: {  	v1 =	vld [tilespmem:s16+$0xFFFFFFA0]  }
0x3a1: {  	v2 =	vld [tilespmem:s16+$0xFFFFFFB0]  }
0x3a2: {  	v3 =	vld [tilespmem:s16+$0xFFFFFFC0]  }
0x3a3: {  	v4 =	vld [tilespmem:s16+$0xFFFFFFD0]  }
0x3a4: {  	v6 =	vld [tilespmem:s16+$0xFFFFFFE0]  }
0x3a5: {  	v11 =	vld [tilespmem:s16+$0xFFFFFFF0]  }
0x3a6: {  	v5 =	vld [tilespmem:s16+$0xFFFFFF90]  }
0x3a7: {  	v8 =	vld [tilespmem:s15+$0x0]  }
0x3a8: {  	v18 =	vld [tilespmem:s15+$0xFFFFFF90]  }
0x3a9: {  	v19 =	vld [tilespmem:s15+$0xFFFFFFA0]  }
0x3aa: {  	v20 =	vld [tilespmem:s15+$0xFFFFFFB0]  }
0x3ab: {  	v21 =	vld [tilespmem:s15+$0xFFFFFFC0]  }
0x3ac: {  	v22 =	vld [tilespmem:s15+$0xFFFFFFD0]  }
0x3ad: {  	v23 =	vld [tilespmem:s15+$0xFFFFFFE0]  }
0x3ae: {  	v24 =	vld [tilespmem:s15+$0xFFFFFFF0]  }
0x3af: {  	v7 =	vld.idx.msk [tilespmem:v0+s20+$0x0], $0xffff  }
0x3b0: {  	v0 =	vld.idx.msk [tilespmem:v0+s22+$0x0], $0xffff  }
0x3b1: {  	v10 =	vld.idx.msk [tilespmem:v1+s20+$0x0], $0xffff  }
0x3b2: {  	v12 =	vld.idx.msk [tilespmem:v2+s20+$0x0], $0xffff  }
0x3b3: {  	v13 =	vld.idx.msk [tilespmem:v3+s20+$0x0], $0xffff  }
0x3b4: {  	v14 =	vld.idx.msk [tilespmem:v4+s20+$0x0], $0xffff  }
0x3b5: {  	v15 =	vld.idx.msk [tilespmem:v5+s20+$0x0], $0xffff  }
0x3b6: {  	v16 =	vld.idx.msk [tilespmem:v6+s20+$0x0], $0xffff  }
0x3b7: {  	v17 =	vld.idx.msk [tilespmem:v11+s20+$0x0], $0xffff  }
0x3b8: {  	v25 =	vld.idx.msk [tilespmem:v5+s22+$0x0], $0xffff  }
0x3b9: {  	v9 =	vld.idx.msk [tilespmem:v1+s22+$0x0], $0xffff  }
0x3ba: {  	v1 =	vld.idx.msk [tilespmem:v2+s22+$0x0], $0xffff  }
0x3bb: {  	v3 =	vld.idx.msk [tilespmem:v3+s22+$0x0], $0xffff;
	v5 =	vmul.f32 v8, v7  }
0x3bc: {  	v4 =	vld.idx.msk [tilespmem:v4+s22+$0x0], $0xffff;
	v15 =	vmul.f32 v18, v15  }
0x3bd: {  	v11 =	vld.idx.msk [tilespmem:v11+s22+$0x0], $0xffff;
	v7 =	vmul.f32 v19, v10;
	v2 =	vmul.f32 v20, v12;
	v0 =	vadd.f32 v5, v0  }
0x3be: {  	s17 =	simm.s32 $0x0;
	s0 =	simm.s32 $0x82F0;
	v8 =	vmul.f32 v21, v13;
	v10 =	vld.idx.msk [tilespmem:v6+s22+$0x0], $0xffff;
	v6 =	vmul.f32 v23, v16  }
0x3bf: {  	s18 =	simm.s32 $0x2670;
	s1 =	simm.s32 $0xE2F0;
	s16 =	simm.s32 $0x22F0;
	v5 =	vmul.f32 v22, v14;
	v12 =	vadd.f32 v15, v25;
	[tilespmem:s31+$0x0] =	vst v0;
	v0 =	vmul.f32 v24, v17  }
.LBB2_26:
0x3c0: {  	v13 =	vld [tilespmem:s18+$0x0];
	s17 =	sadd.s32 $0x8, s17;
	v7 =	vadd.f32 v7, v9  }
0x3c1: {  	v1 =	vadd.f32 v2, v1;
	v9 =	vld [tilespmem:s18+$0xFFFFFFA0];
	p0 =	slt.u32 s17, $0x38;
	[tilespmem:s31+$0xFFFFFF90] =	vst v12  }
0x3c2: {  	v2 =	vadd.f32 v8, v3;
	v12 =	vld [tilespmem:s18+$0xFFFFFFB0];
	[tilespmem:s31+$0xFFFFFFA0] =	vst v7  }
0x3c3: {  	v3 =	vld [tilespmem:s18+$0xFFFFFFC0];
	[tilespmem:s31+$0xFFFFFFB0] =	vst v1;
	v1 =	vadd.f32 v5, v4  }
0x3c4: {  	v4 =	vld [tilespmem:s18+$0xFFFFFFD0];
	[tilespmem:s31+$0xFFFFFFC0] =	vst v2;
	v2 =	vadd.f32 v6, v10  }
0x3c5: {  	v0 =	vadd.f32 v0, v11;
	v10 =	vld [tilespmem:s18+$0xFFFFFFE0];
	[tilespmem:s31+$0xFFFFFFD0] =	vst v1  }
0x3c6: {  	v11 =	vld [tilespmem:s18+$0xFFFFFFF0];
	[tilespmem:s31+$0xFFFFFFE0] =	vst v2  }
0x3c7: {  	v1 =	vld [tilespmem:s18+$0xFFFFFF90];
	[tilespmem:s31+$0xFFFFFFF0] =	vst v0  }
0x3c8: {  	s15 =	sadd.s32 $0x400, s15;
	v0 =	vld.idx.msk [tilespmem:v13+s20+$0x0], $0xffff  }
0x3c9: {  	v2 =	vld [tilespmem:s15+$0x0]  }
0x3ca: {  	v5 =	vld.idx.msk [tilespmem:v13+s22+$0x0], $0xffff  }
0x3cb: {  	v6 =	vld.idx.msk [tilespmem:v9+s20+$0x0], $0xffff  }
0x3cc: {  	v8 =	vld.idx.msk [tilespmem:v12+s20+$0x0], $0xffff  }
0x3cd: {  	v13 =	vld.idx.msk [tilespmem:v3+s20+$0x0], $0xffff  }
0x3ce: {  	v14 =	vld.idx.msk [tilespmem:v4+s20+$0x0], $0xffff;
	v0 =	vmul.f32 v2, v0  }
0x3cf: {  	v2 =	vld.idx.msk [tilespmem:v1+s20+$0x0], $0xffff  }
0x3d0: {  	v15 =	vld.idx.msk [tilespmem:v10+s20+$0x0], $0xffff;
	v0 =	vadd.f32 v0, v5  }
0x3d1: {  	s31 =	sadd.s32 $0x400, s31;
	v16 =	vld.idx.msk [tilespmem:v11+s20+$0x0], $0xffff  }
0x3d2: {  	v5 =	vld [tilespmem:s15+$0xFFFFFF90];
	[tilespmem:s31+$0x0] =	vst v0  }
0x3d3: {  	v0 =	vld [tilespmem:s15+$0xFFFFFFA0]  }
0x3d4: {  	v17 =	vld [tilespmem:s15+$0xFFFFFFB0]  }
0x3d5: {  	v18 =	vld [tilespmem:s15+$0xFFFFFFC0]  }
0x3d6: {  	v19 =	vld [tilespmem:s15+$0xFFFFFFD0]  }
0x3d7: {  	v20 =	vmul.f32 v5, v2;
	v21 =	vld [tilespmem:s15+$0xFFFFFFE0]  }
0x3d8: {  	v7 =	vmul.f32 v0, v6;
	v0 =	vld [tilespmem:s15+$0xFFFFFFF0]  }
0x3d9: {  	v22 =	vld.idx.msk [tilespmem:v1+s22+$0x0], $0xffff;
	v2 =	vmul.f32 v17, v8  }
0x3da: {  	v9 =	vld.idx.msk [tilespmem:v9+s22+$0x0], $0xffff;
	v8 =	vmul.f32 v18, v13  }
.Ltmp12:
0x3db: {  	v1 =	vld.idx.msk [tilespmem:v12+s22+$0x0], $0xffff;
	v5 =	vmul.f32 v19, v14;
	(pc) =	sbr.rel @p0 .LBB2_26-.Ltmp12, $4  }
0x3dc: {  	v3 =	vld.idx.msk [tilespmem:v3+s22+$0x0], $0xffff;
	v6 =	vmul.f32 v21, v15  }
0x3dd: {  	v4 =	vld.idx.msk [tilespmem:v4+s22+$0x0], $0xffff;
	v0 =	vmul.f32 v0, v16  }
0x3de: {  	v10 =	vld.idx.msk [tilespmem:v10+s22+$0x0], $0xffff  }
0x3df: {  	s18 =	sadd.s32 $0x400, s18;
	v12 =	vadd.f32 v20, v22;
	v11 =	vld.idx.msk [tilespmem:v11+s22+$0x0], $0xffff  }
0x3e0: {  	v7 =	vadd.f32 v7, v9  }
0x3e1: {  	v1 =	vadd.f32 v2, v1;
	[tilespmem:s31+$0xFFFFFF90] =	vst v12  }
0x3e2: {  	v2 =	vadd.f32 v8, v3;
	[tilespmem:s31+$0xFFFFFFA0] =	vst v7  }
0x3e3: {  	[tilespmem:s31+$0xFFFFFFB0] =	vst v1;
	v1 =	vadd.f32 v5, v4  }
0x3e4: {  	[tilespmem:s31+$0xFFFFFFC0] =	vst v2;
	v2 =	vadd.f32 v6, v10  }
0x3e5: {  	[tilespmem:s31+$0xFFFFFFD0] =	vst v1;
	v0 =	vadd.f32 v0, v11  }
0x3e6: {  	[tilespmem:s31+$0xFFFFFFE0] =	vst v2  }
0x3e7: {  	[tilespmem:s31+$0xFFFFFFF0] =	vst v0  }
0x3e8: {  	v0 =	vld [tilespmem:s16+$0x0]  }
0x3e9: {  	v1 =	vld [tilespmem:s16+$0xFFFFFFA0]  }
0x3ea: {  	v2 =	vld [tilespmem:s16+$0xFFFFFFB0]  }
0x3eb: {  	v3 =	vld [tilespmem:s16+$0xFFFFFFC0]  }
0x3ec: {  	v4 =	vld [tilespmem:s16+$0xFFFFFFD0]  }
0x3ed: {  	v6 =	vld [tilespmem:s16+$0xFFFFFFE0]  }
0x3ee: {  	v11 =	vld [tilespmem:s16+$0xFFFFFFF0]  }
0x3ef: {  	v5 =	vld [tilespmem:s16+$0xFFFFFF90]  }
0x3f0: {  	v8 =	vld [tilespmem:s0+$0x0]  }
0x3f1: {  	v18 =	vld [tilespmem:s0+$0xFFFFFF90]  }
0x3f2: {  	v19 =	vld [tilespmem:s0+$0xFFFFFFA0]  }
0x3f3: {  	v20 =	vld [tilespmem:s0+$0xFFFFFFB0]  }
0x3f4: {  	v21 =	vld [tilespmem:s0+$0xFFFFFFC0]  }
0x3f5: {  	v22 =	vld [tilespmem:s0+$0xFFFFFFD0]  }
0x3f6: {  	v23 =	vld [tilespmem:s0+$0xFFFFFFE0]  }
0x3f7: {  	v24 =	vld [tilespmem:s0+$0xFFFFFFF0]  }
0x3f8: {  	v7 =	vld.idx.msk [tilespmem:v0+s20+$0x0], $0xffff  }
0x3f9: {  	v0 =	vld.idx.msk [tilespmem:v0+s22+$0x0], $0xffff  }
0x3fa: {  	v10 =	vld.idx.msk [tilespmem:v1+s20+$0x0], $0xffff  }
0x3fb: {  	v12 =	vld.idx.msk [tilespmem:v2+s20+$0x0], $0xffff  }
0x3fc: {  	v13 =	vld.idx.msk [tilespmem:v3+s20+$0x0], $0xffff  }
0x3fd: {  	v14 =	vld.idx.msk [tilespmem:v4+s20+$0x0], $0xffff  }
0x3fe: {  	v15 =	vld.idx.msk [tilespmem:v5+s20+$0x0], $0xffff  }
0x3ff: {  	v16 =	vld.idx.msk [tilespmem:v6+s20+$0x0], $0xffff  }
0x400: {  	v17 =	vld.idx.msk [tilespmem:v11+s20+$0x0], $0xffff  }
0x401: {  	v25 =	vld.idx.msk [tilespmem:v5+s22+$0x0], $0xffff  }
0x402: {  	v9 =	vld.idx.msk [tilespmem:v1+s22+$0x0], $0xffff  }
0x403: {  	v1 =	vld.idx.msk [tilespmem:v2+s22+$0x0], $0xffff  }
0x404: {  	v3 =	vld.idx.msk [tilespmem:v3+s22+$0x0], $0xffff;
	v5 =	vmul.f32 v8, v7  }
0x405: {  	v4 =	vld.idx.msk [tilespmem:v4+s22+$0x0], $0xffff;
	v15 =	vmul.f32 v18, v15  }
0x406: {  	v11 =	vld.idx.msk [tilespmem:v11+s22+$0x0], $0xffff;
	v7 =	vmul.f32 v19, v10;
	v2 =	vmul.f32 v20, v12;
	v0 =	vadd.f32 v5, v0  }
0x407: {  	s17 =	simm.s32 $0x0;
	s15 =	simm.s32 $0x8370;
	v8 =	vmul.f32 v21, v13;
	v10 =	vld.idx.msk [tilespmem:v6+s22+$0x0], $0xffff;
	v6 =	vmul.f32 v23, v16  }
0x408: {  	s18 =	simm.s32 $0x26F0;
	s31 =	simm.s32 $0xE370;
	s16 =	simm.s32 $0x2370;
	v5 =	vmul.f32 v22, v14;
	v12 =	vadd.f32 v15, v25;
	[tilespmem:s1+$0x0] =	vst v0;
	v0 =	vmul.f32 v24, v17  }
.LBB2_28:
0x409: {  	v13 =	vld [tilespmem:s18+$0x0];
	s17 =	sadd.s32 $0x8, s17;
	v7 =	vadd.f32 v7, v9  }
0x40a: {  	v1 =	vadd.f32 v2, v1;
	v9 =	vld [tilespmem:s18+$0xFFFFFFA0];
	p0 =	slt.u32 s17, $0x38;
	[tilespmem:s1+$0xFFFFFF90] =	vst v12  }
0x40b: {  	v2 =	vadd.f32 v8, v3;
	v12 =	vld [tilespmem:s18+$0xFFFFFFB0];
	[tilespmem:s1+$0xFFFFFFA0] =	vst v7  }
0x40c: {  	v3 =	vld [tilespmem:s18+$0xFFFFFFC0];
	[tilespmem:s1+$0xFFFFFFB0] =	vst v1;
	v1 =	vadd.f32 v5, v4  }
0x40d: {  	v4 =	vld [tilespmem:s18+$0xFFFFFFD0];
	[tilespmem:s1+$0xFFFFFFC0] =	vst v2;
	v2 =	vadd.f32 v6, v10  }
0x40e: {  	v0 =	vadd.f32 v0, v11;
	v10 =	vld [tilespmem:s18+$0xFFFFFFE0];
	[tilespmem:s1+$0xFFFFFFD0] =	vst v1  }
0x40f: {  	v11 =	vld [tilespmem:s18+$0xFFFFFFF0];
	[tilespmem:s1+$0xFFFFFFE0] =	vst v2  }
0x410: {  	v1 =	vld [tilespmem:s18+$0xFFFFFF90];
	[tilespmem:s1+$0xFFFFFFF0] =	vst v0  }
0x411: {  	s0 =	sadd.s32 $0x400, s0;
	v0 =	vld.idx.msk [tilespmem:v13+s20+$0x0], $0xffff  }
0x412: {  	v2 =	vld [tilespmem:s0+$0x0]  }
0x413: {  	v5 =	vld.idx.msk [tilespmem:v13+s22+$0x0], $0xffff  }
0x414: {  	v6 =	vld.idx.msk [tilespmem:v9+s20+$0x0], $0xffff  }
0x415: {  	v8 =	vld.idx.msk [tilespmem:v12+s20+$0x0], $0xffff  }
0x416: {  	v13 =	vld.idx.msk [tilespmem:v3+s20+$0x0], $0xffff  }
0x417: {  	v14 =	vld.idx.msk [tilespmem:v4+s20+$0x0], $0xffff;
	v0 =	vmul.f32 v2, v0  }
0x418: {  	v2 =	vld.idx.msk [tilespmem:v1+s20+$0x0], $0xffff  }
0x419: {  	v15 =	vld.idx.msk [tilespmem:v10+s20+$0x0], $0xffff;
	v0 =	vadd.f32 v0, v5  }
0x41a: {  	s1 =	sadd.s32 $0x400, s1;
	v16 =	vld.idx.msk [tilespmem:v11+s20+$0x0], $0xffff  }
0x41b: {  	v5 =	vld [tilespmem:s0+$0xFFFFFF90];
	[tilespmem:s1+$0x0] =	vst v0  }
0x41c: {  	v0 =	vld [tilespmem:s0+$0xFFFFFFA0]  }
0x41d: {  	v17 =	vld [tilespmem:s0+$0xFFFFFFB0]  }
0x41e: {  	v18 =	vld [tilespmem:s0+$0xFFFFFFC0]  }
0x41f: {  	v19 =	vld [tilespmem:s0+$0xFFFFFFD0]  }
0x420: {  	v20 =	vmul.f32 v5, v2;
	v21 =	vld [tilespmem:s0+$0xFFFFFFE0]  }
0x421: {  	v7 =	vmul.f32 v0, v6;
	v0 =	vld [tilespmem:s0+$0xFFFFFFF0]  }
0x422: {  	v22 =	vld.idx.msk [tilespmem:v1+s22+$0x0], $0xffff;
	v2 =	vmul.f32 v17, v8  }
0x423: {  	v9 =	vld.idx.msk [tilespmem:v9+s22+$0x0], $0xffff;
	v8 =	vmul.f32 v18, v13  }
.Ltmp13:
0x424: {  	v1 =	vld.idx.msk [tilespmem:v12+s22+$0x0], $0xffff;
	v5 =	vmul.f32 v19, v14;
	(pc) =	sbr.rel @p0 .LBB2_28-.Ltmp13, $4  }
0x425: {  	v3 =	vld.idx.msk [tilespmem:v3+s22+$0x0], $0xffff;
	v6 =	vmul.f32 v21, v15  }
0x426: {  	v4 =	vld.idx.msk [tilespmem:v4+s22+$0x0], $0xffff;
	v0 =	vmul.f32 v0, v16  }
0x427: {  	v10 =	vld.idx.msk [tilespmem:v10+s22+$0x0], $0xffff  }
0x428: {  	s18 =	sadd.s32 $0x400, s18;
	v12 =	vadd.f32 v20, v22;
	v11 =	vld.idx.msk [tilespmem:v11+s22+$0x0], $0xffff  }
0x429: {  	v7 =	vadd.f32 v7, v9  }
0x42a: {  	v1 =	vadd.f32 v2, v1;
	[tilespmem:s1+$0xFFFFFF90] =	vst v12  }
0x42b: {  	v2 =	vadd.f32 v8, v3;
	[tilespmem:s1+$0xFFFFFFA0] =	vst v7  }
0x42c: {  	[tilespmem:s1+$0xFFFFFFB0] =	vst v1;
	v1 =	vadd.f32 v5, v4  }
0x42d: {  	[tilespmem:s1+$0xFFFFFFC0] =	vst v2;
	v2 =	vadd.f32 v6, v10  }
0x42e: {  	[tilespmem:s1+$0xFFFFFFD0] =	vst v1;
	v0 =	vadd.f32 v0, v11  }
0x42f: {  	[tilespmem:s1+$0xFFFFFFE0] =	vst v2  }
0x430: {  	[tilespmem:s1+$0xFFFFFFF0] =	vst v0  }
0x431: {  	v0 =	vld [tilespmem:s16+$0x0]  }
0x432: {  	v1 =	vld [tilespmem:s16+$0xFFFFFFA0]  }
0x433: {  	v2 =	vld [tilespmem:s16+$0xFFFFFFB0]  }
0x434: {  	v3 =	vld [tilespmem:s16+$0xFFFFFFC0]  }
0x435: {  	v4 =	vld [tilespmem:s16+$0xFFFFFFD0]  }
0x436: {  	v6 =	vld [tilespmem:s16+$0xFFFFFFE0]  }
0x437: {  	v11 =	vld [tilespmem:s16+$0xFFFFFFF0]  }
0x438: {  	v5 =	vld [tilespmem:s16+$0xFFFFFF90]  }
0x439: {  	v8 =	vld [tilespmem:s15+$0x0]  }
0x43a: {  	v18 =	vld [tilespmem:s15+$0xFFFFFF90]  }
0x43b: {  	v19 =	vld [tilespmem:s15+$0xFFFFFFA0]  }
0x43c: {  	v20 =	vld [tilespmem:s15+$0xFFFFFFB0]  }
0x43d: {  	v21 =	vld [tilespmem:s15+$0xFFFFFFC0]  }
0x43e: {  	v22 =	vld [tilespmem:s15+$0xFFFFFFD0]  }
0x43f: {  	v23 =	vld [tilespmem:s15+$0xFFFFFFE0]  }
0x440: {  	v24 =	vld [tilespmem:s15+$0xFFFFFFF0]  }
0x441: {  	v7 =	vld.idx.msk [tilespmem:v0+s20+$0x0], $0xffff  }
0x442: {  	v0 =	vld.idx.msk [tilespmem:v0+s22+$0x0], $0xffff  }
0x443: {  	v10 =	vld.idx.msk [tilespmem:v1+s20+$0x0], $0xffff  }
0x444: {  	v12 =	vld.idx.msk [tilespmem:v2+s20+$0x0], $0xffff  }
0x445: {  	v13 =	vld.idx.msk [tilespmem:v3+s20+$0x0], $0xffff  }
0x446: {  	v14 =	vld.idx.msk [tilespmem:v4+s20+$0x0], $0xffff  }
0x447: {  	v15 =	vld.idx.msk [tilespmem:v5+s20+$0x0], $0xffff  }
0x448: {  	v16 =	vld.idx.msk [tilespmem:v6+s20+$0x0], $0xffff  }
0x449: {  	v17 =	vld.idx.msk [tilespmem:v11+s20+$0x0], $0xffff  }
0x44a: {  	v25 =	vld.idx.msk [tilespmem:v5+s22+$0x0], $0xffff  }
0x44b: {  	v9 =	vld.idx.msk [tilespmem:v1+s22+$0x0], $0xffff  }
0x44c: {  	v1 =	vld.idx.msk [tilespmem:v2+s22+$0x0], $0xffff  }
0x44d: {  	v3 =	vld.idx.msk [tilespmem:v3+s22+$0x0], $0xffff;
	v5 =	vmul.f32 v8, v7  }
0x44e: {  	v4 =	vld.idx.msk [tilespmem:v4+s22+$0x0], $0xffff;
	v15 =	vmul.f32 v18, v15  }
0x44f: {  	v11 =	vld.idx.msk [tilespmem:v11+s22+$0x0], $0xffff;
	v7 =	vmul.f32 v19, v10;
	v2 =	vmul.f32 v20, v12;
	v0 =	vadd.f32 v5, v0  }
0x450: {  	s17 =	simm.s32 $0x0;
	s0 =	simm.s32 $0x83F0;
	v8 =	vmul.f32 v21, v13;
	v10 =	vld.idx.msk [tilespmem:v6+s22+$0x0], $0xffff;
	v6 =	vmul.f32 v23, v16  }
0x451: {  	s18 =	simm.s32 $0x2770;
	s1 =	simm.s32 $0xE3F0;
	s16 =	simm.s32 $0x23F0;
	v5 =	vmul.f32 v22, v14;
	v12 =	vadd.f32 v15, v25;
	[tilespmem:s31+$0x0] =	vst v0;
	v0 =	vmul.f32 v24, v17  }
.LBB2_30:
0x452: {  	v13 =	vld [tilespmem:s18+$0x0];
	s17 =	sadd.s32 $0x8, s17;
	v7 =	vadd.f32 v7, v9  }
0x453: {  	v1 =	vadd.f32 v2, v1;
	v9 =	vld [tilespmem:s18+$0xFFFFFFA0];
	p0 =	slt.u32 s17, $0x38;
	[tilespmem:s31+$0xFFFFFF90] =	vst v12  }
0x454: {  	v2 =	vadd.f32 v8, v3;
	v12 =	vld [tilespmem:s18+$0xFFFFFFB0];
	[tilespmem:s31+$0xFFFFFFA0] =	vst v7  }
0x455: {  	v3 =	vld [tilespmem:s18+$0xFFFFFFC0];
	[tilespmem:s31+$0xFFFFFFB0] =	vst v1;
	v1 =	vadd.f32 v5, v4  }
0x456: {  	v4 =	vld [tilespmem:s18+$0xFFFFFFD0];
	[tilespmem:s31+$0xFFFFFFC0] =	vst v2;
	v2 =	vadd.f32 v6, v10  }
0x457: {  	v0 =	vadd.f32 v0, v11;
	v10 =	vld [tilespmem:s18+$0xFFFFFFE0];
	[tilespmem:s31+$0xFFFFFFD0] =	vst v1  }
0x458: {  	v11 =	vld [tilespmem:s18+$0xFFFFFFF0];
	[tilespmem:s31+$0xFFFFFFE0] =	vst v2  }
0x459: {  	v1 =	vld [tilespmem:s18+$0xFFFFFF90];
	[tilespmem:s31+$0xFFFFFFF0] =	vst v0  }
0x45a: {  	s15 =	sadd.s32 $0x400, s15;
	v0 =	vld.idx.msk [tilespmem:v13+s20+$0x0], $0xffff  }
0x45b: {  	v2 =	vld [tilespmem:s15+$0x0]  }
0x45c: {  	v5 =	vld.idx.msk [tilespmem:v13+s22+$0x0], $0xffff  }
0x45d: {  	v6 =	vld.idx.msk [tilespmem:v9+s20+$0x0], $0xffff  }
0x45e: {  	v8 =	vld.idx.msk [tilespmem:v12+s20+$0x0], $0xffff  }
0x45f: {  	v13 =	vld.idx.msk [tilespmem:v3+s20+$0x0], $0xffff  }
0x460: {  	v14 =	vld.idx.msk [tilespmem:v4+s20+$0x0], $0xffff;
	v0 =	vmul.f32 v2, v0  }
0x461: {  	v2 =	vld.idx.msk [tilespmem:v1+s20+$0x0], $0xffff  }
0x462: {  	v15 =	vld.idx.msk [tilespmem:v10+s20+$0x0], $0xffff;
	v0 =	vadd.f32 v0, v5  }
0x463: {  	s31 =	sadd.s32 $0x400, s31;
	v16 =	vld.idx.msk [tilespmem:v11+s20+$0x0], $0xffff  }
0x464: {  	v5 =	vld [tilespmem:s15+$0xFFFFFF90];
	[tilespmem:s31+$0x0] =	vst v0  }
0x465: {  	v0 =	vld [tilespmem:s15+$0xFFFFFFA0]  }
0x466: {  	v17 =	vld [tilespmem:s15+$0xFFFFFFB0]  }
0x467: {  	v18 =	vld [tilespmem:s15+$0xFFFFFFC0]  }
0x468: {  	v19 =	vld [tilespmem:s15+$0xFFFFFFD0]  }
0x469: {  	v20 =	vmul.f32 v5, v2;
	v21 =	vld [tilespmem:s15+$0xFFFFFFE0]  }
0x46a: {  	v7 =	vmul.f32 v0, v6;
	v0 =	vld [tilespmem:s15+$0xFFFFFFF0]  }
0x46b: {  	v22 =	vld.idx.msk [tilespmem:v1+s22+$0x0], $0xffff;
	v2 =	vmul.f32 v17, v8  }
0x46c: {  	v9 =	vld.idx.msk [tilespmem:v9+s22+$0x0], $0xffff;
	v8 =	vmul.f32 v18, v13  }
.Ltmp14:
0x46d: {  	v1 =	vld.idx.msk [tilespmem:v12+s22+$0x0], $0xffff;
	v5 =	vmul.f32 v19, v14;
	(pc) =	sbr.rel @p0 .LBB2_30-.Ltmp14, $4  }
0x46e: {  	v3 =	vld.idx.msk [tilespmem:v3+s22+$0x0], $0xffff;
	v6 =	vmul.f32 v21, v15  }
0x46f: {  	v4 =	vld.idx.msk [tilespmem:v4+s22+$0x0], $0xffff;
	v0 =	vmul.f32 v0, v16  }
0x470: {  	v10 =	vld.idx.msk [tilespmem:v10+s22+$0x0], $0xffff  }
0x471: {  	s18 =	sadd.s32 $0x400, s18;
	v12 =	vadd.f32 v20, v22;
	v11 =	vld.idx.msk [tilespmem:v11+s22+$0x0], $0xffff  }
0x472: {  	v7 =	vadd.f32 v7, v9  }
0x473: {  	v1 =	vadd.f32 v2, v1;
	[tilespmem:s31+$0xFFFFFF90] =	vst v12  }
0x474: {  	v2 =	vadd.f32 v8, v3;
	[tilespmem:s31+$0xFFFFFFA0] =	vst v7  }
0x475: {  	[tilespmem:s31+$0xFFFFFFB0] =	vst v1;
	v1 =	vadd.f32 v5, v4  }
0x476: {  	[tilespmem:s31+$0xFFFFFFC0] =	vst v2;
	v2 =	vadd.f32 v6, v10  }
0x477: {  	[tilespmem:s31+$0xFFFFFFD0] =	vst v1;
	v0 =	vadd.f32 v0, v11  }
0x478: {  	[tilespmem:s31+$0xFFFFFFE0] =	vst v2  }
0x479: {  	[tilespmem:s31+$0xFFFFFFF0] =	vst v0  }
0x47a: {  	v0 =	vld [tilespmem:s16+$0x0]  }
0x47b: {  	v1 =	vld [tilespmem:s16+$0xFFFFFFA0]  }
0x47c: {  	v2 =	vld [tilespmem:s16+$0xFFFFFFB0]  }
0x47d: {  	v4 =	vld [tilespmem:s16+$0xFFFFFFC0]  }
0x47e: {  	v6 =	vld [tilespmem:s16+$0xFFFFFFD0]  }
0x47f: {  	v8 =	vld [tilespmem:s16+$0xFFFFFFE0]  }
0x480: {  	v11 =	vld [tilespmem:s16+$0xFFFFFFF0]  }
0x481: {  	v3 =	vld [tilespmem:s16+$0xFFFFFF90]  }
0x482: {  	v7 =	vld [tilespmem:s0+$0x0]  }
0x483: {  	v18 =	vld [tilespmem:s0+$0xFFFFFF90]  }
0x484: {  	v19 =	vld [tilespmem:s0+$0xFFFFFFA0]  }
0x485: {  	v20 =	vld [tilespmem:s0+$0xFFFFFFB0]  }
0x486: {  	v21 =	vld [tilespmem:s0+$0xFFFFFFC0]  }
0x487: {  	v22 =	vld [tilespmem:s0+$0xFFFFFFD0]  }
0x488: {  	v23 =	vld [tilespmem:s0+$0xFFFFFFE0]  }
0x489: {  	v24 =	vld [tilespmem:s0+$0xFFFFFFF0]  }
0x48a: {  	v5 =	vld.idx.msk [tilespmem:v0+s20+$0x0], $0xffff  }
0x48b: {  	v0 =	vld.idx.msk [tilespmem:v0+s22+$0x0], $0xffff  }
0x48c: {  	v9 =	vld.idx.msk [tilespmem:v1+s20+$0x0], $0xffff  }
0x48d: {  	v12 =	vld.idx.msk [tilespmem:v2+s20+$0x0], $0xffff  }
0x48e: {  	v13 =	vld.idx.msk [tilespmem:v4+s20+$0x0], $0xffff  }
0x48f: {  	v14 =	vld.idx.msk [tilespmem:v6+s20+$0x0], $0xffff  }
0x490: {  	v15 =	vld.idx.msk [tilespmem:v3+s20+$0x0], $0xffff  }
0x491: {  	v16 =	vld.idx.msk [tilespmem:v8+s20+$0x0], $0xffff  }
0x492: {  	v17 =	vld.idx.msk [tilespmem:v11+s20+$0x0], $0xffff  }
0x493: {  	v25 =	vld.idx.msk [tilespmem:v3+s22+$0x0], $0xffff  }
0x494: {  	v10 =	vld.idx.msk [tilespmem:v1+s22+$0x0], $0xffff  }
0x495: {  	v3 =	vld.idx.msk [tilespmem:v2+s22+$0x0], $0xffff  }
0x496: {  	v8 =	vld.idx.msk [tilespmem:v8+s22+$0x0], $0xffff;
	v5 =	vmul.f32 v7, v5  }
0x497: {  	v15 =	vmul.f32 v18, v15;
	v7 =	vld.idx.msk [tilespmem:v6+s22+$0x0], $0xffff  }
0x498: {  	v9 =	vmul.f32 v19, v9;
	v6 =	vmul.f32 v21, v13;
	v0 =	vadd.f32 v5, v0;
	v5 =	vld.idx.msk [tilespmem:v4+s22+$0x0], $0xffff  }
0x499: {  	v11 =	vld.idx.msk [tilespmem:v11+s22+$0x0], $0xffff;
	v1 =	vmul.f32 v22, v14;
	v2 =	vmul.f32 v23, v16  }
0x49a: {  	s15 =	simm.s32 $0x0;
	s16 =	simm.s32 $0x27F0;
	v4 =	vmul.f32 v20, v12;
	v12 =	vadd.f32 v15, v25;
	[tilespmem:s1+$0x0] =	vst v0;
	v0 =	vmul.f32 v24, v17  }
.LBB2_32:
0x49b: {  	v13 =	vld [tilespmem:s16+$0x0];
	s15 =	sadd.s32 $0x8, s15;
	v9 =	vadd.f32 v9, v10  }
0x49c: {  	v3 =	vadd.f32 v4, v3;
	v10 =	vld [tilespmem:s16+$0xFFFFFFA0];
	p0 =	slt.u32 s15, $0x38;
	[tilespmem:s1+$0xFFFFFF90] =	vst v12  }
0x49d: {  	v4 =	vadd.f32 v6, v5;
	v12 =	vld [tilespmem:s16+$0xFFFFFFB0];
	[tilespmem:s1+$0xFFFFFFA0] =	vst v9  }
0x49e: {  	v1 =	vadd.f32 v1, v7;
	v5 =	vld [tilespmem:s16+$0xFFFFFFC0];
	[tilespmem:s1+$0xFFFFFFB0] =	vst v3  }
0x49f: {  	v2 =	vadd.f32 v2, v8;
	v7 =	vld [tilespmem:s16+$0xFFFFFFD0];
	[tilespmem:s1+$0xFFFFFFC0] =	vst v4  }
0x4a0: {  	v0 =	vadd.f32 v0, v11;
	v8 =	vld [tilespmem:s16+$0xFFFFFFE0];
	[tilespmem:s1+$0xFFFFFFD0] =	vst v1  }
0x4a1: {  	v11 =	vld [tilespmem:s16+$0xFFFFFFF0];
	[tilespmem:s1+$0xFFFFFFE0] =	vst v2  }
0x4a2: {  	v1 =	vld [tilespmem:s16+$0xFFFFFF90];
	[tilespmem:s1+$0xFFFFFFF0] =	vst v0  }
0x4a3: {  	s0 =	sadd.s32 $0x400, s0;
	v0 =	vld.idx.msk [tilespmem:v13+s20+$0x0], $0xffff  }
0x4a4: {  	v2 =	vld [tilespmem:s0+$0x0]  }
0x4a5: {  	v3 =	vld.idx.msk [tilespmem:v13+s22+$0x0], $0xffff  }
0x4a6: {  	v4 =	vld.idx.msk [tilespmem:v10+s20+$0x0], $0xffff  }
0x4a7: {  	v6 =	vld.idx.msk [tilespmem:v12+s20+$0x0], $0xffff  }
0x4a8: {  	v13 =	vld.idx.msk [tilespmem:v5+s20+$0x0], $0xffff  }
0x4a9: {  	v14 =	vld.idx.msk [tilespmem:v7+s20+$0x0], $0xffff;
	v0 =	vmul.f32 v2, v0  }
0x4aa: {  	v2 =	vld.idx.msk [tilespmem:v1+s20+$0x0], $0xffff  }
0x4ab: {  	v15 =	vld.idx.msk [tilespmem:v8+s20+$0x0], $0xffff;
	v0 =	vadd.f32 v0, v3  }
0x4ac: {  	s1 =	sadd.s32 $0x400, s1;
	v16 =	vld.idx.msk [tilespmem:v11+s20+$0x0], $0xffff  }
0x4ad: {  	v3 =	vld [tilespmem:s0+$0xFFFFFF90];
	[tilespmem:s1+$0x0] =	vst v0  }
0x4ae: {  	v0 =	vld [tilespmem:s0+$0xFFFFFFA0]  }
0x4af: {  	v17 =	vld [tilespmem:s0+$0xFFFFFFB0]  }
0x4b0: {  	v18 =	vld [tilespmem:s0+$0xFFFFFFC0]  }
0x4b1: {  	v19 =	vld [tilespmem:s0+$0xFFFFFFD0]  }
0x4b2: {  	v20 =	vmul.f32 v3, v2;
	v2 =	vld [tilespmem:s0+$0xFFFFFFE0]  }
0x4b3: {  	v9 =	vmul.f32 v0, v4;
	v0 =	vld [tilespmem:s0+$0xFFFFFFF0]  }
0x4b4: {  	v21 =	vld.idx.msk [tilespmem:v1+s22+$0x0], $0xffff;
	v4 =	vmul.f32 v17, v6  }
0x4b5: {  	v10 =	vld.idx.msk [tilespmem:v10+s22+$0x0], $0xffff;
	v6 =	vmul.f32 v18, v13  }
.Ltmp15:
0x4b6: {  	v3 =	vld.idx.msk [tilespmem:v12+s22+$0x0], $0xffff;
	v1 =	vmul.f32 v19, v14;
	(pc) =	sbr.rel @p0 .LBB2_32-.Ltmp15, $4  }
0x4b7: {  	v5 =	vld.idx.msk [tilespmem:v5+s22+$0x0], $0xffff;
	v2 =	vmul.f32 v2, v15  }
0x4b8: {  	v7 =	vld.idx.msk [tilespmem:v7+s22+$0x0], $0xffff;
	v0 =	vmul.f32 v0, v16  }
0x4b9: {  	v8 =	vld.idx.msk [tilespmem:v8+s22+$0x0], $0xffff  }
0x4ba: {  	s16 =	sadd.s32 $0x400, s16;
	v12 =	vadd.f32 v20, v21;
	v11 =	vld.idx.msk [tilespmem:v11+s22+$0x0], $0xffff  }
0x4bb: {  	v9 =	vadd.f32 v9, v10  }
0x4bc: {  	v3 =	vadd.f32 v4, v3;
	[tilespmem:s1+$0xFFFFFF90] =	vst v12  }
0x4bd: {  	v4 =	vadd.f32 v6, v5;
	[tilespmem:s1+$0xFFFFFFA0] =	vst v9  }
0x4be: {  	[tilespmem:s1+$0xFFFFFFB0] =	vst v3;
	v1 =	vadd.f32 v1, v7  }
0x4bf: {  	[tilespmem:s1+$0xFFFFFFC0] =	vst v4;
	v2 =	vadd.f32 v2, v8  }
0x4c0: {  	[tilespmem:s1+$0xFFFFFFD0] =	vst v1;
	v0 =	vadd.f32 v0, v11  }
0x4c1: {  	[tilespmem:s1+$0xFFFFFFE0] =	vst v2  }
0x4c2: {  	s0 =	simm.s32 $0x0;
	[tilespmem:s1+$0xFFFFFFF0] =	vst v0  }
0x4c3: {  	[hbm4b:s12+s0] =	stream.linear.scatter [tilespmem:s26], [sflag:$0x3], $0x2000, $0x38;
	[tilespmem:$0x12100] =	vst v63  }
0x4c4: {  	_ =	swait.ge [sflag:s23], $0x2000  }
0x4c5: {  	[sflag:s23] =	ssyncset.done $0x0  }
0x4c6: {  	[sflag:s23] =	ssyncadd.s32 $0xFFFFE000  }
0x4c7: {  	_ =	swait.ge [sflag:s24], $0x2000  }
0x4c8: {  	[sflag:s24] =	ssyncset.done $0x0  }
0x4c9: {  	s31 =	simm.s32 $0x0;
	[sflag:s24] =	ssyncadd.s32 $0xFFFFE000  }
0x4ca: {  	v1 =	vld [tilespmem:s31+$0x4070]  }
0x4cb: {  	v2 =	vld [tilespmem:s31+$0x4000]  }
0x4cc: {  	v3 =	vld [tilespmem:s31+$0x4010]  }
0x4cd: {  	v4 =	vld [tilespmem:s31+$0x4020]  }
0x4ce: {  	v10 =	vld [tilespmem:s31+$0x4030]  }
0x4cf: {  	v11 =	vld [tilespmem:s31+$0x4040]  }
0x4d0: {  	v13 =	vld [tilespmem:s31+$0x4050]  }
0x4d1: {  	v0 =	vld [tilespmem:s31+$0x4060]  }
0x4d2: {  	v6 =	vld [tilespmem:s31+$0xA070]  }
0x4d3: {  	v8 =	vld [tilespmem:s31+$0xA000]  }
0x4d4: {  	v20 =	vld [tilespmem:s31+$0xA010]  }
0x4d5: {  	v21 =	vld [tilespmem:s31+$0xA020]  }
0x4d6: {  	v22 =	vld [tilespmem:s31+$0xA030]  }
0x4d7: {  	v23 =	vld [tilespmem:s31+$0xA040]  }
0x4d8: {  	v24 =	vld [tilespmem:s31+$0xA050]  }
0x4d9: {  	v25 =	vld [tilespmem:s31+$0xA060]  }
0x4da: {  	v5 =	vld.idx.msk [tilespmem:v1+s20+$0x0], $0xffff  }
0x4db: {  	v1 =	vld.idx.msk [tilespmem:v1+s22+$0x0], $0xffff  }
0x4dc: {  	v7 =	vld.idx.msk [tilespmem:v2+s20+$0x0], $0xffff  }
0x4dd: {  	v14 =	vld.idx.msk [tilespmem:v3+s20+$0x0], $0xffff  }
0x4de: {  	v15 =	vld.idx.msk [tilespmem:v4+s20+$0x0], $0xffff  }
0x4df: {  	v16 =	vld.idx.msk [tilespmem:v10+s20+$0x0], $0xffff  }
0x4e0: {  	v17 =	vld.idx.msk [tilespmem:v11+s20+$0x0], $0xffff  }
0x4e1: {  	v18 =	vld.idx.msk [tilespmem:v13+s20+$0x0], $0xffff  }
0x4e2: {  	v19 =	vld.idx.msk [tilespmem:v0+s20+$0x0], $0xffff  }
0x4e3: {  	v12 =	vld.idx.msk [tilespmem:v2+s22+$0x0], $0xffff  }
0x4e4: {  	v9 =	vld.idx.msk [tilespmem:v3+s22+$0x0], $0xffff;
	v2 =	vmul.f32 v6, v5  }
0x4e5: {  	v10 =	vld.idx.msk [tilespmem:v10+s22+$0x0], $0xffff;
	v7 =	vmul.f32 v8, v7  }
0x4e6: {  	v8 =	vld.idx.msk [tilespmem:v4+s22+$0x0], $0xffff;
	v6 =	vmul.f32 v20, v14;
	v5 =	vmul.f32 v21, v15;
	v1 =	vadd.f32 v2, v1  }
0x4e7: {  	v11 =	vld.idx.msk [tilespmem:v11+s22+$0x0], $0xffff;
	v4 =	vmul.f32 v22, v16;
	v3 =	vmul.f32 v24, v18  }
0x4e8: {  	s15 =	simm.s32 $0x1000;
	s1 =	simm.s32 $0x0;
	s0 =	simm.s32 $0x0;
	v13 =	vld.idx.msk [tilespmem:v13+s22+$0x0], $0xffff;
	v2 =	vmul.f32 v23, v17;
	[tilespmem:s31+$0x10070] =	vst v1;
	v1 =	vmul.f32 v25, v19  }
.LBB2_34:
0x4e9: {  	s16 =	sshra.s32 s15, $0x2;
	s1 =	sadd.s32 $0x8, s1;
	v7 =	vadd.f32 v7, v12;
	v0 =	vld.idx.msk [tilespmem:v0+s22+$0x0], $0xffff  }
0x4ea: {  	v6 =	vadd.f32 v6, v9;
	v12 =	vld [tilespmem:s16+$0x4070];
	p0 =	slt.u32 s1, $0x38  }
0x4eb: {  	v5 =	vadd.f32 v5, v8;
	v9 =	vld [tilespmem:s16+$0x4000];
	[tilespmem:s0+$0x10000] =	vst v7  }
0x4ec: {  	v4 =	vadd.f32 v4, v10;
	v8 =	vld [tilespmem:s16+$0x4010];
	[tilespmem:s0+$0x10010] =	vst v6  }
0x4ed: {  	v2 =	vadd.f32 v2, v11;
	v10 =	vld [tilespmem:s16+$0x4020];
	[tilespmem:s0+$0x10020] =	vst v5  }
0x4ee: {  	v3 =	vadd.f32 v3, v13;
	v11 =	vld [tilespmem:s16+$0x4030];
	[tilespmem:s0+$0x10030] =	vst v4  }
0x4ef: {  	v1 =	vadd.f32 v1, v0;
	v13 =	vld [tilespmem:s16+$0x4040];
	[tilespmem:s0+$0x10040] =	vst v2  }
0x4f0: {  	v14 =	vld [tilespmem:s16+$0x4050];
	[tilespmem:s0+$0x10050] =	vst v3  }
0x4f1: {  	v0 =	vld [tilespmem:s16+$0x4060];
	[tilespmem:s0+$0x10060] =	vst v1;
	s0 =	smov.u32 s16  }
0x4f2: {  	v1 =	vld.idx.msk [tilespmem:v12+s20+$0x0], $0xffff  }
0x4f3: {  	v2 =	vld [tilespmem:s0+$0xA070]  }
0x4f4: {  	v3 =	vld.idx.msk [tilespmem:v12+s22+$0x0], $0xffff  }
0x4f5: {  	v4 =	vld.idx.msk [tilespmem:v9+s20+$0x0], $0xffff  }
0x4f6: {  	v5 =	vld.idx.msk [tilespmem:v8+s20+$0x0], $0xffff  }
0x4f7: {  	v15 =	vld.idx.msk [tilespmem:v10+s20+$0x0], $0xffff  }
0x4f8: {  	v16 =	vld.idx.msk [tilespmem:v11+s20+$0x0], $0xffff;
	v1 =	vmul.f32 v2, v1  }
0x4f9: {  	v2 =	vld.idx.msk [tilespmem:v13+s20+$0x0], $0xffff  }
0x4fa: {  	v17 =	vld.idx.msk [tilespmem:v14+s20+$0x0], $0xffff;
	v1 =	vadd.f32 v1, v3  }
0x4fb: {  	v18 =	vld.idx.msk [tilespmem:v0+s20+$0x0], $0xffff  }
0x4fc: {  	v3 =	vld [tilespmem:s0+$0xA000];
	[tilespmem:s0+$0x10070] =	vst v1  }
0x4fd: {  	v1 =	vld [tilespmem:s0+$0xA010]  }
0x4fe: {  	v19 =	vld [tilespmem:s0+$0xA020]  }
0x4ff: {  	v20 =	vld [tilespmem:s0+$0xA030]  }
0x500: {  	v21 =	vld [tilespmem:s0+$0xA040]  }
0x501: {  	v7 =	vmul.f32 v3, v4;
	v3 =	vld [tilespmem:s0+$0xA050]  }
0x502: {  	v6 =	vmul.f32 v1, v5;
	v1 =	vld [tilespmem:s0+$0xA060]  }
0x503: {  	v12 =	vld.idx.msk [tilespmem:v9+s22+$0x0], $0xffff;
	v5 =	vmul.f32 v19, v15  }
.Ltmp16:
0x504: {  	v9 =	vld.idx.msk [tilespmem:v8+s22+$0x0], $0xffff;
	v4 =	vmul.f32 v20, v16;
	(pc) =	sbr.rel @p0 .LBB2_34-.Ltmp16, $4  }
0x505: {  	v8 =	vld.idx.msk [tilespmem:v10+s22+$0x0], $0xffff;
	v2 =	vmul.f32 v21, v2  }
0x506: {  	v10 =	vld.idx.msk [tilespmem:v11+s22+$0x0], $0xffff;
	v3 =	vmul.f32 v3, v17  }
0x507: {  	v11 =	vld.idx.msk [tilespmem:v13+s22+$0x0], $0xffff;
	v1 =	vmul.f32 v1, v18  }
0x508: {  	s15 =	sadd.s32 $0x1000, s15;
	v13 =	vld.idx.msk [tilespmem:v14+s22+$0x0], $0xffff  }
0x509: {  	_ =	sdelay $0x2  }
0x50a: {  	v7 =	vadd.f32 v7, v12  }
0x50b: {  	v0 =	vld.idx.msk [tilespmem:v0+s22+$0x0], $0xffff;
	v6 =	vadd.f32 v6, v9  }
0x50c: {  	v5 =	vadd.f32 v5, v8;
	[tilespmem:s0+$0x10000] =	vst v7  }
0x50d: {  	[tilespmem:s0+$0x10010] =	vst v6;
	v4 =	vadd.f32 v4, v10  }
0x50e: {  	[tilespmem:s0+$0x10020] =	vst v5;
	v2 =	vadd.f32 v2, v11  }
0x50f: {  	[tilespmem:s0+$0x10030] =	vst v4;
	v3 =	vadd.f32 v3, v13  }
0x510: {  	[tilespmem:s0+$0x10040] =	vst v2;
	v0 =	vadd.f32 v1, v0  }
0x511: {  	[tilespmem:s0+$0x10050] =	vst v3  }
0x512: {  	[tilespmem:s0+$0x10060] =	vst v0  }
0x513: {  	v1 =	vld [tilespmem:s31+$0x40F0]  }
0x514: {  	v2 =	vld [tilespmem:s31+$0x4080]  }
0x515: {  	v3 =	vld [tilespmem:s31+$0x4090]  }
0x516: {  	v4 =	vld [tilespmem:s31+$0x40A0]  }
0x517: {  	v10 =	vld [tilespmem:s31+$0x40B0]  }
0x518: {  	v11 =	vld [tilespmem:s31+$0x40C0]  }
0x519: {  	v13 =	vld [tilespmem:s31+$0x40D0]  }
0x51a: {  	v0 =	vld [tilespmem:s31+$0x40E0]  }
0x51b: {  	v6 =	vld [tilespmem:s31+$0xA0F0]  }
0x51c: {  	v8 =	vld [tilespmem:s31+$0xA080]  }
0x51d: {  	v20 =	vld [tilespmem:s31+$0xA090]  }
0x51e: {  	v21 =	vld [tilespmem:s31+$0xA0A0]  }
0x51f: {  	v22 =	vld [tilespmem:s31+$0xA0B0]  }
0x520: {  	v23 =	vld [tilespmem:s31+$0xA0C0]  }
0x521: {  	v24 =	vld [tilespmem:s31+$0xA0D0]  }
0x522: {  	v25 =	vld [tilespmem:s31+$0xA0E0]  }
0x523: {  	v5 =	vld.idx.msk [tilespmem:v1+s20+$0x0], $0xffff  }
0x524: {  	v1 =	vld.idx.msk [tilespmem:v1+s22+$0x0], $0xffff  }
0x525: {  	v7 =	vld.idx.msk [tilespmem:v2+s20+$0x0], $0xffff  }
0x526: {  	v14 =	vld.idx.msk [tilespmem:v3+s20+$0x0], $0xffff  }
0x527: {  	v15 =	vld.idx.msk [tilespmem:v4+s20+$0x0], $0xffff  }
0x528: {  	v16 =	vld.idx.msk [tilespmem:v10+s20+$0x0], $0xffff  }
0x529: {  	v17 =	vld.idx.msk [tilespmem:v11+s20+$0x0], $0xffff  }
0x52a: {  	v18 =	vld.idx.msk [tilespmem:v13+s20+$0x0], $0xffff  }
0x52b: {  	v19 =	vld.idx.msk [tilespmem:v0+s20+$0x0], $0xffff  }
0x52c: {  	v12 =	vld.idx.msk [tilespmem:v2+s22+$0x0], $0xffff  }
0x52d: {  	v9 =	vld.idx.msk [tilespmem:v3+s22+$0x0], $0xffff;
	v2 =	vmul.f32 v6, v5  }
0x52e: {  	v10 =	vld.idx.msk [tilespmem:v10+s22+$0x0], $0xffff;
	v7 =	vmul.f32 v8, v7  }
0x52f: {  	v8 =	vld.idx.msk [tilespmem:v4+s22+$0x0], $0xffff;
	v6 =	vmul.f32 v20, v14;
	v5 =	vmul.f32 v21, v15;
	v1 =	vadd.f32 v2, v1  }
0x530: {  	v11 =	vld.idx.msk [tilespmem:v11+s22+$0x0], $0xffff;
	v4 =	vmul.f32 v22, v16;
	v3 =	vmul.f32 v24, v18  }
0x531: {  	s1 =	simm.s32 $0x1000;
	s0 =	simm.s32 $0x0;
	v13 =	vld.idx.msk [tilespmem:v13+s22+$0x0], $0xffff;
	v2 =	vmul.f32 v23, v17;
	[tilespmem:s31+$0x100F0] =	vst v1;
	v1 =	vmul.f32 v25, v19  }
.LBB2_36:
0x532: {  	s15 =	sshra.s32 s1, $0x2;
	s0 =	sadd.s32 $0x8, s0;
	v7 =	vadd.f32 v7, v12;
	v0 =	vld.idx.msk [tilespmem:v0+s22+$0x0], $0xffff  }
0x533: {  	v6 =	vadd.f32 v6, v9;
	v12 =	vld [tilespmem:s15+$0x40F0];
	p0 =	slt.u32 s0, $0x38  }
0x534: {  	v5 =	vadd.f32 v5, v8;
	v9 =	vld [tilespmem:s15+$0x4080];
	[tilespmem:s31+$0x10080] =	vst v7  }
0x535: {  	v4 =	vadd.f32 v4, v10;
	v8 =	vld [tilespmem:s15+$0x4090];
	[tilespmem:s31+$0x10090] =	vst v6  }
0x536: {  	v2 =	vadd.f32 v2, v11;
	v10 =	vld [tilespmem:s15+$0x40A0];
	[tilespmem:s31+$0x100A0] =	vst v5  }
0x537: {  	v3 =	vadd.f32 v3, v13;
	v11 =	vld [tilespmem:s15+$0x40B0];
	[tilespmem:s31+$0x100B0] =	vst v4  }
0x538: {  	v1 =	vadd.f32 v1, v0;
	v13 =	vld [tilespmem:s15+$0x40C0];
	[tilespmem:s31+$0x100C0] =	vst v2  }
0x539: {  	v14 =	vld [tilespmem:s15+$0x40D0];
	[tilespmem:s31+$0x100D0] =	vst v3  }
0x53a: {  	v0 =	vld [tilespmem:s15+$0x40E0];
	[tilespmem:s31+$0x100E0] =	vst v1;
	s31 =	smov.u32 s15  }
0x53b: {  	v1 =	vld.idx.msk [tilespmem:v12+s20+$0x0], $0xffff  }
0x53c: {  	v2 =	vld [tilespmem:s31+$0xA0F0]  }
0x53d: {  	v3 =	vld.idx.msk [tilespmem:v12+s22+$0x0], $0xffff  }
0x53e: {  	v4 =	vld.idx.msk [tilespmem:v9+s20+$0x0], $0xffff  }
0x53f: {  	v5 =	vld.idx.msk [tilespmem:v8+s20+$0x0], $0xffff  }
0x540: {  	v15 =	vld.idx.msk [tilespmem:v10+s20+$0x0], $0xffff  }
0x541: {  	v16 =	vld.idx.msk [tilespmem:v11+s20+$0x0], $0xffff;
	v1 =	vmul.f32 v2, v1  }
0x542: {  	v2 =	vld.idx.msk [tilespmem:v13+s20+$0x0], $0xffff  }
0x543: {  	v17 =	vld.idx.msk [tilespmem:v14+s20+$0x0], $0xffff;
	v1 =	vadd.f32 v1, v3  }
0x544: {  	v18 =	vld.idx.msk [tilespmem:v0+s20+$0x0], $0xffff  }
0x545: {  	v3 =	vld [tilespmem:s31+$0xA080];
	[tilespmem:s31+$0x100F0] =	vst v1  }
0x546: {  	v1 =	vld [tilespmem:s31+$0xA090]  }
0x547: {  	v19 =	vld [tilespmem:s31+$0xA0A0]  }
0x548: {  	v20 =	vld [tilespmem:s31+$0xA0B0]  }
0x549: {  	v21 =	vld [tilespmem:s31+$0xA0C0]  }
0x54a: {  	v7 =	vmul.f32 v3, v4;
	v3 =	vld [tilespmem:s31+$0xA0D0]  }
0x54b: {  	v6 =	vmul.f32 v1, v5;
	v1 =	vld [tilespmem:s31+$0xA0E0]  }
0x54c: {  	v12 =	vld.idx.msk [tilespmem:v9+s22+$0x0], $0xffff;
	v5 =	vmul.f32 v19, v15  }
.Ltmp17:
0x54d: {  	v9 =	vld.idx.msk [tilespmem:v8+s22+$0x0], $0xffff;
	v4 =	vmul.f32 v20, v16;
	(pc) =	sbr.rel @p0 .LBB2_36-.Ltmp17, $4  }
0x54e: {  	v8 =	vld.idx.msk [tilespmem:v10+s22+$0x0], $0xffff;
	v2 =	vmul.f32 v21, v2  }
0x54f: {  	v10 =	vld.idx.msk [tilespmem:v11+s22+$0x0], $0xffff;
	v3 =	vmul.f32 v3, v17  }
0x550: {  	v11 =	vld.idx.msk [tilespmem:v13+s22+$0x0], $0xffff;
	v1 =	vmul.f32 v1, v18  }
0x551: {  	s1 =	sadd.s32 $0x1000, s1;
	v13 =	vld.idx.msk [tilespmem:v14+s22+$0x0], $0xffff  }
0x552: {  	_ =	sdelay $0x2  }
0x553: {  	v7 =	vadd.f32 v7, v12  }
0x554: {  	v0 =	vld.idx.msk [tilespmem:v0+s22+$0x0], $0xffff;
	v6 =	vadd.f32 v6, v9  }
0x555: {  	v5 =	vadd.f32 v5, v8;
	[tilespmem:s31+$0x10080] =	vst v7  }
0x556: {  	[tilespmem:s31+$0x10090] =	vst v6;
	v4 =	vadd.f32 v4, v10  }
0x557: {  	[tilespmem:s31+$0x100A0] =	vst v5;
	v2 =	vadd.f32 v2, v11  }
0x558: {  	[tilespmem:s31+$0x100B0] =	vst v4;
	v3 =	vadd.f32 v3, v13  }
0x559: {  	[tilespmem:s31+$0x100C0] =	vst v2;
	v0 =	vadd.f32 v1, v0  }
0x55a: {  	[tilespmem:s31+$0x100D0] =	vst v3  }
0x55b: {  	[tilespmem:s31+$0x100E0] =	vst v0;
	s31 =	simm.s32 $0x0  }
0x55c: {  	v1 =	vld [tilespmem:s31+$0x4170]  }
0x55d: {  	v2 =	vld [tilespmem:s31+$0x4100]  }
0x55e: {  	v3 =	vld [tilespmem:s31+$0x4110]  }
0x55f: {  	v4 =	vld [tilespmem:s31+$0x4120]  }
0x560: {  	v10 =	vld [tilespmem:s31+$0x4130]  }
0x561: {  	v11 =	vld [tilespmem:s31+$0x4140]  }
0x562: {  	v13 =	vld [tilespmem:s31+$0x4150]  }
0x563: {  	v0 =	vld [tilespmem:s31+$0x4160]  }
0x564: {  	v6 =	vld [tilespmem:s31+$0xA170]  }
0x565: {  	v8 =	vld [tilespmem:s31+$0xA100]  }
0x566: {  	v20 =	vld [tilespmem:s31+$0xA110]  }
0x567: {  	v21 =	vld [tilespmem:s31+$0xA120]  }
0x568: {  	v22 =	vld [tilespmem:s31+$0xA130]  }
0x569: {  	v23 =	vld [tilespmem:s31+$0xA140]  }
0x56a: {  	v24 =	vld [tilespmem:s31+$0xA150]  }
0x56b: {  	v25 =	vld [tilespmem:s31+$0xA160]  }
0x56c: {  	v5 =	vld.idx.msk [tilespmem:v1+s20+$0x0], $0xffff  }
0x56d: {  	v1 =	vld.idx.msk [tilespmem:v1+s22+$0x0], $0xffff  }
0x56e: {  	v7 =	vld.idx.msk [tilespmem:v2+s20+$0x0], $0xffff  }
0x56f: {  	v14 =	vld.idx.msk [tilespmem:v3+s20+$0x0], $0xffff  }
0x570: {  	v15 =	vld.idx.msk [tilespmem:v4+s20+$0x0], $0xffff  }
0x571: {  	v16 =	vld.idx.msk [tilespmem:v10+s20+$0x0], $0xffff  }
0x572: {  	v17 =	vld.idx.msk [tilespmem:v11+s20+$0x0], $0xffff  }
0x573: {  	v18 =	vld.idx.msk [tilespmem:v13+s20+$0x0], $0xffff  }
0x574: {  	v19 =	vld.idx.msk [tilespmem:v0+s20+$0x0], $0xffff  }
0x575: {  	v12 =	vld.idx.msk [tilespmem:v2+s22+$0x0], $0xffff  }
0x576: {  	v9 =	vld.idx.msk [tilespmem:v3+s22+$0x0], $0xffff;
	v2 =	vmul.f32 v6, v5  }
0x577: {  	v10 =	vld.idx.msk [tilespmem:v10+s22+$0x0], $0xffff;
	v7 =	vmul.f32 v8, v7  }
0x578: {  	v8 =	vld.idx.msk [tilespmem:v4+s22+$0x0], $0xffff;
	v6 =	vmul.f32 v20, v14;
	v5 =	vmul.f32 v21, v15;
	v1 =	vadd.f32 v2, v1  }
0x579: {  	v11 =	vld.idx.msk [tilespmem:v11+s22+$0x0], $0xffff;
	v4 =	vmul.f32 v22, v16;
	v3 =	vmul.f32 v24, v18  }
0x57a: {  	s1 =	simm.s32 $0x0;
	s15 =	simm.s32 $0x1000;
	s0 =	simm.s32 $0x0;
	v13 =	vld.idx.msk [tilespmem:v13+s22+$0x0], $0xffff;
	v2 =	vmul.f32 v23, v17;
	[tilespmem:s31+$0x10170] =	vst v1;
	v1 =	vmul.f32 v25, v19  }
.LBB2_38:
0x57b: {  	s16 =	sshra.s32 s15, $0x2;
	s1 =	sadd.s32 $0x8, s1;
	v7 =	vadd.f32 v7, v12;
	v0 =	vld.idx.msk [tilespmem:v0+s22+$0x0], $0xffff  }
0x57c: {  	v6 =	vadd.f32 v6, v9;
	v12 =	vld [tilespmem:s16+$0x4170];
	p0 =	slt.u32 s1, $0x38  }
0x57d: {  	v5 =	vadd.f32 v5, v8;
	v9 =	vld [tilespmem:s16+$0x4100];
	[tilespmem:s0+$0x10100] =	vst v7  }
0x57e: {  	v4 =	vadd.f32 v4, v10;
	v8 =	vld [tilespmem:s16+$0x4110];
	[tilespmem:s0+$0x10110] =	vst v6  }
0x57f: {  	v2 =	vadd.f32 v2, v11;
	v10 =	vld [tilespmem:s16+$0x4120];
	[tilespmem:s0+$0x10120] =	vst v5  }
0x580: {  	v3 =	vadd.f32 v3, v13;
	v11 =	vld [tilespmem:s16+$0x4130];
	[tilespmem:s0+$0x10130] =	vst v4  }
0x581: {  	v1 =	vadd.f32 v1, v0;
	v13 =	vld [tilespmem:s16+$0x4140];
	[tilespmem:s0+$0x10140] =	vst v2  }
0x582: {  	v14 =	vld [tilespmem:s16+$0x4150];
	[tilespmem:s0+$0x10150] =	vst v3  }
0x583: {  	v0 =	vld [tilespmem:s16+$0x4160];
	[tilespmem:s0+$0x10160] =	vst v1;
	s0 =	smov.u32 s16  }
0x584: {  	v1 =	vld.idx.msk [tilespmem:v12+s20+$0x0], $0xffff  }
0x585: {  	v2 =	vld [tilespmem:s0+$0xA170]  }
0x586: {  	v3 =	vld.idx.msk [tilespmem:v12+s22+$0x0], $0xffff  }
0x587: {  	v4 =	vld.idx.msk [tilespmem:v9+s20+$0x0], $0xffff  }
0x588: {  	v5 =	vld.idx.msk [tilespmem:v8+s20+$0x0], $0xffff  }
0x589: {  	v15 =	vld.idx.msk [tilespmem:v10+s20+$0x0], $0xffff  }
0x58a: {  	v16 =	vld.idx.msk [tilespmem:v11+s20+$0x0], $0xffff;
	v1 =	vmul.f32 v2, v1  }
0x58b: {  	v2 =	vld.idx.msk [tilespmem:v13+s20+$0x0], $0xffff  }
0x58c: {  	v17 =	vld.idx.msk [tilespmem:v14+s20+$0x0], $0xffff;
	v1 =	vadd.f32 v1, v3  }
0x58d: {  	v18 =	vld.idx.msk [tilespmem:v0+s20+$0x0], $0xffff  }
0x58e: {  	v3 =	vld [tilespmem:s0+$0xA100];
	[tilespmem:s0+$0x10170] =	vst v1  }
0x58f: {  	v1 =	vld [tilespmem:s0+$0xA110]  }
0x590: {  	v19 =	vld [tilespmem:s0+$0xA120]  }
0x591: {  	v20 =	vld [tilespmem:s0+$0xA130]  }
0x592: {  	v21 =	vld [tilespmem:s0+$0xA140]  }
0x593: {  	v7 =	vmul.f32 v3, v4;
	v3 =	vld [tilespmem:s0+$0xA150]  }
0x594: {  	v6 =	vmul.f32 v1, v5;
	v1 =	vld [tilespmem:s0+$0xA160]  }
0x595: {  	v12 =	vld.idx.msk [tilespmem:v9+s22+$0x0], $0xffff;
	v5 =	vmul.f32 v19, v15  }
.Ltmp18:
0x596: {  	v9 =	vld.idx.msk [tilespmem:v8+s22+$0x0], $0xffff;
	v4 =	vmul.f32 v20, v16;
	(pc) =	sbr.rel @p0 .LBB2_38-.Ltmp18, $4  }
0x597: {  	v8 =	vld.idx.msk [tilespmem:v10+s22+$0x0], $0xffff;
	v2 =	vmul.f32 v21, v2  }
0x598: {  	v10 =	vld.idx.msk [tilespmem:v11+s22+$0x0], $0xffff;
	v3 =	vmul.f32 v3, v17  }
0x599: {  	v11 =	vld.idx.msk [tilespmem:v13+s22+$0x0], $0xffff;
	v1 =	vmul.f32 v1, v18  }
0x59a: {  	s15 =	sadd.s32 $0x1000, s15;
	v13 =	vld.idx.msk [tilespmem:v14+s22+$0x0], $0xffff  }
0x59b: {  	_ =	sdelay $0x2  }
0x59c: {  	v7 =	vadd.f32 v7, v12  }
0x59d: {  	v0 =	vld.idx.msk [tilespmem:v0+s22+$0x0], $0xffff;
	v6 =	vadd.f32 v6, v9  }
0x59e: {  	v5 =	vadd.f32 v5, v8;
	[tilespmem:s0+$0x10100] =	vst v7  }
0x59f: {  	[tilespmem:s0+$0x10110] =	vst v6;
	v4 =	vadd.f32 v4, v10  }
0x5a0: {  	[tilespmem:s0+$0x10120] =	vst v5;
	v2 =	vadd.f32 v2, v11  }
0x5a1: {  	[tilespmem:s0+$0x10130] =	vst v4;
	v3 =	vadd.f32 v3, v13  }
0x5a2: {  	[tilespmem:s0+$0x10140] =	vst v2;
	v0 =	vadd.f32 v1, v0  }
0x5a3: {  	[tilespmem:s0+$0x10150] =	vst v3  }
0x5a4: {  	[tilespmem:s0+$0x10160] =	vst v0  }
0x5a5: {  	v1 =	vld [tilespmem:s31+$0x41F0]  }
0x5a6: {  	v2 =	vld [tilespmem:s31+$0x4180]  }
0x5a7: {  	v3 =	vld [tilespmem:s31+$0x4190]  }
0x5a8: {  	v4 =	vld [tilespmem:s31+$0x41A0]  }
0x5a9: {  	v10 =	vld [tilespmem:s31+$0x41B0]  }
0x5aa: {  	v11 =	vld [tilespmem:s31+$0x41C0]  }
0x5ab: {  	v13 =	vld [tilespmem:s31+$0x41D0]  }
0x5ac: {  	v0 =	vld [tilespmem:s31+$0x41E0]  }
0x5ad: {  	v6 =	vld [tilespmem:s31+$0xA1F0]  }
0x5ae: {  	v8 =	vld [tilespmem:s31+$0xA180]  }
0x5af: {  	v20 =	vld [tilespmem:s31+$0xA190]  }
0x5b0: {  	v21 =	vld [tilespmem:s31+$0xA1A0]  }
0x5b1: {  	v22 =	vld [tilespmem:s31+$0xA1B0]  }
0x5b2: {  	v23 =	vld [tilespmem:s31+$0xA1C0]  }
0x5b3: {  	v24 =	vld [tilespmem:s31+$0xA1D0]  }
0x5b4: {  	v25 =	vld [tilespmem:s31+$0xA1E0]  }
0x5b5: {  	v5 =	vld.idx.msk [tilespmem:v1+s20+$0x0], $0xffff  }
0x5b6: {  	v1 =	vld.idx.msk [tilespmem:v1+s22+$0x0], $0xffff  }
0x5b7: {  	v7 =	vld.idx.msk [tilespmem:v2+s20+$0x0], $0xffff  }
0x5b8: {  	v14 =	vld.idx.msk [tilespmem:v3+s20+$0x0], $0xffff  }
0x5b9: {  	v15 =	vld.idx.msk [tilespmem:v4+s20+$0x0], $0xffff  }
0x5ba: {  	v16 =	vld.idx.msk [tilespmem:v10+s20+$0x0], $0xffff  }
0x5bb: {  	v17 =	vld.idx.msk [tilespmem:v11+s20+$0x0], $0xffff  }
0x5bc: {  	v18 =	vld.idx.msk [tilespmem:v13+s20+$0x0], $0xffff  }
0x5bd: {  	v19 =	vld.idx.msk [tilespmem:v0+s20+$0x0], $0xffff  }
0x5be: {  	v12 =	vld.idx.msk [tilespmem:v2+s22+$0x0], $0xffff  }
0x5bf: {  	v9 =	vld.idx.msk [tilespmem:v3+s22+$0x0], $0xffff;
	v2 =	vmul.f32 v6, v5  }
0x5c0: {  	v10 =	vld.idx.msk [tilespmem:v10+s22+$0x0], $0xffff;
	v7 =	vmul.f32 v8, v7  }
0x5c1: {  	v8 =	vld.idx.msk [tilespmem:v4+s22+$0x0], $0xffff;
	v6 =	vmul.f32 v20, v14;
	v5 =	vmul.f32 v21, v15;
	v1 =	vadd.f32 v2, v1  }
0x5c2: {  	v11 =	vld.idx.msk [tilespmem:v11+s22+$0x0], $0xffff;
	v4 =	vmul.f32 v22, v16;
	v3 =	vmul.f32 v24, v18  }
0x5c3: {  	s1 =	simm.s32 $0x1000;
	s0 =	simm.s32 $0x0;
	v13 =	vld.idx.msk [tilespmem:v13+s22+$0x0], $0xffff;
	v2 =	vmul.f32 v23, v17;
	[tilespmem:s31+$0x101F0] =	vst v1;
	v1 =	vmul.f32 v25, v19  }
.LBB2_40:
0x5c4: {  	s15 =	sshra.s32 s1, $0x2;
	s0 =	sadd.s32 $0x8, s0;
	v7 =	vadd.f32 v7, v12;
	v0 =	vld.idx.msk [tilespmem:v0+s22+$0x0], $0xffff  }
0x5c5: {  	v6 =	vadd.f32 v6, v9;
	v12 =	vld [tilespmem:s15+$0x41F0];
	p0 =	slt.u32 s0, $0x38  }
0x5c6: {  	v5 =	vadd.f32 v5, v8;
	v9 =	vld [tilespmem:s15+$0x4180];
	[tilespmem:s31+$0x10180] =	vst v7  }
0x5c7: {  	v4 =	vadd.f32 v4, v10;
	v8 =	vld [tilespmem:s15+$0x4190];
	[tilespmem:s31+$0x10190] =	vst v6  }
0x5c8: {  	v2 =	vadd.f32 v2, v11;
	v10 =	vld [tilespmem:s15+$0x41A0];
	[tilespmem:s31+$0x101A0] =	vst v5  }
0x5c9: {  	v3 =	vadd.f32 v3, v13;
	v11 =	vld [tilespmem:s15+$0x41B0];
	[tilespmem:s31+$0x101B0] =	vst v4  }
0x5ca: {  	v1 =	vadd.f32 v1, v0;
	v13 =	vld [tilespmem:s15+$0x41C0];
	[tilespmem:s31+$0x101C0] =	vst v2  }
0x5cb: {  	v14 =	vld [tilespmem:s15+$0x41D0];
	[tilespmem:s31+$0x101D0] =	vst v3  }
0x5cc: {  	v0 =	vld [tilespmem:s15+$0x41E0];
	[tilespmem:s31+$0x101E0] =	vst v1;
	s31 =	smov.u32 s15  }
0x5cd: {  	v1 =	vld.idx.msk [tilespmem:v12+s20+$0x0], $0xffff  }
0x5ce: {  	v2 =	vld [tilespmem:s31+$0xA1F0]  }
0x5cf: {  	v3 =	vld.idx.msk [tilespmem:v12+s22+$0x0], $0xffff  }
0x5d0: {  	v4 =	vld.idx.msk [tilespmem:v9+s20+$0x0], $0xffff  }
0x5d1: {  	v5 =	vld.idx.msk [tilespmem:v8+s20+$0x0], $0xffff  }
0x5d2: {  	v15 =	vld.idx.msk [tilespmem:v10+s20+$0x0], $0xffff  }
0x5d3: {  	v16 =	vld.idx.msk [tilespmem:v11+s20+$0x0], $0xffff;
	v1 =	vmul.f32 v2, v1  }
0x5d4: {  	v2 =	vld.idx.msk [tilespmem:v13+s20+$0x0], $0xffff  }
0x5d5: {  	v17 =	vld.idx.msk [tilespmem:v14+s20+$0x0], $0xffff;
	v1 =	vadd.f32 v1, v3  }
0x5d6: {  	v18 =	vld.idx.msk [tilespmem:v0+s20+$0x0], $0xffff  }
0x5d7: {  	v3 =	vld [tilespmem:s31+$0xA180];
	[tilespmem:s31+$0x101F0] =	vst v1  }
0x5d8: {  	v1 =	vld [tilespmem:s31+$0xA190]  }
0x5d9: {  	v19 =	vld [tilespmem:s31+$0xA1A0]  }
0x5da: {  	v20 =	vld [tilespmem:s31+$0xA1B0]  }
0x5db: {  	v21 =	vld [tilespmem:s31+$0xA1C0]  }
0x5dc: {  	v7 =	vmul.f32 v3, v4;
	v3 =	vld [tilespmem:s31+$0xA1D0]  }
0x5dd: {  	v6 =	vmul.f32 v1, v5;
	v1 =	vld [tilespmem:s31+$0xA1E0]  }
0x5de: {  	v12 =	vld.idx.msk [tilespmem:v9+s22+$0x0], $0xffff;
	v5 =	vmul.f32 v19, v15  }
.Ltmp19:
0x5df: {  	v9 =	vld.idx.msk [tilespmem:v8+s22+$0x0], $0xffff;
	v4 =	vmul.f32 v20, v16;
	(pc) =	sbr.rel @p0 .LBB2_40-.Ltmp19, $4  }
0x5e0: {  	v8 =	vld.idx.msk [tilespmem:v10+s22+$0x0], $0xffff;
	v2 =	vmul.f32 v21, v2  }
0x5e1: {  	v10 =	vld.idx.msk [tilespmem:v11+s22+$0x0], $0xffff;
	v3 =	vmul.f32 v3, v17  }
0x5e2: {  	v11 =	vld.idx.msk [tilespmem:v13+s22+$0x0], $0xffff;
	v1 =	vmul.f32 v1, v18  }
0x5e3: {  	s1 =	sadd.s32 $0x1000, s1;
	v13 =	vld.idx.msk [tilespmem:v14+s22+$0x0], $0xffff  }
0x5e4: {  	_ =	sdelay $0x2  }
0x5e5: {  	v7 =	vadd.f32 v7, v12  }
0x5e6: {  	v0 =	vld.idx.msk [tilespmem:v0+s22+$0x0], $0xffff;
	v6 =	vadd.f32 v6, v9  }
0x5e7: {  	v5 =	vadd.f32 v5, v8;
	[tilespmem:s31+$0x10180] =	vst v7  }
0x5e8: {  	[tilespmem:s31+$0x10190] =	vst v6;
	v4 =	vadd.f32 v4, v10  }
0x5e9: {  	[tilespmem:s31+$0x101A0] =	vst v5;
	v2 =	vadd.f32 v2, v11  }
0x5ea: {  	[tilespmem:s31+$0x101B0] =	vst v4;
	v3 =	vadd.f32 v3, v13  }
0x5eb: {  	[tilespmem:s31+$0x101C0] =	vst v2;
	v0 =	vadd.f32 v1, v0  }
0x5ec: {  	[tilespmem:s31+$0x101D0] =	vst v3  }
0x5ed: {  	[tilespmem:s31+$0x101E0] =	vst v0;
	s31 =	simm.s32 $0x0  }
0x5ee: {  	v1 =	vld [tilespmem:s31+$0x4270]  }
0x5ef: {  	v2 =	vld [tilespmem:s31+$0x4200]  }
0x5f0: {  	v3 =	vld [tilespmem:s31+$0x4210]  }
0x5f1: {  	v4 =	vld [tilespmem:s31+$0x4220]  }
0x5f2: {  	v10 =	vld [tilespmem:s31+$0x4230]  }
0x5f3: {  	v11 =	vld [tilespmem:s31+$0x4240]  }
0x5f4: {  	v13 =	vld [tilespmem:s31+$0x4250]  }
0x5f5: {  	v0 =	vld [tilespmem:s31+$0x4260]  }
0x5f6: {  	v6 =	vld [tilespmem:s31+$0xA270]  }
0x5f7: {  	v8 =	vld [tilespmem:s31+$0xA200]  }
0x5f8: {  	v20 =	vld [tilespmem:s31+$0xA210]  }
0x5f9: {  	v21 =	vld [tilespmem:s31+$0xA220]  }
0x5fa: {  	v22 =	vld [tilespmem:s31+$0xA230]  }
0x5fb: {  	v23 =	vld [tilespmem:s31+$0xA240]  }
0x5fc: {  	v24 =	vld [tilespmem:s31+$0xA250]  }
0x5fd: {  	v25 =	vld [tilespmem:s31+$0xA260]  }
0x5fe: {  	v5 =	vld.idx.msk [tilespmem:v1+s20+$0x0], $0xffff  }
0x5ff: {  	v1 =	vld.idx.msk [tilespmem:v1+s22+$0x0], $0xffff  }
0x600: {  	v7 =	vld.idx.msk [tilespmem:v2+s20+$0x0], $0xffff  }
0x601: {  	v14 =	vld.idx.msk [tilespmem:v3+s20+$0x0], $0xffff  }
0x602: {  	v15 =	vld.idx.msk [tilespmem:v4+s20+$0x0], $0xffff  }
0x603: {  	v16 =	vld.idx.msk [tilespmem:v10+s20+$0x0], $0xffff  }
0x604: {  	v17 =	vld.idx.msk [tilespmem:v11+s20+$0x0], $0xffff  }
0x605: {  	v18 =	vld.idx.msk [tilespmem:v13+s20+$0x0], $0xffff  }
0x606: {  	v19 =	vld.idx.msk [tilespmem:v0+s20+$0x0], $0xffff  }
0x607: {  	v12 =	vld.idx.msk [tilespmem:v2+s22+$0x0], $0xffff  }
0x608: {  	v9 =	vld.idx.msk [tilespmem:v3+s22+$0x0], $0xffff;
	v2 =	vmul.f32 v6, v5  }
0x609: {  	v10 =	vld.idx.msk [tilespmem:v10+s22+$0x0], $0xffff;
	v7 =	vmul.f32 v8, v7  }
0x60a: {  	v8 =	vld.idx.msk [tilespmem:v4+s22+$0x0], $0xffff;
	v6 =	vmul.f32 v20, v14;
	v5 =	vmul.f32 v21, v15;
	v1 =	vadd.f32 v2, v1  }
0x60b: {  	v11 =	vld.idx.msk [tilespmem:v11+s22+$0x0], $0xffff;
	v4 =	vmul.f32 v22, v16;
	v3 =	vmul.f32 v24, v18  }
0x60c: {  	s1 =	simm.s32 $0x0;
	s15 =	simm.s32 $0x1000;
	s0 =	simm.s32 $0x0;
	v13 =	vld.idx.msk [tilespmem:v13+s22+$0x0], $0xffff;
	v2 =	vmul.f32 v23, v17;
	[tilespmem:s31+$0x10270] =	vst v1;
	v1 =	vmul.f32 v25, v19  }
.LBB2_42:
0x60d: {  	s16 =	sshra.s32 s15, $0x2;
	s1 =	sadd.s32 $0x8, s1;
	v7 =	vadd.f32 v7, v12;
	v0 =	vld.idx.msk [tilespmem:v0+s22+$0x0], $0xffff  }
0x60e: {  	v6 =	vadd.f32 v6, v9;
	v12 =	vld [tilespmem:s16+$0x4270];
	p0 =	slt.u32 s1, $0x38  }
0x60f: {  	v5 =	vadd.f32 v5, v8;
	v9 =	vld [tilespmem:s16+$0x4200];
	[tilespmem:s0+$0x10200] =	vst v7  }
0x610: {  	v4 =	vadd.f32 v4, v10;
	v8 =	vld [tilespmem:s16+$0x4210];
	[tilespmem:s0+$0x10210] =	vst v6  }
0x611: {  	v2 =	vadd.f32 v2, v11;
	v10 =	vld [tilespmem:s16+$0x4220];
	[tilespmem:s0+$0x10220] =	vst v5  }
0x612: {  	v3 =	vadd.f32 v3, v13;
	v11 =	vld [tilespmem:s16+$0x4230];
	[tilespmem:s0+$0x10230] =	vst v4  }
0x613: {  	v1 =	vadd.f32 v1, v0;
	v13 =	vld [tilespmem:s16+$0x4240];
	[tilespmem:s0+$0x10240] =	vst v2  }
0x614: {  	v14 =	vld [tilespmem:s16+$0x4250];
	[tilespmem:s0+$0x10250] =	vst v3  }
0x615: {  	v0 =	vld [tilespmem:s16+$0x4260];
	[tilespmem:s0+$0x10260] =	vst v1;
	s0 =	smov.u32 s16  }
0x616: {  	v1 =	vld.idx.msk [tilespmem:v12+s20+$0x0], $0xffff  }
0x617: {  	v2 =	vld [tilespmem:s0+$0xA270]  }
0x618: {  	v3 =	vld.idx.msk [tilespmem:v12+s22+$0x0], $0xffff  }
0x619: {  	v4 =	vld.idx.msk [tilespmem:v9+s20+$0x0], $0xffff  }
0x61a: {  	v5 =	vld.idx.msk [tilespmem:v8+s20+$0x0], $0xffff  }
0x61b: {  	v15 =	vld.idx.msk [tilespmem:v10+s20+$0x0], $0xffff  }
0x61c: {  	v16 =	vld.idx.msk [tilespmem:v11+s20+$0x0], $0xffff;
	v1 =	vmul.f32 v2, v1  }
0x61d: {  	v2 =	vld.idx.msk [tilespmem:v13+s20+$0x0], $0xffff  }
0x61e: {  	v17 =	vld.idx.msk [tilespmem:v14+s20+$0x0], $0xffff;
	v1 =	vadd.f32 v1, v3  }
0x61f: {  	v18 =	vld.idx.msk [tilespmem:v0+s20+$0x0], $0xffff  }
0x620: {  	v3 =	vld [tilespmem:s0+$0xA200];
	[tilespmem:s0+$0x10270] =	vst v1  }
0x621: {  	v1 =	vld [tilespmem:s0+$0xA210]  }
0x622: {  	v19 =	vld [tilespmem:s0+$0xA220]  }
0x623: {  	v20 =	vld [tilespmem:s0+$0xA230]  }
0x624: {  	v21 =	vld [tilespmem:s0+$0xA240]  }
0x625: {  	v7 =	vmul.f32 v3, v4;
	v3 =	vld [tilespmem:s0+$0xA250]  }
0x626: {  	v6 =	vmul.f32 v1, v5;
	v1 =	vld [tilespmem:s0+$0xA260]  }
0x627: {  	v12 =	vld.idx.msk [tilespmem:v9+s22+$0x0], $0xffff;
	v5 =	vmul.f32 v19, v15  }
.Ltmp20:
0x628: {  	v9 =	vld.idx.msk [tilespmem:v8+s22+$0x0], $0xffff;
	v4 =	vmul.f32 v20, v16;
	(pc) =	sbr.rel @p0 .LBB2_42-.Ltmp20, $4  }
0x629: {  	v8 =	vld.idx.msk [tilespmem:v10+s22+$0x0], $0xffff;
	v2 =	vmul.f32 v21, v2  }
0x62a: {  	v10 =	vld.idx.msk [tilespmem:v11+s22+$0x0], $0xffff;
	v3 =	vmul.f32 v3, v17  }
0x62b: {  	v11 =	vld.idx.msk [tilespmem:v13+s22+$0x0], $0xffff;
	v1 =	vmul.f32 v1, v18  }
0x62c: {  	s15 =	sadd.s32 $0x1000, s15;
	v13 =	vld.idx.msk [tilespmem:v14+s22+$0x0], $0xffff  }
0x62d: {  	_ =	sdelay $0x2  }
0x62e: {  	v7 =	vadd.f32 v7, v12  }
0x62f: {  	v0 =	vld.idx.msk [tilespmem:v0+s22+$0x0], $0xffff;
	v6 =	vadd.f32 v6, v9  }
0x630: {  	v5 =	vadd.f32 v5, v8;
	[tilespmem:s0+$0x10200] =	vst v7  }
0x631: {  	[tilespmem:s0+$0x10210] =	vst v6;
	v4 =	vadd.f32 v4, v10  }
0x632: {  	[tilespmem:s0+$0x10220] =	vst v5;
	v2 =	vadd.f32 v2, v11  }
0x633: {  	[tilespmem:s0+$0x10230] =	vst v4;
	v3 =	vadd.f32 v3, v13  }
0x634: {  	[tilespmem:s0+$0x10240] =	vst v2;
	v0 =	vadd.f32 v1, v0  }
0x635: {  	[tilespmem:s0+$0x10250] =	vst v3  }
0x636: {  	[tilespmem:s0+$0x10260] =	vst v0  }
0x637: {  	v1 =	vld [tilespmem:s31+$0x42F0]  }
0x638: {  	v2 =	vld [tilespmem:s31+$0x4280]  }
0x639: {  	v3 =	vld [tilespmem:s31+$0x4290]  }
0x63a: {  	v4 =	vld [tilespmem:s31+$0x42A0]  }
0x63b: {  	v10 =	vld [tilespmem:s31+$0x42B0]  }
0x63c: {  	v11 =	vld [tilespmem:s31+$0x42C0]  }
0x63d: {  	v13 =	vld [tilespmem:s31+$0x42D0]  }
0x63e: {  	v0 =	vld [tilespmem:s31+$0x42E0]  }
0x63f: {  	v6 =	vld [tilespmem:s31+$0xA2F0]  }
0x640: {  	v8 =	vld [tilespmem:s31+$0xA280]  }
0x641: {  	v20 =	vld [tilespmem:s31+$0xA290]  }
0x642: {  	v21 =	vld [tilespmem:s31+$0xA2A0]  }
0x643: {  	v22 =	vld [tilespmem:s31+$0xA2B0]  }
0x644: {  	v23 =	vld [tilespmem:s31+$0xA2C0]  }
0x645: {  	v24 =	vld [tilespmem:s31+$0xA2D0]  }
0x646: {  	v25 =	vld [tilespmem:s31+$0xA2E0]  }
0x647: {  	v5 =	vld.idx.msk [tilespmem:v1+s20+$0x0], $0xffff  }
0x648: {  	v1 =	vld.idx.msk [tilespmem:v1+s22+$0x0], $0xffff  }
0x649: {  	v7 =	vld.idx.msk [tilespmem:v2+s20+$0x0], $0xffff  }
0x64a: {  	v14 =	vld.idx.msk [tilespmem:v3+s20+$0x0], $0xffff  }
0x64b: {  	v15 =	vld.idx.msk [tilespmem:v4+s20+$0x0], $0xffff  }
0x64c: {  	v16 =	vld.idx.msk [tilespmem:v10+s20+$0x0], $0xffff  }
0x64d: {  	v17 =	vld.idx.msk [tilespmem:v11+s20+$0x0], $0xffff  }
0x64e: {  	v18 =	vld.idx.msk [tilespmem:v13+s20+$0x0], $0xffff  }
0x64f: {  	v19 =	vld.idx.msk [tilespmem:v0+s20+$0x0], $0xffff  }
0x650: {  	v12 =	vld.idx.msk [tilespmem:v2+s22+$0x0], $0xffff  }
0x651: {  	v9 =	vld.idx.msk [tilespmem:v3+s22+$0x0], $0xffff;
	v2 =	vmul.f32 v6, v5  }
0x652: {  	v10 =	vld.idx.msk [tilespmem:v10+s22+$0x0], $0xffff;
	v7 =	vmul.f32 v8, v7  }
0x653: {  	v8 =	vld.idx.msk [tilespmem:v4+s22+$0x0], $0xffff;
	v6 =	vmul.f32 v20, v14;
	v5 =	vmul.f32 v21, v15;
	v1 =	vadd.f32 v2, v1  }
0x654: {  	v11 =	vld.idx.msk [tilespmem:v11+s22+$0x0], $0xffff;
	v4 =	vmul.f32 v22, v16;
	v3 =	vmul.f32 v24, v18  }
0x655: {  	s1 =	simm.s32 $0x1000;
	s0 =	simm.s32 $0x0;
	v13 =	vld.idx.msk [tilespmem:v13+s22+$0x0], $0xffff;
	v2 =	vmul.f32 v23, v17;
	[tilespmem:s31+$0x102F0] =	vst v1;
	v1 =	vmul.f32 v25, v19  }
.LBB2_44:
0x656: {  	s15 =	sshra.s32 s1, $0x2;
	s0 =	sadd.s32 $0x8, s0;
	v7 =	vadd.f32 v7, v12;
	v0 =	vld.idx.msk [tilespmem:v0+s22+$0x0], $0xffff  }
0x657: {  	v6 =	vadd.f32 v6, v9;
	v12 =	vld [tilespmem:s15+$0x42F0];
	p0 =	slt.u32 s0, $0x38  }
0x658: {  	v5 =	vadd.f32 v5, v8;
	v9 =	vld [tilespmem:s15+$0x4280];
	[tilespmem:s31+$0x10280] =	vst v7  }
0x659: {  	v4 =	vadd.f32 v4, v10;
	v8 =	vld [tilespmem:s15+$0x4290];
	[tilespmem:s31+$0x10290] =	vst v6  }
0x65a: {  	v2 =	vadd.f32 v2, v11;
	v10 =	vld [tilespmem:s15+$0x42A0];
	[tilespmem:s31+$0x102A0] =	vst v5  }
0x65b: {  	v3 =	vadd.f32 v3, v13;
	v11 =	vld [tilespmem:s15+$0x42B0];
	[tilespmem:s31+$0x102B0] =	vst v4  }
0x65c: {  	v1 =	vadd.f32 v1, v0;
	v13 =	vld [tilespmem:s15+$0x42C0];
	[tilespmem:s31+$0x102C0] =	vst v2  }
0x65d: {  	v14 =	vld [tilespmem:s15+$0x42D0];
	[tilespmem:s31+$0x102D0] =	vst v3  }
0x65e: {  	v0 =	vld [tilespmem:s15+$0x42E0];
	[tilespmem:s31+$0x102E0] =	vst v1;
	s31 =	smov.u32 s15  }
0x65f: {  	v1 =	vld.idx.msk [tilespmem:v12+s20+$0x0], $0xffff  }
0x660: {  	v2 =	vld [tilespmem:s31+$0xA2F0]  }
0x661: {  	v3 =	vld.idx.msk [tilespmem:v12+s22+$0x0], $0xffff  }
0x662: {  	v4 =	vld.idx.msk [tilespmem:v9+s20+$0x0], $0xffff  }
0x663: {  	v5 =	vld.idx.msk [tilespmem:v8+s20+$0x0], $0xffff  }
0x664: {  	v15 =	vld.idx.msk [tilespmem:v10+s20+$0x0], $0xffff  }
0x665: {  	v16 =	vld.idx.msk [tilespmem:v11+s20+$0x0], $0xffff;
	v1 =	vmul.f32 v2, v1  }
0x666: {  	v2 =	vld.idx.msk [tilespmem:v13+s20+$0x0], $0xffff  }
0x667: {  	v17 =	vld.idx.msk [tilespmem:v14+s20+$0x0], $0xffff;
	v1 =	vadd.f32 v1, v3  }
0x668: {  	v18 =	vld.idx.msk [tilespmem:v0+s20+$0x0], $0xffff  }
0x669: {  	v3 =	vld [tilespmem:s31+$0xA280];
	[tilespmem:s31+$0x102F0] =	vst v1  }
0x66a: {  	v1 =	vld [tilespmem:s31+$0xA290]  }
0x66b: {  	v19 =	vld [tilespmem:s31+$0xA2A0]  }
0x66c: {  	v20 =	vld [tilespmem:s31+$0xA2B0]  }
0x66d: {  	v21 =	vld [tilespmem:s31+$0xA2C0]  }
0x66e: {  	v7 =	vmul.f32 v3, v4;
	v3 =	vld [tilespmem:s31+$0xA2D0]  }
0x66f: {  	v6 =	vmul.f32 v1, v5;
	v1 =	vld [tilespmem:s31+$0xA2E0]  }
0x670: {  	v12 =	vld.idx.msk [tilespmem:v9+s22+$0x0], $0xffff;
	v5 =	vmul.f32 v19, v15  }
.Ltmp21:
0x671: {  	v9 =	vld.idx.msk [tilespmem:v8+s22+$0x0], $0xffff;
	v4 =	vmul.f32 v20, v16;
	(pc) =	sbr.rel @p0 .LBB2_44-.Ltmp21, $4  }
0x672: {  	v8 =	vld.idx.msk [tilespmem:v10+s22+$0x0], $0xffff;
	v2 =	vmul.f32 v21, v2  }
0x673: {  	v10 =	vld.idx.msk [tilespmem:v11+s22+$0x0], $0xffff;
	v3 =	vmul.f32 v3, v17  }
0x674: {  	v11 =	vld.idx.msk [tilespmem:v13+s22+$0x0], $0xffff;
	v1 =	vmul.f32 v1, v18  }
0x675: {  	s1 =	sadd.s32 $0x1000, s1;
	v13 =	vld.idx.msk [tilespmem:v14+s22+$0x0], $0xffff  }
0x676: {  	_ =	sdelay $0x2  }
0x677: {  	v7 =	vadd.f32 v7, v12  }
0x678: {  	v0 =	vld.idx.msk [tilespmem:v0+s22+$0x0], $0xffff;
	v6 =	vadd.f32 v6, v9  }
0x679: {  	v5 =	vadd.f32 v5, v8;
	[tilespmem:s31+$0x10280] =	vst v7  }
0x67a: {  	[tilespmem:s31+$0x10290] =	vst v6;
	v4 =	vadd.f32 v4, v10  }
0x67b: {  	[tilespmem:s31+$0x102A0] =	vst v5;
	v2 =	vadd.f32 v2, v11  }
0x67c: {  	[tilespmem:s31+$0x102B0] =	vst v4;
	v3 =	vadd.f32 v3, v13  }
0x67d: {  	[tilespmem:s31+$0x102C0] =	vst v2;
	v0 =	vadd.f32 v1, v0  }
0x67e: {  	[tilespmem:s31+$0x102D0] =	vst v3  }
0x67f: {  	[tilespmem:s31+$0x102E0] =	vst v0;
	s31 =	simm.s32 $0x0  }
0x680: {  	v1 =	vld [tilespmem:s31+$0x4370]  }
0x681: {  	v2 =	vld [tilespmem:s31+$0x4300]  }
0x682: {  	v3 =	vld [tilespmem:s31+$0x4310]  }
0x683: {  	v4 =	vld [tilespmem:s31+$0x4320]  }
0x684: {  	v10 =	vld [tilespmem:s31+$0x4330]  }
0x685: {  	v11 =	vld [tilespmem:s31+$0x4340]  }
0x686: {  	v13 =	vld [tilespmem:s31+$0x4350]  }
0x687: {  	v0 =	vld [tilespmem:s31+$0x4360]  }
0x688: {  	v6 =	vld [tilespmem:s31+$0xA370]  }
0x689: {  	v8 =	vld [tilespmem:s31+$0xA300]  }
0x68a: {  	v20 =	vld [tilespmem:s31+$0xA310]  }
0x68b: {  	v21 =	vld [tilespmem:s31+$0xA320]  }
0x68c: {  	v22 =	vld [tilespmem:s31+$0xA330]  }
0x68d: {  	v23 =	vld [tilespmem:s31+$0xA340]  }
0x68e: {  	v24 =	vld [tilespmem:s31+$0xA350]  }
0x68f: {  	v25 =	vld [tilespmem:s31+$0xA360]  }
0x690: {  	v5 =	vld.idx.msk [tilespmem:v1+s20+$0x0], $0xffff  }
0x691: {  	v1 =	vld.idx.msk [tilespmem:v1+s22+$0x0], $0xffff  }
0x692: {  	v7 =	vld.idx.msk [tilespmem:v2+s20+$0x0], $0xffff  }
0x693: {  	v14 =	vld.idx.msk [tilespmem:v3+s20+$0x0], $0xffff  }
0x694: {  	v15 =	vld.idx.msk [tilespmem:v4+s20+$0x0], $0xffff  }
0x695: {  	v16 =	vld.idx.msk [tilespmem:v10+s20+$0x0], $0xffff  }
0x696: {  	v17 =	vld.idx.msk [tilespmem:v11+s20+$0x0], $0xffff  }
0x697: {  	v18 =	vld.idx.msk [tilespmem:v13+s20+$0x0], $0xffff  }
0x698: {  	v19 =	vld.idx.msk [tilespmem:v0+s20+$0x0], $0xffff  }
0x699: {  	v12 =	vld.idx.msk [tilespmem:v2+s22+$0x0], $0xffff  }
0x69a: {  	v9 =	vld.idx.msk [tilespmem:v3+s22+$0x0], $0xffff;
	v2 =	vmul.f32 v6, v5  }
0x69b: {  	v10 =	vld.idx.msk [tilespmem:v10+s22+$0x0], $0xffff;
	v7 =	vmul.f32 v8, v7  }
0x69c: {  	v8 =	vld.idx.msk [tilespmem:v4+s22+$0x0], $0xffff;
	v6 =	vmul.f32 v20, v14;
	v5 =	vmul.f32 v21, v15;
	v1 =	vadd.f32 v2, v1  }
0x69d: {  	v11 =	vld.idx.msk [tilespmem:v11+s22+$0x0], $0xffff;
	v4 =	vmul.f32 v22, v16;
	v3 =	vmul.f32 v24, v18  }
0x69e: {  	s1 =	simm.s32 $0x0;
	s15 =	simm.s32 $0x1000;
	s0 =	simm.s32 $0x0;
	v13 =	vld.idx.msk [tilespmem:v13+s22+$0x0], $0xffff;
	v2 =	vmul.f32 v23, v17;
	[tilespmem:s31+$0x10370] =	vst v1;
	v1 =	vmul.f32 v25, v19  }
.LBB2_46:
0x69f: {  	s16 =	sshra.s32 s15, $0x2;
	s1 =	sadd.s32 $0x8, s1;
	v7 =	vadd.f32 v7, v12;
	v0 =	vld.idx.msk [tilespmem:v0+s22+$0x0], $0xffff  }
0x6a0: {  	v6 =	vadd.f32 v6, v9;
	v12 =	vld [tilespmem:s16+$0x4370];
	p0 =	slt.u32 s1, $0x38  }
0x6a1: {  	v5 =	vadd.f32 v5, v8;
	v9 =	vld [tilespmem:s16+$0x4300];
	[tilespmem:s0+$0x10300] =	vst v7  }
0x6a2: {  	v4 =	vadd.f32 v4, v10;
	v8 =	vld [tilespmem:s16+$0x4310];
	[tilespmem:s0+$0x10310] =	vst v6  }
0x6a3: {  	v2 =	vadd.f32 v2, v11;
	v10 =	vld [tilespmem:s16+$0x4320];
	[tilespmem:s0+$0x10320] =	vst v5  }
0x6a4: {  	v3 =	vadd.f32 v3, v13;
	v11 =	vld [tilespmem:s16+$0x4330];
	[tilespmem:s0+$0x10330] =	vst v4  }
0x6a5: {  	v1 =	vadd.f32 v1, v0;
	v13 =	vld [tilespmem:s16+$0x4340];
	[tilespmem:s0+$0x10340] =	vst v2  }
0x6a6: {  	v14 =	vld [tilespmem:s16+$0x4350];
	[tilespmem:s0+$0x10350] =	vst v3  }
0x6a7: {  	v0 =	vld [tilespmem:s16+$0x4360];
	[tilespmem:s0+$0x10360] =	vst v1;
	s0 =	smov.u32 s16  }
0x6a8: {  	v1 =	vld.idx.msk [tilespmem:v12+s20+$0x0], $0xffff  }
0x6a9: {  	v2 =	vld [tilespmem:s0+$0xA370]  }
0x6aa: {  	v3 =	vld.idx.msk [tilespmem:v12+s22+$0x0], $0xffff  }
0x6ab: {  	v4 =	vld.idx.msk [tilespmem:v9+s20+$0x0], $0xffff  }
0x6ac: {  	v5 =	vld.idx.msk [tilespmem:v8+s20+$0x0], $0xffff  }
0x6ad: {  	v15 =	vld.idx.msk [tilespmem:v10+s20+$0x0], $0xffff  }
0x6ae: {  	v16 =	vld.idx.msk [tilespmem:v11+s20+$0x0], $0xffff;
	v1 =	vmul.f32 v2, v1  }
0x6af: {  	v2 =	vld.idx.msk [tilespmem:v13+s20+$0x0], $0xffff  }
0x6b0: {  	v17 =	vld.idx.msk [tilespmem:v14+s20+$0x0], $0xffff;
	v1 =	vadd.f32 v1, v3  }
0x6b1: {  	v18 =	vld.idx.msk [tilespmem:v0+s20+$0x0], $0xffff  }
0x6b2: {  	v3 =	vld [tilespmem:s0+$0xA300];
	[tilespmem:s0+$0x10370] =	vst v1  }
0x6b3: {  	v1 =	vld [tilespmem:s0+$0xA310]  }
0x6b4: {  	v19 =	vld [tilespmem:s0+$0xA320]  }
0x6b5: {  	v20 =	vld [tilespmem:s0+$0xA330]  }
0x6b6: {  	v21 =	vld [tilespmem:s0+$0xA340]  }
0x6b7: {  	v7 =	vmul.f32 v3, v4;
	v3 =	vld [tilespmem:s0+$0xA350]  }
0x6b8: {  	v6 =	vmul.f32 v1, v5;
	v1 =	vld [tilespmem:s0+$0xA360]  }
0x6b9: {  	v12 =	vld.idx.msk [tilespmem:v9+s22+$0x0], $0xffff;
	v5 =	vmul.f32 v19, v15  }
.Ltmp22:
0x6ba: {  	v9 =	vld.idx.msk [tilespmem:v8+s22+$0x0], $0xffff;
	v4 =	vmul.f32 v20, v16;
	(pc) =	sbr.rel @p0 .LBB2_46-.Ltmp22, $4  }
0x6bb: {  	v8 =	vld.idx.msk [tilespmem:v10+s22+$0x0], $0xffff;
	v2 =	vmul.f32 v21, v2  }
0x6bc: {  	v10 =	vld.idx.msk [tilespmem:v11+s22+$0x0], $0xffff;
	v3 =	vmul.f32 v3, v17  }
0x6bd: {  	v11 =	vld.idx.msk [tilespmem:v13+s22+$0x0], $0xffff;
	v1 =	vmul.f32 v1, v18  }
0x6be: {  	s15 =	sadd.s32 $0x1000, s15;
	v13 =	vld.idx.msk [tilespmem:v14+s22+$0x0], $0xffff  }
0x6bf: {  	_ =	sdelay $0x2  }
0x6c0: {  	v7 =	vadd.f32 v7, v12  }
0x6c1: {  	v0 =	vld.idx.msk [tilespmem:v0+s22+$0x0], $0xffff;
	v6 =	vadd.f32 v6, v9  }
0x6c2: {  	v5 =	vadd.f32 v5, v8;
	[tilespmem:s0+$0x10300] =	vst v7  }
0x6c3: {  	[tilespmem:s0+$0x10310] =	vst v6;
	v4 =	vadd.f32 v4, v10  }
0x6c4: {  	[tilespmem:s0+$0x10320] =	vst v5;
	v2 =	vadd.f32 v2, v11  }
0x6c5: {  	[tilespmem:s0+$0x10330] =	vst v4;
	v3 =	vadd.f32 v3, v13  }
0x6c6: {  	[tilespmem:s0+$0x10340] =	vst v2;
	v0 =	vadd.f32 v1, v0  }
0x6c7: {  	[tilespmem:s0+$0x10350] =	vst v3  }
0x6c8: {  	[tilespmem:s0+$0x10360] =	vst v0  }
0x6c9: {  	v1 =	vld [tilespmem:s31+$0x43F0]  }
0x6ca: {  	v2 =	vld [tilespmem:s31+$0x4380]  }
0x6cb: {  	v3 =	vld [tilespmem:s31+$0x4390]  }
0x6cc: {  	v4 =	vld [tilespmem:s31+$0x43A0]  }
0x6cd: {  	v10 =	vld [tilespmem:s31+$0x43B0]  }
0x6ce: {  	v11 =	vld [tilespmem:s31+$0x43C0]  }
0x6cf: {  	v13 =	vld [tilespmem:s31+$0x43D0]  }
0x6d0: {  	v0 =	vld [tilespmem:s31+$0x43E0]  }
0x6d1: {  	v6 =	vld [tilespmem:s31+$0xA3F0]  }
0x6d2: {  	v8 =	vld [tilespmem:s31+$0xA380]  }
0x6d3: {  	v20 =	vld [tilespmem:s31+$0xA390]  }
0x6d4: {  	v21 =	vld [tilespmem:s31+$0xA3A0]  }
0x6d5: {  	v22 =	vld [tilespmem:s31+$0xA3B0]  }
0x6d6: {  	v23 =	vld [tilespmem:s31+$0xA3C0]  }
0x6d7: {  	v24 =	vld [tilespmem:s31+$0xA3D0]  }
0x6d8: {  	v25 =	vld [tilespmem:s31+$0xA3E0]  }
0x6d9: {  	v5 =	vld.idx.msk [tilespmem:v1+s20+$0x0], $0xffff  }
0x6da: {  	v1 =	vld.idx.msk [tilespmem:v1+s22+$0x0], $0xffff  }
0x6db: {  	v7 =	vld.idx.msk [tilespmem:v2+s20+$0x0], $0xffff  }
0x6dc: {  	v14 =	vld.idx.msk [tilespmem:v3+s20+$0x0], $0xffff  }
0x6dd: {  	v15 =	vld.idx.msk [tilespmem:v4+s20+$0x0], $0xffff  }
0x6de: {  	v16 =	vld.idx.msk [tilespmem:v10+s20+$0x0], $0xffff  }
0x6df: {  	v17 =	vld.idx.msk [tilespmem:v11+s20+$0x0], $0xffff  }
0x6e0: {  	v18 =	vld.idx.msk [tilespmem:v13+s20+$0x0], $0xffff  }
0x6e1: {  	v19 =	vld.idx.msk [tilespmem:v0+s20+$0x0], $0xffff  }
0x6e2: {  	v12 =	vld.idx.msk [tilespmem:v2+s22+$0x0], $0xffff  }
0x6e3: {  	v9 =	vld.idx.msk [tilespmem:v3+s22+$0x0], $0xffff;
	v2 =	vmul.f32 v6, v5  }
0x6e4: {  	v10 =	vld.idx.msk [tilespmem:v10+s22+$0x0], $0xffff;
	v7 =	vmul.f32 v8, v7  }
0x6e5: {  	v8 =	vld.idx.msk [tilespmem:v4+s22+$0x0], $0xffff;
	v6 =	vmul.f32 v20, v14;
	v5 =	vmul.f32 v21, v15;
	v1 =	vadd.f32 v2, v1  }
0x6e6: {  	v11 =	vld.idx.msk [tilespmem:v11+s22+$0x0], $0xffff;
	v4 =	vmul.f32 v22, v16;
	v3 =	vmul.f32 v24, v18  }
0x6e7: {  	s1 =	simm.s32 $0x1000;
	s0 =	simm.s32 $0x0;
	v13 =	vld.idx.msk [tilespmem:v13+s22+$0x0], $0xffff;
	v2 =	vmul.f32 v23, v17;
	[tilespmem:s31+$0x103F0] =	vst v1;
	v1 =	vmul.f32 v25, v19  }
.LBB2_48:
0x6e8: {  	s15 =	sshra.s32 s1, $0x2;
	s0 =	sadd.s32 $0x8, s0;
	v7 =	vadd.f32 v7, v12;
	v0 =	vld.idx.msk [tilespmem:v0+s22+$0x0], $0xffff  }
0x6e9: {  	v6 =	vadd.f32 v6, v9;
	v12 =	vld [tilespmem:s15+$0x43F0];
	p0 =	slt.u32 s0, $0x38  }
0x6ea: {  	v5 =	vadd.f32 v5, v8;
	v9 =	vld [tilespmem:s15+$0x4380];
	[tilespmem:s31+$0x10380] =	vst v7  }
0x6eb: {  	v4 =	vadd.f32 v4, v10;
	v8 =	vld [tilespmem:s15+$0x4390];
	[tilespmem:s31+$0x10390] =	vst v6  }
0x6ec: {  	v2 =	vadd.f32 v2, v11;
	v10 =	vld [tilespmem:s15+$0x43A0];
	[tilespmem:s31+$0x103A0] =	vst v5  }
0x6ed: {  	v3 =	vadd.f32 v3, v13;
	v11 =	vld [tilespmem:s15+$0x43B0];
	[tilespmem:s31+$0x103B0] =	vst v4  }
0x6ee: {  	v1 =	vadd.f32 v1, v0;
	v13 =	vld [tilespmem:s15+$0x43C0];
	[tilespmem:s31+$0x103C0] =	vst v2  }
0x6ef: {  	v14 =	vld [tilespmem:s15+$0x43D0];
	[tilespmem:s31+$0x103D0] =	vst v3  }
0x6f0: {  	v0 =	vld [tilespmem:s15+$0x43E0];
	[tilespmem:s31+$0x103E0] =	vst v1;
	s31 =	smov.u32 s15  }
0x6f1: {  	v1 =	vld.idx.msk [tilespmem:v12+s20+$0x0], $0xffff  }
0x6f2: {  	v2 =	vld [tilespmem:s31+$0xA3F0]  }
0x6f3: {  	v3 =	vld.idx.msk [tilespmem:v12+s22+$0x0], $0xffff  }
0x6f4: {  	v4 =	vld.idx.msk [tilespmem:v9+s20+$0x0], $0xffff  }
0x6f5: {  	v5 =	vld.idx.msk [tilespmem:v8+s20+$0x0], $0xffff  }
0x6f6: {  	v15 =	vld.idx.msk [tilespmem:v10+s20+$0x0], $0xffff  }
0x6f7: {  	v16 =	vld.idx.msk [tilespmem:v11+s20+$0x0], $0xffff;
	v1 =	vmul.f32 v2, v1  }
0x6f8: {  	v2 =	vld.idx.msk [tilespmem:v13+s20+$0x0], $0xffff  }
0x6f9: {  	v17 =	vld.idx.msk [tilespmem:v14+s20+$0x0], $0xffff;
	v1 =	vadd.f32 v1, v3  }
0x6fa: {  	v18 =	vld.idx.msk [tilespmem:v0+s20+$0x0], $0xffff  }
0x6fb: {  	v3 =	vld [tilespmem:s31+$0xA380];
	[tilespmem:s31+$0x103F0] =	vst v1  }
0x6fc: {  	v1 =	vld [tilespmem:s31+$0xA390]  }
0x6fd: {  	v19 =	vld [tilespmem:s31+$0xA3A0]  }
0x6fe: {  	v20 =	vld [tilespmem:s31+$0xA3B0]  }
0x6ff: {  	v21 =	vld [tilespmem:s31+$0xA3C0]  }
0x700: {  	v7 =	vmul.f32 v3, v4;
	v3 =	vld [tilespmem:s31+$0xA3D0]  }
0x701: {  	v6 =	vmul.f32 v1, v5;
	v1 =	vld [tilespmem:s31+$0xA3E0]  }
0x702: {  	v12 =	vld.idx.msk [tilespmem:v9+s22+$0x0], $0xffff;
	v5 =	vmul.f32 v19, v15  }
.Ltmp23:
0x703: {  	v9 =	vld.idx.msk [tilespmem:v8+s22+$0x0], $0xffff;
	v4 =	vmul.f32 v20, v16;
	(pc) =	sbr.rel @p0 .LBB2_48-.Ltmp23, $4  }
0x704: {  	v8 =	vld.idx.msk [tilespmem:v10+s22+$0x0], $0xffff;
	v2 =	vmul.f32 v21, v2  }
0x705: {  	v10 =	vld.idx.msk [tilespmem:v11+s22+$0x0], $0xffff;
	v3 =	vmul.f32 v3, v17  }
0x706: {  	v11 =	vld.idx.msk [tilespmem:v13+s22+$0x0], $0xffff;
	v1 =	vmul.f32 v1, v18  }
0x707: {  	s1 =	sadd.s32 $0x1000, s1;
	v13 =	vld.idx.msk [tilespmem:v14+s22+$0x0], $0xffff  }
0x708: {  	_ =	sdelay $0x2  }
0x709: {  	v7 =	vadd.f32 v7, v12  }
0x70a: {  	v0 =	vld.idx.msk [tilespmem:v0+s22+$0x0], $0xffff;
	v6 =	vadd.f32 v6, v9  }
0x70b: {  	v5 =	vadd.f32 v5, v8;
	[tilespmem:s31+$0x10380] =	vst v7  }
0x70c: {  	[tilespmem:s31+$0x10390] =	vst v6;
	v4 =	vadd.f32 v4, v10  }
0x70d: {  	[tilespmem:s31+$0x103A0] =	vst v5;
	v2 =	vadd.f32 v2, v11  }
0x70e: {  	[tilespmem:s31+$0x103B0] =	vst v4;
	v3 =	vadd.f32 v3, v13  }
0x70f: {  	[tilespmem:s31+$0x103C0] =	vst v2;
	v0 =	vadd.f32 v1, v0  }
0x710: {  	[tilespmem:s31+$0x103D0] =	vst v3  }
0x711: {  	[tilespmem:s31+$0x103E0] =	vst v0  }
0x712: {  	[hbm4b:s13+s2] =	stream.linear.scatter [tilespmem:s28], [sflag:$0x3], $0x2000, $0x38;
	[tilespmem:$0x12100] =	vst v63  }
0x713: {  	_ =	swait.ge [sflag:s29], $0x2000  }
0x714: {  	[sflag:s29] =	ssyncset.done $0x0  }
0x715: {  	s30 =	sadd.s32 $0x1, s30;
	[sflag:s29] =	ssyncadd.s32 $0xFFFFE000  }
0x716: {  	p0 =	sne.s32 s30, s14;
	_ =	swait.ge [sflag:s29], $0x2000  }
.Ltmp24:
0x717: {  	[sflag:s29] =	ssyncset.done $0x0;
	(pc) =	sbr.rel @p0 .LBB2_1-.Ltmp24, $4  }
0x718: {  	[sflag:s29] =	ssyncadd.s32 $0xFFFFE000  }
0x719: {  	_ =	swait.ge [sflag:s29], $0x2000  }
0x71a: {  	[sflag:s29] =	ssyncset.done $0x0  }
0x71b: {  	[sflag:s29] =	ssyncadd.s32 $0xFFFFE000  }
0x71c: {  	_ =	sfence.sel $0x180000  }
0x71d: {  	[bflag:$0x0] =	sbarrier.arrive $0xFFFF  }
0x71e: {  	_ =	strace $0x9000004A  }
0x71f: {  	s0 =	stileid.u32;
	[bflag:$0x2] =	sbarrier.arrive $0xFFFF  }
0x720: {  	p0 =	sne.s32 s0, $0x0;
	s0 =	rddreg [dreg:$0x3]  }
0x721: {  	s0 =	sadd.s32 @!p0 $0x100000, s0  }
0x722: {  	[sflag:s0] =	ssyncadd.tile.s32 @!p0 $0x1;
	_ =	shalt  }
.Lfunc_end2:
_tile_overlayer_lowered:
.L_overlay_start_2:
0x723: {  	(tag) =	ssettag $0x2  }
0x724: {  	s0 =	rddreg [dreg:$0x0];
	s2 =	stileid.u32  }
0x725: {  	s1 =	rddreg [dreg:$0x1];
	p0 =	sne.s32 s2, $0x0  }
0x726: {  	s3 =	rddreg [dreg:$0x2];
	[bflag:$0x3] =	sbarrier.arrive $0xFFFF;
	s2 =	simm.s32 @!p0 $0x1C04  }
0x727: {  	[timem:s3], [sflag:s2] =	dma.local @!p0 [hbm:s0], s1  }
0x728: {  	s0 =	simm.s32 @!p0 $0x4  }
0x729: {  	_ =	swait.ge @!p0 [sflag:s0], s1  }
0x72a: {  	s1 =	ssub.s32 @!p0 $0x0, s1;
	[sflag:s0] =	ssyncset.done @!p0 $0x0  }
0x72b: {  	[sflag:s0] =	ssyncadd.s32 @!p0 s1  }
0x72c: {  	[bflag:$0x3] =	sbarrier.arrive $0xFFFF  }
0x72d: {  	_ =	shalt  }

</sc_bundles>
